<compile_context>
chip_gen: v7x
topology: tpu7x:2x2x1
jax: 0.10.2.dev20260603
libtpu: 0.0.44.dev20260713+nightly
codegen_flags: <defaults>
</compile_context>

<pallas_src>
import numpy as np
import jax
import jax.numpy as jnp
from jax import lax
from jax.experimental import pallas as pl
from jax.experimental.pallas import tpu as pltpu
from jax.experimental.pallas import tpu_sc as plsc

_N = 10000
_E = 320000
_D = 128

_NC = 2
_NS = 16
_NW = _NC * _NS
_CH = 128
_NCHUNK = 80
_NPAIR = _NCHUNK // 2
_EPW = _NCHUNK * _CH
_E2 = _NW * _EPW
_NPADROW = 128
_NACC = _N + _NPADROW
_RPT = 632
_SHIFT = 14


def _sc_segment_sum(h, packed3, zer):
    mesh = plsc.VectorSubcoreMesh(core_axis_name="c", subcore_axis_name="s")

    def body(h_hbm, packed_hbm, zer_hbm, out_hbm,
             packed_v, src0, dst0, src1, dst1, rows0, rows1, acc_sh,
             sem_g0, sem_g1, sem_s0, sem_s1, sem_i):
        c = lax.axis_index("c")
        s = lax.axis_index("s")
        wid = s * _NC + c

        def on_my_rows(fn, last_n):
            @pl.when(s < _NS - 1)
            def _():
                fn(pl.ds(pl.multiple_of(s * _RPT, 8), _RPT))

            @pl.when(s == _NS - 1)
            def _():
                fn(pl.ds((_NS - 1) * _RPT, last_n))

        on_my_rows(lambda rsl: pltpu.async_copy(zer_hbm.at[rsl], acc_sh.at[rsl],
                                                sem_i),
                   _NACC - 15 * _RPT)
        pltpu.sync_copy(packed_hbm.at[wid], packed_v)
        on_my_rows(lambda rsl: pltpu.make_async_copy(zer_hbm.at[rsl],
                                                     acc_sh.at[rsl], sem_i).wait(),
                   _NACC - 15 * _RPT)
        plsc.subcore_barrier()

        def unpack_src(j, sbuf):
            for k in range(_CH // 16):
                p = packed_v[j, pl.ds(k * 16, 16)]
                sbuf[0, pl.ds(k * 16, 16)] = p & (2**_SHIFT - 1)

        def unpack_dst(j, dbuf):
            for k in range(_CH // 16):
                p = packed_v[j, pl.ds(k * 16, 16)]
                dbuf[0, pl.ds(k * 16, 16)] = lax.shift_right_logical(p, _SHIFT)

        unpack_src(0, src0)
        pltpu.async_copy(h_hbm.at[src0.at[0]], rows0, sem_g0)
        unpack_dst(0, dst0)

        def step(t, carry):
            a = 2 * t
            b = a + 1

            unpack_src(b, src1)

            @pl.when(t > 0)
            def _():
                pltpu.make_async_copy(rows1, acc_sh.at[dst1.at[0]], sem_s1).wait()

            pltpu.async_copy(h_hbm.at[src1.at[0]], rows1, sem_g1)
            unpack_dst(b, dst1)
            pltpu.make_async_copy(h_hbm.at[src0.at[0]], rows0, sem_g0).wait()
            pltpu.async_copy(rows0, acc_sh.at[dst0.at[0]], sem_s0, add=True)

            @pl.when(t < _NPAIR - 1)
            def _():
                unpack_src(a + 2, src0)

            pltpu.make_async_copy(rows0, acc_sh.at[dst0.at[0]], sem_s0).wait()

            @pl.when(t < _NPAIR - 1)
            def _():
                pltpu.async_copy(h_hbm.at[src0.at[0]], rows0, sem_g0)
                unpack_dst(a + 2, dst0)

            pltpu.make_async_copy(h_hbm.at[src1.at[0]], rows1, sem_g1).wait()
            pltpu.async_copy(rows1, acc_sh.at[dst1.at[0]], sem_s1, add=True)
            return carry

        lax.fori_loop(0, _NPAIR, step, 0)
        pltpu.make_async_copy(rows1, acc_sh.at[dst1.at[0]], sem_s1).wait()
        plsc.subcore_barrier()
        on_my_rows(lambda rsl: pltpu.sync_copy(acc_sh.at[rsl], out_hbm.at[c, rsl]),
                   _N - 15 * _RPT)

    f = pl.kernel(
        body,
        out_type=jax.ShapeDtypeStruct((_NC, _N, _D), jnp.float32),
        mesh=mesh,
        scratch_types=[
            pltpu.VMEM((_NCHUNK, _CH), jnp.int32),
            pltpu.VMEM((1, _CH), jnp.int32),
            pltpu.VMEM((1, _CH), jnp.int32),
            pltpu.VMEM((1, _CH), jnp.int32),
            pltpu.VMEM((1, _CH), jnp.int32),
            pltpu.VMEM((_CH, _D), jnp.float32),
            pltpu.VMEM((_CH, _D), jnp.float32),
            pltpu.VMEM_SHARED((_NACC, _D), jnp.float32),
            pltpu.SemaphoreType.DMA,
            pltpu.SemaphoreType.DMA,
            pltpu.SemaphoreType.DMA,
            pltpu.SemaphoreType.DMA,
            pltpu.SemaphoreType.DMA,
        ],
    )
    return f(h, packed3, zer)


_BR = 2000


def _tc_mlp_bn(scale, h, agg2, Wa, ba, Wb, bb, gamma, beta):
    def body(sc_ref, h_ref, a0_ref, a1_ref, wa_ref, ba_ref, wb_ref, bb_ref,
             g_ref, be_ref, o_ref):
        z = sc_ref[0] * h_ref[...] + a0_ref[...] + a1_ref[...]
        z = jnp.dot(z, wa_ref[...], preferred_element_type=jnp.float32)
        z = jnp.maximum(z + ba_ref[...], 0.0)
        y = jnp.dot(z, wb_ref[...], preferred_element_type=jnp.float32)
        y = y + bb_ref[...]
        y = y * (g_ref[...] * np.float32(1.0 / np.sqrt(1.0 + 1e-5))) + be_ref[...]
        o_ref[...] = jnp.where(y >= 0.0, y, 0.01 * y)

    dout = Wb.shape[1]
    return pl.pallas_call(
        body,
        grid=(_N // _BR,),
        in_specs=[
            pl.BlockSpec(memory_space=pltpu.SMEM),
            pl.BlockSpec((_BR, _D), lambda i: (i, 0)),
            pl.BlockSpec((_BR, _D), lambda i: (i, 0)),
            pl.BlockSpec((_BR, _D), lambda i: (i, 0)),
            pl.BlockSpec((_D, _D), lambda i: (0, 0)),
            pl.BlockSpec((1, _D), lambda i: (0, 0)),
            pl.BlockSpec((_D, dout), lambda i: (0, 0)),
            pl.BlockSpec((1, dout), lambda i: (0, 0)),
            pl.BlockSpec((1, dout), lambda i: (0, 0)),
            pl.BlockSpec((1, dout), lambda i: (0, 0)),
        ],
        out_specs=pl.BlockSpec((_BR, dout), lambda i: (i, 0)),
        out_shape=jax.ShapeDtypeStruct((_N, dout), jnp.float32),
    )(scale, h, agg2[0], agg2[1], Wa, ba.reshape(1, -1), Wb,
      bb.reshape(1, -1), gamma.reshape(1, -1), beta.reshape(1, -1))


def _tc_mlp(scale, h, agg2, Wa, ba, Wb, bb):
    def body(sc_ref, h_ref, a0_ref, a1_ref, wa_ref, ba_ref, wb_ref, bb_ref,
             o_ref):
        z = sc_ref[0] * h_ref[...] + a0_ref[...] + a1_ref[...]
        z = jnp.dot(z, wa_ref[...], preferred_element_type=jnp.float32)
        z = jnp.maximum(z + ba_ref[...], 0.0)
        y = jnp.dot(z, wb_ref[...], preferred_element_type=jnp.float32)
        o_ref[...] = y + bb_ref[...]

    dout = Wb.shape[1]
    return pl.pallas_call(
        body,
        grid=(_N // _BR,),
        in_specs=[
            pl.BlockSpec(memory_space=pltpu.SMEM),
            pl.BlockSpec((_BR, _D), lambda i: (i, 0)),
            pl.BlockSpec((_BR, _D), lambda i: (i, 0)),
            pl.BlockSpec((_BR, _D), lambda i: (i, 0)),
            pl.BlockSpec((_D, _D), lambda i: (0, 0)),
            pl.BlockSpec((1, _D), lambda i: (0, 0)),
            pl.BlockSpec((_D, dout), lambda i: (0, 0)),
            pl.BlockSpec((1, dout), lambda i: (0, 0)),
        ],
        out_specs=pl.BlockSpec((_BR, dout), lambda i: (i, 0)),
        out_shape=jax.ShapeDtypeStruct((_N, dout), jnp.float32),
    )(scale, h, agg2[0], agg2[1], Wa, ba.reshape(1, -1), Wb,
      bb.reshape(1, -1))


def kernel(x, edge_index, W0a, b0a, W0b, b0b, eps0, W1a, b1a, W1b, b1b,
           W2a, b2a, W2b, b2b, eps2, gamma, beta):
    packed = edge_index[0] + edge_index[1] * (2**_SHIFT)
    _pi = np.arange(_E2 - _E)
    pad = jnp.asarray(_pi * 13 % _N + (_N + _pi % _NPADROW) * (2**_SHIFT),
                      jnp.int32)
    packed3 = jnp.concatenate([packed, pad]).reshape(_NW, _NCHUNK, _CH)
    zer = jnp.zeros((_NACC, _D), jnp.float32)

    s0 = (1.0 + eps0).reshape(1)
    s1 = jnp.ones((1,), jnp.float32)
    s2 = (1.0 + eps2).reshape(1)

    agg = _sc_segment_sum(x, packed3, zer)
    h = _tc_mlp_bn(s0, x, agg, W0a, b0a, W0b, b0b, gamma, beta)
    agg = _sc_segment_sum(h, packed3, zer)
    h = _tc_mlp_bn(s1, h, agg, W1a, b1a, W1b, b1b, gamma, beta)
    agg = _sc_segment_sum(h, packed3, zer)
    return _tc_mlp(s2, h, agg, W2a, b2a, W2b, b2b)

# --- scband reference (transcript-rebuilt; emitter-appended) ---
"""Pipeline reference for scband-ginnode-classifier-1133871366241 (READ-ONLY COPY).

The authoritative reference and input builder live on the scoring server;
editing this copy changes nothing except your own understanding.
"""

import jax, jax.numpy as jnp
import numpy as np

N = 10000
E = 320000
D_IN = 128
HID = 128
OUT = 64


def setup_inputs(seed: int = 0) -> dict:
    key = jax.random.key(seed)
    ks = jax.random.split(key, 16)

    def lin(k, fi, fo):
        return (jax.random.normal(k, (fi, fo), dtype=jnp.float32) / np.sqrt(fi)).astype(jnp.float32)

    inp = {}
    inp["x"] = jax.random.normal(ks[0], (N, D_IN), dtype=jnp.float32)
    inp["edge_index"] = jax.random.randint(ks[1], (2, E), 0, N, dtype=jnp.int32)
    # GINConv 0 (train_eps=True): MLP Linear(D_IN,HID)->ReLU->Linear(HID,HID)
    inp["W0a"] = lin(ks[2], D_IN, HID); inp["b0a"] = jnp.zeros((HID,), jnp.float32)
    inp["W0b"] = lin(ks[3], HID, HID); inp["b0b"] = jnp.zeros((HID,), jnp.float32)
    inp["eps0"] = jnp.zeros((), jnp.float32)
    # GINConv 1 (train_eps=False, eps fixed at 0): Linear(HID,HID)->ReLU->Linear(HID,HID)
    inp["W1a"] = lin(ks[4], HID, HID); inp["b1a"] = jnp.zeros((HID,), jnp.float32)
    inp["W1b"] = lin(ks[5], HID, HID); inp["b1b"] = jnp.zeros((HID,), jnp.float32)
    # GINConv 2 (train_eps=True): Linear(HID,HID)->ReLU->Linear(HID,OUT)
    inp["W2a"] = lin(ks[6], HID, HID); inp["b2a"] = jnp.zeros((HID,), jnp.float32)
    inp["W2b"] = lin(ks[7], HID, OUT); inp["b2b"] = jnp.zeros((OUT,), jnp.float32)
    inp["eps2"] = jnp.zeros((), jnp.float32)
    # shared BatchNorm1d(HID) affine params (eval mode: running_mean=0, running_var=1)
    inp["gamma"] = jnp.ones((HID,), jnp.float32)
    inp["beta"] = jnp.zeros((HID,), jnp.float32)
    return inp


def reference(x, edge_index, W0a, b0a, W0b, b0b, eps0, W1a, b1a, W1b, b1b,
              W2a, b2a, W2b, b2b, eps2, gamma, beta):
    src = edge_index[0]
    dst = edge_index[1]

    def gin(h, eps, Wa, ba, Wb, bb):
        # sum aggregation of neighbor messages: out[dst] += h[src]
        agg = jax.ops.segment_sum(h[src], dst, num_segments=N)
        z = (1.0 + eps) * h + agg
        z = jnp.maximum(z @ Wa + ba, 0.0) @ Wb + bb
        return z

    def bn_lrelu(h):
        # eval-mode BatchNorm1d: running_mean=0, running_var=1, eps=1e-5
        hn = h / jnp.sqrt(1.0 + 1e-5)
        hn = hn * gamma + beta
        # leaky_relu (negative_slope=0.01); dropout is identity in eval
        return jnp.where(hn >= 0.0, hn, 0.01 * hn)

    h = gin(x, eps0, W0a, b0a, W0b, b0b)
    h = bn_lrelu(h)
    h = gin(h, jnp.float32(0.0), W1a, b1a, W1b, b1b)
    h = bn_lrelu(h)
    h = gin(h, eps2, W2a, b2a, W2b, b2b)
    return h

if __name__ == "__main__":
    import jax
    _d = setup_inputs()
    print(jax.jit(kernel)(*tuple(_d.values())))

</pallas_src>

<mosaic_0001>
#map = affine_map<(d0, d1) -> (0, 0)>
#map1 = affine_map<(d0, d1) -> (0, 0, 0)>
module attributes {stable_mosaic.version = 14 : i64} {
  func.func @body(%arg0: i32, %arg1: i32, %arg2: memref<10000x128xf32, #tpu.memory_space<hbm>>, %arg3: memref<32x80x128xi32, #tpu.memory_space<hbm>>, %arg4: memref<10128x128xf32, #tpu.memory_space<hbm>>, %arg5: memref<2x10000x128xf32, #tpu.memory_space<hbm>>, %arg6: memref<80x128xi32, #tpu.memory_space<vmem>>, %arg7: memref<1x128xi32, #tpu.memory_space<vmem>>, %arg8: memref<1x128xi32, #tpu.memory_space<vmem>>, %arg9: memref<1x128xi32, #tpu.memory_space<vmem>>, %arg10: memref<1x128xi32, #tpu.memory_space<vmem>>, %arg11: memref<128x128xf32, #tpu.memory_space<vmem>>, %arg12: memref<128x128xf32, #tpu.memory_space<vmem>>, %arg13: memref<10128x128xf32, #tpu.memory_space<vmem_shared>>, %arg14: memref<!tpu.dma_semaphore, #tpu.memory_space<semaphore_mem>>, %arg15: memref<!tpu.dma_semaphore, #tpu.memory_space<semaphore_mem>>, %arg16: memref<!tpu.dma_semaphore, #tpu.memory_space<semaphore_mem>>, %arg17: memref<!tpu.dma_semaphore, #tpu.memory_space<semaphore_mem>>, %arg18: memref<!tpu.dma_semaphore, #tpu.memory_space<semaphore_mem>>) attributes {dimension_semantics = [#tpu.dimension_semantics<core_parallel>, #tpu.dimension_semantics<subcore_parallel>], iteration_bounds = array<i64: 2, 16>, scalar_prefetch = 0 : i64, scratch_operands = 13 : i64, tpu.core_type = #tpu.core_type<sc_vector_subcore>, window_params = [{transform_indices = #map}, {transform_indices = #map1}, {transform_indices = #map}, {transform_indices = #map1}]} {
    %mul3A = arith.constant 2 : i32
    %mul3A_0 = arith.muli %arg1, %mul3A : i32
    %add3A = arith.addi %mul3A_0, %arg0 : i32
    %lt3A = arith.constant 15 : i32
    %lt3A_1 = arith.cmpi slt, %arg1, %lt3A : i32
    %convert_element_type3A = arith.extui %lt3A_1 : i1 to i32
    %cond3A = arith.constant 0 : i32
    %cond3A_2 = arith.cmpi ne, %convert_element_type3A, %cond3A : i32
    scf.if %cond3A_2 {
      %mul3A_265 = arith.constant 632 : i32
      %mul3A_266 = arith.muli %arg1, %mul3A_265 : i32
      %multiple_of3A = tpu.assume_multiple %mul3A_266, 8 : i32
      %dma_start3A_267 = arith.constant 0 : i32
      %dma_start3A_268 = tpu.memref_slice %arg13[%multiple_of3A, %dma_start3A_267] : memref<10128x128xf32, #tpu.memory_space<vmem_shared>> -> memref<632x128xf32, #tpu.memory_space<vmem_shared>>
      %dma_start3A_269 = arith.constant 0 : i32
      %dma_start3A_270 = tpu.memref_slice %arg4[%multiple_of3A, %dma_start3A_269] : memref<10128x128xf32, #tpu.memory_space<hbm>> -> memref<632x128xf32, #tpu.memory_space<hbm>>
      tpu.enqueue_dma source(%dma_start3A_270 : memref<632x128xf32, #tpu.memory_space<hbm>>) target(%dma_start3A_268 : memref<632x128xf32, #tpu.memory_space<vmem_shared>>) target_semaphore(%arg18 : memref<!tpu.dma_semaphore, #tpu.memory_space<semaphore_mem>>)
    } else {
    }
    %eq3A = arith.constant 15 : i32
    %eq3A_3 = arith.cmpi eq, %arg1, %eq3A : i32
    %convert_element_type3A_4 = arith.extui %eq3A_3 : i1 to i32
    %cond3A_5 = arith.constant 0 : i32
    %cond3A_6 = arith.cmpi ne, %convert_element_type3A_4, %cond3A_5 : i32
    scf.if %cond3A_6 {
      %dma_start3A_265 = arith.constant 9480 : i32
      %dma_start3A_266 = arith.constant 0 : i32
      %dma_start3A_267 = tpu.memref_slice %arg13[%dma_start3A_265, %dma_start3A_266] : memref<10128x128xf32, #tpu.memory_space<vmem_shared>> -> memref<648x128xf32, #tpu.memory_space<vmem_shared>>
      %dma_start3A_268 = arith.constant 9480 : i32
      %dma_start3A_269 = arith.constant 0 : i32
      %dma_start3A_270 = tpu.memref_slice %arg4[%dma_start3A_268, %dma_start3A_269] : memref<10128x128xf32, #tpu.memory_space<hbm>> -> memref<648x128xf32, #tpu.memory_space<hbm>>
      tpu.enqueue_dma source(%dma_start3A_270 : memref<648x128xf32, #tpu.memory_space<hbm>>) target(%dma_start3A_267 : memref<648x128xf32, #tpu.memory_space<vmem_shared>>) target_semaphore(%arg18 : memref<!tpu.dma_semaphore, #tpu.memory_space<semaphore_mem>>)
    } else {
    }
    "tpu.region"() ({
      %run_scoped3A = tpu.sem_alloc : memref<!tpu.dma_semaphore, #tpu.memory_space<semaphore_mem>>
      %dma_start3A_265 = arith.constant 0 : i32
      %dma_start3A_266 = arith.constant 0 : i32
      %dma_start3A_267 = tpu.memref_slice %arg3[%add3A, %dma_start3A_265, %dma_start3A_266] : memref<32x80x128xi32, #tpu.memory_space<hbm>> -> memref<1x80x128xi32, #tpu.memory_space<hbm>>
      %dma_start3A_268 = tpu.memref_squeeze %dma_start3A_267 : memref<1x80x128xi32, #tpu.memory_space<hbm>> -> memref<80x128xi32, #tpu.memory_space<hbm>>
      %dma_start3A_269 = arith.constant 0 : i32
      %dma_start3A_270 = arith.constant 0 : i32
      %dma_start3A_271 = tpu.memref_slice %arg3[%add3A, %dma_start3A_269, %dma_start3A_270] : memref<32x80x128xi32, #tpu.memory_space<hbm>> -> memref<1x80x128xi32, #tpu.memory_space<hbm>>
      %dma_start3A_272 = tpu.memref_squeeze %dma_start3A_271 : memref<1x80x128xi32, #tpu.memory_space<hbm>> -> memref<80x128xi32, #tpu.memory_space<hbm>>
      tpu.enqueue_dma source(%dma_start3A_272 : memref<80x128xi32, #tpu.memory_space<hbm>>) target(%arg6 : memref<80x128xi32, #tpu.memory_space<vmem>>) target_semaphore(%run_scoped3A : memref<!tpu.dma_semaphore, #tpu.memory_space<semaphore_mem>>)
      %dma_wait3A_273 = arith.constant 0 : i32
      %dma_wait3A_274 = arith.constant 0 : i32
      %dma_wait3A_275 = tpu.memref_slice %arg3[%add3A, %dma_wait3A_273, %dma_wait3A_274] : memref<32x80x128xi32, #tpu.memory_space<hbm>> -> memref<1x80x128xi32, #tpu.memory_space<hbm>>
      %dma_wait3A_276 = tpu.memref_squeeze %dma_wait3A_275 : memref<1x80x128xi32, #tpu.memory_space<hbm>> -> memref<80x128xi32, #tpu.memory_space<hbm>>
      %dma_wait3A_277 = arith.constant 0 : i32
      %dma_wait3A_278 = arith.constant 0 : i32
      %dma_wait3A_279 = tpu.memref_slice %arg3[%add3A, %dma_wait3A_277, %dma_wait3A_278] : memref<32x80x128xi32, #tpu.memory_space<hbm>> -> memref<1x80x128xi32, #tpu.memory_space<hbm>>
      %dma_wait3A_280 = tpu.memref_squeeze %dma_wait3A_279 : memref<1x80x128xi32, #tpu.memory_space<hbm>> -> memref<80x128xi32, #tpu.memory_space<hbm>>
      tpu.wait_dma2 semaphore(%run_scoped3A : memref<!tpu.dma_semaphore, #tpu.memory_space<semaphore_mem>>) src(%dma_wait3A_280 : memref<80x128xi32, #tpu.memory_space<hbm>>) dst(%arg6 : memref<80x128xi32, #tpu.memory_space<vmem>>)
      tpu.yield
    }) : () -> ()
    %lt3A_7 = arith.constant 15 : i32
    %lt3A_8 = arith.cmpi slt, %arg1, %lt3A_7 : i32
    %convert_element_type3A_9 = arith.extui %lt3A_8 : i1 to i32
    %cond3A_10 = arith.constant 0 : i32
    %cond3A_11 = arith.cmpi ne, %convert_element_type3A_9, %cond3A_10 : i32
    scf.if %cond3A_11 {
      %mul3A_265 = arith.constant 632 : i32
      %mul3A_266 = arith.muli %arg1, %mul3A_265 : i32
      %multiple_of3A = tpu.assume_multiple %mul3A_266, 8 : i32
      %dma_wait3A_267 = arith.constant 0 : i32
      %dma_wait3A_268 = tpu.memref_slice %arg13[%multiple_of3A, %dma_wait3A_267] : memref<10128x128xf32, #tpu.memory_space<vmem_shared>> -> memref<632x128xf32, #tpu.memory_space<vmem_shared>>
      %dma_wait3A_269 = arith.constant 0 : i32
      %dma_wait3A_270 = tpu.memref_slice %arg4[%multiple_of3A, %dma_wait3A_269] : memref<10128x128xf32, #tpu.memory_space<hbm>> -> memref<632x128xf32, #tpu.memory_space<hbm>>
      tpu.wait_dma2 semaphore(%arg18 : memref<!tpu.dma_semaphore, #tpu.memory_space<semaphore_mem>>) src(%dma_wait3A_270 : memref<632x128xf32, #tpu.memory_space<hbm>>) dst(%dma_wait3A_268 : memref<632x128xf32, #tpu.memory_space<vmem_shared>>)
    } else {
    }
    %eq3A_12 = arith.constant 15 : i32
    %eq3A_13 = arith.cmpi eq, %arg1, %eq3A_12 : i32
    %convert_element_type3A_14 = arith.extui %eq3A_13 : i1 to i32
    %cond3A_15 = arith.constant 0 : i32
    %cond3A_16 = arith.cmpi ne, %convert_element_type3A_14, %cond3A_15 : i32
    scf.if %cond3A_16 {
      %dma_wait3A_265 = arith.constant 9480 : i32
      %dma_wait3A_266 = arith.constant 0 : i32
      %dma_wait3A_267 = tpu.memref_slice %arg13[%dma_wait3A_265, %dma_wait3A_266] : memref<10128x128xf32, #tpu.memory_space<vmem_shared>> -> memref<648x128xf32, #tpu.memory_space<vmem_shared>>
      %dma_wait3A_268 = arith.constant 9480 : i32
      %dma_wait3A_269 = arith.constant 0 : i32
      %dma_wait3A_270 = tpu.memref_slice %arg4[%dma_wait3A_268, %dma_wait3A_269] : memref<10128x128xf32, #tpu.memory_space<hbm>> -> memref<648x128xf32, #tpu.memory_space<hbm>>
      tpu.wait_dma2 semaphore(%arg18 : memref<!tpu.dma_semaphore, #tpu.memory_space<semaphore_mem>>) src(%dma_wait3A_270 : memref<648x128xf32, #tpu.memory_space<hbm>>) dst(%dma_wait3A_267 : memref<648x128xf32, #tpu.memory_space<vmem_shared>>)
    } else {
    }
    %barrier3A = arith.constant 0 : index
    tpu.barrier barrier_id(%barrier3A)
    %get3A = arith.constant 0 : i32
    %get3A_17 = arith.index_cast %get3A : i32 to index
    %get3A_18 = arith.constant 0 : index
    %get3A_19 = tpu.vector_load %arg6[%get3A_17, %get3A_18] {strides = array<i32>} : memref<80x128xi32, #tpu.memory_space<vmem>>, vector<1x16xi32>,
    %get3A_20 = vector.shape_cast %get3A_19 : vector<1x16xi32> to vector<16xi32>
    %and3A = arith.constant 16383 : i32
    %and3A_21 = vector.broadcast %and3A : i32 to vector<16xi32>
    %and3A_22 = arith.andi %get3A_20, %and3A_21 : vector<16xi32>
    %swap3A = arith.constant 0 : i32
    %swap3A_23 = arith.index_cast %swap3A : i32 to index
    %swap3A_24 = arith.constant 0 : index
    %swap3A_25 = tpu.vector_load %arg7[%swap3A_23, %swap3A_24] {strides = array<i32>} : memref<1x128xi32, #tpu.memory_space<vmem>>, vector<1x16xi32>,
    %swap3A_26 = vector.shape_cast %swap3A_25 : vector<1x16xi32> to vector<16xi32>
    %swap3A_27 = vector.shape_cast %and3A_22 : vector<16xi32> to vector<1x16xi32>
    tpu.vector_store %arg7[%swap3A_23, %swap3A_24], %swap3A_27 {strides = array<i32>} : memref<1x128xi32, #tpu.memory_space<vmem>>, vector<1x16xi32>,
    %get3A_28 = arith.constant 0 : i32
    %get3A_29 = arith.index_cast %get3A_28 : i32 to index
    %get3A_30 = arith.constant 16 : index
    %get3A_31 = tpu.vector_load %arg6[%get3A_29, %get3A_30] {strides = array<i32>} : memref<80x128xi32, #tpu.memory_space<vmem>>, vector<1x16xi32>,
    %get3A_32 = vector.shape_cast %get3A_31 : vector<1x16xi32> to vector<16xi32>
    %and3A_33 = arith.constant 16383 : i32
    %and3A_34 = vector.broadcast %and3A_33 : i32 to vector<16xi32>
    %and3A_35 = arith.andi %get3A_32, %and3A_34 : vector<16xi32>
    %swap3A_36 = arith.constant 0 : i32
    %swap3A_37 = arith.index_cast %swap3A_36 : i32 to index
    %swap3A_38 = arith.constant 16 : index
    %swap3A_39 = tpu.vector_load %arg7[%swap3A_37, %swap3A_38] {strides = array<i32>} : memref<1x128xi32, #tpu.memory_space<vmem>>, vector<1x16xi32>,
    %swap3A_40 = vector.shape_cast %swap3A_39 : vector<1x16xi32> to vector<16xi32>
    %swap3A_41 = vector.shape_cast %and3A_35 : vector<16xi32> to vector<1x16xi32>
    tpu.vector_store %arg7[%swap3A_37, %swap3A_38], %swap3A_41 {strides = array<i32>} : memref<1x128xi32, #tpu.memory_space<vmem>>, vector<1x16xi32>,
    %get3A_42 = arith.constant 0 : i32
    %get3A_43 = arith.index_cast %get3A_42 : i32 to index
    %get3A_44 = arith.constant 32 : index
    %get3A_45 = tpu.vector_load %arg6[%get3A_43, %get3A_44] {strides = array<i32>} : memref<80x128xi32, #tpu.memory_space<vmem>>, vector<1x16xi32>,
    %get3A_46 = vector.shape_cast %get3A_45 : vector<1x16xi32> to vector<16xi32>
    %and3A_47 = arith.constant 16383 : i32
    %and3A_48 = vector.broadcast %and3A_47 : i32 to vector<16xi32>
    %and3A_49 = arith.andi %get3A_46, %and3A_48 : vector<16xi32>
    %swap3A_50 = arith.constant 0 : i32
    %swap3A_51 = arith.index_cast %swap3A_50 : i32 to index
    %swap3A_52 = arith.constant 32 : index
    %swap3A_53 = tpu.vector_load %arg7[%swap3A_51, %swap3A_52] {strides = array<i32>} : memref<1x128xi32, #tpu.memory_space<vmem>>, vector<1x16xi32>,
    %swap3A_54 = vector.shape_cast %swap3A_53 : vector<1x16xi32> to vector<16xi32>
    %swap3A_55 = vector.shape_cast %and3A_49 : vector<16xi32> to vector<1x16xi32>
    tpu.vector_store %arg7[%swap3A_51, %swap3A_52], %swap3A_55 {strides = array<i32>} : memref<1x128xi32, #tpu.memory_space<vmem>>, vector<1x16xi32>,
    %get3A_56 = arith.constant 0 : i32
    %get3A_57 = arith.index_cast %get3A_56 : i32 to index
    %get3A_58 = arith.constant 48 : index
    %get3A_59 = tpu.vector_load %arg6[%get3A_57, %get3A_58] {strides = array<i32>} : memref<80x128xi32, #tpu.memory_space<vmem>>, vector<1x16xi32>,
    %get3A_60 = vector.shape_cast %get3A_59 : vector<1x16xi32> to vector<16xi32>
    %and3A_61 = arith.constant 16383 : i32
    %and3A_62 = vector.broadcast %and3A_61 : i32 to vector<16xi32>
    %and3A_63 = arith.andi %get3A_60, %and3A_62 : vector<16xi32>
    %swap3A_64 = arith.constant 0 : i32
    %swap3A_65 = arith.index_cast %swap3A_64 : i32 to index
    %swap3A_66 = arith.constant 48 : index
    %swap3A_67 = tpu.vector_load %arg7[%swap3A_65, %swap3A_66] {strides = array<i32>} : memref<1x128xi32, #tpu.memory_space<vmem>>, vector<1x16xi32>,
    %swap3A_68 = vector.shape_cast %swap3A_67 : vector<1x16xi32> to vector<16xi32>
    %swap3A_69 = vector.shape_cast %and3A_63 : vector<16xi32> to vector<1x16xi32>
    tpu.vector_store %arg7[%swap3A_65, %swap3A_66], %swap3A_69 {strides = array<i32>} : memref<1x128xi32, #tpu.memory_space<vmem>>, vector<1x16xi32>,
    %get3A_70 = arith.constant 0 : i32
    %get3A_71 = arith.index_cast %get3A_70 : i32 to index
    %get3A_72 = arith.constant 64 : index
    %get3A_73 = tpu.vector_load %arg6[%get3A_71, %get3A_72] {strides = array<i32>} : memref<80x128xi32, #tpu.memory_space<vmem>>, vector<1x16xi32>,
    %get3A_74 = vector.shape_cast %get3A_73 : vector<1x16xi32> to vector<16xi32>
    %and3A_75 = arith.constant 16383 : i32
    %and3A_76 = vector.broadcast %and3A_75 : i32 to vector<16xi32>
    %and3A_77 = arith.andi %get3A_74, %and3A_76 : vector<16xi32>
    %swap3A_78 = arith.constant 0 : i32
    %swap3A_79 = arith.index_cast %swap3A_78 : i32 to index
    %swap3A_80 = arith.constant 64 : index
    %swap3A_81 = tpu.vector_load %arg7[%swap3A_79, %swap3A_80] {strides = array<i32>} : memref<1x128xi32, #tpu.memory_space<vmem>>, vector<1x16xi32>,
    %swap3A_82 = vector.shape_cast %swap3A_81 : vector<1x16xi32> to vector<16xi32>
    %swap3A_83 = vector.shape_cast %and3A_77 : vector<16xi32> to vector<1x16xi32>
    tpu.vector_store %arg7[%swap3A_79, %swap3A_80], %swap3A_83 {strides = array<i32>} : memref<1x128xi32, #tpu.memory_space<vmem>>, vector<1x16xi32>,
    %get3A_84 = arith.constant 0 : i32
    %get3A_85 = arith.index_cast %get3A_84 : i32 to index
    %get3A_86 = arith.constant 80 : index
    %get3A_87 = tpu.vector_load %arg6[%get3A_85, %get3A_86] {strides = array<i32>} : memref<80x128xi32, #tpu.memory_space<vmem>>, vector<1x16xi32>,
    %get3A_88 = vector.shape_cast %get3A_87 : vector<1x16xi32> to vector<16xi32>
    %and3A_89 = arith.constant 16383 : i32
    %and3A_90 = vector.broadcast %and3A_89 : i32 to vector<16xi32>
    %and3A_91 = arith.andi %get3A_88, %and3A_90 : vector<16xi32>
    %swap3A_92 = arith.constant 0 : i32
    %swap3A_93 = arith.index_cast %swap3A_92 : i32 to index
    %swap3A_94 = arith.constant 80 : index
    %swap3A_95 = tpu.vector_load %arg7[%swap3A_93, %swap3A_94] {strides = array<i32>} : memref<1x128xi32, #tpu.memory_space<vmem>>, vector<1x16xi32>,
    %swap3A_96 = vector.shape_cast %swap3A_95 : vector<1x16xi32> to vector<16xi32>
    %swap3A_97 = vector.shape_cast %and3A_91 : vector<16xi32> to vector<1x16xi32>
    tpu.vector_store %arg7[%swap3A_93, %swap3A_94], %swap3A_97 {strides = array<i32>} : memref<1x128xi32, #tpu.memory_space<vmem>>, vector<1x16xi32>,
    %get3A_98 = arith.constant 0 : i32
    %get3A_99 = arith.index_cast %get3A_98 : i32 to index
    %get3A_100 = arith.constant 96 : index
    %get3A_101 = tpu.vector_load %arg6[%get3A_99, %get3A_100] {strides = array<i32>} : memref<80x128xi32, #tpu.memory_space<vmem>>, vector<1x16xi32>,
    %get3A_102 = vector.shape_cast %get3A_101 : vector<1x16xi32> to vector<16xi32>
    %and3A_103 = arith.constant 16383 : i32
    %and3A_104 = vector.broadcast %and3A_103 : i32 to vector<16xi32>
    %and3A_105 = arith.andi %get3A_102, %and3A_104 : vector<16xi32>
    %swap3A_106 = arith.constant 0 : i32
    %swap3A_107 = arith.index_cast %swap3A_106 : i32 to index
    %swap3A_108 = arith.constant 96 : index
    %swap3A_109 = tpu.vector_load %arg7[%swap3A_107, %swap3A_108] {strides = array<i32>} : memref<1x128xi32, #tpu.memory_space<vmem>>, vector<1x16xi32>,
    %swap3A_110 = vector.shape_cast %swap3A_109 : vector<1x16xi32> to vector<16xi32>
    %swap3A_111 = vector.shape_cast %and3A_105 : vector<16xi32> to vector<1x16xi32>
    tpu.vector_store %arg7[%swap3A_107, %swap3A_108], %swap3A_111 {strides = array<i32>} : memref<1x128xi32, #tpu.memory_space<vmem>>, vector<1x16xi32>,
    %get3A_112 = arith.constant 0 : i32
    %get3A_113 = arith.index_cast %get3A_112 : i32 to index
    %get3A_114 = arith.constant 112 : index
    %get3A_115 = tpu.vector_load %arg6[%get3A_113, %get3A_114] {strides = array<i32>} : memref<80x128xi32, #tpu.memory_space<vmem>>, vector<1x16xi32>,
    %get3A_116 = vector.shape_cast %get3A_115 : vector<1x16xi32> to vector<16xi32>
    %and3A_117 = arith.constant 16383 : i32
    %and3A_118 = vector.broadcast %and3A_117 : i32 to vector<16xi32>
    %and3A_119 = arith.andi %get3A_116, %and3A_118 : vector<16xi32>
    %swap3A_120 = arith.constant 0 : i32
    %swap3A_121 = arith.index_cast %swap3A_120 : i32 to index
    %swap3A_122 = arith.constant 112 : index
    %swap3A_123 = tpu.vector_load %arg7[%swap3A_121, %swap3A_122] {strides = array<i32>} : memref<1x128xi32, #tpu.memory_space<vmem>>, vector<1x16xi32>,
    %swap3A_124 = vector.shape_cast %swap3A_123 : vector<1x16xi32> to vector<16xi32>
    %swap3A_125 = vector.shape_cast %and3A_119 : vector<16xi32> to vector<1x16xi32>
    tpu.vector_store %arg7[%swap3A_121, %swap3A_122], %swap3A_125 {strides = array<i32>} : memref<1x128xi32, #tpu.memory_space<vmem>>, vector<1x16xi32>,
    %dma_start3A = arith.constant 0 : i32
    %dma_start3A_126 = arith.constant 0 : i32
    %dma_start3A_127 = tpu.memref_slice %arg7[%dma_start3A, %dma_start3A_126] : memref<1x128xi32, #tpu.memory_space<vmem>> -> memref<1x128xi32, #tpu.memory_space<vmem>>
    %dma_start3A_128 = tpu.memref_squeeze %dma_start3A_127 : memref<1x128xi32, #tpu.memory_space<vmem>> -> memref<128xi32, #tpu.memory_space<vmem>>
    %dma_start3A_129 = arith.constant 0 : i32
    %dma_start3A_130 = arith.constant 0 : i32
    %dma_start3A_131 = tpu.memref_slice %arg2[%dma_start3A_129, %dma_start3A_130] : memref<10000x128xf32, #tpu.memory_space<hbm>> -> memref<10000x128xf32, #tpu.memory_space<hbm>>
    tpu.enqueue_indirect_dma source(%dma_start3A_131 : memref<10000x128xf32, #tpu.memory_space<hbm>>) target(%arg11 : memref<128x128xf32, #tpu.memory_space<vmem>>) offsets(%dma_start3A_128 : memref<128xi32, #tpu.memory_space<vmem>>) semaphore(%arg14 : memref<!tpu.dma_semaphore, #tpu.memory_space<semaphore_mem>>)
    %get3A_132 = arith.constant 0 : i32
    %get3A_133 = arith.index_cast %get3A_132 : i32 to index
    %get3A_134 = arith.constant 0 : index
    %get3A_135 = tpu.vector_load %arg6[%get3A_133, %get3A_134] {strides = array<i32>} : memref<80x128xi32, #tpu.memory_space<vmem>>, vector<1x16xi32>,
    %get3A_136 = vector.shape_cast %get3A_135 : vector<1x16xi32> to vector<16xi32>
    %shift_right_logical3A = arith.constant 14 : i32
    %shift_right_logical3A_137 = vector.broadcast %shift_right_logical3A : i32 to vector<16xi32>
    %shift_right_logical3A_138 = arith.shrui %get3A_136, %shift_right_logical3A_137 : vector<16xi32>
    %swap3A_139 = arith.constant 0 : i32
    %swap3A_140 = arith.index_cast %swap3A_139 : i32 to index
    %swap3A_141 = arith.constant 0 : index
    %swap3A_142 = tpu.vector_load %arg8[%swap3A_140, %swap3A_141] {strides = array<i32>} : memref<1x128xi32, #tpu.memory_space<vmem>>, vector<1x16xi32>,
    %swap3A_143 = vector.shape_cast %swap3A_142 : vector<1x16xi32> to vector<16xi32>
    %swap3A_144 = vector.shape_cast %shift_right_logical3A_138 : vector<16xi32> to vector<1x16xi32>
    tpu.vector_store %arg8[%swap3A_140, %swap3A_141], %swap3A_144 {strides = array<i32>} : memref<1x128xi32, #tpu.memory_space<vmem>>, vector<1x16xi32>,
    %get3A_145 = arith.constant 0 : i32
    %get3A_146 = arith.index_cast %get3A_145 : i32 to index
    %get3A_147 = arith.constant 16 : index
    %get3A_148 = tpu.vector_load %arg6[%get3A_146, %get3A_147] {strides = array<i32>} : memref<80x128xi32, #tpu.memory_space<vmem>>, vector<1x16xi32>,
    %get3A_149 = vector.shape_cast %get3A_148 : vector<1x16xi32> to vector<16xi32>
    %shift_right_logical3A_150 = arith.constant 14 : i32
    %shift_right_logical3A_151 = vector.broadcast %shift_right_logical3A_150 : i32 to vector<16xi32>
    %shift_right_logical3A_152 = arith.shrui %get3A_149, %shift_right_logical3A_151 : vector<16xi32>
    %swap3A_153 = arith.constant 0 : i32
    %swap3A_154 = arith.index_cast %swap3A_153 : i32 to index
    %swap3A_155 = arith.constant 16 : index
    %swap3A_156 = tpu.vector_load %arg8[%swap3A_154, %swap3A_155] {strides = array<i32>} : memref<1x128xi32, #tpu.memory_space<vmem>>, vector<1x16xi32>,
    %swap3A_157 = vector.shape_cast %swap3A_156 : vector<1x16xi32> to vector<16xi32>
    %swap3A_158 = vector.shape_cast %shift_right_logical3A_152 : vector<16xi32> to vector<1x16xi32>
    tpu.vector_store %arg8[%swap3A_154, %swap3A_155], %swap3A_158 {strides = array<i32>} : memref<1x128xi32, #tpu.memory_space<vmem>>, vector<1x16xi32>,
    %get3A_159 = arith.constant 0 : i32
    %get3A_160 = arith.index_cast %get3A_159 : i32 to index
    %get3A_161 = arith.constant 32 : index
    %get3A_162 = tpu.vector_load %arg6[%get3A_160, %get3A_161] {strides = array<i32>} : memref<80x128xi32, #tpu.memory_space<vmem>>, vector<1x16xi32>,
    %get3A_163 = vector.shape_cast %get3A_162 : vector<1x16xi32> to vector<16xi32>
    %shift_right_logical3A_164 = arith.constant 14 : i32
    %shift_right_logical3A_165 = vector.broadcast %shift_right_logical3A_164 : i32 to vector<16xi32>
    %shift_right_logical3A_166 = arith.shrui %get3A_163, %shift_right_logical3A_165 : vector<16xi32>
    %swap3A_167 = arith.constant 0 : i32
    %swap3A_168 = arith.index_cast %swap3A_167 : i32 to index
    %swap3A_169 = arith.constant 32 : index
    %swap3A_170 = tpu.vector_load %arg8[%swap3A_168, %swap3A_169] {strides = array<i32>} : memref<1x128xi32, #tpu.memory_space<vmem>>, vector<1x16xi32>,
    %swap3A_171 = vector.shape_cast %swap3A_170 : vector<1x16xi32> to vector<16xi32>
    %swap3A_172 = vector.shape_cast %shift_right_logical3A_166 : vector<16xi32> to vector<1x16xi32>
    tpu.vector_store %arg8[%swap3A_168, %swap3A_169], %swap3A_172 {strides = array<i32>} : memref<1x128xi32, #tpu.memory_space<vmem>>, vector<1x16xi32>,
    %get3A_173 = arith.constant 0 : i32
    %get3A_174 = arith.index_cast %get3A_173 : i32 to index
    %get3A_175 = arith.constant 48 : index
    %get3A_176 = tpu.vector_load %arg6[%get3A_174, %get3A_175] {strides = array<i32>} : memref<80x128xi32, #tpu.memory_space<vmem>>, vector<1x16xi32>,
    %get3A_177 = vector.shape_cast %get3A_176 : vector<1x16xi32> to vector<16xi32>
    %shift_right_logical3A_178 = arith.constant 14 : i32
    %shift_right_logical3A_179 = vector.broadcast %shift_right_logical3A_178 : i32 to vector<16xi32>
    %shift_right_logical3A_180 = arith.shrui %get3A_177, %shift_right_logical3A_179 : vector<16xi32>
    %swap3A_181 = arith.constant 0 : i32
    %swap3A_182 = arith.index_cast %swap3A_181 : i32 to index
    %swap3A_183 = arith.constant 48 : index
    %swap3A_184 = tpu.vector_load %arg8[%swap3A_182, %swap3A_183] {strides = array<i32>} : memref<1x128xi32, #tpu.memory_space<vmem>>, vector<1x16xi32>,
    %swap3A_185 = vector.shape_cast %swap3A_184 : vector<1x16xi32> to vector<16xi32>
    %swap3A_186 = vector.shape_cast %shift_right_logical3A_180 : vector<16xi32> to vector<1x16xi32>
    tpu.vector_store %arg8[%swap3A_182, %swap3A_183], %swap3A_186 {strides = array<i32>} : memref<1x128xi32, #tpu.memory_space<vmem>>, vector<1x16xi32>,
    %get3A_187 = arith.constant 0 : i32
    %get3A_188 = arith.index_cast %get3A_187 : i32 to index
    %get3A_189 = arith.constant 64 : index
    %get3A_190 = tpu.vector_load %arg6[%get3A_188, %get3A_189] {strides = array<i32>} : memref<80x128xi32, #tpu.memory_space<vmem>>, vector<1x16xi32>,
    %get3A_191 = vector.shape_cast %get3A_190 : vector<1x16xi32> to vector<16xi32>
    %shift_right_logical3A_192 = arith.constant 14 : i32
    %shift_right_logical3A_193 = vector.broadcast %shift_right_logical3A_192 : i32 to vector<16xi32>
    %shift_right_logical3A_194 = arith.shrui %get3A_191, %shift_right_logical3A_193 : vector<16xi32>
    %swap3A_195 = arith.constant 0 : i32
    %swap3A_196 = arith.index_cast %swap3A_195 : i32 to index
    %swap3A_197 = arith.constant 64 : index
    %swap3A_198 = tpu.vector_load %arg8[%swap3A_196, %swap3A_197] {strides = array<i32>} : memref<1x128xi32, #tpu.memory_space<vmem>>, vector<1x16xi32>,
    %swap3A_199 = vector.shape_cast %swap3A_198 : vector<1x16xi32> to vector<16xi32>
    %swap3A_200 = vector.shape_cast %shift_right_logical3A_194 : vector<16xi32> to vector<1x16xi32>
    tpu.vector_store %arg8[%swap3A_196, %swap3A_197], %swap3A_200 {strides = array<i32>} : memref<1x128xi32, #tpu.memory_space<vmem>>, vector<1x16xi32>,
    %get3A_201 = arith.constant 0 : i32
    %get3A_202 = arith.index_cast %get3A_201 : i32 to index
    %get3A_203 = arith.constant 80 : index
    %get3A_204 = tpu.vector_load %arg6[%get3A_202, %get3A_203] {strides = array<i32>} : memref<80x128xi32, #tpu.memory_space<vmem>>, vector<1x16xi32>,
    %get3A_205 = vector.shape_cast %get3A_204 : vector<1x16xi32> to vector<16xi32>
    %shift_right_logical3A_206 = arith.constant 14 : i32
    %shift_right_logical3A_207 = vector.broadcast %shift_right_logical3A_206 : i32 to vector<16xi32>
    %shift_right_logical3A_208 = arith.shrui %get3A_205, %shift_right_logical3A_207 : vector<16xi32>
    %swap3A_209 = arith.constant 0 : i32
    %swap3A_210 = arith.index_cast %swap3A_209 : i32 to index
    %swap3A_211 = arith.constant 80 : index
    %swap3A_212 = tpu.vector_load %arg8[%swap3A_210, %swap3A_211] {strides = array<i32>} : memref<1x128xi32, #tpu.memory_space<vmem>>, vector<1x16xi32>,
    %swap3A_213 = vector.shape_cast %swap3A_212 : vector<1x16xi32> to vector<16xi32>
    %swap3A_214 = vector.shape_cast %shift_right_logical3A_208 : vector<16xi32> to vector<1x16xi32>
    tpu.vector_store %arg8[%swap3A_210, %swap3A_211], %swap3A_214 {strides = array<i32>} : memref<1x128xi32, #tpu.memory_space<vmem>>, vector<1x16xi32>,
    %get3A_215 = arith.constant 0 : i32
    %get3A_216 = arith.index_cast %get3A_215 : i32 to index
    %get3A_217 = arith.constant 96 : index
    %get3A_218 = tpu.vector_load %arg6[%get3A_216, %get3A_217] {strides = array<i32>} : memref<80x128xi32, #tpu.memory_space<vmem>>, vector<1x16xi32>,
    %get3A_219 = vector.shape_cast %get3A_218 : vector<1x16xi32> to vector<16xi32>
    %shift_right_logical3A_220 = arith.constant 14 : i32
    %shift_right_logical3A_221 = vector.broadcast %shift_right_logical3A_220 : i32 to vector<16xi32>
    %shift_right_logical3A_222 = arith.shrui %get3A_219, %shift_right_logical3A_221 : vector<16xi32>
    %swap3A_223 = arith.constant 0 : i32
    %swap3A_224 = arith.index_cast %swap3A_223 : i32 to index
    %swap3A_225 = arith.constant 96 : index
    %swap3A_226 = tpu.vector_load %arg8[%swap3A_224, %swap3A_225] {strides = array<i32>} : memref<1x128xi32, #tpu.memory_space<vmem>>, vector<1x16xi32>,
    %swap3A_227 = vector.shape_cast %swap3A_226 : vector<1x16xi32> to vector<16xi32>
    %swap3A_228 = vector.shape_cast %shift_right_logical3A_222 : vector<16xi32> to vector<1x16xi32>
    tpu.vector_store %arg8[%swap3A_224, %swap3A_225], %swap3A_228 {strides = array<i32>} : memref<1x128xi32, #tpu.memory_space<vmem>>, vector<1x16xi32>,
    %get3A_229 = arith.constant 0 : i32
    %get3A_230 = arith.index_cast %get3A_229 : i32 to index
    %get3A_231 = arith.constant 112 : index
    %get3A_232 = tpu.vector_load %arg6[%get3A_230, %get3A_231] {strides = array<i32>} : memref<80x128xi32, #tpu.memory_space<vmem>>, vector<1x16xi32>,
    %get3A_233 = vector.shape_cast %get3A_232 : vector<1x16xi32> to vector<16xi32>
    %shift_right_logical3A_234 = arith.constant 14 : i32
    %shift_right_logical3A_235 = vector.broadcast %shift_right_logical3A_234 : i32 to vector<16xi32>
    %shift_right_logical3A_236 = arith.shrui %get3A_233, %shift_right_logical3A_235 : vector<16xi32>
    %swap3A_237 = arith.constant 0 : i32
    %swap3A_238 = arith.index_cast %swap3A_237 : i32 to index
    %swap3A_239 = arith.constant 112 : index
    %swap3A_240 = tpu.vector_load %arg8[%swap3A_238, %swap3A_239] {strides = array<i32>} : memref<1x128xi32, #tpu.memory_space<vmem>>, vector<1x16xi32>,
    %swap3A_241 = vector.shape_cast %swap3A_240 : vector<1x16xi32> to vector<16xi32>
    %swap3A_242 = vector.shape_cast %shift_right_logical3A_236 : vector<16xi32> to vector<1x16xi32>
    tpu.vector_store %arg8[%swap3A_238, %swap3A_239], %swap3A_242 {strides = array<i32>} : memref<1x128xi32, #tpu.memory_space<vmem>>, vector<1x16xi32>,
    %scan3A = arith.constant 0 : i32
    %scan3A_243 = arith.constant 0 : i32
    %scan3A_244 = arith.constant 40 : i32
    %scan3A_245 = arith.addi %scan3A_243, %scan3A_244 : i32
    %scan3A_246 = arith.constant 1 : i32
    scf.for %scan3A_265 = %scan3A_243 to %scan3A_245 step %scan3A_246  : i32 {
      %mul3A_266 = arith.constant 2 : i32
      %mul3A_267 = arith.muli %mul3A_266, %scan3A_265 : i32
      %add3A_268 = arith.constant 1 : i32
      %add3A_269 = arith.addi %mul3A_267, %add3A_268 : i32
      %get3A_270 = arith.index_cast %add3A_269 : i32 to index
      %get3A_271 = arith.constant 0 : index
      %get3A_272 = tpu.vector_load %arg6[%get3A_270, %get3A_271] {strides = array<i32>} : memref<80x128xi32, #tpu.memory_space<vmem>>, vector<1x16xi32>,
      %get3A_273 = vector.shape_cast %get3A_272 : vector<1x16xi32> to vector<16xi32>
      %and3A_274 = arith.constant 16383 : i32
      %and3A_275 = vector.broadcast %and3A_274 : i32 to vector<16xi32>
      %and3A_276 = arith.andi %get3A_273, %and3A_275 : vector<16xi32>
      %swap3A_277 = arith.constant 0 : i32
      %swap3A_278 = arith.index_cast %swap3A_277 : i32 to index
      %swap3A_279 = arith.constant 0 : index
      %swap3A_280 = tpu.vector_load %arg9[%swap3A_278, %swap3A_279] {strides = array<i32>} : memref<1x128xi32, #tpu.memory_space<vmem>>, vector<1x16xi32>,
      %swap3A_281 = vector.shape_cast %swap3A_280 : vector<1x16xi32> to vector<16xi32>
      %swap3A_282 = vector.shape_cast %and3A_276 : vector<16xi32> to vector<1x16xi32>
      tpu.vector_store %arg9[%swap3A_278, %swap3A_279], %swap3A_282 {strides = array<i32>} : memref<1x128xi32, #tpu.memory_space<vmem>>, vector<1x16xi32>,
      %get3A_283 = arith.index_cast %add3A_269 : i32 to index
      %get3A_284 = arith.constant 16 : index
      %get3A_285 = tpu.vector_load %arg6[%get3A_283, %get3A_284] {strides = array<i32>} : memref<80x128xi32, #tpu.memory_space<vmem>>, vector<1x16xi32>,
      %get3A_286 = vector.shape_cast %get3A_285 : vector<1x16xi32> to vector<16xi32>
      %and3A_287 = arith.constant 16383 : i32
      %and3A_288 = vector.broadcast %and3A_287 : i32 to vector<16xi32>
      %and3A_289 = arith.andi %get3A_286, %and3A_288 : vector<16xi32>
      %swap3A_290 = arith.constant 0 : i32
      %swap3A_291 = arith.index_cast %swap3A_290 : i32 to index
      %swap3A_292 = arith.constant 16 : index
      %swap3A_293 = tpu.vector_load %arg9[%swap3A_291, %swap3A_292] {strides = array<i32>} : memref<1x128xi32, #tpu.memory_space<vmem>>, vector<1x16xi32>,
      %swap3A_294 = vector.shape_cast %swap3A_293 : vector<1x16xi32> to vector<16xi32>
      %swap3A_295 = vector.shape_cast %and3A_289 : vector<16xi32> to vector<1x16xi32>
      tpu.vector_store %arg9[%swap3A_291, %swap3A_292], %swap3A_295 {strides = array<i32>} : memref<1x128xi32, #tpu.memory_space<vmem>>, vector<1x16xi32>,
      %get3A_296 = arith.index_cast %add3A_269 : i32 to index
      %get3A_297 = arith.constant 32 : index
      %get3A_298 = tpu.vector_load %arg6[%get3A_296, %get3A_297] {strides = array<i32>} : memref<80x128xi32, #tpu.memory_space<vmem>>, vector<1x16xi32>,
      %get3A_299 = vector.shape_cast %get3A_298 : vector<1x16xi32> to vector<16xi32>
      %and3A_300 = arith.constant 16383 : i32
      %and3A_301 = vector.broadcast %and3A_300 : i32 to vector<16xi32>
      %and3A_302 = arith.andi %get3A_299, %and3A_301 : vector<16xi32>
      %swap3A_303 = arith.constant 0 : i32
      %swap3A_304 = arith.index_cast %swap3A_303 : i32 to index
      %swap3A_305 = arith.constant 32 : index
      %swap3A_306 = tpu.vector_load %arg9[%swap3A_304, %swap3A_305] {strides = array<i32>} : memref<1x128xi32, #tpu.memory_space<vmem>>, vector<1x16xi32>,
      %swap3A_307 = vector.shape_cast %swap3A_306 : vector<1x16xi32> to vector<16xi32>
      %swap3A_308 = vector.shape_cast %and3A_302 : vector<16xi32> to vector<1x16xi32>
      tpu.vector_store %arg9[%swap3A_304, %swap3A_305], %swap3A_308 {strides = array<i32>} : memref<1x128xi32, #tpu.memory_space<vmem>>, vector<1x16xi32>,
      %get3A_309 = arith.index_cast %add3A_269 : i32 to index
      %get3A_310 = arith.constant 48 : index
      %get3A_311 = tpu.vector_load %arg6[%get3A_309, %get3A_310] {strides = array<i32>} : memref<80x128xi32, #tpu.memory_space<vmem>>, vector<1x16xi32>,
      %get3A_312 = vector.shape_cast %get3A_311 : vector<1x16xi32> to vector<16xi32>
      %and3A_313 = arith.constant 16383 : i32
      %and3A_314 = vector.broadcast %and3A_313 : i32 to vector<16xi32>
      %and3A_315 = arith.andi %get3A_312, %and3A_314 : vector<16xi32>
      %swap3A_316 = arith.constant 0 : i32
      %swap3A_317 = arith.index_cast %swap3A_316 : i32 to index
      %swap3A_318 = arith.constant 48 : index
      %swap3A_319 = tpu.vector_load %arg9[%swap3A_317, %swap3A_318] {strides = array<i32>} : memref<1x128xi32, #tpu.memory_space<vmem>>, vector<1x16xi32>,
      %swap3A_320 = vector.shape_cast %swap3A_319 : vector<1x16xi32> to vector<16xi32>
      %swap3A_321 = vector.shape_cast %and3A_315 : vector<16xi32> to vector<1x16xi32>
      tpu.vector_store %arg9[%swap3A_317, %swap3A_318], %swap3A_321 {strides = array<i32>} : memref<1x128xi32, #tpu.memory_space<vmem>>, vector<1x16xi32>,
      %get3A_322 = arith.index_cast %add3A_269 : i32 to index
      %get3A_323 = arith.constant 64 : index
      %get3A_324 = tpu.vector_load %arg6[%get3A_322, %get3A_323] {strides = array<i32>} : memref<80x128xi32, #tpu.memory_space<vmem>>, vector<1x16xi32>,
      %get3A_325 = vector.shape_cast %get3A_324 : vector<1x16xi32> to vector<16xi32>
      %and3A_326 = arith.constant 16383 : i32
      %and3A_327 = vector.broadcast %and3A_326 : i32 to vector<16xi32>
      %and3A_328 = arith.andi %get3A_325, %and3A_327 : vector<16xi32>
      %swap3A_329 = arith.constant 0 : i32
      %swap3A_330 = arith.index_cast %swap3A_329 : i32 to index
      %swap3A_331 = arith.constant 64 : index
      %swap3A_332 = tpu.vector_load %arg9[%swap3A_330, %swap3A_331] {strides = array<i32>} : memref<1x128xi32, #tpu.memory_space<vmem>>, vector<1x16xi32>,
      %swap3A_333 = vector.shape_cast %swap3A_332 : vector<1x16xi32> to vector<16xi32>
      %swap3A_334 = vector.shape_cast %and3A_328 : vector<16xi32> to vector<1x16xi32>
      tpu.vector_store %arg9[%swap3A_330, %swap3A_331], %swap3A_334 {strides = array<i32>} : memref<1x128xi32, #tpu.memory_space<vmem>>, vector<1x16xi32>,
      %get3A_335 = arith.index_cast %add3A_269 : i32 to index
      %get3A_336 = arith.constant 80 : index
      %get3A_337 = tpu.vector_load %arg6[%get3A_335, %get3A_336] {strides = array<i32>} : memref<80x128xi32, #tpu.memory_space<vmem>>, vector<1x16xi32>,
      %get3A_338 = vector.shape_cast %get3A_337 : vector<1x16xi32> to vector<16xi32>
      %and3A_339 = arith.constant 16383 : i32
      %and3A_340 = vector.broadcast %and3A_339 : i32 to vector<16xi32>
      %and3A_341 = arith.andi %get3A_338, %and3A_340 : vector<16xi32>
      %swap3A_342 = arith.constant 0 : i32
      %swap3A_343 = arith.index_cast %swap3A_342 : i32 to index
      %swap3A_344 = arith.constant 80 : index
      %swap3A_345 = tpu.vector_load %arg9[%swap3A_343, %swap3A_344] {strides = array<i32>} : memref<1x128xi32, #tpu.memory_space<vmem>>, vector<1x16xi32>,
      %swap3A_346 = vector.shape_cast %swap3A_345 : vector<1x16xi32> to vector<16xi32>
      %swap3A_347 = vector.shape_cast %and3A_341 : vector<16xi32> to vector<1x16xi32>
      tpu.vector_store %arg9[%swap3A_343, %swap3A_344], %swap3A_347 {strides = array<i32>} : memref<1x128xi32, #tpu.memory_space<vmem>>, vector<1x16xi32>,
      %get3A_348 = arith.index_cast %add3A_269 : i32 to index
      %get3A_349 = arith.constant 96 : index
      %get3A_350 = tpu.vector_load %arg6[%get3A_348, %get3A_349] {strides = array<i32>} : memref<80x128xi32, #tpu.memory_space<vmem>>, vector<1x16xi32>,
      %get3A_351 = vector.shape_cast %get3A_350 : vector<1x16xi32> to vector<16xi32>
      %and3A_352 = arith.constant 16383 : i32
      %and3A_353 = vector.broadcast %and3A_352 : i32 to vector<16xi32>
      %and3A_354 = arith.andi %get3A_351, %and3A_353 : vector<16xi32>
      %swap3A_355 = arith.constant 0 : i32
      %swap3A_356 = arith.index_cast %swap3A_355 : i32 to index
      %swap3A_357 = arith.constant 96 : index
      %swap3A_358 = tpu.vector_load %arg9[%swap3A_356, %swap3A_357] {strides = array<i32>} : memref<1x128xi32, #tpu.memory_space<vmem>>, vector<1x16xi32>,
      %swap3A_359 = vector.shape_cast %swap3A_358 : vector<1x16xi32> to vector<16xi32>
      %swap3A_360 = vector.shape_cast %and3A_354 : vector<16xi32> to vector<1x16xi32>
      tpu.vector_store %arg9[%swap3A_356, %swap3A_357], %swap3A_360 {strides = array<i32>} : memref<1x128xi32, #tpu.memory_space<vmem>>, vector<1x16xi32>,
      %get3A_361 = arith.index_cast %add3A_269 : i32 to index
      %get3A_362 = arith.constant 112 : index
      %get3A_363 = tpu.vector_load %arg6[%get3A_361, %get3A_362] {strides = array<i32>} : memref<80x128xi32, #tpu.memory_space<vmem>>, vector<1x16xi32>,
      %get3A_364 = vector.shape_cast %get3A_363 : vector<1x16xi32> to vector<16xi32>
      %and3A_365 = arith.constant 16383 : i32
      %and3A_366 = vector.broadcast %and3A_365 : i32 to vector<16xi32>
      %and3A_367 = arith.andi %get3A_364, %and3A_366 : vector<16xi32>
      %swap3A_368 = arith.constant 0 : i32
      %swap3A_369 = arith.index_cast %swap3A_368 : i32 to index
      %swap3A_370 = arith.constant 112 : index
      %swap3A_371 = tpu.vector_load %arg9[%swap3A_369, %swap3A_370] {strides = array<i32>} : memref<1x128xi32, #tpu.memory_space<vmem>>, vector<1x16xi32>,
      %swap3A_372 = vector.shape_cast %swap3A_371 : vector<1x16xi32> to vector<16xi32>
      %swap3A_373 = vector.shape_cast %and3A_367 : vector<16xi32> to vector<1x16xi32>
      tpu.vector_store %arg9[%swap3A_369, %swap3A_370], %swap3A_373 {strides = array<i32>} : memref<1x128xi32, #tpu.memory_space<vmem>>, vector<1x16xi32>,
      %gt3A = arith.constant 0 : i32
      %gt3A_374 = arith.cmpi sgt, %scan3A_265, %gt3A : i32
      %convert_element_type3A_375 = arith.extui %gt3A_374 : i1 to i32
      %cond3A_376 = arith.constant 0 : i32
      %cond3A_377 = arith.cmpi ne, %convert_element_type3A_375, %cond3A_376 : i32
      scf.if %cond3A_377 {
        %dma_wait3A_534 = arith.constant 0 : i32
        %dma_wait3A_535 = arith.constant 0 : i32
        %dma_wait3A_536 = tpu.memref_slice %arg10[%dma_wait3A_534, %dma_wait3A_535] : memref<1x128xi32, #tpu.memory_space<vmem>> -> memref<1x128xi32, #tpu.memory_space<vmem>>
        %dma_wait3A_537 = tpu.memref_squeeze %dma_wait3A_536 : memref<1x128xi32, #tpu.memory_space<vmem>> -> memref<128xi32, #tpu.memory_space<vmem>>
        %dma_wait3A_538 = arith.constant 0 : i32
        %dma_wait3A_539 = arith.constant 0 : i32
        %dma_wait3A_540 = tpu.memref_slice %arg13[%dma_wait3A_538, %dma_wait3A_539] : memref<10128x128xf32, #tpu.memory_space<vmem_shared>> -> memref<10128x128xf32, #tpu.memory_space<vmem_shared>>
        tpu.wait_indirect_dma semaphore(%arg17 : memref<!tpu.dma_semaphore, #tpu.memory_space<semaphore_mem>>) src(%arg12 : memref<128x128xf32, #tpu.memory_space<vmem>>) dst(%dma_wait3A_540 : memref<10128x128xf32, #tpu.memory_space<vmem_shared>>)
      } else {
      }
      %dma_start3A_378 = arith.constant 0 : i32
      %dma_start3A_379 = arith.constant 0 : i32
      %dma_start3A_380 = tpu.memref_slice %arg9[%dma_start3A_378, %dma_start3A_379] : memref<1x128xi32, #tpu.memory_space<vmem>> -> memref<1x128xi32, #tpu.memory_space<vmem>>
      %dma_start3A_381 = tpu.memref_squeeze %dma_start3A_380 : memref<1x128xi32, #tpu.memory_space<vmem>> -> memref<128xi32, #tpu.memory_space<vmem>>
      %dma_start3A_382 = arith.constant 0 : i32
      %dma_start3A_383 = arith.constant 0 : i32
      %dma_start3A_384 = tpu.memref_slice %arg2[%dma_start3A_382, %dma_start3A_383] : memref<10000x128xf32, #tpu.memory_space<hbm>> -> memref<10000x128xf32, #tpu.memory_space<hbm>>
      tpu.enqueue_indirect_dma source(%dma_start3A_384 : memref<10000x128xf32, #tpu.memory_space<hbm>>) target(%arg12 : memref<128x128xf32, #tpu.memory_space<vmem>>) offsets(%dma_start3A_381 : memref<128xi32, #tpu.memory_space<vmem>>) semaphore(%arg15 : memref<!tpu.dma_semaphore, #tpu.memory_space<semaphore_mem>>)
      %get3A_385 = arith.index_cast %add3A_269 : i32 to index
      %get3A_386 = arith.constant 0 : index
      %get3A_387 = tpu.vector_load %arg6[%get3A_385, %get3A_386] {strides = array<i32>} : memref<80x128xi32, #tpu.memory_space<vmem>>, vector<1x16xi32>,
      %get3A_388 = vector.shape_cast %get3A_387 : vector<1x16xi32> to vector<16xi32>
      %shift_right_logical3A_389 = arith.constant 14 : i32
      %shift_right_logical3A_390 = vector.broadcast %shift_right_logical3A_389 : i32 to vector<16xi32>
      %shift_right_logical3A_391 = arith.shrui %get3A_388, %shift_right_logical3A_390 : vector<16xi32>
      %swap3A_392 = arith.constant 0 : i32
      %swap3A_393 = arith.index_cast %swap3A_392 : i32 to index
      %swap3A_394 = arith.constant 0 : index
      %swap3A_395 = tpu.vector_load %arg10[%swap3A_393, %swap3A_394] {strides = array<i32>} : memref<1x128xi32, #tpu.memory_space<vmem>>, vector<1x16xi32>,
      %swap3A_396 = vector.shape_cast %swap3A_395 : vector<1x16xi32> to vector<16xi32>
      %swap3A_397 = vector.shape_cast %shift_right_logical3A_391 : vector<16xi32> to vector<1x16xi32>
      tpu.vector_store %arg10[%swap3A_393, %swap3A_394], %swap3A_397 {strides = array<i32>} : memref<1x128xi32, #tpu.memory_space<vmem>>, vector<1x16xi32>,
      %get3A_398 = arith.index_cast %add3A_269 : i32 to index
      %get3A_399 = arith.constant 16 : index
      %get3A_400 = tpu.vector_load %arg6[%get3A_398, %get3A_399] {strides = array<i32>} : memref<80x128xi32, #tpu.memory_space<vmem>>, vector<1x16xi32>,
      %get3A_401 = vector.shape_cast %get3A_400 : vector<1x16xi32> to vector<16xi32>
      %shift_right_logical3A_402 = arith.constant 14 : i32
      %shift_right_logical3A_403 = vector.broadcast %shift_right_logical3A_402 : i32 to vector<16xi32>
      %shift_right_logical3A_404 = arith.shrui %get3A_401, %shift_right_logical3A_403 : vector<16xi32>
      %swap3A_405 = arith.constant 0 : i32
      %swap3A_406 = arith.index_cast %swap3A_405 : i32 to index
      %swap3A_407 = arith.constant 16 : index
      %swap3A_408 = tpu.vector_load %arg10[%swap3A_406, %swap3A_407] {strides = array<i32>} : memref<1x128xi32, #tpu.memory_space<vmem>>, vector<1x16xi32>,
      %swap3A_409 = vector.shape_cast %swap3A_408 : vector<1x16xi32> to vector<16xi32>
      %swap3A_410 = vector.shape_cast %shift_right_logical3A_404 : vector<16xi32> to vector<1x16xi32>
      tpu.vector_store %arg10[%swap3A_406, %swap3A_407], %swap3A_410 {strides = array<i32>} : memref<1x128xi32, #tpu.memory_space<vmem>>, vector<1x16xi32>,
      %get3A_411 = arith.index_cast %add3A_269 : i32 to index
      %get3A_412 = arith.constant 32 : index
      %get3A_413 = tpu.vector_load %arg6[%get3A_411, %get3A_412] {strides = array<i32>} : memref<80x128xi32, #tpu.memory_space<vmem>>, vector<1x16xi32>,
      %get3A_414 = vector.shape_cast %get3A_413 : vector<1x16xi32> to vector<16xi32>
      %shift_right_logical3A_415 = arith.constant 14 : i32
      %shift_right_logical3A_416 = vector.broadcast %shift_right_logical3A_415 : i32 to vector<16xi32>
      %shift_right_logical3A_417 = arith.shrui %get3A_414, %shift_right_logical3A_416 : vector<16xi32>
      %swap3A_418 = arith.constant 0 : i32
      %swap3A_419 = arith.index_cast %swap3A_418 : i32 to index
      %swap3A_420 = arith.constant 32 : index
      %swap3A_421 = tpu.vector_load %arg10[%swap3A_419, %swap3A_420] {strides = array<i32>} : memref<1x128xi32, #tpu.memory_space<vmem>>, vector<1x16xi32>,
      %swap3A_422 = vector.shape_cast %swap3A_421 : vector<1x16xi32> to vector<16xi32>
      %swap3A_423 = vector.shape_cast %shift_right_logical3A_417 : vector<16xi32> to vector<1x16xi32>
      tpu.vector_store %arg10[%swap3A_419, %swap3A_420], %swap3A_423 {strides = array<i32>} : memref<1x128xi32, #tpu.memory_space<vmem>>, vector<1x16xi32>,
      %get3A_424 = arith.index_cast %add3A_269 : i32 to index
      %get3A_425 = arith.constant 48 : index
      %get3A_426 = tpu.vector_load %arg6[%get3A_424, %get3A_425] {strides = array<i32>} : memref<80x128xi32, #tpu.memory_space<vmem>>, vector<1x16xi32>,
      %get3A_427 = vector.shape_cast %get3A_426 : vector<1x16xi32> to vector<16xi32>
      %shift_right_logical3A_428 = arith.constant 14 : i32
      %shift_right_logical3A_429 = vector.broadcast %shift_right_logical3A_428 : i32 to vector<16xi32>
      %shift_right_logical3A_430 = arith.shrui %get3A_427, %shift_right_logical3A_429 : vector<16xi32>
      %swap3A_431 = arith.constant 0 : i32
      %swap3A_432 = arith.index_cast %swap3A_431 : i32 to index
      %swap3A_433 = arith.constant 48 : index
      %swap3A_434 = tpu.vector_load %arg10[%swap3A_432, %swap3A_433] {strides = array<i32>} : memref<1x128xi32, #tpu.memory_space<vmem>>, vector<1x16xi32>,
      %swap3A_435 = vector.shape_cast %swap3A_434 : vector<1x16xi32> to vector<16xi32>
      %swap3A_436 = vector.shape_cast %shift_right_logical3A_430 : vector<16xi32> to vector<1x16xi32>
      tpu.vector_store %arg10[%swap3A_432, %swap3A_433], %swap3A_436 {strides = array<i32>} : memref<1x128xi32, #tpu.memory_space<vmem>>, vector<1x16xi32>,
      %get3A_437 = arith.index_cast %add3A_269 : i32 to index
      %get3A_438 = arith.constant 64 : index
      %get3A_439 = tpu.vector_load %arg6[%get3A_437, %get3A_438] {strides = array<i32>} : memref<80x128xi32, #tpu.memory_space<vmem>>, vector<1x16xi32>,
      %get3A_440 = vector.shape_cast %get3A_439 : vector<1x16xi32> to vector<16xi32>
      %shift_right_logical3A_441 = arith.constant 14 : i32
      %shift_right_logical3A_442 = vector.broadcast %shift_right_logical3A_441 : i32 to vector<16xi32>
      %shift_right_logical3A_443 = arith.shrui %get3A_440, %shift_right_logical3A_442 : vector<16xi32>
      %swap3A_444 = arith.constant 0 : i32
      %swap3A_445 = arith.index_cast %swap3A_444 : i32 to index
      %swap3A_446 = arith.constant 64 : index
      %swap3A_447 = tpu.vector_load %arg10[%swap3A_445, %swap3A_446] {strides = array<i32>} : memref<1x128xi32, #tpu.memory_space<vmem>>, vector<1x16xi32>,
      %swap3A_448 = vector.shape_cast %swap3A_447 : vector<1x16xi32> to vector<16xi32>
      %swap3A_449 = vector.shape_cast %shift_right_logical3A_443 : vector<16xi32> to vector<1x16xi32>
      tpu.vector_store %arg10[%swap3A_445, %swap3A_446], %swap3A_449 {strides = array<i32>} : memref<1x128xi32, #tpu.memory_space<vmem>>, vector<1x16xi32>,
      %get3A_450 = arith.index_cast %add3A_269 : i32 to index
      %get3A_451 = arith.constant 80 : index
      %get3A_452 = tpu.vector_load %arg6[%get3A_450, %get3A_451] {strides = array<i32>} : memref<80x128xi32, #tpu.memory_space<vmem>>, vector<1x16xi32>,
      %get3A_453 = vector.shape_cast %get3A_452 : vector<1x16xi32> to vector<16xi32>
      %shift_right_logical3A_454 = arith.constant 14 : i32
      %shift_right_logical3A_455 = vector.broadcast %shift_right_logical3A_454 : i32 to vector<16xi32>
      %shift_right_logical3A_456 = arith.shrui %get3A_453, %shift_right_logical3A_455 : vector<16xi32>
      %swap3A_457 = arith.constant 0 : i32
      %swap3A_458 = arith.index_cast %swap3A_457 : i32 to index
      %swap3A_459 = arith.constant 80 : index
      %swap3A_460 = tpu.vector_load %arg10[%swap3A_458, %swap3A_459] {strides = array<i32>} : memref<1x128xi32, #tpu.memory_space<vmem>>, vector<1x16xi32>,
      %swap3A_461 = vector.shape_cast %swap3A_460 : vector<1x16xi32> to vector<16xi32>
      %swap3A_462 = vector.shape_cast %shift_right_logical3A_456 : vector<16xi32> to vector<1x16xi32>
      tpu.vector_store %arg10[%swap3A_458, %swap3A_459], %swap3A_462 {strides = array<i32>} : memref<1x128xi32, #tpu.memory_space<vmem>>, vector<1x16xi32>,
      %get3A_463 = arith.index_cast %add3A_269 : i32 to index
      %get3A_464 = arith.constant 96 : index
      %get3A_465 = tpu.vector_load %arg6[%get3A_463, %get3A_464] {strides = array<i32>} : memref<80x128xi32, #tpu.memory_space<vmem>>, vector<1x16xi32>,
      %get3A_466 = vector.shape_cast %get3A_465 : vector<1x16xi32> to vector<16xi32>
      %shift_right_logical3A_467 = arith.constant 14 : i32
      %shift_right_logical3A_468 = vector.broadcast %shift_right_logical3A_467 : i32 to vector<16xi32>
      %shift_right_logical3A_469 = arith.shrui %get3A_466, %shift_right_logical3A_468 : vector<16xi32>
      %swap3A_470 = arith.constant 0 : i32
      %swap3A_471 = arith.index_cast %swap3A_470 : i32 to index
      %swap3A_472 = arith.constant 96 : index
      %swap3A_473 = tpu.vector_load %arg10[%swap3A_471, %swap3A_472] {strides = array<i32>} : memref<1x128xi32, #tpu.memory_space<vmem>>, vector<1x16xi32>,
      %swap3A_474 = vector.shape_cast %swap3A_473 : vector<1x16xi32> to vector<16xi32>
      %swap3A_475 = vector.shape_cast %shift_right_logical3A_469 : vector<16xi32> to vector<1x16xi32>
      tpu.vector_store %arg10[%swap3A_471, %swap3A_472], %swap3A_475 {strides = array<i32>} : memref<1x128xi32, #tpu.memory_space<vmem>>, vector<1x16xi32>,
      %get3A_476 = arith.index_cast %add3A_269 : i32 to index
      %get3A_477 = arith.constant 112 : index
      %get3A_478 = tpu.vector_load %arg6[%get3A_476, %get3A_477] {strides = array<i32>} : memref<80x128xi32, #tpu.memory_space<vmem>>, vector<1x16xi32>,
      %get3A_479 = vector.shape_cast %get3A_478 : vector<1x16xi32> to vector<16xi32>
      %shift_right_logical3A_480 = arith.constant 14 : i32
      %shift_right_logical3A_481 = vector.broadcast %shift_right_logical3A_480 : i32 to vector<16xi32>
      %shift_right_logical3A_482 = arith.shrui %get3A_479, %shift_right_logical3A_481 : vector<16xi32>
      %swap3A_483 = arith.constant 0 : i32
      %swap3A_484 = arith.index_cast %swap3A_483 : i32 to index
      %swap3A_485 = arith.constant 112 : index
      %swap3A_486 = tpu.vector_load %arg10[%swap3A_484, %swap3A_485] {strides = array<i32>} : memref<1x128xi32, #tpu.memory_space<vmem>>, vector<1x16xi32>,
      %swap3A_487 = vector.shape_cast %swap3A_486 : vector<1x16xi32> to vector<16xi32>
      %swap3A_488 = vector.shape_cast %shift_right_logical3A_482 : vector<16xi32> to vector<1x16xi32>
      tpu.vector_store %arg10[%swap3A_484, %swap3A_485], %swap3A_488 {strides = array<i32>} : memref<1x128xi32, #tpu.memory_space<vmem>>, vector<1x16xi32>,
      %dma_wait3A_489 = arith.constant 0 : i32
      %dma_wait3A_490 = arith.constant 0 : i32
      %dma_wait3A_491 = tpu.memref_slice %arg7[%dma_wait3A_489, %dma_wait3A_490] : memref<1x128xi32, #tpu.memory_space<vmem>> -> memref<1x128xi32, #tpu.memory_space<vmem>>
      %dma_wait3A_492 = tpu.memref_squeeze %dma_wait3A_491 : memref<1x128xi32, #tpu.memory_space<vmem>> -> memref<128xi32, #tpu.memory_space<vmem>>
      %dma_wait3A_493 = arith.constant 0 : i32
      %dma_wait3A_494 = arith.constant 0 : i32
      %dma_wait3A_495 = tpu.memref_slice %arg2[%dma_wait3A_493, %dma_wait3A_494] : memref<10000x128xf32, #tpu.memory_space<hbm>> -> memref<10000x128xf32, #tpu.memory_space<hbm>>
      tpu.wait_indirect_dma semaphore(%arg14 : memref<!tpu.dma_semaphore, #tpu.memory_space<semaphore_mem>>) src(%dma_wait3A_495 : memref<10000x128xf32, #tpu.memory_space<hbm>>) dst(%arg11 : memref<128x128xf32, #tpu.memory_space<vmem>>)
      %dma_start3A_496 = arith.constant 0 : i32
      %dma_start3A_497 = arith.constant 0 : i32
      %dma_start3A_498 = tpu.memref_slice %arg8[%dma_start3A_496, %dma_start3A_497] : memref<1x128xi32, #tpu.memory_space<vmem>> -> memref<1x128xi32, #tpu.memory_space<vmem>>
      %dma_start3A_499 = tpu.memref_squeeze %dma_start3A_498 : memref<1x128xi32, #tpu.memory_space<vmem>> -> memref<128xi32, #tpu.memory_space<vmem>>
      %dma_start3A_500 = arith.constant 0 : i32
      %dma_start3A_501 = arith.constant 0 : i32
      %dma_start3A_502 = tpu.memref_slice %arg13[%dma_start3A_500, %dma_start3A_501] : memref<10128x128xf32, #tpu.memory_space<vmem_shared>> -> memref<10128x128xf32, #tpu.memory_space<vmem_shared>>
      tpu.enqueue_indirect_dma source(%arg11 : memref<128x128xf32, #tpu.memory_space<vmem>>) target(%dma_start3A_502 : memref<10128x128xf32, #tpu.memory_space<vmem_shared>>) offsets(%dma_start3A_499 : memref<128xi32, #tpu.memory_space<vmem>>) semaphore(%arg16 : memref<!tpu.dma_semaphore, #tpu.memory_space<semaphore_mem>>) {add = true}
      %lt3A_503 = arith.constant 39 : i32
      %lt3A_504 = arith.cmpi slt, %scan3A_265, %lt3A_503 : i32
      %convert_element_type3A_505 = arith.extui %lt3A_504 : i1 to i32
      %cond3A_506 = arith.constant 0 : i32
      %cond3A_507 = arith.cmpi ne, %convert_element_type3A_505, %cond3A_506 : i32
      scf.if %cond3A_507 {
        %add3A_534 = arith.constant 2 : i32
        %add3A_535 = arith.addi %mul3A_267, %add3A_534 : i32
        %get3A_536 = arith.index_cast %add3A_535 : i32 to index
        %get3A_537 = arith.constant 0 : index
        %get3A_538 = tpu.vector_load %arg6[%get3A_536, %get3A_537] {strides = array<i32>} : memref<80x128xi32, #tpu.memory_space<vmem>>, vector<1x16xi32>,
        %get3A_539 = vector.shape_cast %get3A_538 : vector<1x16xi32> to vector<16xi32>
        %and3A_540 = arith.constant 16383 : i32
        %and3A_541 = vector.broadcast %and3A_540 : i32 to vector<16xi32>
        %and3A_542 = arith.andi %get3A_539, %and3A_541 : vector<16xi32>
        %swap3A_543 = arith.constant 0 : i32
        %swap3A_544 = arith.index_cast %swap3A_543 : i32 to index
        %swap3A_545 = arith.constant 0 : index
        %swap3A_546 = tpu.vector_load %arg7[%swap3A_544, %swap3A_545] {strides = array<i32>} : memref<1x128xi32, #tpu.memory_space<vmem>>, vector<1x16xi32>,
        %swap3A_547 = vector.shape_cast %swap3A_546 : vector<1x16xi32> to vector<16xi32>
        %swap3A_548 = vector.shape_cast %and3A_542 : vector<16xi32> to vector<1x16xi32>
        tpu.vector_store %arg7[%swap3A_544, %swap3A_545], %swap3A_548 {strides = array<i32>} : memref<1x128xi32, #tpu.memory_space<vmem>>, vector<1x16xi32>,
        %get3A_549 = arith.index_cast %add3A_535 : i32 to index
        %get3A_550 = arith.constant 16 : index
        %get3A_551 = tpu.vector_load %arg6[%get3A_549, %get3A_550] {strides = array<i32>} : memref<80x128xi32, #tpu.memory_space<vmem>>, vector<1x16xi32>,
        %get3A_552 = vector.shape_cast %get3A_551 : vector<1x16xi32> to vector<16xi32>
        %and3A_553 = arith.constant 16383 : i32
        %and3A_554 = vector.broadcast %and3A_553 : i32 to vector<16xi32>
        %and3A_555 = arith.andi %get3A_552, %and3A_554 : vector<16xi32>
        %swap3A_556 = arith.constant 0 : i32
        %swap3A_557 = arith.index_cast %swap3A_556 : i32 to index
        %swap3A_558 = arith.constant 16 : index
        %swap3A_559 = tpu.vector_load %arg7[%swap3A_557, %swap3A_558] {strides = array<i32>} : memref<1x128xi32, #tpu.memory_space<vmem>>, vector<1x16xi32>,
        %swap3A_560 = vector.shape_cast %swap3A_559 : vector<1x16xi32> to vector<16xi32>
        %swap3A_561 = vector.shape_cast %and3A_555 : vector<16xi32> to vector<1x16xi32>
        tpu.vector_store %arg7[%swap3A_557, %swap3A_558], %swap3A_561 {strides = array<i32>} : memref<1x128xi32, #tpu.memory_space<vmem>>, vector<1x16xi32>,
        %get3A_562 = arith.index_cast %add3A_535 : i32 to index
        %get3A_563 = arith.constant 32 : index
        %get3A_564 = tpu.vector_load %arg6[%get3A_562, %get3A_563] {strides = array<i32>} : memref<80x128xi32, #tpu.memory_space<vmem>>, vector<1x16xi32>,
        %get3A_565 = vector.shape_cast %get3A_564 : vector<1x16xi32> to vector<16xi32>
        %and3A_566 = arith.constant 16383 : i32
        %and3A_567 = vector.broadcast %and3A_566 : i32 to vector<16xi32>
        %and3A_568 = arith.andi %get3A_565, %and3A_567 : vector<16xi32>
        %swap3A_569 = arith.constant 0 : i32
        %swap3A_570 = arith.index_cast %swap3A_569 : i32 to index
        %swap3A_571 = arith.constant 32 : index
        %swap3A_572 = tpu.vector_load %arg7[%swap3A_570, %swap3A_571] {strides = array<i32>} : memref<1x128xi32, #tpu.memory_space<vmem>>, vector<1x16xi32>,
        %swap3A_573 = vector.shape_cast %swap3A_572 : vector<1x16xi32> to vector<16xi32>
        %swap3A_574 = vector.shape_cast %and3A_568 : vector<16xi32> to vector<1x16xi32>
        tpu.vector_store %arg7[%swap3A_570, %swap3A_571], %swap3A_574 {strides = array<i32>} : memref<1x128xi32, #tpu.memory_space<vmem>>, vector<1x16xi32>,
        %get3A_575 = arith.index_cast %add3A_535 : i32 to index
        %get3A_576 = arith.constant 48 : index
        %get3A_577 = tpu.vector_load %arg6[%get3A_575, %get3A_576] {strides = array<i32>} : memref<80x128xi32, #tpu.memory_space<vmem>>, vector<1x16xi32>,
        %get3A_578 = vector.shape_cast %get3A_577 : vector<1x16xi32> to vector<16xi32>
        %and3A_579 = arith.constant 16383 : i32
        %and3A_580 = vector.broadcast %and3A_579 : i32 to vector<16xi32>
        %and3A_581 = arith.andi %get3A_578, %and3A_580 : vector<16xi32>
        %swap3A_582 = arith.constant 0 : i32
        %swap3A_583 = arith.index_cast %swap3A_582 : i32 to index
        %swap3A_584 = arith.constant 48 : index
        %swap3A_585 = tpu.vector_load %arg7[%swap3A_583, %swap3A_584] {strides = array<i32>} : memref<1x128xi32, #tpu.memory_space<vmem>>, vector<1x16xi32>,
        %swap3A_586 = vector.shape_cast %swap3A_585 : vector<1x16xi32> to vector<16xi32>
        %swap3A_587 = vector.shape_cast %and3A_581 : vector<16xi32> to vector<1x16xi32>
        tpu.vector_store %arg7[%swap3A_583, %swap3A_584], %swap3A_587 {strides = array<i32>} : memref<1x128xi32, #tpu.memory_space<vmem>>, vector<1x16xi32>,
        %get3A_588 = arith.index_cast %add3A_535 : i32 to index
        %get3A_589 = arith.constant 64 : index
        %get3A_590 = tpu.vector_load %arg6[%get3A_588, %get3A_589] {strides = array<i32>} : memref<80x128xi32, #tpu.memory_space<vmem>>, vector<1x16xi32>,
        %get3A_591 = vector.shape_cast %get3A_590 : vector<1x16xi32> to vector<16xi32>
        %and3A_592 = arith.constant 16383 : i32
        %and3A_593 = vector.broadcast %and3A_592 : i32 to vector<16xi32>
        %and3A_594 = arith.andi %get3A_591, %and3A_593 : vector<16xi32>
        %swap3A_595 = arith.constant 0 : i32
        %swap3A_596 = arith.index_cast %swap3A_595 : i32 to index
        %swap3A_597 = arith.constant 64 : index
        %swap3A_598 = tpu.vector_load %arg7[%swap3A_596, %swap3A_597] {strides = array<i32>} : memref<1x128xi32, #tpu.memory_space<vmem>>, vector<1x16xi32>,
        %swap3A_599 = vector.shape_cast %swap3A_598 : vector<1x16xi32> to vector<16xi32>
        %swap3A_600 = vector.shape_cast %and3A_594 : vector<16xi32> to vector<1x16xi32>
        tpu.vector_store %arg7[%swap3A_596, %swap3A_597], %swap3A_600 {strides = array<i32>} : memref<1x128xi32, #tpu.memory_space<vmem>>, vector<1x16xi32>,
        %get3A_601 = arith.index_cast %add3A_535 : i32 to index
        %get3A_602 = arith.constant 80 : index
        %get3A_603 = tpu.vector_load %arg6[%get3A_601, %get3A_602] {strides = array<i32>} : memref<80x128xi32, #tpu.memory_space<vmem>>, vector<1x16xi32>,
        %get3A_604 = vector.shape_cast %get3A_603 : vector<1x16xi32> to vector<16xi32>
        %and3A_605 = arith.constant 16383 : i32
        %and3A_606 = vector.broadcast %and3A_605 : i32 to vector<16xi32>
        %and3A_607 = arith.andi %get3A_604, %and3A_606 : vector<16xi32>
        %swap3A_608 = arith.constant 0 : i32
        %swap3A_609 = arith.index_cast %swap3A_608 : i32 to index
        %swap3A_610 = arith.constant 80 : index
        %swap3A_611 = tpu.vector_load %arg7[%swap3A_609, %swap3A_610] {strides = array<i32>} : memref<1x128xi32, #tpu.memory_space<vmem>>, vector<1x16xi32>,
        %swap3A_612 = vector.shape_cast %swap3A_611 : vector<1x16xi32> to vector<16xi32>
        %swap3A_613 = vector.shape_cast %and3A_607 : vector<16xi32> to vector<1x16xi32>
        tpu.vector_store %arg7[%swap3A_609, %swap3A_610], %swap3A_613 {strides = array<i32>} : memref<1x128xi32, #tpu.memory_space<vmem>>, vector<1x16xi32>,
        %get3A_614 = arith.index_cast %add3A_535 : i32 to index
        %get3A_615 = arith.constant 96 : index
        %get3A_616 = tpu.vector_load %arg6[%get3A_614, %get3A_615] {strides = array<i32>} : memref<80x128xi32, #tpu.memory_space<vmem>>, vector<1x16xi32>,
        %get3A_617 = vector.shape_cast %get3A_616 : vector<1x16xi32> to vector<16xi32>
        %and3A_618 = arith.constant 16383 : i32
        %and3A_619 = vector.broadcast %and3A_618 : i32 to vector<16xi32>
        %and3A_620 = arith.andi %get3A_617, %and3A_619 : vector<16xi32>
        %swap3A_621 = arith.constant 0 : i32
        %swap3A_622 = arith.index_cast %swap3A_621 : i32 to index
        %swap3A_623 = arith.constant 96 : index
        %swap3A_624 = tpu.vector_load %arg7[%swap3A_622, %swap3A_623] {strides = array<i32>} : memref<1x128xi32, #tpu.memory_space<vmem>>, vector<1x16xi32>,
        %swap3A_625 = vector.shape_cast %swap3A_624 : vector<1x16xi32> to vector<16xi32>
        %swap3A_626 = vector.shape_cast %and3A_620 : vector<16xi32> to vector<1x16xi32>
        tpu.vector_store %arg7[%swap3A_622, %swap3A_623], %swap3A_626 {strides = array<i32>} : memref<1x128xi32, #tpu.memory_space<vmem>>, vector<1x16xi32>,
        %get3A_627 = arith.index_cast %add3A_535 : i32 to index
        %get3A_628 = arith.constant 112 : index
        %get3A_629 = tpu.vector_load %arg6[%get3A_627, %get3A_628] {strides = array<i32>} : memref<80x128xi32, #tpu.memory_space<vmem>>, vector<1x16xi32>,
        %get3A_630 = vector.shape_cast %get3A_629 : vector<1x16xi32> to vector<16xi32>
        %and3A_631 = arith.constant 16383 : i32
        %and3A_632 = vector.broadcast %and3A_631 : i32 to vector<16xi32>
        %and3A_633 = arith.andi %get3A_630, %and3A_632 : vector<16xi32>
        %swap3A_634 = arith.constant 0 : i32
        %swap3A_635 = arith.index_cast %swap3A_634 : i32 to index
        %swap3A_636 = arith.constant 112 : index
        %swap3A_637 = tpu.vector_load %arg7[%swap3A_635, %swap3A_636] {strides = array<i32>} : memref<1x128xi32, #tpu.memory_space<vmem>>, vector<1x16xi32>,
        %swap3A_638 = vector.shape_cast %swap3A_637 : vector<1x16xi32> to vector<16xi32>
        %swap3A_639 = vector.shape_cast %and3A_633 : vector<16xi32> to vector<1x16xi32>
        tpu.vector_store %arg7[%swap3A_635, %swap3A_636], %swap3A_639 {strides = array<i32>} : memref<1x128xi32, #tpu.memory_space<vmem>>, vector<1x16xi32>,
      } else {
      }
      %dma_wait3A_508 = arith.constant 0 : i32
      %dma_wait3A_509 = arith.constant 0 : i32
      %dma_wait3A_510 = tpu.memref_slice %arg8[%dma_wait3A_508, %dma_wait3A_509] : memref<1x128xi32, #tpu.memory_space<vmem>> -> memref<1x128xi32, #tpu.memory_space<vmem>>
      %dma_wait3A_511 = tpu.memref_squeeze %dma_wait3A_510 : memref<1x128xi32, #tpu.memory_space<vmem>> -> memref<128xi32, #tpu.memory_space<vmem>>
      %dma_wait3A_512 = arith.constant 0 : i32
      %dma_wait3A_513 = arith.constant 0 : i32
      %dma_wait3A_514 = tpu.memref_slice %arg13[%dma_wait3A_512, %dma_wait3A_513] : memref<10128x128xf32, #tpu.memory_space<vmem_shared>> -> memref<10128x128xf32, #tpu.memory_space<vmem_shared>>
      tpu.wait_indirect_dma semaphore(%arg16 : memref<!tpu.dma_semaphore, #tpu.memory_space<semaphore_mem>>) src(%arg11 : memref<128x128xf32, #tpu.memory_space<vmem>>) dst(%dma_wait3A_514 : memref<10128x128xf32, #tpu.memory_space<vmem_shared>>)
      %lt3A_515 = arith.constant 39 : i32
      %lt3A_516 = arith.cmpi slt, %scan3A_265, %lt3A_515 : i32
      %convert_element_type3A_517 = arith.extui %lt3A_516 : i1 to i32
      %cond3A_518 = arith.constant 0 : i32
      %cond3A_519 = arith.cmpi ne, %convert_element_type3A_517, %cond3A_518 : i32
      scf.if %cond3A_519 {
        %dma_start3A_534 = arith.constant 0 : i32
        %dma_start3A_535 = arith.constant 0 : i32
        %dma_start3A_536 = tpu.memref_slice %arg7[%dma_start3A_534, %dma_start3A_535] : memref<1x128xi32, #tpu.memory_space<vmem>> -> memref<1x128xi32, #tpu.memory_space<vmem>>
        %dma_start3A_537 = tpu.memref_squeeze %dma_start3A_536 : memref<1x128xi32, #tpu.memory_space<vmem>> -> memref<128xi32, #tpu.memory_space<vmem>>
        %dma_start3A_538 = arith.constant 0 : i32
        %dma_start3A_539 = arith.constant 0 : i32
        %dma_start3A_540 = tpu.memref_slice %arg2[%dma_start3A_538, %dma_start3A_539] : memref<10000x128xf32, #tpu.memory_space<hbm>> -> memref<10000x128xf32, #tpu.memory_space<hbm>>
        tpu.enqueue_indirect_dma source(%dma_start3A_540 : memref<10000x128xf32, #tpu.memory_space<hbm>>) target(%arg11 : memref<128x128xf32, #tpu.memory_space<vmem>>) offsets(%dma_start3A_537 : memref<128xi32, #tpu.memory_space<vmem>>) semaphore(%arg14 : memref<!tpu.dma_semaphore, #tpu.memory_space<semaphore_mem>>)
        %add3A_541 = arith.constant 2 : i32
        %add3A_542 = arith.addi %mul3A_267, %add3A_541 : i32
        %get3A_543 = arith.index_cast %add3A_542 : i32 to index
        %get3A_544 = arith.constant 0 : index
        %get3A_545 = tpu.vector_load %arg6[%get3A_543, %get3A_544] {strides = array<i32>} : memref<80x128xi32, #tpu.memory_space<vmem>>, vector<1x16xi32>,
        %get3A_546 = vector.shape_cast %get3A_545 : vector<1x16xi32> to vector<16xi32>
        %shift_right_logical3A_547 = arith.constant 14 : i32
        %shift_right_logical3A_548 = vector.broadcast %shift_right_logical3A_547 : i32 to vector<16xi32>
        %shift_right_logical3A_549 = arith.shrui %get3A_546, %shift_right_logical3A_548 : vector<16xi32>
        %swap3A_550 = arith.constant 0 : i32
        %swap3A_551 = arith.index_cast %swap3A_550 : i32 to index
        %swap3A_552 = arith.constant 0 : index
        %swap3A_553 = tpu.vector_load %arg8[%swap3A_551, %swap3A_552] {strides = array<i32>} : memref<1x128xi32, #tpu.memory_space<vmem>>, vector<1x16xi32>,
        %swap3A_554 = vector.shape_cast %swap3A_553 : vector<1x16xi32> to vector<16xi32>
        %swap3A_555 = vector.shape_cast %shift_right_logical3A_549 : vector<16xi32> to vector<1x16xi32>
        tpu.vector_store %arg8[%swap3A_551, %swap3A_552], %swap3A_555 {strides = array<i32>} : memref<1x128xi32, #tpu.memory_space<vmem>>, vector<1x16xi32>,
        %get3A_556 = arith.index_cast %add3A_542 : i32 to index
        %get3A_557 = arith.constant 16 : index
        %get3A_558 = tpu.vector_load %arg6[%get3A_556, %get3A_557] {strides = array<i32>} : memref<80x128xi32, #tpu.memory_space<vmem>>, vector<1x16xi32>,
        %get3A_559 = vector.shape_cast %get3A_558 : vector<1x16xi32> to vector<16xi32>
        %shift_right_logical3A_560 = arith.constant 14 : i32
        %shift_right_logical3A_561 = vector.broadcast %shift_right_logical3A_560 : i32 to vector<16xi32>
        %shift_right_logical3A_562 = arith.shrui %get3A_559, %shift_right_logical3A_561 : vector<16xi32>
        %swap3A_563 = arith.constant 0 : i32
        %swap3A_564 = arith.index_cast %swap3A_563 : i32 to index
        %swap3A_565 = arith.constant 16 : index
        %swap3A_566 = tpu.vector_load %arg8[%swap3A_564, %swap3A_565] {strides = array<i32>} : memref<1x128xi32, #tpu.memory_space<vmem>>, vector<1x16xi32>,
        %swap3A_567 = vector.shape_cast %swap3A_566 : vector<1x16xi32> to vector<16xi32>
        %swap3A_568 = vector.shape_cast %shift_right_logical3A_562 : vector<16xi32> to vector<1x16xi32>
        tpu.vector_store %arg8[%swap3A_564, %swap3A_565], %swap3A_568 {strides = array<i32>} : memref<1x128xi32, #tpu.memory_space<vmem>>, vector<1x16xi32>,
        %get3A_569 = arith.index_cast %add3A_542 : i32 to index
        %get3A_570 = arith.constant 32 : index
        %get3A_571 = tpu.vector_load %arg6[%get3A_569, %get3A_570] {strides = array<i32>} : memref<80x128xi32, #tpu.memory_space<vmem>>, vector<1x16xi32>,
        %get3A_572 = vector.shape_cast %get3A_571 : vector<1x16xi32> to vector<16xi32>
        %shift_right_logical3A_573 = arith.constant 14 : i32
        %shift_right_logical3A_574 = vector.broadcast %shift_right_logical3A_573 : i32 to vector<16xi32>
        %shift_right_logical3A_575 = arith.shrui %get3A_572, %shift_right_logical3A_574 : vector<16xi32>
        %swap3A_576 = arith.constant 0 : i32
        %swap3A_577 = arith.index_cast %swap3A_576 : i32 to index
        %swap3A_578 = arith.constant 32 : index
        %swap3A_579 = tpu.vector_load %arg8[%swap3A_577, %swap3A_578] {strides = array<i32>} : memref<1x128xi32, #tpu.memory_space<vmem>>, vector<1x16xi32>,
        %swap3A_580 = vector.shape_cast %swap3A_579 : vector<1x16xi32> to vector<16xi32>
        %swap3A_581 = vector.shape_cast %shift_right_logical3A_575 : vector<16xi32> to vector<1x16xi32>
        tpu.vector_store %arg8[%swap3A_577, %swap3A_578], %swap3A_581 {strides = array<i32>} : memref<1x128xi32, #tpu.memory_space<vmem>>, vector<1x16xi32>,
        %get3A_582 = arith.index_cast %add3A_542 : i32 to index
        %get3A_583 = arith.constant 48 : index
        %get3A_584 = tpu.vector_load %arg6[%get3A_582, %get3A_583] {strides = array<i32>} : memref<80x128xi32, #tpu.memory_space<vmem>>, vector<1x16xi32>,
        %get3A_585 = vector.shape_cast %get3A_584 : vector<1x16xi32> to vector<16xi32>
        %shift_right_logical3A_586 = arith.constant 14 : i32
        %shift_right_logical3A_587 = vector.broadcast %shift_right_logical3A_586 : i32 to vector<16xi32>
        %shift_right_logical3A_588 = arith.shrui %get3A_585, %shift_right_logical3A_587 : vector<16xi32>
        %swap3A_589 = arith.constant 0 : i32
        %swap3A_590 = arith.index_cast %swap3A_589 : i32 to index
        %swap3A_591 = arith.constant 48 : index
        %swap3A_592 = tpu.vector_load %arg8[%swap3A_590, %swap3A_591] {strides = array<i32>} : memref<1x128xi32, #tpu.memory_space<vmem>>, vector<1x16xi32>,
        %swap3A_593 = vector.shape_cast %swap3A_592 : vector<1x16xi32> to vector<16xi32>
        %swap3A_594 = vector.shape_cast %shift_right_logical3A_588 : vector<16xi32> to vector<1x16xi32>
        tpu.vector_store %arg8[%swap3A_590, %swap3A_591], %swap3A_594 {strides = array<i32>} : memref<1x128xi32, #tpu.memory_space<vmem>>, vector<1x16xi32>,
        %get3A_595 = arith.index_cast %add3A_542 : i32 to index
        %get3A_596 = arith.constant 64 : index
        %get3A_597 = tpu.vector_load %arg6[%get3A_595, %get3A_596] {strides = array<i32>} : memref<80x128xi32, #tpu.memory_space<vmem>>, vector<1x16xi32>,
        %get3A_598 = vector.shape_cast %get3A_597 : vector<1x16xi32> to vector<16xi32>
        %shift_right_logical3A_599 = arith.constant 14 : i32
        %shift_right_logical3A_600 = vector.broadcast %shift_right_logical3A_599 : i32 to vector<16xi32>
        %shift_right_logical3A_601 = arith.shrui %get3A_598, %shift_right_logical3A_600 : vector<16xi32>
        %swap3A_602 = arith.constant 0 : i32
        %swap3A_603 = arith.index_cast %swap3A_602 : i32 to index
        %swap3A_604 = arith.constant 64 : index
        %swap3A_605 = tpu.vector_load %arg8[%swap3A_603, %swap3A_604] {strides = array<i32>} : memref<1x128xi32, #tpu.memory_space<vmem>>, vector<1x16xi32>,
        %swap3A_606 = vector.shape_cast %swap3A_605 : vector<1x16xi32> to vector<16xi32>
        %swap3A_607 = vector.shape_cast %shift_right_logical3A_601 : vector<16xi32> to vector<1x16xi32>
        tpu.vector_store %arg8[%swap3A_603, %swap3A_604], %swap3A_607 {strides = array<i32>} : memref<1x128xi32, #tpu.memory_space<vmem>>, vector<1x16xi32>,
        %get3A_608 = arith.index_cast %add3A_542 : i32 to index
        %get3A_609 = arith.constant 80 : index
        %get3A_610 = tpu.vector_load %arg6[%get3A_608, %get3A_609] {strides = array<i32>} : memref<80x128xi32, #tpu.memory_space<vmem>>, vector<1x16xi32>,
        %get3A_611 = vector.shape_cast %get3A_610 : vector<1x16xi32> to vector<16xi32>
        %shift_right_logical3A_612 = arith.constant 14 : i32
        %shift_right_logical3A_613 = vector.broadcast %shift_right_logical3A_612 : i32 to vector<16xi32>
        %shift_right_logical3A_614 = arith.shrui %get3A_611, %shift_right_logical3A_613 : vector<16xi32>
        %swap3A_615 = arith.constant 0 : i32
        %swap3A_616 = arith.index_cast %swap3A_615 : i32 to index
        %swap3A_617 = arith.constant 80 : index
        %swap3A_618 = tpu.vector_load %arg8[%swap3A_616, %swap3A_617] {strides = array<i32>} : memref<1x128xi32, #tpu.memory_space<vmem>>, vector<1x16xi32>,
        %swap3A_619 = vector.shape_cast %swap3A_618 : vector<1x16xi32> to vector<16xi32>
        %swap3A_620 = vector.shape_cast %shift_right_logical3A_614 : vector<16xi32> to vector<1x16xi32>
        tpu.vector_store %arg8[%swap3A_616, %swap3A_617], %swap3A_620 {strides = array<i32>} : memref<1x128xi32, #tpu.memory_space<vmem>>, vector<1x16xi32>,
        %get3A_621 = arith.index_cast %add3A_542 : i32 to index
        %get3A_622 = arith.constant 96 : index
        %get3A_623 = tpu.vector_load %arg6[%get3A_621, %get3A_622] {strides = array<i32>} : memref<80x128xi32, #tpu.memory_space<vmem>>, vector<1x16xi32>,
        %get3A_624 = vector.shape_cast %get3A_623 : vector<1x16xi32> to vector<16xi32>
        %shift_right_logical3A_625 = arith.constant 14 : i32
        %shift_right_logical3A_626 = vector.broadcast %shift_right_logical3A_625 : i32 to vector<16xi32>
        %shift_right_logical3A_627 = arith.shrui %get3A_624, %shift_right_logical3A_626 : vector<16xi32>
        %swap3A_628 = arith.constant 0 : i32
        %swap3A_629 = arith.index_cast %swap3A_628 : i32 to index
        %swap3A_630 = arith.constant 96 : index
        %swap3A_631 = tpu.vector_load %arg8[%swap3A_629, %swap3A_630] {strides = array<i32>} : memref<1x128xi32, #tpu.memory_space<vmem>>, vector<1x16xi32>,
        %swap3A_632 = vector.shape_cast %swap3A_631 : vector<1x16xi32> to vector<16xi32>
        %swap3A_633 = vector.shape_cast %shift_right_logical3A_627 : vector<16xi32> to vector<1x16xi32>
        tpu.vector_store %arg8[%swap3A_629, %swap3A_630], %swap3A_633 {strides = array<i32>} : memref<1x128xi32, #tpu.memory_space<vmem>>, vector<1x16xi32>,
        %get3A_634 = arith.index_cast %add3A_542 : i32 to index
        %get3A_635 = arith.constant 112 : index
        %get3A_636 = tpu.vector_load %arg6[%get3A_634, %get3A_635] {strides = array<i32>} : memref<80x128xi32, #tpu.memory_space<vmem>>, vector<1x16xi32>,
        %get3A_637 = vector.shape_cast %get3A_636 : vector<1x16xi32> to vector<16xi32>
        %shift_right_logical3A_638 = arith.constant 14 : i32
        %shift_right_logical3A_639 = vector.broadcast %shift_right_logical3A_638 : i32 to vector<16xi32>
        %shift_right_logical3A_640 = arith.shrui %get3A_637, %shift_right_logical3A_639 : vector<16xi32>
        %swap3A_641 = arith.constant 0 : i32
        %swap3A_642 = arith.index_cast %swap3A_641 : i32 to index
        %swap3A_643 = arith.constant 112 : index
        %swap3A_644 = tpu.vector_load %arg8[%swap3A_642, %swap3A_643] {strides = array<i32>} : memref<1x128xi32, #tpu.memory_space<vmem>>, vector<1x16xi32>,
        %swap3A_645 = vector.shape_cast %swap3A_644 : vector<1x16xi32> to vector<16xi32>
        %swap3A_646 = vector.shape_cast %shift_right_logical3A_640 : vector<16xi32> to vector<1x16xi32>
        tpu.vector_store %arg8[%swap3A_642, %swap3A_643], %swap3A_646 {strides = array<i32>} : memref<1x128xi32, #tpu.memory_space<vmem>>, vector<1x16xi32>,
      } else {
      }
      %dma_wait3A_520 = arith.constant 0 : i32
      %dma_wait3A_521 = arith.constant 0 : i32
      %dma_wait3A_522 = tpu.memref_slice %arg9[%dma_wait3A_520, %dma_wait3A_521] : memref<1x128xi32, #tpu.memory_space<vmem>> -> memref<1x128xi32, #tpu.memory_space<vmem>>
      %dma_wait3A_523 = tpu.memref_squeeze %dma_wait3A_522 : memref<1x128xi32, #tpu.memory_space<vmem>> -> memref<128xi32, #tpu.memory_space<vmem>>
      %dma_wait3A_524 = arith.constant 0 : i32
      %dma_wait3A_525 = arith.constant 0 : i32
      %dma_wait3A_526 = tpu.memref_slice %arg2[%dma_wait3A_524, %dma_wait3A_525] : memref<10000x128xf32, #tpu.memory_space<hbm>> -> memref<10000x128xf32, #tpu.memory_space<hbm>>
      tpu.wait_indirect_dma semaphore(%arg15 : memref<!tpu.dma_semaphore, #tpu.memory_space<semaphore_mem>>) src(%dma_wait3A_526 : memref<10000x128xf32, #tpu.memory_space<hbm>>) dst(%arg12 : memref<128x128xf32, #tpu.memory_space<vmem>>)
      %dma_start3A_527 = arith.constant 0 : i32
      %dma_start3A_528 = arith.constant 0 : i32
      %dma_start3A_529 = tpu.memref_slice %arg10[%dma_start3A_527, %dma_start3A_528] : memref<1x128xi32, #tpu.memory_space<vmem>> -> memref<1x128xi32, #tpu.memory_space<vmem>>
      %dma_start3A_530 = tpu.memref_squeeze %dma_start3A_529 : memref<1x128xi32, #tpu.memory_space<vmem>> -> memref<128xi32, #tpu.memory_space<vmem>>
      %dma_start3A_531 = arith.constant 0 : i32
      %dma_start3A_532 = arith.constant 0 : i32
      %dma_start3A_533 = tpu.memref_slice %arg13[%dma_start3A_531, %dma_start3A_532] : memref<10128x128xf32, #tpu.memory_space<vmem_shared>> -> memref<10128x128xf32, #tpu.memory_space<vmem_shared>>
      tpu.enqueue_indirect_dma source(%arg12 : memref<128x128xf32, #tpu.memory_space<vmem>>) target(%dma_start3A_533 : memref<10128x128xf32, #tpu.memory_space<vmem_shared>>) offsets(%dma_start3A_530 : memref<128xi32, #tpu.memory_space<vmem>>) semaphore(%arg17 : memref<!tpu.dma_semaphore, #tpu.memory_space<semaphore_mem>>) {add = true}
    }
    %scan3A_247 = arith.constant 40 : i32
    %dma_wait3A = arith.constant 0 : i32
    %dma_wait3A_248 = arith.constant 0 : i32
    %dma_wait3A_249 = tpu.memref_slice %arg10[%dma_wait3A, %dma_wait3A_248] : memref<1x128xi32, #tpu.memory_space<vmem>> -> memref<1x128xi32, #tpu.memory_space<vmem>>
    %dma_wait3A_250 = tpu.memref_squeeze %dma_wait3A_249 : memref<1x128xi32, #tpu.memory_space<vmem>> -> memref<128xi32, #tpu.memory_space<vmem>>
    %dma_wait3A_251 = arith.constant 0 : i32
    %dma_wait3A_252 = arith.constant 0 : i32
    %dma_wait3A_253 = tpu.memref_slice %arg13[%dma_wait3A_251, %dma_wait3A_252] : memref<10128x128xf32, #tpu.memory_space<vmem_shared>> -> memref<10128x128xf32, #tpu.memory_space<vmem_shared>>
    tpu.wait_indirect_dma semaphore(%arg17 : memref<!tpu.dma_semaphore, #tpu.memory_space<semaphore_mem>>) src(%arg12 : memref<128x128xf32, #tpu.memory_space<vmem>>) dst(%dma_wait3A_253 : memref<10128x128xf32, #tpu.memory_space<vmem_shared>>)
    %barrier3A_254 = arith.constant 0 : index
    tpu.barrier barrier_id(%barrier3A_254)
    %lt3A_255 = arith.constant 15 : i32
    %lt3A_256 = arith.cmpi slt, %arg1, %lt3A_255 : i32
    %convert_element_type3A_257 = arith.extui %lt3A_256 : i1 to i32
    %cond3A_258 = arith.constant 0 : i32
    %cond3A_259 = arith.cmpi ne, %convert_element_type3A_257, %cond3A_258 : i32
    scf.if %cond3A_259 {
      %mul3A_265 = arith.constant 632 : i32
      %mul3A_266 = arith.muli %arg1, %mul3A_265 : i32
      %multiple_of3A = tpu.assume_multiple %mul3A_266, 8 : i32
      "tpu.region"() ({
        %run_scoped3A = tpu.sem_alloc : memref<!tpu.dma_semaphore, #tpu.memory_space<semaphore_mem>>
        %dma_start3A_267 = arith.constant 0 : i32
        %dma_start3A_268 = tpu.memref_slice %arg5[%arg0, %multiple_of3A, %dma_start3A_267] : memref<2x10000x128xf32, #tpu.memory_space<hbm>> -> memref<1x632x128xf32, #tpu.memory_space<hbm>>
        %dma_start3A_269 = tpu.memref_squeeze %dma_start3A_268 : memref<1x632x128xf32, #tpu.memory_space<hbm>> -> memref<632x128xf32, #tpu.memory_space<hbm>>
        %dma_start3A_270 = arith.constant 0 : i32
        %dma_start3A_271 = tpu.memref_slice %arg13[%multiple_of3A, %dma_start3A_270] : memref<10128x128xf32, #tpu.memory_space<vmem_shared>> -> memref<632x128xf32, #tpu.memory_space<vmem_shared>>
        tpu.enqueue_dma source(%dma_start3A_271 : memref<632x128xf32, #tpu.memory_space<vmem_shared>>) target(%dma_start3A_269 : memref<632x128xf32, #tpu.memory_space<hbm>>) target_semaphore(%run_scoped3A : memref<!tpu.dma_semaphore, #tpu.memory_space<semaphore_mem>>)
        %dma_wait3A_272 = arith.constant 0 : i32
        %dma_wait3A_273 = tpu.memref_slice %arg5[%arg0, %multiple_of3A, %dma_wait3A_272] : memref<2x10000x128xf32, #tpu.memory_space<hbm>> -> memref<1x632x128xf32, #tpu.memory_space<hbm>>
        %dma_wait3A_274 = tpu.memref_squeeze %dma_wait3A_273 : memref<1x632x128xf32, #tpu.memory_space<hbm>> -> memref<632x128xf32, #tpu.memory_space<hbm>>
        %dma_wait3A_275 = arith.constant 0 : i32
        %dma_wait3A_276 = tpu.memref_slice %arg13[%multiple_of3A, %dma_wait3A_275] : memref<10128x128xf32, #tpu.memory_space<vmem_shared>> -> memref<632x128xf32, #tpu.memory_space<vmem_shared>>
        tpu.wait_dma2 semaphore(%run_scoped3A : memref<!tpu.dma_semaphore, #tpu.memory_space<semaphore_mem>>) src(%dma_wait3A_276 : memref<632x128xf32, #tpu.memory_space<vmem_shared>>) dst(%dma_wait3A_274 : memref<632x128xf32, #tpu.memory_space<hbm>>)
        tpu.yield
      }) : () -> ()
    } else {
    }
    %eq3A_260 = arith.constant 15 : i32
    %eq3A_261 = arith.cmpi eq, %arg1, %eq3A_260 : i32
    %convert_element_type3A_262 = arith.extui %eq3A_261 : i1 to i32
    %cond3A_263 = arith.constant 0 : i32
    %cond3A_264 = arith.cmpi ne, %convert_element_type3A_262, %cond3A_263 : i32
    scf.if %cond3A_264 {
      "tpu.region"() ({
        %run_scoped3A = tpu.sem_alloc : memref<!tpu.dma_semaphore, #tpu.memory_space<semaphore_mem>>
        %dma_start3A_265 = arith.constant 9480 : i32
        %dma_start3A_266 = arith.constant 0 : i32
        %dma_start3A_267 = tpu.memref_slice %arg5[%arg0, %dma_start3A_265, %dma_start3A_266] : memref<2x10000x128xf32, #tpu.memory_space<hbm>> -> memref<1x520x128xf32, #tpu.memory_space<hbm>>
        %dma_start3A_268 = tpu.memref_squeeze %dma_start3A_267 : memref<1x520x128xf32, #tpu.memory_space<hbm>> -> memref<520x128xf32, #tpu.memory_space<hbm>>
        %dma_start3A_269 = arith.constant 9480 : i32
        %dma_start3A_270 = arith.constant 0 : i32
        %dma_start3A_271 = tpu.memref_slice %arg13[%dma_start3A_269, %dma_start3A_270] : memref<10128x128xf32, #tpu.memory_space<vmem_shared>> -> memref<520x128xf32, #tpu.memory_space<vmem_shared>>
        tpu.enqueue_dma source(%dma_start3A_271 : memref<520x128xf32, #tpu.memory_space<vmem_shared>>) target(%dma_start3A_268 : memref<520x128xf32, #tpu.memory_space<hbm>>) target_semaphore(%run_scoped3A : memref<!tpu.dma_semaphore, #tpu.memory_space<semaphore_mem>>)
        %dma_wait3A_272 = arith.constant 9480 : i32
        %dma_wait3A_273 = arith.constant 0 : i32
        %dma_wait3A_274 = tpu.memref_slice %arg5[%arg0, %dma_wait3A_272, %dma_wait3A_273] : memref<2x10000x128xf32, #tpu.memory_space<hbm>> -> memref<1x520x128xf32, #tpu.memory_space<hbm>>
        %dma_wait3A_275 = tpu.memref_squeeze %dma_wait3A_274 : memref<1x520x128xf32, #tpu.memory_space<hbm>> -> memref<520x128xf32, #tpu.memory_space<hbm>>
        %dma_wait3A_276 = arith.constant 9480 : i32
        %dma_wait3A_277 = arith.constant 0 : i32
        %dma_wait3A_278 = tpu.memref_slice %arg13[%dma_wait3A_276, %dma_wait3A_277] : memref<10128x128xf32, #tpu.memory_space<vmem_shared>> -> memref<520x128xf32, #tpu.memory_space<vmem_shared>>
        tpu.wait_dma2 semaphore(%run_scoped3A : memref<!tpu.dma_semaphore, #tpu.memory_space<semaphore_mem>>) src(%dma_wait3A_278 : memref<520x128xf32, #tpu.memory_space<vmem_shared>>) dst(%dma_wait3A_275 : memref<520x128xf32, #tpu.memory_space<hbm>>)
        tpu.yield
      }) : () -> ()
    } else {
    }
    return
  }
}

#map = affine_map<(d0, d1) -> (0, 0)>
#map1 = affine_map<(d0, d1) -> (0, 0, 0)>
module attributes {stable_mosaic.version = 14 : i64} {
  func.func @body(%arg0: i32, %arg1: i32, %arg2: memref<10000x128xf32, #tpu.memory_space<hbm>>, %arg3: memref<32x80x128xi32, #tpu.memory_space<hbm>>, %arg4: memref<10128x128xf32, #tpu.memory_space<hbm>>, %arg5: memref<2x10000x128xf32, #tpu.memory_space<hbm>>, %arg6: memref<80x128xi32, #tpu.memory_space<vmem>>, %arg7: memref<1x128xi32, #tpu.memory_space<vmem>>, %arg8: memref<1x128xi32, #tpu.memory_space<vmem>>, %arg9: memref<1x128xi32, #tpu.memory_space<vmem>>, %arg10: memref<1x128xi32, #tpu.memory_space<vmem>>, %arg11: memref<128x128xf32, #tpu.memory_space<vmem>>, %arg12: memref<128x128xf32, #tpu.memory_space<vmem>>, %arg13: memref<10128x128xf32, #tpu.memory_space<vmem_shared>>, %arg14: memref<!tpu.dma_semaphore, #tpu.memory_space<semaphore_mem>>, %arg15: memref<!tpu.dma_semaphore, #tpu.memory_space<semaphore_mem>>, %arg16: memref<!tpu.dma_semaphore, #tpu.memory_space<semaphore_mem>>, %arg17: memref<!tpu.dma_semaphore, #tpu.memory_space<semaphore_mem>>, %arg18: memref<!tpu.dma_semaphore, #tpu.memory_space<semaphore_mem>>) attributes {dimension_semantics = [#tpu.dimension_semantics<core_parallel>, #tpu.dimension_semantics<subcore_parallel>], iteration_bounds = array<i64: 2, 16>, scalar_prefetch = 0 : i64, scratch_operands = 13 : i64, tpu.core_type = #tpu.core_type<sc_vector_subcore>, window_params = [{transform_indices = #map}, {transform_indices = #map1}, {transform_indices = #map}, {transform_indices = #map1}]} {
    %mul3A = arith.constant 2 : i32
    %mul3A_0 = arith.muli %arg1, %mul3A : i32
    %add3A = arith.addi %mul3A_0, %arg0 : i32
    %lt3A = arith.constant 15 : i32
    %lt3A_1 = arith.cmpi slt, %arg1, %lt3A : i32
    %convert_element_type3A = arith.extui %lt3A_1 : i1 to i32
    %cond3A = arith.constant 0 : i32
    %cond3A_2 = arith.cmpi ne, %convert_element_type3A, %cond3A : i32
    scf.if %cond3A_2 {
      %mul3A_265 = arith.constant 632 : i32
      %mul3A_266 = arith.muli %arg1, %mul3A_265 : i32
      %multiple_of3A = tpu.assume_multiple %mul3A_266, 8 : i32
      %dma_start3A_267 = arith.constant 0 : i32
      %dma_start3A_268 = tpu.memref_slice %arg13[%multiple_of3A, %dma_start3A_267] : memref<10128x128xf32, #tpu.memory_space<vmem_shared>> -> memref<632x128xf32, #tpu.memory_space<vmem_shared>>
      %dma_start3A_269 = arith.constant 0 : i32
      %dma_start3A_270 = tpu.memref_slice %arg4[%multiple_of3A, %dma_start3A_269] : memref<10128x128xf32, #tpu.memory_space<hbm>> -> memref<632x128xf32, #tpu.memory_space<hbm>>
      tpu.enqueue_dma source(%dma_start3A_270 : memref<632x128xf32, #tpu.memory_space<hbm>>) target(%dma_start3A_268 : memref<632x128xf32, #tpu.memory_space<vmem_shared>>) target_semaphore(%arg18 : memref<!tpu.dma_semaphore, #tpu.memory_space<semaphore_mem>>)
    } else {
    }
    %eq3A = arith.constant 15 : i32
    %eq3A_3 = arith.cmpi eq, %arg1, %eq3A : i32
    %convert_element_type3A_4 = arith.extui %eq3A_3 : i1 to i32
    %cond3A_5 = arith.constant 0 : i32
    %cond3A_6 = arith.cmpi ne, %convert_element_type3A_4, %cond3A_5 : i32
    scf.if %cond3A_6 {
      %dma_start3A_265 = arith.constant 9480 : i32
      %dma_start3A_266 = arith.constant 0 : i32
      %dma_start3A_267 = tpu.memref_slice %arg13[%dma_start3A_265, %dma_start3A_266] : memref<10128x128xf32, #tpu.memory_space<vmem_shared>> -> memref<648x128xf32, #tpu.memory_space<vmem_shared>>
      %dma_start3A_268 = arith.constant 9480 : i32
      %dma_start3A_269 = arith.constant 0 : i32
      %dma_start3A_270 = tpu.memref_slice %arg4[%dma_start3A_268, %dma_start3A_269] : memref<10128x128xf32, #tpu.memory_space<hbm>> -> memref<648x128xf32, #tpu.memory_space<hbm>>
      tpu.enqueue_dma source(%dma_start3A_270 : memref<648x128xf32, #tpu.memory_space<hbm>>) target(%dma_start3A_267 : memref<648x128xf32, #tpu.memory_space<vmem_shared>>) target_semaphore(%arg18 : memref<!tpu.dma_semaphore, #tpu.memory_space<semaphore_mem>>)
    } else {
    }
    "tpu.region"() ({
      %run_scoped3A = tpu.sem_alloc : memref<!tpu.dma_semaphore, #tpu.memory_space<semaphore_mem>>
      %dma_start3A_265 = arith.constant 0 : i32
      %dma_start3A_266 = arith.constant 0 : i32
      %dma_start3A_267 = tpu.memref_slice %arg3[%add3A, %dma_start3A_265, %dma_start3A_266] : memref<32x80x128xi32, #tpu.memory_space<hbm>> -> memref<1x80x128xi32, #tpu.memory_space<hbm>>
      %dma_start3A_268 = tpu.memref_squeeze %dma_start3A_267 : memref<1x80x128xi32, #tpu.memory_space<hbm>> -> memref<80x128xi32, #tpu.memory_space<hbm>>
      %dma_start3A_269 = arith.constant 0 : i32
      %dma_start3A_270 = arith.constant 0 : i32
      %dma_start3A_271 = tpu.memref_slice %arg3[%add3A, %dma_start3A_269, %dma_start3A_270] : memref<32x80x128xi32, #tpu.memory_space<hbm>> -> memref<1x80x128xi32, #tpu.memory_space<hbm>>
      %dma_start3A_272 = tpu.memref_squeeze %dma_start3A_271 : memref<1x80x128xi32, #tpu.memory_space<hbm>> -> memref<80x128xi32, #tpu.memory_space<hbm>>
      tpu.enqueue_dma source(%dma_start3A_272 : memref<80x128xi32, #tpu.memory_space<hbm>>) target(%arg6 : memref<80x128xi32, #tpu.memory_space<vmem>>) target_semaphore(%run_scoped3A : memref<!tpu.dma_semaphore, #tpu.memory_space<semaphore_mem>>)
      %dma_wait3A_273 = arith.constant 0 : i32
      %dma_wait3A_274 = arith.constant 0 : i32
      %dma_wait3A_275 = tpu.memref_slice %arg3[%add3A, %dma_wait3A_273, %dma_wait3A_274] : memref<32x80x128xi32, #tpu.memory_space<hbm>> -> memref<1x80x128xi32, #tpu.memory_space<hbm>>
      %dma_wait3A_276 = tpu.memref_squeeze %dma_wait3A_275 : memref<1x80x128xi32, #tpu.memory_space<hbm>> -> memref<80x128xi32, #tpu.memory_space<hbm>>
      %dma_wait3A_277 = arith.constant 0 : i32
      %dma_wait3A_278 = arith.constant 0 : i32
      %dma_wait3A_279 = tpu.memref_slice %arg3[%add3A, %dma_wait3A_277, %dma_wait3A_278] : memref<32x80x128xi32, #tpu.memory_space<hbm>> -> memref<1x80x128xi32, #tpu.memory_space<hbm>>
      %dma_wait3A_280 = tpu.memref_squeeze %dma_wait3A_279 : memref<1x80x128xi32, #tpu.memory_space<hbm>> -> memref<80x128xi32, #tpu.memory_space<hbm>>
      tpu.wait_dma2 semaphore(%run_scoped3A : memref<!tpu.dma_semaphore, #tpu.memory_space<semaphore_mem>>) src(%dma_wait3A_280 : memref<80x128xi32, #tpu.memory_space<hbm>>) dst(%arg6 : memref<80x128xi32, #tpu.memory_space<vmem>>)
      tpu.yield
    }) : () -> ()
    %lt3A_7 = arith.constant 15 : i32
    %lt3A_8 = arith.cmpi slt, %arg1, %lt3A_7 : i32
    %convert_element_type3A_9 = arith.extui %lt3A_8 : i1 to i32
    %cond3A_10 = arith.constant 0 : i32
    %cond3A_11 = arith.cmpi ne, %convert_element_type3A_9, %cond3A_10 : i32
    scf.if %cond3A_11 {
      %mul3A_265 = arith.constant 632 : i32
      %mul3A_266 = arith.muli %arg1, %mul3A_265 : i32
      %multiple_of3A = tpu.assume_multiple %mul3A_266, 8 : i32
      %dma_wait3A_267 = arith.constant 0 : i32
      %dma_wait3A_268 = tpu.memref_slice %arg13[%multiple_of3A, %dma_wait3A_267] : memref<10128x128xf32, #tpu.memory_space<vmem_shared>> -> memref<632x128xf32, #tpu.memory_space<vmem_shared>>
      %dma_wait3A_269 = arith.constant 0 : i32
      %dma_wait3A_270 = tpu.memref_slice %arg4[%multiple_of3A, %dma_wait3A_269] : memref<10128x128xf32, #tpu.memory_space<hbm>> -> memref<632x128xf32, #tpu.memory_space<hbm>>
      tpu.wait_dma2 semaphore(%arg18 : memref<!tpu.dma_semaphore, #tpu.memory_space<semaphore_mem>>) src(%dma_wait3A_270 : memref<632x128xf32, #tpu.memory_space<hbm>>) dst(%dma_wait3A_268 : memref<632x128xf32, #tpu.memory_space<vmem_shared>>)
    } else {
    }
    %eq3A_12 = arith.constant 15 : i32
    %eq3A_13 = arith.cmpi eq, %arg1, %eq3A_12 : i32
    %convert_element_type3A_14 = arith.extui %eq3A_13 : i1 to i32
    %cond3A_15 = arith.constant 0 : i32
    %cond3A_16 = arith.cmpi ne, %convert_element_type3A_14, %cond3A_15 : i32
    scf.if %cond3A_16 {
      %dma_wait3A_265 = arith.constant 9480 : i32
      %dma_wait3A_266 = arith.constant 0 : i32
      %dma_wait3A_267 = tpu.memref_slice %arg13[%dma_wait3A_265, %dma_wait3A_266] : memref<10128x128xf32, #tpu.memory_space<vmem_shared>> -> memref<648x128xf32, #tpu.memory_space<vmem_shared>>
      %dma_wait3A_268 = arith.constant 9480 : i32
      %dma_wait3A_269 = arith.constant 0 : i32
      %dma_wait3A_270 = tpu.memref_slice %arg4[%dma_wait3A_268, %dma_wait3A_269] : memref<10128x128xf32, #tpu.memory_space<hbm>> -> memref<648x128xf32, #tpu.memory_space<hbm>>
      tpu.wait_dma2 semaphore(%arg18 : memref<!tpu.dma_semaphore, #tpu.memory_space<semaphore_mem>>) src(%dma_wait3A_270 : memref<648x128xf32, #tpu.memory_space<hbm>>) dst(%dma_wait3A_267 : memref<648x128xf32, #tpu.memory_space<vmem_shared>>)
    } else {
    }
    %barrier3A = arith.constant 0 : index
    tpu.barrier barrier_id(%barrier3A)
    %get3A = arith.constant 0 : i32
    %get3A_17 = arith.index_cast %get3A : i32 to index
    %get3A_18 = arith.constant 0 : index
    %get3A_19 = tpu.vector_load %arg6[%get3A_17, %get3A_18] {strides = array<i32>} : memref<80x128xi32, #tpu.memory_space<vmem>>, vector<1x16xi32>,
    %get3A_20 = vector.shape_cast %get3A_19 : vector<1x16xi32> to vector<16xi32>
    %and3A = arith.constant 16383 : i32
    %and3A_21 = vector.broadcast %and3A : i32 to vector<16xi32>
    %and3A_22 = arith.andi %get3A_20, %and3A_21 : vector<16xi32>
    %swap3A = arith.constant 0 : i32
    %swap3A_23 = arith.index_cast %swap3A : i32 to index
    %swap3A_24 = arith.constant 0 : index
    %swap3A_25 = tpu.vector_load %arg7[%swap3A_23, %swap3A_24] {strides = array<i32>} : memref<1x128xi32, #tpu.memory_space<vmem>>, vector<1x16xi32>,
    %swap3A_26 = vector.shape_cast %swap3A_25 : vector<1x16xi32> to vector<16xi32>
    %swap3A_27 = vector.shape_cast %and3A_22 : vector<16xi32> to vector<1x16xi32>
    tpu.vector_store %arg7[%swap3A_23, %swap3A_24], %swap3A_27 {strides = array<i32>} : memref<1x128xi32, #tpu.memory_space<vmem>>, vector<1x16xi32>,
    %get3A_28 = arith.constant 0 : i32
    %get3A_29 = arith.index_cast %get3A_28 : i32 to index
    %get3A_30 = arith.constant 16 : index
    %get3A_31 = tpu.vector_load %arg6[%get3A_29, %get3A_30] {strides = array<i32>} : memref<80x128xi32, #tpu.memory_space<vmem>>, vector<1x16xi32>,
    %get3A_32 = vector.shape_cast %get3A_31 : vector<1x16xi32> to vector<16xi32>
    %and3A_33 = arith.constant 16383 : i32
    %and3A_34 = vector.broadcast %and3A_33 : i32 to vector<16xi32>
    %and3A_35 = arith.andi %get3A_32, %and3A_34 : vector<16xi32>
    %swap3A_36 = arith.constant 0 : i32
    %swap3A_37 = arith.index_cast %swap3A_36 : i32 to index
    %swap3A_38 = arith.constant 16 : index
    %swap3A_39 = tpu.vector_load %arg7[%swap3A_37, %swap3A_38] {strides = array<i32>} : memref<1x128xi32, #tpu.memory_space<vmem>>, vector<1x16xi32>,
    %swap3A_40 = vector.shape_cast %swap3A_39 : vector<1x16xi32> to vector<16xi32>
    %swap3A_41 = vector.shape_cast %and3A_35 : vector<16xi32> to vector<1x16xi32>
    tpu.vector_store %arg7[%swap3A_37, %swap3A_38], %swap3A_41 {strides = array<i32>} : memref<1x128xi32, #tpu.memory_space<vmem>>, vector<1x16xi32>,
    %get3A_42 = arith.constant 0 : i32
    %get3A_43 = arith.index_cast %get3A_42 : i32 to index
    %get3A_44 = arith.constant 32 : index
    %get3A_45 = tpu.vector_load %arg6[%get3A_43, %get3A_44] {strides = array<i32>} : memref<80x128xi32, #tpu.memory_space<vmem>>, vector<1x16xi32>,
    %get3A_46 = vector.shape_cast %get3A_45 : vector<1x16xi32> to vector<16xi32>
    %and3A_47 = arith.constant 16383 : i32
    %and3A_48 = vector.broadcast %and3A_47 : i32 to vector<16xi32>
    %and3A_49 = arith.andi %get3A_46, %and3A_48 : vector<16xi32>
    %swap3A_50 = arith.constant 0 : i32
    %swap3A_51 = arith.index_cast %swap3A_50 : i32 to index
    %swap3A_52 = arith.constant 32 : index
    %swap3A_53 = tpu.vector_load %arg7[%swap3A_51, %swap3A_52] {strides = array<i32>} : memref<1x128xi32, #tpu.memory_space<vmem>>, vector<1x16xi32>,
    %swap3A_54 = vector.shape_cast %swap3A_53 : vector<1x16xi32> to vector<16xi32>
    %swap3A_55 = vector.shape_cast %and3A_49 : vector<16xi32> to vector<1x16xi32>
    tpu.vector_store %arg7[%swap3A_51, %swap3A_52], %swap3A_55 {strides = array<i32>} : memref<1x128xi32, #tpu.memory_space<vmem>>, vector<1x16xi32>,
    %get3A_56 = arith.constant 0 : i32
    %get3A_57 = arith.index_cast %get3A_56 : i32 to index
    %get3A_58 = arith.constant 48 : index
    %get3A_59 = tpu.vector_load %arg6[%get3A_57, %get3A_58] {strides = array<i32>} : memref<80x128xi32, #tpu.memory_space<vmem>>, vector<1x16xi32>,
    %get3A_60 = vector.shape_cast %get3A_59 : vector<1x16xi32> to vector<16xi32>
    %and3A_61 = arith.constant 16383 : i32
    %and3A_62 = vector.broadcast %and3A_61 : i32 to vector<16xi32>
    %and3A_63 = arith.andi %get3A_60, %and3A_62 : vector<16xi32>
    %swap3A_64 = arith.constant 0 : i32
    %swap3A_65 = arith.index_cast %swap3A_64 : i32 to index
    %swap3A_66 = arith.constant 48 : index
    %swap3A_67 = tpu.vector_load %arg7[%swap3A_65, %swap3A_66] {strides = array<i32>} : memref<1x128xi32, #tpu.memory_space<vmem>>, vector<1x16xi32>,
    %swap3A_68 = vector.shape_cast %swap3A_67 : vector<1x16xi32> to vector<16xi32>
    %swap3A_69 = vector.shape_cast %and3A_63 : vector<16xi32> to vector<1x16xi32>
    tpu.vector_store %arg7[%swap3A_65, %swap3A_66], %swap3A_69 {strides = array<i32>} : memref<1x128xi32, #tpu.memory_space<vmem>>, vector<1x16xi32>,
    %get3A_70 = arith.constant 0 : i32
    %get3A_71 = arith.index_cast %get3A_70 : i32 to index
    %get3A_72 = arith.constant 64 : index
    %get3A_73 = tpu.vector_load %arg6[%get3A_71, %get3A_72] {strides = array<i32>} : memref<80x128xi32, #tpu.memory_space<vmem>>, vector<1x16xi32>,
    %get3A_74 = vector.shape_cast %get3A_73 : vector<1x16xi32> to vector<16xi32>
    %and3A_75 = arith.constant 16383 : i32
    %and3A_76 = vector.broadcast %and3A_75 : i32 to vector<16xi32>
    %and3A_77 = arith.andi %get3A_74, %and3A_76 : vector<16xi32>
    %swap3A_78 = arith.constant 0 : i32
    %swap3A_79 = arith.index_cast %swap3A_78 : i32 to index
    %swap3A_80 = arith.constant 64 : index
    %swap3A_81 = tpu.vector_load %arg7[%swap3A_79, %swap3A_80] {strides = array<i32>} : memref<1x128xi32, #tpu.memory_space<vmem>>, vector<1x16xi32>,
    %swap3A_82 = vector.shape_cast %swap3A_81 : vector<1x16xi32> to vector<16xi32>
    %swap3A_83 = vector.shape_cast %and3A_77 : vector<16xi32> to vector<1x16xi32>
    tpu.vector_store %arg7[%swap3A_79, %swap3A_80], %swap3A_83 {strides = array<i32>} : memref<1x128xi32, #tpu.memory_space<vmem>>, vector<1x16xi32>,
    %get3A_84 = arith.constant 0 : i32
    %get3A_85 = arith.index_cast %get3A_84 : i32 to index
    %get3A_86 = arith.constant 80 : index
    %get3A_87 = tpu.vector_load %arg6[%get3A_85, %get3A_86] {strides = array<i32>} : memref<80x128xi32, #tpu.memory_space<vmem>>, vector<1x16xi32>,
    %get3A_88 = vector.shape_cast %get3A_87 : vector<1x16xi32> to vector<16xi32>
    %and3A_89 = arith.constant 16383 : i32
    %and3A_90 = vector.broadcast %and3A_89 : i32 to vector<16xi32>
    %and3A_91 = arith.andi %get3A_88, %and3A_90 : vector<16xi32>
    %swap3A_92 = arith.constant 0 : i32
    %swap3A_93 = arith.index_cast %swap3A_92 : i32 to index
    %swap3A_94 = arith.constant 80 : index
    %swap3A_95 = tpu.vector_load %arg7[%swap3A_93, %swap3A_94] {strides = array<i32>} : memref<1x128xi32, #tpu.memory_space<vmem>>, vector<1x16xi32>,
    %swap3A_96 = vector.shape_cast %swap3A_95 : vector<1x16xi32> to vector<16xi32>
    %swap3A_97 = vector.shape_cast %and3A_91 : vector<16xi32> to vector<1x16xi32>
    tpu.vector_store %arg7[%swap3A_93, %swap3A_94], %swap3A_97 {strides = array<i32>} : memref<1x128xi32, #tpu.memory_space<vmem>>, vector<1x16xi32>,
    %get3A_98 = arith.constant 0 : i32
    %get3A_99 = arith.index_cast %get3A_98 : i32 to index
    %get3A_100 = arith.constant 96 : index
    %get3A_101 = tpu.vector_load %arg6[%get3A_99, %get3A_100] {strides = array<i32>} : memref<80x128xi32, #tpu.memory_space<vmem>>, vector<1x16xi32>,
    %get3A_102 = vector.shape_cast %get3A_101 : vector<1x16xi32> to vector<16xi32>
    %and3A_103 = arith.constant 16383 : i32
    %and3A_104 = vector.broadcast %and3A_103 : i32 to vector<16xi32>
    %and3A_105 = arith.andi %get3A_102, %and3A_104 : vector<16xi32>
    %swap3A_106 = arith.constant 0 : i32
    %swap3A_107 = arith.index_cast %swap3A_106 : i32 to index
    %swap3A_108 = arith.constant 96 : index
    %swap3A_109 = tpu.vector_load %arg7[%swap3A_107, %swap3A_108] {strides = array<i32>} : memref<1x128xi32, #tpu.memory_space<vmem>>, vector<1x16xi32>,
    %swap3A_110 = vector.shape_cast %swap3A_109 : vector<1x16xi32> to vector<16xi32>
    %swap3A_111 = vector.shape_cast %and3A_105 : vector<16xi32> to vector<1x16xi32>
    tpu.vector_store %arg7[%swap3A_107, %swap3A_108], %swap3A_111 {strides = array<i32>} : memref<1x128xi32, #tpu.memory_space<vmem>>, vector<1x16xi32>,
    %get3A_112 = arith.constant 0 : i32
    %get3A_113 = arith.index_cast %get3A_112 : i32 to index
    %get3A_114 = arith.constant 112 : index
    %get3A_115 = tpu.vector_load %arg6[%get3A_113, %get3A_114] {strides = array<i32>} : memref<80x128xi32, #tpu.memory_space<vmem>>, vector<1x16xi32>,
    %get3A_116 = vector.shape_cast %get3A_115 : vector<1x16xi32> to vector<16xi32>
    %and3A_117 = arith.constant 16383 : i32
    %and3A_118 = vector.broadcast %and3A_117 : i32 to vector<16xi32>
    %and3A_119 = arith.andi %get3A_116, %and3A_118 : vector<16xi32>
    %swap3A_120 = arith.constant 0 : i32
    %swap3A_121 = arith.index_cast %swap3A_120 : i32 to index
    %swap3A_122 = arith.constant 112 : index
    %swap3A_123 = tpu.vector_load %arg7[%swap3A_121, %swap3A_122] {strides = array<i32>} : memref<1x128xi32, #tpu.memory_space<vmem>>, vector<1x16xi32>,
    %swap3A_124 = vector.shape_cast %swap3A_123 : vector<1x16xi32> to vector<16xi32>
    %swap3A_125 = vector.shape_cast %and3A_119 : vector<16xi32> to vector<1x16xi32>
    tpu.vector_store %arg7[%swap3A_121, %swap3A_122], %swap3A_125 {strides = array<i32>} : memref<1x128xi32, #tpu.memory_space<vmem>>, vector<1x16xi32>,
    %dma_start3A = arith.constant 0 : i32
    %dma_start3A_126 = arith.constant 0 : i32
    %dma_start3A_127 = tpu.memref_slice %arg7[%dma_start3A, %dma_start3A_126] : memref<1x128xi32, #tpu.memory_space<vmem>> -> memref<1x128xi32, #tpu.memory_space<vmem>>
    %dma_start3A_128 = tpu.memref_squeeze %dma_start3A_127 : memref<1x128xi32, #tpu.memory_space<vmem>> -> memref<128xi32, #tpu.memory_space<vmem>>
    %dma_start3A_129 = arith.constant 0 : i32
    %dma_start3A_130 = arith.constant 0 : i32
    %dma_start3A_131 = tpu.memref_slice %arg2[%dma_start3A_129, %dma_start3A_130] : memref<10000x128xf32, #tpu.memory_space<hbm>> -> memref<10000x128xf32, #tpu.memory_space<hbm>>
    tpu.enqueue_indirect_dma source(%dma_start3A_131 : memref<10000x128xf32, #tpu.memory_space<hbm>>) target(%arg11 : memref<128x128xf32, #tpu.memory_space<vmem>>) offsets(%dma_start3A_128 : memref<128xi32, #tpu.memory_space<vmem>>) semaphore(%arg14 : memref<!tpu.dma_semaphore, #tpu.memory_space<semaphore_mem>>)
    %get3A_132 = arith.constant 0 : i32
    %get3A_133 = arith.index_cast %get3A_132 : i32 to index
    %get3A_134 = arith.constant 0 : index
    %get3A_135 = tpu.vector_load %arg6[%get3A_133, %get3A_134] {strides = array<i32>} : memref<80x128xi32, #tpu.memory_space<vmem>>, vector<1x16xi32>,
    %get3A_136 = vector.shape_cast %get3A_135 : vector<1x16xi32> to vector<16xi32>
    %shift_right_logical3A = arith.constant 14 : i32
    %shift_right_logical3A_137 = vector.broadcast %shift_right_logical3A : i32 to vector<16xi32>
    %shift_right_logical3A_138 = arith.shrui %get3A_136, %shift_right_logical3A_137 : vector<16xi32>
    %swap3A_139 = arith.constant 0 : i32
    %swap3A_140 = arith.index_cast %swap3A_139 : i32 to index
    %swap3A_141 = arith.constant 0 : index
    %swap3A_142 = tpu.vector_load %arg8[%swap3A_140, %swap3A_141] {strides = array<i32>} : memref<1x128xi32, #tpu.memory_space<vmem>>, vector<1x16xi32>,
    %swap3A_143 = vector.shape_cast %swap3A_142 : vector<1x16xi32> to vector<16xi32>
    %swap3A_144 = vector.shape_cast %shift_right_logical3A_138 : vector<16xi32> to vector<1x16xi32>
    tpu.vector_store %arg8[%swap3A_140, %swap3A_141], %swap3A_144 {strides = array<i32>} : memref<1x128xi32, #tpu.memory_space<vmem>>, vector<1x16xi32>,
    %get3A_145 = arith.constant 0 : i32
    %get3A_146 = arith.index_cast %get3A_145 : i32 to index
    %get3A_147 = arith.constant 16 : index
    %get3A_148 = tpu.vector_load %arg6[%get3A_146, %get3A_147] {strides = array<i32>} : memref<80x128xi32, #tpu.memory_space<vmem>>, vector<1x16xi32>,
    %get3A_149 = vector.shape_cast %get3A_148 : vector<1x16xi32> to vector<16xi32>
    %shift_right_logical3A_150 = arith.constant 14 : i32
    %shift_right_logical3A_151 = vector.broadcast %shift_right_logical3A_150 : i32 to vector<16xi32>
    %shift_right_logical3A_152 = arith.shrui %get3A_149, %shift_right_logical3A_151 : vector<16xi32>
    %swap3A_153 = arith.constant 0 : i32
    %swap3A_154 = arith.index_cast %swap3A_153 : i32 to index
    %swap3A_155 = arith.constant 16 : index
    %swap3A_156 = tpu.vector_load %arg8[%swap3A_154, %swap3A_155] {strides = array<i32>} : memref<1x128xi32, #tpu.memory_space<vmem>>, vector<1x16xi32>,
    %swap3A_157 = vector.shape_cast %swap3A_156 : vector<1x16xi32> to vector<16xi32>
    %swap3A_158 = vector.shape_cast %shift_right_logical3A_152 : vector<16xi32> to vector<1x16xi32>
    tpu.vector_store %arg8[%swap3A_154, %swap3A_155], %swap3A_158 {strides = array<i32>} : memref<1x128xi32, #tpu.memory_space<vmem>>, vector<1x16xi32>,
    %get3A_159 = arith.constant 0 : i32
    %get3A_160 = arith.index_cast %get3A_159 : i32 to index
    %get3A_161 = arith.constant 32 : index
    %get3A_162 = tpu.vector_load %arg6[%get3A_160, %get3A_161] {strides = array<i32>} : memref<80x128xi32, #tpu.memory_space<vmem>>, vector<1x16xi32>,
    %get3A_163 = vector.shape_cast %get3A_162 : vector<1x16xi32> to vector<16xi32>
    %shift_right_logical3A_164 = arith.constant 14 : i32
    %shift_right_logical3A_165 = vector.broadcast %shift_right_logical3A_164 : i32 to vector<16xi32>
    %shift_right_logical3A_166 = arith.shrui %get3A_163, %shift_right_logical3A_165 : vector<16xi32>
    %swap3A_167 = arith.constant 0 : i32
    %swap3A_168 = arith.index_cast %swap3A_167 : i32 to index
    %swap3A_169 = arith.constant 32 : index
    %swap3A_170 = tpu.vector_load %arg8[%swap3A_168, %swap3A_169] {strides = array<i32>} : memref<1x128xi32, #tpu.memory_space<vmem>>, vector<1x16xi32>,
    %swap3A_171 = vector.shape_cast %swap3A_170 : vector<1x16xi32> to vector<16xi32>
    %swap3A_172 = vector.shape_cast %shift_right_logical3A_166 : vector<16xi32> to vector<1x16xi32>
    tpu.vector_store %arg8[%swap3A_168, %swap3A_169], %swap3A_172 {strides = array<i32>} : memref<1x128xi32, #tpu.memory_space<vmem>>, vector<1x16xi32>,
    %get3A_173 = arith.constant 0 : i32
    %get3A_174 = arith.index_cast %get3A_173 : i32 to index
    %get3A_175 = arith.constant 48 : index
    %get3A_176 = tpu.vector_load %arg6[%get3A_174, %get3A_175] {strides = array<i32>} : memref<80x128xi32, #tpu.memory_space<vmem>>, vector<1x16xi32>,
    %get3A_177 = vector.shape_cast %get3A_176 : vector<1x16xi32> to vector<16xi32>
    %shift_right_logical3A_178 = arith.constant 14 : i32
    %shift_right_logical3A_179 = vector.broadcast %shift_right_logical3A_178 : i32 to vector<16xi32>
    %shift_right_logical3A_180 = arith.shrui %get3A_177, %shift_right_logical3A_179 : vector<16xi32>
    %swap3A_181 = arith.constant 0 : i32
    %swap3A_182 = arith.index_cast %swap3A_181 : i32 to index
    %swap3A_183 = arith.constant 48 : index
    %swap3A_184 = tpu.vector_load %arg8[%swap3A_182, %swap3A_183] {strides = array<i32>} : memref<1x128xi32, #tpu.memory_space<vmem>>, vector<1x16xi32>,
    %swap3A_185 = vector.shape_cast %swap3A_184 : vector<1x16xi32> to vector<16xi32>
    %swap3A_186 = vector.shape_cast %shift_right_logical3A_180 : vector<16xi32> to vector<1x16xi32>
    tpu.vector_store %arg8[%swap3A_182, %swap3A_183], %swap3A_186 {strides = array<i32>} : memref<1x128xi32, #tpu.memory_space<vmem>>, vector<1x16xi32>,
    %get3A_187 = arith.constant 0 : i32
    %get3A_188 = arith.index_cast %get3A_187 : i32 to index
    %get3A_189 = arith.constant 64 : index
    %get3A_190 = tpu.vector_load %arg6[%get3A_188, %get3A_189] {strides = array<i32>} : memref<80x128xi32, #tpu.memory_space<vmem>>, vector<1x16xi32>,
    %get3A_191 = vector.shape_cast %get3A_190 : vector<1x16xi32> to vector<16xi32>
    %shift_right_logical3A_192 = arith.constant 14 : i32
    %shift_right_logical3A_193 = vector.broadcast %shift_right_logical3A_192 : i32 to vector<16xi32>
    %shift_right_logical3A_194 = arith.shrui %get3A_191, %shift_right_logical3A_193 : vector<16xi32>
    %swap3A_195 = arith.constant 0 : i32
    %swap3A_196 = arith.index_cast %swap3A_195 : i32 to index
    %swap3A_197 = arith.constant 64 : index
    %swap3A_198 = tpu.vector_load %arg8[%swap3A_196, %swap3A_197] {strides = array<i32>} : memref<1x128xi32, #tpu.memory_space<vmem>>, vector<1x16xi32>,
    %swap3A_199 = vector.shape_cast %swap3A_198 : vector<1x16xi32> to vector<16xi32>
    %swap3A_200 = vector.shape_cast %shift_right_logical3A_194 : vector<16xi32> to vector<1x16xi32>
    tpu.vector_store %arg8[%swap3A_196, %swap3A_197], %swap3A_200 {strides = array<i32>} : memref<1x128xi32, #tpu.memory_space<vmem>>, vector<1x16xi32>,
    %get3A_201 = arith.constant 0 : i32
    %get3A_202 = arith.index_cast %get3A_201 : i32 to index
    %get3A_203 = arith.constant 80 : index
    %get3A_204 = tpu.vector_load %arg6[%get3A_202, %get3A_203] {strides = array<i32>} : memref<80x128xi32, #tpu.memory_space<vmem>>, vector<1x16xi32>,
    %get3A_205 = vector.shape_cast %get3A_204 : vector<1x16xi32> to vector<16xi32>
    %shift_right_logical3A_206 = arith.constant 14 : i32
    %shift_right_logical3A_207 = vector.broadcast %shift_right_logical3A_206 : i32 to vector<16xi32>
    %shift_right_logical3A_208 = arith.shrui %get3A_205, %shift_right_logical3A_207 : vector<16xi32>
    %swap3A_209 = arith.constant 0 : i32
    %swap3A_210 = arith.index_cast %swap3A_209 : i32 to index
    %swap3A_211 = arith.constant 80 : index
    %swap3A_212 = tpu.vector_load %arg8[%swap3A_210, %swap3A_211] {strides = array<i32>} : memref<1x128xi32, #tpu.memory_space<vmem>>, vector<1x16xi32>,
    %swap3A_213 = vector.shape_cast %swap3A_212 : vector<1x16xi32> to vector<16xi32>
    %swap3A_214 = vector.shape_cast %shift_right_logical3A_208 : vector<16xi32> to vector<1x16xi32>
    tpu.vector_store %arg8[%swap3A_210, %swap3A_211], %swap3A_214 {strides = array<i32>} : memref<1x128xi32, #tpu.memory_space<vmem>>, vector<1x16xi32>,
    %get3A_215 = arith.constant 0 : i32
    %get3A_216 = arith.index_cast %get3A_215 : i32 to index
    %get3A_217 = arith.constant 96 : index
    %get3A_218 = tpu.vector_load %arg6[%get3A_216, %get3A_217] {strides = array<i32>} : memref<80x128xi32, #tpu.memory_space<vmem>>, vector<1x16xi32>,
    %get3A_219 = vector.shape_cast %get3A_218 : vector<1x16xi32> to vector<16xi32>
    %shift_right_logical3A_220 = arith.constant 14 : i32
    %shift_right_logical3A_221 = vector.broadcast %shift_right_logical3A_220 : i32 to vector<16xi32>
    %shift_right_logical3A_222 = arith.shrui %get3A_219, %shift_right_logical3A_221 : vector<16xi32>
    %swap3A_223 = arith.constant 0 : i32
    %swap3A_224 = arith.index_cast %swap3A_223 : i32 to index
    %swap3A_225 = arith.constant 96 : index
    %swap3A_226 = tpu.vector_load %arg8[%swap3A_224, %swap3A_225] {strides = array<i32>} : memref<1x128xi32, #tpu.memory_space<vmem>>, vector<1x16xi32>,
    %swap3A_227 = vector.shape_cast %swap3A_226 : vector<1x16xi32> to vector<16xi32>
    %swap3A_228 = vector.shape_cast %shift_right_logical3A_222 : vector<16xi32> to vector<1x16xi32>
    tpu.vector_store %arg8[%swap3A_224, %swap3A_225], %swap3A_228 {strides = array<i32>} : memref<1x128xi32, #tpu.memory_space<vmem>>, vector<1x16xi32>,
    %get3A_229 = arith.constant 0 : i32
    %get3A_230 = arith.index_cast %get3A_229 : i32 to index
    %get3A_231 = arith.constant 112 : index
    %get3A_232 = tpu.vector_load %arg6[%get3A_230, %get3A_231] {strides = array<i32>} : memref<80x128xi32, #tpu.memory_space<vmem>>, vector<1x16xi32>,
    %get3A_233 = vector.shape_cast %get3A_232 : vector<1x16xi32> to vector<16xi32>
    %shift_right_logical3A_234 = arith.constant 14 : i32
    %shift_right_logical3A_235 = vector.broadcast %shift_right_logical3A_234 : i32 to vector<16xi32>
    %shift_right_logical3A_236 = arith.shrui %get3A_233, %shift_right_logical3A_235 : vector<16xi32>
    %swap3A_237 = arith.constant 0 : i32
    %swap3A_238 = arith.index_cast %swap3A_237 : i32 to index
    %swap3A_239 = arith.constant 112 : index
    %swap3A_240 = tpu.vector_load %arg8[%swap3A_238, %swap3A_239] {strides = array<i32>} : memref<1x128xi32, #tpu.memory_space<vmem>>, vector<1x16xi32>,
    %swap3A_241 = vector.shape_cast %swap3A_240 : vector<1x16xi32> to vector<16xi32>
    %swap3A_242 = vector.shape_cast %shift_right_logical3A_236 : vector<16xi32> to vector<1x16xi32>
    tpu.vector_store %arg8[%swap3A_238, %swap3A_239], %swap3A_242 {strides = array<i32>} : memref<1x128xi32, #tpu.memory_space<vmem>>, vector<1x16xi32>,
    %scan3A = arith.constant 0 : i32
    %scan3A_243 = arith.constant 0 : i32
    %scan3A_244 = arith.constant 40 : i32
    %scan3A_245 = arith.addi %scan3A_243, %scan3A_244 : i32
    %scan3A_246 = arith.constant 1 : i32
    scf.for %scan3A_265 = %scan3A_243 to %scan3A_245 step %scan3A_246  : i32 {
      %mul3A_266 = arith.constant 2 : i32
      %mul3A_267 = arith.muli %mul3A_266, %scan3A_265 : i32
      %add3A_268 = arith.constant 1 : i32
      %add3A_269 = arith.addi %mul3A_267, %add3A_268 : i32
      %get3A_270 = arith.index_cast %add3A_269 : i32 to index
      %get3A_271 = arith.constant 0 : index
      %get3A_272 = tpu.vector_load %arg6[%get3A_270, %get3A_271] {strides = array<i32>} : memref<80x128xi32, #tpu.memory_space<vmem>>, vector<1x16xi32>,
      %get3A_273 = vector.shape_cast %get3A_272 : vector<1x16xi32> to vector<16xi32>
      %and3A_274 = arith.constant 16383 : i32
      %and3A_275 = vector.broadcast %and3A_274 : i32 to vector<16xi32>
      %and3A_276 = arith.andi %get3A_273, %and3A_275 : vector<16xi32>
      %swap3A_277 = arith.constant 0 : i32
      %swap3A_278 = arith.index_cast %swap3A_277 : i32 to index
      %swap3A_279 = arith.constant 0 : index
      %swap3A_280 = tpu.vector_load %arg9[%swap3A_278, %swap3A_279] {strides = array<i32>} : memref<1x128xi32, #tpu.memory_space<vmem>>, vector<1x16xi32>,
      %swap3A_281 = vector.shape_cast %swap3A_280 : vector<1x16xi32> to vector<16xi32>
      %swap3A_282 = vector.shape_cast %and3A_276 : vector<16xi32> to vector<1x16xi32>
      tpu.vector_store %arg9[%swap3A_278, %swap3A_279], %swap3A_282 {strides = array<i32>} : memref<1x128xi32, #tpu.memory_space<vmem>>, vector<1x16xi32>,
      %get3A_283 = arith.index_cast %add3A_269 : i32 to index
      %get3A_284 = arith.constant 16 : index
      %get3A_285 = tpu.vector_load %arg6[%get3A_283, %get3A_284] {strides = array<i32>} : memref<80x128xi32, #tpu.memory_space<vmem>>, vector<1x16xi32>,
      %get3A_286 = vector.shape_cast %get3A_285 : vector<1x16xi32> to vector<16xi32>
      %and3A_287 = arith.constant 16383 : i32
      %and3A_288 = vector.broadcast %and3A_287 : i32 to vector<16xi32>
      %and3A_289 = arith.andi %get3A_286, %and3A_288 : vector<16xi32>
      %swap3A_290 = arith.constant 0 : i32
      %swap3A_291 = arith.index_cast %swap3A_290 : i32 to index
      %swap3A_292 = arith.constant 16 : index
      %swap3A_293 = tpu.vector_load %arg9[%swap3A_291, %swap3A_292] {strides = array<i32>} : memref<1x128xi32, #tpu.memory_space<vmem>>, vector<1x16xi32>,
      %swap3A_294 = vector.shape_cast %swap3A_293 : vector<1x16xi32> to vector<16xi32>
      %swap3A_295 = vector.shape_cast %and3A_289 : vector<16xi32> to vector<1x16xi32>
      tpu.vector_store %arg9[%swap3A_291, %swap3A_292], %swap3A_295 {strides = array<i32>} : memref<1x128xi32, #tpu.memory_space<vmem>>, vector<1x16xi32>,
      %get3A_296 = arith.index_cast %add3A_269 : i32 to index
      %get3A_297 = arith.constant 32 : index
      %get3A_298 = tpu.vector_load %arg6[%get3A_296, %get3A_297] {strides = array<i32>} : memref<80x128xi32, #tpu.memory_space<vmem>>, vector<1x16xi32>,
      %get3A_299 = vector.shape_cast %get3A_298 : vector<1x16xi32> to vector<16xi32>
      %and3A_300 = arith.constant 16383 : i32
      %and3A_301 = vector.broadcast %and3A_300 : i32 to vector<16xi32>
      %and3A_302 = arith.andi %get3A_299, %and3A_301 : vector<16xi32>
      %swap3A_303 = arith.constant 0 : i32
      %swap3A_304 = arith.index_cast %swap3A_303 : i32 to index
      %swap3A_305 = arith.constant 32 : index
      %swap3A_306 = tpu.vector_load %arg9[%swap3A_304, %swap3A_305] {strides = array<i32>} : memref<1x128xi32, #tpu.memory_space<vmem>>, vector<1x16xi32>,
      %swap3A_307 = vector.shape_cast %swap3A_306 : vector<1x16xi32> to vector<16xi32>
      %swap3A_308 = vector.shape_cast %and3A_302 : vector<16xi32> to vector<1x16xi32>
      tpu.vector_store %arg9[%swap3A_304, %swap3A_305], %swap3A_308 {strides = array<i32>} : memref<1x128xi32, #tpu.memory_space<vmem>>, vector<1x16xi32>,
      %get3A_309 = arith.index_cast %add3A_269 : i32 to index
      %get3A_310 = arith.constant 48 : index
      %get3A_311 = tpu.vector_load %arg6[%get3A_309, %get3A_310] {strides = array<i32>} : memref<80x128xi32, #tpu.memory_space<vmem>>, vector<1x16xi32>,
      %get3A_312 = vector.shape_cast %get3A_311 : vector<1x16xi32> to vector<16xi32>
      %and3A_313 = arith.constant 16383 : i32
      %and3A_314 = vector.broadcast %and3A_313 : i32 to vector<16xi32>
      %and3A_315 = arith.andi %get3A_312, %and3A_314 : vector<16xi32>
      %swap3A_316 = arith.constant 0 : i32
      %swap3A_317 = arith.index_cast %swap3A_316 : i32 to index
      %swap3A_318 = arith.constant 48 : index
      %swap3A_319 = tpu.vector_load %arg9[%swap3A_317, %swap3A_318] {strides = array<i32>} : memref<1x128xi32, #tpu.memory_space<vmem>>, vector<1x16xi32>,
      %swap3A_320 = vector.shape_cast %swap3A_319 : vector<1x16xi32> to vector<16xi32>
      %swap3A_321 = vector.shape_cast %and3A_315 : vector<16xi32> to vector<1x16xi32>
      tpu.vector_store %arg9[%swap3A_317, %swap3A_318], %swap3A_321 {strides = array<i32>} : memref<1x128xi32, #tpu.memory_space<vmem>>, vector<1x16xi32>,
      %get3A_322 = arith.index_cast %add3A_269 : i32 to index
      %get3A_323 = arith.constant 64 : index
      %get3A_324 = tpu.vector_load %arg6[%get3A_322, %get3A_323] {strides = array<i32>} : memref<80x128xi32, #tpu.memory_space<vmem>>, vector<1x16xi32>,
      %get3A_325 = vector.shape_cast %get3A_324 : vector<1x16xi32> to vector<16xi32>
      %and3A_326 = arith.constant 16383 : i32
      %and3A_327 = vector.broadcast %and3A_326 : i32 to vector<16xi32>
      %and3A_328 = arith.andi %get3A_325, %and3A_327 : vector<16xi32>
      %swap3A_329 = arith.constant 0 : i32
      %swap3A_330 = arith.index_cast %swap3A_329 : i32 to index
      %swap3A_331 = arith.constant 64 : index
      %swap3A_332 = tpu.vector_load %arg9[%swap3A_330, %swap3A_331] {strides = array<i32>} : memref<1x128xi32, #tpu.memory_space<vmem>>, vector<1x16xi32>,
      %swap3A_333 = vector.shape_cast %swap3A_332 : vector<1x16xi32> to vector<16xi32>
      %swap3A_334 = vector.shape_cast %and3A_328 : vector<16xi32> to vector<1x16xi32>
      tpu.vector_store %arg9[%swap3A_330, %swap3A_331], %swap3A_334 {strides = array<i32>} : memref<1x128xi32, #tpu.memory_space<vmem>>, vector<1x16xi32>,
      %get3A_335 = arith.index_cast %add3A_269 : i32 to index
      %get3A_336 = arith.constant 80 : index
      %get3A_337 = tpu.vector_load %arg6[%get3A_335, %get3A_336] {strides = array<i32>} : memref<80x128xi32, #tpu.memory_space<vmem>>, vector<1x16xi32>,
      %get3A_338 = vector.shape_cast %get3A_337 : vector<1x16xi32> to vector<16xi32>
      %and3A_339 = arith.constant 16383 : i32
      %and3A_340 = vector.broadcast %and3A_339 : i32 to vector<16xi32>
      %and3A_341 = arith.andi %get3A_338, %and3A_340 : vector<16xi32>
      %swap3A_342 = arith.constant 0 : i32
      %swap3A_343 = arith.index_cast %swap3A_342 : i32 to index
      %swap3A_344 = arith.constant 80 : index
      %swap3A_345 = tpu.vector_load %arg9[%swap3A_343, %swap3A_344] {strides = array<i32>} : memref<1x128xi32, #tpu.memory_space<vmem>>, vector<1x16xi32>,
      %swap3A_346 = vector.shape_cast %swap3A_345 : vector<1x16xi32> to vector<16xi32>
      %swap3A_347 = vector.shape_cast %and3A_341 : vector<16xi32> to vector<1x16xi32>
      tpu.vector_store %arg9[%swap3A_343, %swap3A_344], %swap3A_347 {strides = array<i32>} : memref<1x128xi32, #tpu.memory_space<vmem>>, vector<1x16xi32>,
      %get3A_348 = arith.index_cast %add3A_269 : i32 to index
      %get3A_349 = arith.constant 96 : index
      %get3A_350 = tpu.vector_load %arg6[%get3A_348, %get3A_349] {strides = array<i32>} : memref<80x128xi32, #tpu.memory_space<vmem>>, vector<1x16xi32>,
      %get3A_351 = vector.shape_cast %get3A_350 : vector<1x16xi32> to vector<16xi32>
      %and3A_352 = arith.constant 16383 : i32
      %and3A_353 = vector.broadcast %and3A_352 : i32 to vector<16xi32>
      %and3A_354 = arith.andi %get3A_351, %and3A_353 : vector<16xi32>
      %swap3A_355 = arith.constant 0 : i32
      %swap3A_356 = arith.index_cast %swap3A_355 : i32 to index
      %swap3A_357 = arith.constant 96 : index
      %swap3A_358 = tpu.vector_load %arg9[%swap3A_356, %swap3A_357] {strides = array<i32>} : memref<1x128xi32, #tpu.memory_space<vmem>>, vector<1x16xi32>,
      %swap3A_359 = vector.shape_cast %swap3A_358 : vector<1x16xi32> to vector<16xi32>
      %swap3A_360 = vector.shape_cast %and3A_354 : vector<16xi32> to vector<1x16xi32>
      tpu.vector_store %arg9[%swap3A_356, %swap3A_357], %swap3A_360 {strides = array<i32>} : memref<1x128xi32, #tpu.memory_space<vmem>>, vector<1x16xi32>,
      %get3A_361 = arith.index_cast %add3A_269 : i32 to index
      %get3A_362 = arith.constant 112 : index
      %get3A_363 = tpu.vector_load %arg6[%get3A_361, %get3A_362] {strides = array<i32>} : memref<80x128xi32, #tpu.memory_space<vmem>>, vector<1x16xi32>,
      %get3A_364 = vector.shape_cast %get3A_363 : vector<1x16xi32> to vector<16xi32>
      %and3A_365 = arith.constant 16383 : i32
      %and3A_366 = vector.broadcast %and3A_365 : i32 to vector<16xi32>
      %and3A_367 = arith.andi %get3A_364, %and3A_366 : vector<16xi32>
      %swap3A_368 = arith.constant 0 : i32
      %swap3A_369 = arith.index_cast %swap3A_368 : i32 to index
      %swap3A_370 = arith.constant 112 : index
      %swap3A_371 = tpu.vector_load %arg9[%swap3A_369, %swap3A_370] {strides = array<i32>} : memref<1x128xi32, #tpu.memory_space<vmem>>, vector<1x16xi32>,
      %swap3A_372 = vector.shape_cast %swap3A_371 : vector<1x16xi32> to vector<16xi32>
      %swap3A_373 = vector.shape_cast %and3A_367 : vector<16xi32> to vector<1x16xi32>
      tpu.vector_store %arg9[%swap3A_369, %swap3A_370], %swap3A_373 {strides = array<i32>} : memref<1x128xi32, #tpu.memory_space<vmem>>, vector<1x16xi32>,
      %gt3A = arith.constant 0 : i32
      %gt3A_374 = arith.cmpi sgt, %scan3A_265, %gt3A : i32
      %convert_element_type3A_375 = arith.extui %gt3A_374 : i1 to i32
      %cond3A_376 = arith.constant 0 : i32
      %cond3A_377 = arith.cmpi ne, %convert_element_type3A_375, %cond3A_376 : i32
      scf.if %cond3A_377 {
        %dma_wait3A_534 = arith.constant 0 : i32
        %dma_wait3A_535 = arith.constant 0 : i32
        %dma_wait3A_536 = tpu.memref_slice %arg10[%dma_wait3A_534, %dma_wait3A_535] : memref<1x128xi32, #tpu.memory_space<vmem>> -> memref<1x128xi32, #tpu.memory_space<vmem>>
        %dma_wait3A_537 = tpu.memref_squeeze %dma_wait3A_536 : memref<1x128xi32, #tpu.memory_space<vmem>> -> memref<128xi32, #tpu.memory_space<vmem>>
        %dma_wait3A_538 = arith.constant 0 : i32
        %dma_wait3A_539 = arith.constant 0 : i32
        %dma_wait3A_540 = tpu.memref_slice %arg13[%dma_wait3A_538, %dma_wait3A_539] : memref<10128x128xf32, #tpu.memory_space<vmem_shared>> -> memref<10128x128xf32, #tpu.memory_space<vmem_shared>>
        tpu.wait_indirect_dma semaphore(%arg17 : memref<!tpu.dma_semaphore, #tpu.memory_space<semaphore_mem>>) src(%arg12 : memref<128x128xf32, #tpu.memory_space<vmem>>) dst(%dma_wait3A_540 : memref<10128x128xf32, #tpu.memory_space<vmem_shared>>)
      } else {
      }
      %dma_start3A_378 = arith.constant 0 : i32
      %dma_start3A_379 = arith.constant 0 : i32
      %dma_start3A_380 = tpu.memref_slice %arg9[%dma_start3A_378, %dma_start3A_379] : memref<1x128xi32, #tpu.memory_space<vmem>> -> memref<1x128xi32, #tpu.memory_space<vmem>>
      %dma_start3A_381 = tpu.memref_squeeze %dma_start3A_380 : memref<1x128xi32, #tpu.memory_space<vmem>> -> memref<128xi32, #tpu.memory_space<vmem>>
      %dma_start3A_382 = arith.constant 0 : i32
      %dma_start3A_383 = arith.constant 0 : i32
      %dma_start3A_384 = tpu.memref_slice %arg2[%dma_start3A_382, %dma_start3A_383] : memref<10000x128xf32, #tpu.memory_space<hbm>> -> memref<10000x128xf32, #tpu.memory_space<hbm>>
      tpu.enqueue_indirect_dma source(%dma_start3A_384 : memref<10000x128xf32, #tpu.memory_space<hbm>>) target(%arg12 : memref<128x128xf32, #tpu.memory_space<vmem>>) offsets(%dma_start3A_381 : memref<128xi32, #tpu.memory_space<vmem>>) semaphore(%arg15 : memref<!tpu.dma_semaphore, #tpu.memory_space<semaphore_mem>>)
      %get3A_385 = arith.index_cast %add3A_269 : i32 to index
      %get3A_386 = arith.constant 0 : index
      %get3A_387 = tpu.vector_load %arg6[%get3A_385, %get3A_386] {strides = array<i32>} : memref<80x128xi32, #tpu.memory_space<vmem>>, vector<1x16xi32>,
      %get3A_388 = vector.shape_cast %get3A_387 : vector<1x16xi32> to vector<16xi32>
      %shift_right_logical3A_389 = arith.constant 14 : i32
      %shift_right_logical3A_390 = vector.broadcast %shift_right_logical3A_389 : i32 to vector<16xi32>
      %shift_right_logical3A_391 = arith.shrui %get3A_388, %shift_right_logical3A_390 : vector<16xi32>
      %swap3A_392 = arith.constant 0 : i32
      %swap3A_393 = arith.index_cast %swap3A_392 : i32 to index
      %swap3A_394 = arith.constant 0 : index
      %swap3A_395 = tpu.vector_load %arg10[%swap3A_393, %swap3A_394] {strides = array<i32>} : memref<1x128xi32, #tpu.memory_space<vmem>>, vector<1x16xi32>,
      %swap3A_396 = vector.shape_cast %swap3A_395 : vector<1x16xi32> to vector<16xi32>
      %swap3A_397 = vector.shape_cast %shift_right_logical3A_391 : vector<16xi32> to vector<1x16xi32>
      tpu.vector_store %arg10[%swap3A_393, %swap3A_394], %swap3A_397 {strides = array<i32>} : memref<1x128xi32, #tpu.memory_space<vmem>>, vector<1x16xi32>,
      %get3A_398 = arith.index_cast %add3A_269 : i32 to index
      %get3A_399 = arith.constant 16 : index
      %get3A_400 = tpu.vector_load %arg6[%get3A_398, %get3A_399] {strides = array<i32>} : memref<80x128xi32, #tpu.memory_space<vmem>>, vector<1x16xi32>,
      %get3A_401 = vector.shape_cast %get3A_400 : vector<1x16xi32> to vector<16xi32>
      %shift_right_logical3A_402 = arith.constant 14 : i32
      %shift_right_logical3A_403 = vector.broadcast %shift_right_logical3A_402 : i32 to vector<16xi32>
      %shift_right_logical3A_404 = arith.shrui %get3A_401, %shift_right_logical3A_403 : vector<16xi32>
      %swap3A_405 = arith.constant 0 : i32
      %swap3A_406 = arith.index_cast %swap3A_405 : i32 to index
      %swap3A_407 = arith.constant 16 : index
      %swap3A_408 = tpu.vector_load %arg10[%swap3A_406, %swap3A_407] {strides = array<i32>} : memref<1x128xi32, #tpu.memory_space<vmem>>, vector<1x16xi32>,
      %swap3A_409 = vector.shape_cast %swap3A_408 : vector<1x16xi32> to vector<16xi32>
      %swap3A_410 = vector.shape_cast %shift_right_logical3A_404 : vector<16xi32> to vector<1x16xi32>
      tpu.vector_store %arg10[%swap3A_406, %swap3A_407], %swap3A_410 {strides = array<i32>} : memref<1x128xi32, #tpu.memory_space<vmem>>, vector<1x16xi32>,
      %get3A_411 = arith.index_cast %add3A_269 : i32 to index
      %get3A_412 = arith.constant 32 : index
      %get3A_413 = tpu.vector_load %arg6[%get3A_411, %get3A_412] {strides = array<i32>} : memref<80x128xi32, #tpu.memory_space<vmem>>, vector<1x16xi32>,
      %get3A_414 = vector.shape_cast %get3A_413 : vector<1x16xi32> to vector<16xi32>
      %shift_right_logical3A_415 = arith.constant 14 : i32
      %shift_right_logical3A_416 = vector.broadcast %shift_right_logical3A_415 : i32 to vector<16xi32>
      %shift_right_logical3A_417 = arith.shrui %get3A_414, %shift_right_logical3A_416 : vector<16xi32>
      %swap3A_418 = arith.constant 0 : i32
      %swap3A_419 = arith.index_cast %swap3A_418 : i32 to index
      %swap3A_420 = arith.constant 32 : index
      %swap3A_421 = tpu.vector_load %arg10[%swap3A_419, %swap3A_420] {strides = array<i32>} : memref<1x128xi32, #tpu.memory_space<vmem>>, vector<1x16xi32>,
      %swap3A_422 = vector.shape_cast %swap3A_421 : vector<1x16xi32> to vector<16xi32>
      %swap3A_423 = vector.shape_cast %shift_right_logical3A_417 : vector<16xi32> to vector<1x16xi32>
      tpu.vector_store %arg10[%swap3A_419, %swap3A_420], %swap3A_423 {strides = array<i32>} : memref<1x128xi32, #tpu.memory_space<vmem>>, vector<1x16xi32>,
      %get3A_424 = arith.index_cast %add3A_269 : i32 to index
      %get3A_425 = arith.constant 48 : index
      %get3A_426 = tpu.vector_load %arg6[%get3A_424, %get3A_425] {strides = array<i32>} : memref<80x128xi32, #tpu.memory_space<vmem>>, vector<1x16xi32>,
      %get3A_427 = vector.shape_cast %get3A_426 : vector<1x16xi32> to vector<16xi32>
      %shift_right_logical3A_428 = arith.constant 14 : i32
      %shift_right_logical3A_429 = vector.broadcast %shift_right_logical3A_428 : i32 to vector<16xi32>
      %shift_right_logical3A_430 = arith.shrui %get3A_427, %shift_right_logical3A_429 : vector<16xi32>
      %swap3A_431 = arith.constant 0 : i32
      %swap3A_432 = arith.index_cast %swap3A_431 : i32 to index
      %swap3A_433 = arith.constant 48 : index
      %swap3A_434 = tpu.vector_load %arg10[%swap3A_432, %swap3A_433] {strides = array<i32>} : memref<1x128xi32, #tpu.memory_space<vmem>>, vector<1x16xi32>,
      %swap3A_435 = vector.shape_cast %swap3A_434 : vector<1x16xi32> to vector<16xi32>
      %swap3A_436 = vector.shape_cast %shift_right_logical3A_430 : vector<16xi32> to vector<1x16xi32>
      tpu.vector_store %arg10[%swap3A_432, %swap3A_433], %swap3A_436 {strides = array<i32>} : memref<1x128xi32, #tpu.memory_space<vmem>>, vector<1x16xi32>,
      %get3A_437 = arith.index_cast %add3A_269 : i32 to index
      %get3A_438 = arith.constant 64 : index
      %get3A_439 = tpu.vector_load %arg6[%get3A_437, %get3A_438] {strides = array<i32>} : memref<80x128xi32, #tpu.memory_space<vmem>>, vector<1x16xi32>,
      %get3A_440 = vector.shape_cast %get3A_439 : vector<1x16xi32> to vector<16xi32>
      %shift_right_logical3A_441 = arith.constant 14 : i32
      %shift_right_logical3A_442 = vector.broadcast %shift_right_logical3A_441 : i32 to vector<16xi32>
      %shift_right_logical3A_443 = arith.shrui %get3A_440, %shift_right_logical3A_442 : vector<16xi32>
      %swap3A_444 = arith.constant 0 : i32
      %swap3A_445 = arith.index_cast %swap3A_444 : i32 to index
      %swap3A_446 = arith.constant 64 : index
      %swap3A_447 = tpu.vector_load %arg10[%swap3A_445, %swap3A_446] {strides = array<i32>} : memref<1x128xi32, #tpu.memory_space<vmem>>, vector<1x16xi32>,
      %swap3A_448 = vector.shape_cast %swap3A_447 : vector<1x16xi32> to vector<16xi32>
      %swap3A_449 = vector.shape_cast %shift_right_logical3A_443 : vector<16xi32> to vector<1x16xi32>
      tpu.vector_store %arg10[%swap3A_445, %swap3A_446], %swap3A_449 {strides = array<i32>} : memref<1x128xi32, #tpu.memory_space<vmem>>, vector<1x16xi32>,
      %get3A_450 = arith.index_cast %add3A_269 : i32 to index
      %get3A_451 = arith.constant 80 : index
      %get3A_452 = tpu.vector_load %arg6[%get3A_450, %get3A_451] {strides = array<i32>} : memref<80x128xi32, #tpu.memory_space<vmem>>, vector<1x16xi32>,
      %get3A_453 = vector.shape_cast %get3A_452 : vector<1x16xi32> to vector<16xi32>
      %shift_right_logical3A_454 = arith.constant 14 : i32
      %shift_right_logical3A_455 = vector.broadcast %shift_right_logical3A_454 : i32 to vector<16xi32>
      %shift_right_logical3A_456 = arith.shrui %get3A_453, %shift_right_logical3A_455 : vector<16xi32>
      %swap3A_457 = arith.constant 0 : i32
      %swap3A_458 = arith.index_cast %swap3A_457 : i32 to index
      %swap3A_459 = arith.constant 80 : index
      %swap3A_460 = tpu.vector_load %arg10[%swap3A_458, %swap3A_459] {strides = array<i32>} : memref<1x128xi32, #tpu.memory_space<vmem>>, vector<1x16xi32>,
      %swap3A_461 = vector.shape_cast %swap3A_460 : vector<1x16xi32> to vector<16xi32>
      %swap3A_462 = vector.shape_cast %shift_right_logical3A_456 : vector<16xi32> to vector<1x16xi32>
      tpu.vector_store %arg10[%swap3A_458, %swap3A_459], %swap3A_462 {strides = array<i32>} : memref<1x128xi32, #tpu.memory_space<vmem>>, vector<1x16xi32>,
      %get3A_463 = arith.index_cast %add3A_269 : i32 to index
      %get3A_464 = arith.constant 96 : index
      %get3A_465 = tpu.vector_load %arg6[%get3A_463, %get3A_464] {strides = array<i32>} : memref<80x128xi32, #tpu.memory_space<vmem>>, vector<1x16xi32>,
      %get3A_466 = vector.shape_cast %get3A_465 : vector<1x16xi32> to vector<16xi32>
      %shift_right_logical3A_467 = arith.constant 14 : i32
      %shift_right_logical3A_468 = vector.broadcast %shift_right_logical3A_467 : i32 to vector<16xi32>
      %shift_right_logical3A_469 = arith.shrui %get3A_466, %shift_right_logical3A_468 : vector<16xi32>
      %swap3A_470 = arith.constant 0 : i32
      %swap3A_471 = arith.index_cast %swap3A_470 : i32 to index
      %swap3A_472 = arith.constant 96 : index
      %swap3A_473 = tpu.vector_load %arg10[%swap3A_471, %swap3A_472] {strides = array<i32>} : memref<1x128xi32, #tpu.memory_space<vmem>>, vector<1x16xi32>,
      %swap3A_474 = vector.shape_cast %swap3A_473 : vector<1x16xi32> to vector<16xi32>
      %swap3A_475 = vector.shape_cast %shift_right_logical3A_469 : vector<16xi32> to vector<1x16xi32>
      tpu.vector_store %arg10[%swap3A_471, %swap3A_472], %swap3A_475 {strides = array<i32>} : memref<1x128xi32, #tpu.memory_space<vmem>>, vector<1x16xi32>,
      %get3A_476 = arith.index_cast %add3A_269 : i32 to index
      %get3A_477 = arith.constant 112 : index
      %get3A_478 = tpu.vector_load %arg6[%get3A_476, %get3A_477] {strides = array<i32>} : memref<80x128xi32, #tpu.memory_space<vmem>>, vector<1x16xi32>,
      %get3A_479 = vector.shape_cast %get3A_478 : vector<1x16xi32> to vector<16xi32>
      %shift_right_logical3A_480 = arith.constant 14 : i32
      %shift_right_logical3A_481 = vector.broadcast %shift_right_logical3A_480 : i32 to vector<16xi32>
      %shift_right_logical3A_482 = arith.shrui %get3A_479, %shift_right_logical3A_481 : vector<16xi32>
      %swap3A_483 = arith.constant 0 : i32
      %swap3A_484 = arith.index_cast %swap3A_483 : i32 to index
      %swap3A_485 = arith.constant 112 : index
      %swap3A_486 = tpu.vector_load %arg10[%swap3A_484, %swap3A_485] {strides = array<i32>} : memref<1x128xi32, #tpu.memory_space<vmem>>, vector<1x16xi32>,
      %swap3A_487 = vector.shape_cast %swap3A_486 : vector<1x16xi32> to vector<16xi32>
      %swap3A_488 = vector.shape_cast %shift_right_logical3A_482 : vector<16xi32> to vector<1x16xi32>
      tpu.vector_store %arg10[%swap3A_484, %swap3A_485], %swap3A_488 {strides = array<i32>} : memref<1x128xi32, #tpu.memory_space<vmem>>, vector<1x16xi32>,
      %dma_wait3A_489 = arith.constant 0 : i32
      %dma_wait3A_490 = arith.constant 0 : i32
      %dma_wait3A_491 = tpu.memref_slice %arg7[%dma_wait3A_489, %dma_wait3A_490] : memref<1x128xi32, #tpu.memory_space<vmem>> -> memref<1x128xi32, #tpu.memory_space<vmem>>
      %dma_wait3A_492 = tpu.memref_squeeze %dma_wait3A_491 : memref<1x128xi32, #tpu.memory_space<vmem>> -> memref<128xi32, #tpu.memory_space<vmem>>
      %dma_wait3A_493 = arith.constant 0 : i32
      %dma_wait3A_494 = arith.constant 0 : i32
      %dma_wait3A_495 = tpu.memref_slice %arg2[%dma_wait3A_493, %dma_wait3A_494] : memref<10000x128xf32, #tpu.memory_space<hbm>> -> memref<10000x128xf32, #tpu.memory_space<hbm>>
      tpu.wait_indirect_dma semaphore(%arg14 : memref<!tpu.dma_semaphore, #tpu.memory_space<semaphore_mem>>) src(%dma_wait3A_495 : memref<10000x128xf32, #tpu.memory_space<hbm>>) dst(%arg11 : memref<128x128xf32, #tpu.memory_space<vmem>>)
      %dma_start3A_496 = arith.constant 0 : i32
      %dma_start3A_497 = arith.constant 0 : i32
      %dma_start3A_498 = tpu.memref_slice %arg8[%dma_start3A_496, %dma_start3A_497] : memref<1x128xi32, #tpu.memory_space<vmem>> -> memref<1x128xi32, #tpu.memory_space<vmem>>
      %dma_start3A_499 = tpu.memref_squeeze %dma_start3A_498 : memref<1x128xi32, #tpu.memory_space<vmem>> -> memref<128xi32, #tpu.memory_space<vmem>>
      %dma_start3A_500 = arith.constant 0 : i32
      %dma_start3A_501 = arith.constant 0 : i32
      %dma_start3A_502 = tpu.memref_slice %arg13[%dma_start3A_500, %dma_start3A_501] : memref<10128x128xf32, #tpu.memory_space<vmem_shared>> -> memref<10128x128xf32, #tpu.memory_space<vmem_shared>>
      tpu.enqueue_indirect_dma source(%arg11 : memref<128x128xf32, #tpu.memory_space<vmem>>) target(%dma_start3A_502 : memref<10128x128xf32, #tpu.memory_space<vmem_shared>>) offsets(%dma_start3A_499 : memref<128xi32, #tpu.memory_space<vmem>>) semaphore(%arg16 : memref<!tpu.dma_semaphore, #tpu.memory_space<semaphore_mem>>) {add = true}
      %lt3A_503 = arith.constant 39 : i32
      %lt3A_504 = arith.cmpi slt, %scan3A_265, %lt3A_503 : i32
      %convert_element_type3A_505 = arith.extui %lt3A_504 : i1 to i32
      %cond3A_506 = arith.constant 0 : i32
      %cond3A_507 = arith.cmpi ne, %convert_element_type3A_505, %cond3A_506 : i32
      scf.if %cond3A_507 {
        %add3A_534 = arith.constant 2 : i32
        %add3A_535 = arith.addi %mul3A_267, %add3A_534 : i32
        %get3A_536 = arith.index_cast %add3A_535 : i32 to index
        %get3A_537 = arith.constant 0 : index
        %get3A_538 = tpu.vector_load %arg6[%get3A_536, %get3A_537] {strides = array<i32>} : memref<80x128xi32, #tpu.memory_space<vmem>>, vector<1x16xi32>,
        %get3A_539 = vector.shape_cast %get3A_538 : vector<1x16xi32> to vector<16xi32>
        %and3A_540 = arith.constant 16383 : i32
        %and3A_541 = vector.broadcast %and3A_540 : i32 to vector<16xi32>
        %and3A_542 = arith.andi %get3A_539, %and3A_541 : vector<16xi32>
        %swap3A_543 = arith.constant 0 : i32
        %swap3A_544 = arith.index_cast %swap3A_543 : i32 to index
        %swap3A_545 = arith.constant 0 : index
        %swap3A_546 = tpu.vector_load %arg7[%swap3A_544, %swap3A_545] {strides = array<i32>} : memref<1x128xi32, #tpu.memory_space<vmem>>, vector<1x16xi32>,
        %swap3A_547 = vector.shape_cast %swap3A_546 : vector<1x16xi32> to vector<16xi32>
        %swap3A_548 = vector.shape_cast %and3A_542 : vector<16xi32> to vector<1x16xi32>
        tpu.vector_store %arg7[%swap3A_544, %swap3A_545], %swap3A_548 {strides = array<i32>} : memref<1x128xi32, #tpu.memory_space<vmem>>, vector<1x16xi32>,
        %get3A_549 = arith.index_cast %add3A_535 : i32 to index
        %get3A_550 = arith.constant 16 : index
        %get3A_551 = tpu.vector_load %arg6[%get3A_549, %get3A_550] {strides = array<i32>} : memref<80x128xi32, #tpu.memory_space<vmem>>, vector<1x16xi32>,
        %get3A_552 = vector.shape_cast %get3A_551 : vector<1x16xi32> to vector<16xi32>
        %and3A_553 = arith.constant 16383 : i32
        %and3A_554 = vector.broadcast %and3A_553 : i32 to vector<16xi32>
        %and3A_555 = arith.andi %get3A_552, %and3A_554 : vector<16xi32>
        %swap3A_556 = arith.constant 0 : i32
        %swap3A_557 = arith.index_cast %swap3A_556 : i32 to index
        %swap3A_558 = arith.constant 16 : index
        %swap3A_559 = tpu.vector_load %arg7[%swap3A_557, %swap3A_558] {strides = array<i32>} : memref<1x128xi32, #tpu.memory_space<vmem>>, vector<1x16xi32>,
        %swap3A_560 = vector.shape_cast %swap3A_559 : vector<1x16xi32> to vector<16xi32>
        %swap3A_561 = vector.shape_cast %and3A_555 : vector<16xi32> to vector<1x16xi32>
        tpu.vector_store %arg7[%swap3A_557, %swap3A_558], %swap3A_561 {strides = array<i32>} : memref<1x128xi32, #tpu.memory_space<vmem>>, vector<1x16xi32>,
        %get3A_562 = arith.index_cast %add3A_535 : i32 to index
        %get3A_563 = arith.constant 32 : index
        %get3A_564 = tpu.vector_load %arg6[%get3A_562, %get3A_563] {strides = array<i32>} : memref<80x128xi32, #tpu.memory_space<vmem>>, vector<1x16xi32>,
        %get3A_565 = vector.shape_cast %get3A_564 : vector<1x16xi32> to vector<16xi32>
        %and3A_566 = arith.constant 16383 : i32
        %and3A_567 = vector.broadcast %and3A_566 : i32 to vector<16xi32>
        %and3A_568 = arith.andi %get3A_565, %and3A_567 : vector<16xi32>
        %swap3A_569 = arith.constant 0 : i32
        %swap3A_570 = arith.index_cast %swap3A_569 : i32 to index
        %swap3A_571 = arith.constant 32 : index
        %swap3A_572 = tpu.vector_load %arg7[%swap3A_570, %swap3A_571] {strides = array<i32>} : memref<1x128xi32, #tpu.memory_space<vmem>>, vector<1x16xi32>,
        %swap3A_573 = vector.shape_cast %swap3A_572 : vector<1x16xi32> to vector<16xi32>
        %swap3A_574 = vector.shape_cast %and3A_568 : vector<16xi32> to vector<1x16xi32>
        tpu.vector_store %arg7[%swap3A_570, %swap3A_571], %swap3A_574 {strides = array<i32>} : memref<1x128xi32, #tpu.memory_space<vmem>>, vector<1x16xi32>,
        %get3A_575 = arith.index_cast %add3A_535 : i32 to index
        %get3A_576 = arith.constant 48 : index
        %get3A_577 = tpu.vector_load %arg6[%get3A_575, %get3A_576] {strides = array<i32>} : memref<80x128xi32, #tpu.memory_space<vmem>>, vector<1x16xi32>,
        %get3A_578 = vector.shape_cast %get3A_577 : vector<1x16xi32> to vector<16xi32>
        %and3A_579 = arith.constant 16383 : i32
        %and3A_580 = vector.broadcast %and3A_579 : i32 to vector<16xi32>
        %and3A_581 = arith.andi %get3A_578, %and3A_580 : vector<16xi32>
        %swap3A_582 = arith.constant 0 : i32
        %swap3A_583 = arith.index_cast %swap3A_582 : i32 to index
        %swap3A_584 = arith.constant 48 : index
        %swap3A_585 = tpu.vector_load %arg7[%swap3A_583, %swap3A_584] {strides = array<i32>} : memref<1x128xi32, #tpu.memory_space<vmem>>, vector<1x16xi32>,
        %swap3A_586 = vector.shape_cast %swap3A_585 : vector<1x16xi32> to vector<16xi32>
        %swap3A_587 = vector.shape_cast %and3A_581 : vector<16xi32> to vector<1x16xi32>
        tpu.vector_store %arg7[%swap3A_583, %swap3A_584], %swap3A_587 {strides = array<i32>} : memref<1x128xi32, #tpu.memory_space<vmem>>, vector<1x16xi32>,
        %get3A_588 = arith.index_cast %add3A_535 : i32 to index
        %get3A_589 = arith.constant 64 : index
        %get3A_590 = tpu.vector_load %arg6[%get3A_588, %get3A_589] {strides = array<i32>} : memref<80x128xi32, #tpu.memory_space<vmem>>, vector<1x16xi32>,
        %get3A_591 = vector.shape_cast %get3A_590 : vector<1x16xi32> to vector<16xi32>
        %and3A_592 = arith.constant 16383 : i32
        %and3A_593 = vector.broadcast %and3A_592 : i32 to vector<16xi32>
        %and3A_594 = arith.andi %get3A_591, %and3A_593 : vector<16xi32>
        %swap3A_595 = arith.constant 0 : i32
        %swap3A_596 = arith.index_cast %swap3A_595 : i32 to index
        %swap3A_597 = arith.constant 64 : index
        %swap3A_598 = tpu.vector_load %arg7[%swap3A_596, %swap3A_597] {strides = array<i32>} : memref<1x128xi32, #tpu.memory_space<vmem>>, vector<1x16xi32>,
        %swap3A_599 = vector.shape_cast %swap3A_598 : vector<1x16xi32> to vector<16xi32>
        %swap3A_600 = vector.shape_cast %and3A_594 : vector<16xi32> to vector<1x16xi32>
        tpu.vector_store %arg7[%swap3A_596, %swap3A_597], %swap3A_600 {strides = array<i32>} : memref<1x128xi32, #tpu.memory_space<vmem>>, vector<1x16xi32>,
        %get3A_601 = arith.index_cast %add3A_535 : i32 to index
        %get3A_602 = arith.constant 80 : index
        %get3A_603 = tpu.vector_load %arg6[%get3A_601, %get3A_602] {strides = array<i32>} : memref<80x128xi32, #tpu.memory_space<vmem>>, vector<1x16xi32>,
        %get3A_604 = vector.shape_cast %get3A_603 : vector<1x16xi32> to vector<16xi32>
        %and3A_605 = arith.constant 16383 : i32
        %and3A_606 = vector.broadcast %and3A_605 : i32 to vector<16xi32>
        %and3A_607 = arith.andi %get3A_604, %and3A_606 : vector<16xi32>
        %swap3A_608 = arith.constant 0 : i32
        %swap3A_609 = arith.index_cast %swap3A_608 : i32 to index
        %swap3A_610 = arith.constant 80 : index
        %swap3A_611 = tpu.vector_load %arg7[%swap3A_609, %swap3A_610] {strides = array<i32>} : memref<1x128xi32, #tpu.memory_space<vmem>>, vector<1x16xi32>,
        %swap3A_612 = vector.shape_cast %swap3A_611 : vector<1x16xi32> to vector<16xi32>
        %swap3A_613 = vector.shape_cast %and3A_607 : vector<16xi32> to vector<1x16xi32>
        tpu.vector_store %arg7[%swap3A_609, %swap3A_610], %swap3A_613 {strides = array<i32>} : memref<1x128xi32, #tpu.memory_space<vmem>>, vector<1x16xi32>,
        %get3A_614 = arith.index_cast %add3A_535 : i32 to index
        %get3A_615 = arith.constant 96 : index
        %get3A_616 = tpu.vector_load %arg6[%get3A_614, %get3A_615] {strides = array<i32>} : memref<80x128xi32, #tpu.memory_space<vmem>>, vector<1x16xi32>,
        %get3A_617 = vector.shape_cast %get3A_616 : vector<1x16xi32> to vector<16xi32>
        %and3A_618 = arith.constant 16383 : i32
        %and3A_619 = vector.broadcast %and3A_618 : i32 to vector<16xi32>
        %and3A_620 = arith.andi %get3A_617, %and3A_619 : vector<16xi32>
        %swap3A_621 = arith.constant 0 : i32
        %swap3A_622 = arith.index_cast %swap3A_621 : i32 to index
        %swap3A_623 = arith.constant 96 : index
        %swap3A_624 = tpu.vector_load %arg7[%swap3A_622, %swap3A_623] {strides = array<i32>} : memref<1x128xi32, #tpu.memory_space<vmem>>, vector<1x16xi32>,
        %swap3A_625 = vector.shape_cast %swap3A_624 : vector<1x16xi32> to vector<16xi32>
        %swap3A_626 = vector.shape_cast %and3A_620 : vector<16xi32> to vector<1x16xi32>
        tpu.vector_store %arg7[%swap3A_622, %swap3A_623], %swap3A_626 {strides = array<i32>} : memref<1x128xi32, #tpu.memory_space<vmem>>, vector<1x16xi32>,
        %get3A_627 = arith.index_cast %add3A_535 : i32 to index
        %get3A_628 = arith.constant 112 : index
        %get3A_629 = tpu.vector_load %arg6[%get3A_627, %get3A_628] {strides = array<i32>} : memref<80x128xi32, #tpu.memory_space<vmem>>, vector<1x16xi32>,
        %get3A_630 = vector.shape_cast %get3A_629 : vector<1x16xi32> to vector<16xi32>
        %and3A_631 = arith.constant 16383 : i32
        %and3A_632 = vector.broadcast %and3A_631 : i32 to vector<16xi32>
        %and3A_633 = arith.andi %get3A_630, %and3A_632 : vector<16xi32>
        %swap3A_634 = arith.constant 0 : i32
        %swap3A_635 = arith.index_cast %swap3A_634 : i32 to index
        %swap3A_636 = arith.constant 112 : index
        %swap3A_637 = tpu.vector_load %arg7[%swap3A_635, %swap3A_636] {strides = array<i32>} : memref<1x128xi32, #tpu.memory_space<vmem>>, vector<1x16xi32>,
        %swap3A_638 = vector.shape_cast %swap3A_637 : vector<1x16xi32> to vector<16xi32>
        %swap3A_639 = vector.shape_cast %and3A_633 : vector<16xi32> to vector<1x16xi32>
        tpu.vector_store %arg7[%swap3A_635, %swap3A_636], %swap3A_639 {strides = array<i32>} : memref<1x128xi32, #tpu.memory_space<vmem>>, vector<1x16xi32>,
      } else {
      }
      %dma_wait3A_508 = arith.constant 0 : i32
      %dma_wait3A_509 = arith.constant 0 : i32
      %dma_wait3A_510 = tpu.memref_slice %arg8[%dma_wait3A_508, %dma_wait3A_509] : memref<1x128xi32, #tpu.memory_space<vmem>> -> memref<1x128xi32, #tpu.memory_space<vmem>>
      %dma_wait3A_511 = tpu.memref_squeeze %dma_wait3A_510 : memref<1x128xi32, #tpu.memory_space<vmem>> -> memref<128xi32, #tpu.memory_space<vmem>>
      %dma_wait3A_512 = arith.constant 0 : i32
      %dma_wait3A_513 = arith.constant 0 : i32
      %dma_wait3A_514 = tpu.memref_slice %arg13[%dma_wait3A_512, %dma_wait3A_513] : memref<10128x128xf32, #tpu.memory_space<vmem_shared>> -> memref<10128x128xf32, #tpu.memory_space<vmem_shared>>
      tpu.wait_indirect_dma semaphore(%arg16 : memref<!tpu.dma_semaphore, #tpu.memory_space<semaphore_mem>>) src(%arg11 : memref<128x128xf32, #tpu.memory_space<vmem>>) dst(%dma_wait3A_514 : memref<10128x128xf32, #tpu.memory_space<vmem_shared>>)
      %lt3A_515 = arith.constant 39 : i32
      %lt3A_516 = arith.cmpi slt, %scan3A_265, %lt3A_515 : i32
      %convert_element_type3A_517 = arith.extui %lt3A_516 : i1 to i32
      %cond3A_518 = arith.constant 0 : i32
      %cond3A_519 = arith.cmpi ne, %convert_element_type3A_517, %cond3A_518 : i32
      scf.if %cond3A_519 {
        %dma_start3A_534 = arith.constant 0 : i32
        %dma_start3A_535 = arith.constant 0 : i32
        %dma_start3A_536 = tpu.memref_slice %arg7[%dma_start3A_534, %dma_start3A_535] : memref<1x128xi32, #tpu.memory_space<vmem>> -> memref<1x128xi32, #tpu.memory_space<vmem>>
        %dma_start3A_537 = tpu.memref_squeeze %dma_start3A_536 : memref<1x128xi32, #tpu.memory_space<vmem>> -> memref<128xi32, #tpu.memory_space<vmem>>
        %dma_start3A_538 = arith.constant 0 : i32
        %dma_start3A_539 = arith.constant 0 : i32
        %dma_start3A_540 = tpu.memref_slice %arg2[%dma_start3A_538, %dma_start3A_539] : memref<10000x128xf32, #tpu.memory_space<hbm>> -> memref<10000x128xf32, #tpu.memory_space<hbm>>
        tpu.enqueue_indirect_dma source(%dma_start3A_540 : memref<10000x128xf32, #tpu.memory_space<hbm>>) target(%arg11 : memref<128x128xf32, #tpu.memory_space<vmem>>) offsets(%dma_start3A_537 : memref<128xi32, #tpu.memory_space<vmem>>) semaphore(%arg14 : memref<!tpu.dma_semaphore, #tpu.memory_space<semaphore_mem>>)
        %add3A_541 = arith.constant 2 : i32
        %add3A_542 = arith.addi %mul3A_267, %add3A_541 : i32
        %get3A_543 = arith.index_cast %add3A_542 : i32 to index
        %get3A_544 = arith.constant 0 : index
        %get3A_545 = tpu.vector_load %arg6[%get3A_543, %get3A_544] {strides = array<i32>} : memref<80x128xi32, #tpu.memory_space<vmem>>, vector<1x16xi32>,
        %get3A_546 = vector.shape_cast %get3A_545 : vector<1x16xi32> to vector<16xi32>
        %shift_right_logical3A_547 = arith.constant 14 : i32
        %shift_right_logical3A_548 = vector.broadcast %shift_right_logical3A_547 : i32 to vector<16xi32>
        %shift_right_logical3A_549 = arith.shrui %get3A_546, %shift_right_logical3A_548 : vector<16xi32>
        %swap3A_550 = arith.constant 0 : i32
        %swap3A_551 = arith.index_cast %swap3A_550 : i32 to index
        %swap3A_552 = arith.constant 0 : index
        %swap3A_553 = tpu.vector_load %arg8[%swap3A_551, %swap3A_552] {strides = array<i32>} : memref<1x128xi32, #tpu.memory_space<vmem>>, vector<1x16xi32>,
        %swap3A_554 = vector.shape_cast %swap3A_553 : vector<1x16xi32> to vector<16xi32>
        %swap3A_555 = vector.shape_cast %shift_right_logical3A_549 : vector<16xi32> to vector<1x16xi32>
        tpu.vector_store %arg8[%swap3A_551, %swap3A_552], %swap3A_555 {strides = array<i32>} : memref<1x128xi32, #tpu.memory_space<vmem>>, vector<1x16xi32>,
        %get3A_556 = arith.index_cast %add3A_542 : i32 to index
        %get3A_557 = arith.constant 16 : index
        %get3A_558 = tpu.vector_load %arg6[%get3A_556, %get3A_557] {strides = array<i32>} : memref<80x128xi32, #tpu.memory_space<vmem>>, vector<1x16xi32>,
        %get3A_559 = vector.shape_cast %get3A_558 : vector<1x16xi32> to vector<16xi32>
        %shift_right_logical3A_560 = arith.constant 14 : i32
        %shift_right_logical3A_561 = vector.broadcast %shift_right_logical3A_560 : i32 to vector<16xi32>
        %shift_right_logical3A_562 = arith.shrui %get3A_559, %shift_right_logical3A_561 : vector<16xi32>
        %swap3A_563 = arith.constant 0 : i32
        %swap3A_564 = arith.index_cast %swap3A_563 : i32 to index
        %swap3A_565 = arith.constant 16 : index
        %swap3A_566 = tpu.vector_load %arg8[%swap3A_564, %swap3A_565] {strides = array<i32>} : memref<1x128xi32, #tpu.memory_space<vmem>>, vector<1x16xi32>,
        %swap3A_567 = vector.shape_cast %swap3A_566 : vector<1x16xi32> to vector<16xi32>
        %swap3A_568 = vector.shape_cast %shift_right_logical3A_562 : vector<16xi32> to vector<1x16xi32>
        tpu.vector_store %arg8[%swap3A_564, %swap3A_565], %swap3A_568 {strides = array<i32>} : memref<1x128xi32, #tpu.memory_space<vmem>>, vector<1x16xi32>,
        %get3A_569 = arith.index_cast %add3A_542 : i32 to index
        %get3A_570 = arith.constant 32 : index
        %get3A_571 = tpu.vector_load %arg6[%get3A_569, %get3A_570] {strides = array<i32>} : memref<80x128xi32, #tpu.memory_space<vmem>>, vector<1x16xi32>,
        %get3A_572 = vector.shape_cast %get3A_571 : vector<1x16xi32> to vector<16xi32>
        %shift_right_logical3A_573 = arith.constant 14 : i32
        %shift_right_logical3A_574 = vector.broadcast %shift_right_logical3A_573 : i32 to vector<16xi32>
        %shift_right_logical3A_575 = arith.shrui %get3A_572, %shift_right_logical3A_574 : vector<16xi32>
        %swap3A_576 = arith.constant 0 : i32
        %swap3A_577 = arith.index_cast %swap3A_576 : i32 to index
        %swap3A_578 = arith.constant 32 : index
        %swap3A_579 = tpu.vector_load %arg8[%swap3A_577, %swap3A_578] {strides = array<i32>} : memref<1x128xi32, #tpu.memory_space<vmem>>, vector<1x16xi32>,
        %swap3A_580 = vector.shape_cast %swap3A_579 : vector<1x16xi32> to vector<16xi32>
        %swap3A_581 = vector.shape_cast %shift_right_logical3A_575 : vector<16xi32> to vector<1x16xi32>
        tpu.vector_store %arg8[%swap3A_577, %swap3A_578], %swap3A_581 {strides = array<i32>} : memref<1x128xi32, #tpu.memory_space<vmem>>, vector<1x16xi32>,
        %get3A_582 = arith.index_cast %add3A_542 : i32 to index
        %get3A_583 = arith.constant 48 : index
        %get3A_584 = tpu.vector_load %arg6[%get3A_582, %get3A_583] {strides = array<i32>} : memref<80x128xi32, #tpu.memory_space<vmem>>, vector<1x16xi32>,
        %get3A_585 = vector.shape_cast %get3A_584 : vector<1x16xi32> to vector<16xi32>
        %shift_right_logical3A_586 = arith.constant 14 : i32
        %shift_right_logical3A_587 = vector.broadcast %shift_right_logical3A_586 : i32 to vector<16xi32>
        %shift_right_logical3A_588 = arith.shrui %get3A_585, %shift_right_logical3A_587 : vector<16xi32>
        %swap3A_589 = arith.constant 0 : i32
        %swap3A_590 = arith.index_cast %swap3A_589 : i32 to index
        %swap3A_591 = arith.constant 48 : index
        %swap3A_592 = tpu.vector_load %arg8[%swap3A_590, %swap3A_591] {strides = array<i32>} : memref<1x128xi32, #tpu.memory_space<vmem>>, vector<1x16xi32>,
        %swap3A_593 = vector.shape_cast %swap3A_592 : vector<1x16xi32> to vector<16xi32>
        %swap3A_594 = vector.shape_cast %shift_right_logical3A_588 : vector<16xi32> to vector<1x16xi32>
        tpu.vector_store %arg8[%swap3A_590, %swap3A_591], %swap3A_594 {strides = array<i32>} : memref<1x128xi32, #tpu.memory_space<vmem>>, vector<1x16xi32>,
        %get3A_595 = arith.index_cast %add3A_542 : i32 to index
        %get3A_596 = arith.constant 64 : index
        %get3A_597 = tpu.vector_load %arg6[%get3A_595, %get3A_596] {strides = array<i32>} : memref<80x128xi32, #tpu.memory_space<vmem>>, vector<1x16xi32>,
        %get3A_598 = vector.shape_cast %get3A_597 : vector<1x16xi32> to vector<16xi32>
        %shift_right_logical3A_599 = arith.constant 14 : i32
        %shift_right_logical3A_600 = vector.broadcast %shift_right_logical3A_599 : i32 to vector<16xi32>
        %shift_right_logical3A_601 = arith.shrui %get3A_598, %shift_right_logical3A_600 : vector<16xi32>
        %swap3A_602 = arith.constant 0 : i32
        %swap3A_603 = arith.index_cast %swap3A_602 : i32 to index
        %swap3A_604 = arith.constant 64 : index
        %swap3A_605 = tpu.vector_load %arg8[%swap3A_603, %swap3A_604] {strides = array<i32>} : memref<1x128xi32, #tpu.memory_space<vmem>>, vector<1x16xi32>,
        %swap3A_606 = vector.shape_cast %swap3A_605 : vector<1x16xi32> to vector<16xi32>
        %swap3A_607 = vector.shape_cast %shift_right_logical3A_601 : vector<16xi32> to vector<1x16xi32>
        tpu.vector_store %arg8[%swap3A_603, %swap3A_604], %swap3A_607 {strides = array<i32>} : memref<1x128xi32, #tpu.memory_space<vmem>>, vector<1x16xi32>,
        %get3A_608 = arith.index_cast %add3A_542 : i32 to index
        %get3A_609 = arith.constant 80 : index
        %get3A_610 = tpu.vector_load %arg6[%get3A_608, %get3A_609] {strides = array<i32>} : memref<80x128xi32, #tpu.memory_space<vmem>>, vector<1x16xi32>,
        %get3A_611 = vector.shape_cast %get3A_610 : vector<1x16xi32> to vector<16xi32>
        %shift_right_logical3A_612 = arith.constant 14 : i32
        %shift_right_logical3A_613 = vector.broadcast %shift_right_logical3A_612 : i32 to vector<16xi32>
        %shift_right_logical3A_614 = arith.shrui %get3A_611, %shift_right_logical3A_613 : vector<16xi32>
        %swap3A_615 = arith.constant 0 : i32
        %swap3A_616 = arith.index_cast %swap3A_615 : i32 to index
        %swap3A_617 = arith.constant 80 : index
        %swap3A_618 = tpu.vector_load %arg8[%swap3A_616, %swap3A_617] {strides = array<i32>} : memref<1x128xi32, #tpu.memory_space<vmem>>, vector<1x16xi32>,
        %swap3A_619 = vector.shape_cast %swap3A_618 : vector<1x16xi32> to vector<16xi32>
        %swap3A_620 = vector.shape_cast %shift_right_logical3A_614 : vector<16xi32> to vector<1x16xi32>
        tpu.vector_store %arg8[%swap3A_616, %swap3A_617], %swap3A_620 {strides = array<i32>} : memref<1x128xi32, #tpu.memory_space<vmem>>, vector<1x16xi32>,
        %get3A_621 = arith.index_cast %add3A_542 : i32 to index
        %get3A_622 = arith.constant 96 : index
        %get3A_623 = tpu.vector_load %arg6[%get3A_621, %get3A_622] {strides = array<i32>} : memref<80x128xi32, #tpu.memory_space<vmem>>, vector<1x16xi32>,
        %get3A_624 = vector.shape_cast %get3A_623 : vector<1x16xi32> to vector<16xi32>
        %shift_right_logical3A_625 = arith.constant 14 : i32
        %shift_right_logical3A_626 = vector.broadcast %shift_right_logical3A_625 : i32 to vector<16xi32>
        %shift_right_logical3A_627 = arith.shrui %get3A_624, %shift_right_logical3A_626 : vector<16xi32>
        %swap3A_628 = arith.constant 0 : i32
        %swap3A_629 = arith.index_cast %swap3A_628 : i32 to index
        %swap3A_630 = arith.constant 96 : index
        %swap3A_631 = tpu.vector_load %arg8[%swap3A_629, %swap3A_630] {strides = array<i32>} : memref<1x128xi32, #tpu.memory_space<vmem>>, vector<1x16xi32>,
        %swap3A_632 = vector.shape_cast %swap3A_631 : vector<1x16xi32> to vector<16xi32>
        %swap3A_633 = vector.shape_cast %shift_right_logical3A_627 : vector<16xi32> to vector<1x16xi32>
        tpu.vector_store %arg8[%swap3A_629, %swap3A_630], %swap3A_633 {strides = array<i32>} : memref<1x128xi32, #tpu.memory_space<vmem>>, vector<1x16xi32>,
        %get3A_634 = arith.index_cast %add3A_542 : i32 to index
        %get3A_635 = arith.constant 112 : index
        %get3A_636 = tpu.vector_load %arg6[%get3A_634, %get3A_635] {strides = array<i32>} : memref<80x128xi32, #tpu.memory_space<vmem>>, vector<1x16xi32>,
        %get3A_637 = vector.shape_cast %get3A_636 : vector<1x16xi32> to vector<16xi32>
        %shift_right_logical3A_638 = arith.constant 14 : i32
        %shift_right_logical3A_639 = vector.broadcast %shift_right_logical3A_638 : i32 to vector<16xi32>
        %shift_right_logical3A_640 = arith.shrui %get3A_637, %shift_right_logical3A_639 : vector<16xi32>
        %swap3A_641 = arith.constant 0 : i32
        %swap3A_642 = arith.index_cast %swap3A_641 : i32 to index
        %swap3A_643 = arith.constant 112 : index
        %swap3A_644 = tpu.vector_load %arg8[%swap3A_642, %swap3A_643] {strides = array<i32>} : memref<1x128xi32, #tpu.memory_space<vmem>>, vector<1x16xi32>,
        %swap3A_645 = vector.shape_cast %swap3A_644 : vector<1x16xi32> to vector<16xi32>
        %swap3A_646 = vector.shape_cast %shift_right_logical3A_640 : vector<16xi32> to vector<1x16xi32>
        tpu.vector_store %arg8[%swap3A_642, %swap3A_643], %swap3A_646 {strides = array<i32>} : memref<1x128xi32, #tpu.memory_space<vmem>>, vector<1x16xi32>,
      } else {
      }
      %dma_wait3A_520 = arith.constant 0 : i32
      %dma_wait3A_521 = arith.constant 0 : i32
      %dma_wait3A_522 = tpu.memref_slice %arg9[%dma_wait3A_520, %dma_wait3A_521] : memref<1x128xi32, #tpu.memory_space<vmem>> -> memref<1x128xi32, #tpu.memory_space<vmem>>
      %dma_wait3A_523 = tpu.memref_squeeze %dma_wait3A_522 : memref<1x128xi32, #tpu.memory_space<vmem>> -> memref<128xi32, #tpu.memory_space<vmem>>
      %dma_wait3A_524 = arith.constant 0 : i32
      %dma_wait3A_525 = arith.constant 0 : i32
      %dma_wait3A_526 = tpu.memref_slice %arg2[%dma_wait3A_524, %dma_wait3A_525] : memref<10000x128xf32, #tpu.memory_space<hbm>> -> memref<10000x128xf32, #tpu.memory_space<hbm>>
      tpu.wait_indirect_dma semaphore(%arg15 : memref<!tpu.dma_semaphore, #tpu.memory_space<semaphore_mem>>) src(%dma_wait3A_526 : memref<10000x128xf32, #tpu.memory_space<hbm>>) dst(%arg12 : memref<128x128xf32, #tpu.memory_space<vmem>>)
      %dma_start3A_527 = arith.constant 0 : i32
      %dma_start3A_528 = arith.constant 0 : i32
      %dma_start3A_529 = tpu.memref_slice %arg10[%dma_start3A_527, %dma_start3A_528] : memref<1x128xi32, #tpu.memory_space<vmem>> -> memref<1x128xi32, #tpu.memory_space<vmem>>
      %dma_start3A_530 = tpu.memref_squeeze %dma_start3A_529 : memref<1x128xi32, #tpu.memory_space<vmem>> -> memref<128xi32, #tpu.memory_space<vmem>>
      %dma_start3A_531 = arith.constant 0 : i32
      %dma_start3A_532 = arith.constant 0 : i32
      %dma_start3A_533 = tpu.memref_slice %arg13[%dma_start3A_531, %dma_start3A_532] : memref<10128x128xf32, #tpu.memory_space<vmem_shared>> -> memref<10128x128xf32, #tpu.memory_space<vmem_shared>>
      tpu.enqueue_indirect_dma source(%arg12 : memref<128x128xf32, #tpu.memory_space<vmem>>) target(%dma_start3A_533 : memref<10128x128xf32, #tpu.memory_space<vmem_shared>>) offsets(%dma_start3A_530 : memref<128xi32, #tpu.memory_space<vmem>>) semaphore(%arg17 : memref<!tpu.dma_semaphore, #tpu.memory_space<semaphore_mem>>) {add = true}
    }
    %scan3A_247 = arith.constant 40 : i32
    %dma_wait3A = arith.constant 0 : i32
    %dma_wait3A_248 = arith.constant 0 : i32
    %dma_wait3A_249 = tpu.memref_slice %arg10[%dma_wait3A, %dma_wait3A_248] : memref<1x128xi32, #tpu.memory_space<vmem>> -> memref<1x128xi32, #tpu.memory_space<vmem>>
    %dma_wait3A_250 = tpu.memref_squeeze %dma_wait3A_249 : memref<1x128xi32, #tpu.memory_space<vmem>> -> memref<128xi32, #tpu.memory_space<vmem>>
    %dma_wait3A_251 = arith.constant 0 : i32
    %dma_wait3A_252 = arith.constant 0 : i32
    %dma_wait3A_253 = tpu.memref_slice %arg13[%dma_wait3A_251, %dma_wait3A_252] : memref<10128x128xf32, #tpu.memory_space<vmem_shared>> -> memref<10128x128xf32, #tpu.memory_space<vmem_shared>>
    tpu.wait_indirect_dma semaphore(%arg17 : memref<!tpu.dma_semaphore, #tpu.memory_space<semaphore_mem>>) src(%arg12 : memref<128x128xf32, #tpu.memory_space<vmem>>) dst(%dma_wait3A_253 : memref<10128x128xf32, #tpu.memory_space<vmem_shared>>)
    %barrier3A_254 = arith.constant 0 : index
    tpu.barrier barrier_id(%barrier3A_254)
    %lt3A_255 = arith.constant 15 : i32
    %lt3A_256 = arith.cmpi slt, %arg1, %lt3A_255 : i32
    %convert_element_type3A_257 = arith.extui %lt3A_256 : i1 to i32
    %cond3A_258 = arith.constant 0 : i32
    %cond3A_259 = arith.cmpi ne, %convert_element_type3A_257, %cond3A_258 : i32
    scf.if %cond3A_259 {
      %mul3A_265 = arith.constant 632 : i32
      %mul3A_266 = arith.muli %arg1, %mul3A_265 : i32
      %multiple_of3A = tpu.assume_multiple %mul3A_266, 8 : i32
      "tpu.region"() ({
        %run_scoped3A = tpu.sem_alloc : memref<!tpu.dma_semaphore, #tpu.memory_space<semaphore_mem>>
        %dma_start3A_267 = arith.constant 0 : i32
        %dma_start3A_268 = tpu.memref_slice %arg5[%arg0, %multiple_of3A, %dma_start3A_267] : memref<2x10000x128xf32, #tpu.memory_space<hbm>> -> memref<1x632x128xf32, #tpu.memory_space<hbm>>
        %dma_start3A_269 = tpu.memref_squeeze %dma_start3A_268 : memref<1x632x128xf32, #tpu.memory_space<hbm>> -> memref<632x128xf32, #tpu.memory_space<hbm>>
        %dma_start3A_270 = arith.constant 0 : i32
        %dma_start3A_271 = tpu.memref_slice %arg13[%multiple_of3A, %dma_start3A_270] : memref<10128x128xf32, #tpu.memory_space<vmem_shared>> -> memref<632x128xf32, #tpu.memory_space<vmem_shared>>
        tpu.enqueue_dma source(%dma_start3A_271 : memref<632x128xf32, #tpu.memory_space<vmem_shared>>) target(%dma_start3A_269 : memref<632x128xf32, #tpu.memory_space<hbm>>) target_semaphore(%run_scoped3A : memref<!tpu.dma_semaphore, #tpu.memory_space<semaphore_mem>>)
        %dma_wait3A_272 = arith.constant 0 : i32
        %dma_wait3A_273 = tpu.memref_slice %arg5[%arg0, %multiple_of3A, %dma_wait3A_272] : memref<2x10000x128xf32, #tpu.memory_space<hbm>> -> memref<1x632x128xf32, #tpu.memory_space<hbm>>
        %dma_wait3A_274 = tpu.memref_squeeze %dma_wait3A_273 : memref<1x632x128xf32, #tpu.memory_space<hbm>> -> memref<632x128xf32, #tpu.memory_space<hbm>>
        %dma_wait3A_275 = arith.constant 0 : i32
        %dma_wait3A_276 = tpu.memref_slice %arg13[%multiple_of3A, %dma_wait3A_275] : memref<10128x128xf32, #tpu.memory_space<vmem_shared>> -> memref<632x128xf32, #tpu.memory_space<vmem_shared>>
        tpu.wait_dma2 semaphore(%run_scoped3A : memref<!tpu.dma_semaphore, #tpu.memory_space<semaphore_mem>>) src(%dma_wait3A_276 : memref<632x128xf32, #tpu.memory_space<vmem_shared>>) dst(%dma_wait3A_274 : memref<632x128xf32, #tpu.memory_space<hbm>>)
        tpu.yield
      }) : () -> ()
    } else {
    }
    %eq3A_260 = arith.constant 15 : i32
    %eq3A_261 = arith.cmpi eq, %arg1, %eq3A_260 : i32
    %convert_element_type3A_262 = arith.extui %eq3A_261 : i1 to i32
    %cond3A_263 = arith.constant 0 : i32
    %cond3A_264 = arith.cmpi ne, %convert_element_type3A_262, %cond3A_263 : i32
    scf.if %cond3A_264 {
      "tpu.region"() ({
        %run_scoped3A = tpu.sem_alloc : memref<!tpu.dma_semaphore, #tpu.memory_space<semaphore_mem>>
        %dma_start3A_265 = arith.constant 9480 : i32
        %dma_start3A_266 = arith.constant 0 : i32
        %dma_start3A_267 = tpu.memref_slice %arg5[%arg0, %dma_start3A_265, %dma_start3A_266] : memref<2x10000x128xf32, #tpu.memory_space<hbm>> -> memref<1x520x128xf32, #tpu.memory_space<hbm>>
        %dma_start3A_268 = tpu.memref_squeeze %dma_start3A_267 : memref<1x520x128xf32, #tpu.memory_space<hbm>> -> memref<520x128xf32, #tpu.memory_space<hbm>>
        %dma_start3A_269 = arith.constant 9480 : i32
        %dma_start3A_270 = arith.constant 0 : i32
        %dma_start3A_271 = tpu.memref_slice %arg13[%dma_start3A_269, %dma_start3A_270] : memref<10128x128xf32, #tpu.memory_space<vmem_shared>> -> memref<520x128xf32, #tpu.memory_space<vmem_shared>>
        tpu.enqueue_dma source(%dma_start3A_271 : memref<520x128xf32, #tpu.memory_space<vmem_shared>>) target(%dma_start3A_268 : memref<520x128xf32, #tpu.memory_space<hbm>>) target_semaphore(%run_scoped3A : memref<!tpu.dma_semaphore, #tpu.memory_space<semaphore_mem>>)
        %dma_wait3A_272 = arith.constant 9480 : i32
        %dma_wait3A_273 = arith.constant 0 : i32
        %dma_wait3A_274 = tpu.memref_slice %arg5[%arg0, %dma_wait3A_272, %dma_wait3A_273] : memref<2x10000x128xf32, #tpu.memory_space<hbm>> -> memref<1x520x128xf32, #tpu.memory_space<hbm>>
        %dma_wait3A_275 = tpu.memref_squeeze %dma_wait3A_274 : memref<1x520x128xf32, #tpu.memory_space<hbm>> -> memref<520x128xf32, #tpu.memory_space<hbm>>
        %dma_wait3A_276 = arith.constant 9480 : i32
        %dma_wait3A_277 = arith.constant 0 : i32
        %dma_wait3A_278 = tpu.memref_slice %arg13[%dma_wait3A_276, %dma_wait3A_277] : memref<10128x128xf32, #tpu.memory_space<vmem_shared>> -> memref<520x128xf32, #tpu.memory_space<vmem_shared>>
        tpu.wait_dma2 semaphore(%run_scoped3A : memref<!tpu.dma_semaphore, #tpu.memory_space<semaphore_mem>>) src(%dma_wait3A_278 : memref<520x128xf32, #tpu.memory_space<vmem_shared>>) dst(%dma_wait3A_275 : memref<520x128xf32, #tpu.memory_space<hbm>>)
        tpu.yield
      }) : () -> ()
    } else {
    }
    return
  }
}

#map = affine_map<(d0, d1) -> (0, 0)>
#map1 = affine_map<(d0, d1) -> (0, 0, 0)>
module attributes {stable_mosaic.version = 14 : i64} {
  func.func @body(%arg0: i32, %arg1: i32, %arg2: memref<10000x128xf32, #tpu.memory_space<hbm>>, %arg3: memref<32x80x128xi32, #tpu.memory_space<hbm>>, %arg4: memref<10128x128xf32, #tpu.memory_space<hbm>>, %arg5: memref<2x10000x128xf32, #tpu.memory_space<hbm>>, %arg6: memref<80x128xi32, #tpu.memory_space<vmem>>, %arg7: memref<1x128xi32, #tpu.memory_space<vmem>>, %arg8: memref<1x128xi32, #tpu.memory_space<vmem>>, %arg9: memref<1x128xi32, #tpu.memory_space<vmem>>, %arg10: memref<1x128xi32, #tpu.memory_space<vmem>>, %arg11: memref<128x128xf32, #tpu.memory_space<vmem>>, %arg12: memref<128x128xf32, #tpu.memory_space<vmem>>, %arg13: memref<10128x128xf32, #tpu.memory_space<vmem_shared>>, %arg14: memref<!tpu.dma_semaphore, #tpu.memory_space<semaphore_mem>>, %arg15: memref<!tpu.dma_semaphore, #tpu.memory_space<semaphore_mem>>, %arg16: memref<!tpu.dma_semaphore, #tpu.memory_space<semaphore_mem>>, %arg17: memref<!tpu.dma_semaphore, #tpu.memory_space<semaphore_mem>>, %arg18: memref<!tpu.dma_semaphore, #tpu.memory_space<semaphore_mem>>) attributes {dimension_semantics = [#tpu.dimension_semantics<core_parallel>, #tpu.dimension_semantics<subcore_parallel>], iteration_bounds = array<i64: 2, 16>, scalar_prefetch = 0 : i64, scratch_operands = 13 : i64, tpu.core_type = #tpu.core_type<sc_vector_subcore>, window_params = [{transform_indices = #map}, {transform_indices = #map1}, {transform_indices = #map}, {transform_indices = #map1}]} {
    %mul3A = arith.constant 2 : i32
    %mul3A_0 = arith.muli %arg1, %mul3A : i32
    %add3A = arith.addi %mul3A_0, %arg0 : i32
    %lt3A = arith.constant 15 : i32
    %lt3A_1 = arith.cmpi slt, %arg1, %lt3A : i32
    %convert_element_type3A = arith.extui %lt3A_1 : i1 to i32
    %cond3A = arith.constant 0 : i32
    %cond3A_2 = arith.cmpi ne, %convert_element_type3A, %cond3A : i32
    scf.if %cond3A_2 {
      %mul3A_265 = arith.constant 632 : i32
      %mul3A_266 = arith.muli %arg1, %mul3A_265 : i32
      %multiple_of3A = tpu.assume_multiple %mul3A_266, 8 : i32
      %dma_start3A_267 = arith.constant 0 : i32
      %dma_start3A_268 = tpu.memref_slice %arg13[%multiple_of3A, %dma_start3A_267] : memref<10128x128xf32, #tpu.memory_space<vmem_shared>> -> memref<632x128xf32, #tpu.memory_space<vmem_shared>>
      %dma_start3A_269 = arith.constant 0 : i32
      %dma_start3A_270 = tpu.memref_slice %arg4[%multiple_of3A, %dma_start3A_269] : memref<10128x128xf32, #tpu.memory_space<hbm>> -> memref<632x128xf32, #tpu.memory_space<hbm>>
      tpu.enqueue_dma source(%dma_start3A_270 : memref<632x128xf32, #tpu.memory_space<hbm>>) target(%dma_start3A_268 : memref<632x128xf32, #tpu.memory_space<vmem_shared>>) target_semaphore(%arg18 : memref<!tpu.dma_semaphore, #tpu.memory_space<semaphore_mem>>)
    } else {
    }
    %eq3A = arith.constant 15 : i32
    %eq3A_3 = arith.cmpi eq, %arg1, %eq3A : i32
    %convert_element_type3A_4 = arith.extui %eq3A_3 : i1 to i32
    %cond3A_5 = arith.constant 0 : i32
    %cond3A_6 = arith.cmpi ne, %convert_element_type3A_4, %cond3A_5 : i32
    scf.if %cond3A_6 {
      %dma_start3A_265 = arith.constant 9480 : i32
      %dma_start3A_266 = arith.constant 0 : i32
      %dma_start3A_267 = tpu.memref_slice %arg13[%dma_start3A_265, %dma_start3A_266] : memref<10128x128xf32, #tpu.memory_space<vmem_shared>> -> memref<648x128xf32, #tpu.memory_space<vmem_shared>>
      %dma_start3A_268 = arith.constant 9480 : i32
      %dma_start3A_269 = arith.constant 0 : i32
      %dma_start3A_270 = tpu.memref_slice %arg4[%dma_start3A_268, %dma_start3A_269] : memref<10128x128xf32, #tpu.memory_space<hbm>> -> memref<648x128xf32, #tpu.memory_space<hbm>>
      tpu.enqueue_dma source(%dma_start3A_270 : memref<648x128xf32, #tpu.memory_space<hbm>>) target(%dma_start3A_267 : memref<648x128xf32, #tpu.memory_space<vmem_shared>>) target_semaphore(%arg18 : memref<!tpu.dma_semaphore, #tpu.memory_space<semaphore_mem>>)
    } else {
    }
    "tpu.region"() ({
      %run_scoped3A = tpu.sem_alloc : memref<!tpu.dma_semaphore, #tpu.memory_space<semaphore_mem>>
      %dma_start3A_265 = arith.constant 0 : i32
      %dma_start3A_266 = arith.constant 0 : i32
      %dma_start3A_267 = tpu.memref_slice %arg3[%add3A, %dma_start3A_265, %dma_start3A_266] : memref<32x80x128xi32, #tpu.memory_space<hbm>> -> memref<1x80x128xi32, #tpu.memory_space<hbm>>
      %dma_start3A_268 = tpu.memref_squeeze %dma_start3A_267 : memref<1x80x128xi32, #tpu.memory_space<hbm>> -> memref<80x128xi32, #tpu.memory_space<hbm>>
      %dma_start3A_269 = arith.constant 0 : i32
      %dma_start3A_270 = arith.constant 0 : i32
      %dma_start3A_271 = tpu.memref_slice %arg3[%add3A, %dma_start3A_269, %dma_start3A_270] : memref<32x80x128xi32, #tpu.memory_space<hbm>> -> memref<1x80x128xi32, #tpu.memory_space<hbm>>
      %dma_start3A_272 = tpu.memref_squeeze %dma_start3A_271 : memref<1x80x128xi32, #tpu.memory_space<hbm>> -> memref<80x128xi32, #tpu.memory_space<hbm>>
      tpu.enqueue_dma source(%dma_start3A_272 : memref<80x128xi32, #tpu.memory_space<hbm>>) target(%arg6 : memref<80x128xi32, #tpu.memory_space<vmem>>) target_semaphore(%run_scoped3A : memref<!tpu.dma_semaphore, #tpu.memory_space<semaphore_mem>>)
      %dma_wait3A_273 = arith.constant 0 : i32
      %dma_wait3A_274 = arith.constant 0 : i32
      %dma_wait3A_275 = tpu.memref_slice %arg3[%add3A, %dma_wait3A_273, %dma_wait3A_274] : memref<32x80x128xi32, #tpu.memory_space<hbm>> -> memref<1x80x128xi32, #tpu.memory_space<hbm>>
      %dma_wait3A_276 = tpu.memref_squeeze %dma_wait3A_275 : memref<1x80x128xi32, #tpu.memory_space<hbm>> -> memref<80x128xi32, #tpu.memory_space<hbm>>
      %dma_wait3A_277 = arith.constant 0 : i32
      %dma_wait3A_278 = arith.constant 0 : i32
      %dma_wait3A_279 = tpu.memref_slice %arg3[%add3A, %dma_wait3A_277, %dma_wait3A_278] : memref<32x80x128xi32, #tpu.memory_space<hbm>> -> memref<1x80x128xi32, #tpu.memory_space<hbm>>
      %dma_wait3A_280 = tpu.memref_squeeze %dma_wait3A_279 : memref<1x80x128xi32, #tpu.memory_space<hbm>> -> memref<80x128xi32, #tpu.memory_space<hbm>>
      tpu.wait_dma2 semaphore(%run_scoped3A : memref<!tpu.dma_semaphore, #tpu.memory_space<semaphore_mem>>) src(%dma_wait3A_280 : memref<80x128xi32, #tpu.memory_space<hbm>>) dst(%arg6 : memref<80x128xi32, #tpu.memory_space<vmem>>)
      tpu.yield
    }) : () -> ()
    %lt3A_7 = arith.constant 15 : i32
    %lt3A_8 = arith.cmpi slt, %arg1, %lt3A_7 : i32
    %convert_element_type3A_9 = arith.extui %lt3A_8 : i1 to i32
    %cond3A_10 = arith.constant 0 : i32
    %cond3A_11 = arith.cmpi ne, %convert_element_type3A_9, %cond3A_10 : i32
    scf.if %cond3A_11 {
      %mul3A_265 = arith.constant 632 : i32
      %mul3A_266 = arith.muli %arg1, %mul3A_265 : i32
      %multiple_of3A = tpu.assume_multiple %mul3A_266, 8 : i32
      %dma_wait3A_267 = arith.constant 0 : i32
      %dma_wait3A_268 = tpu.memref_slice %arg13[%multiple_of3A, %dma_wait3A_267] : memref<10128x128xf32, #tpu.memory_space<vmem_shared>> -> memref<632x128xf32, #tpu.memory_space<vmem_shared>>
      %dma_wait3A_269 = arith.constant 0 : i32
      %dma_wait3A_270 = tpu.memref_slice %arg4[%multiple_of3A, %dma_wait3A_269] : memref<10128x128xf32, #tpu.memory_space<hbm>> -> memref<632x128xf32, #tpu.memory_space<hbm>>
      tpu.wait_dma2 semaphore(%arg18 : memref<!tpu.dma_semaphore, #tpu.memory_space<semaphore_mem>>) src(%dma_wait3A_270 : memref<632x128xf32, #tpu.memory_space<hbm>>) dst(%dma_wait3A_268 : memref<632x128xf32, #tpu.memory_space<vmem_shared>>)
    } else {
    }
    %eq3A_12 = arith.constant 15 : i32
    %eq3A_13 = arith.cmpi eq, %arg1, %eq3A_12 : i32
    %convert_element_type3A_14 = arith.extui %eq3A_13 : i1 to i32
    %cond3A_15 = arith.constant 0 : i32
    %cond3A_16 = arith.cmpi ne, %convert_element_type3A_14, %cond3A_15 : i32
    scf.if %cond3A_16 {
      %dma_wait3A_265 = arith.constant 9480 : i32
      %dma_wait3A_266 = arith.constant 0 : i32
      %dma_wait3A_267 = tpu.memref_slice %arg13[%dma_wait3A_265, %dma_wait3A_266] : memref<10128x128xf32, #tpu.memory_space<vmem_shared>> -> memref<648x128xf32, #tpu.memory_space<vmem_shared>>
      %dma_wait3A_268 = arith.constant 9480 : i32
      %dma_wait3A_269 = arith.constant 0 : i32
      %dma_wait3A_270 = tpu.memref_slice %arg4[%dma_wait3A_268, %dma_wait3A_269] : memref<10128x128xf32, #tpu.memory_space<hbm>> -> memref<648x128xf32, #tpu.memory_space<hbm>>
      tpu.wait_dma2 semaphore(%arg18 : memref<!tpu.dma_semaphore, #tpu.memory_space<semaphore_mem>>) src(%dma_wait3A_270 : memref<648x128xf32, #tpu.memory_space<hbm>>) dst(%dma_wait3A_267 : memref<648x128xf32, #tpu.memory_space<vmem_shared>>)
    } else {
    }
    %barrier3A = arith.constant 0 : index
    tpu.barrier barrier_id(%barrier3A)
    %get3A = arith.constant 0 : i32
    %get3A_17 = arith.index_cast %get3A : i32 to index
    %get3A_18 = arith.constant 0 : index
    %get3A_19 = tpu.vector_load %arg6[%get3A_17, %get3A_18] {strides = array<i32>} : memref<80x128xi32, #tpu.memory_space<vmem>>, vector<1x16xi32>,
    %get3A_20 = vector.shape_cast %get3A_19 : vector<1x16xi32> to vector<16xi32>
    %and3A = arith.constant 16383 : i32
    %and3A_21 = vector.broadcast %and3A : i32 to vector<16xi32>
    %and3A_22 = arith.andi %get3A_20, %and3A_21 : vector<16xi32>
    %swap3A = arith.constant 0 : i32
    %swap3A_23 = arith.index_cast %swap3A : i32 to index
    %swap3A_24 = arith.constant 0 : index
    %swap3A_25 = tpu.vector_load %arg7[%swap3A_23, %swap3A_24] {strides = array<i32>} : memref<1x128xi32, #tpu.memory_space<vmem>>, vector<1x16xi32>,
    %swap3A_26 = vector.shape_cast %swap3A_25 : vector<1x16xi32> to vector<16xi32>
    %swap3A_27 = vector.shape_cast %and3A_22 : vector<16xi32> to vector<1x16xi32>
    tpu.vector_store %arg7[%swap3A_23, %swap3A_24], %swap3A_27 {strides = array<i32>} : memref<1x128xi32, #tpu.memory_space<vmem>>, vector<1x16xi32>,
    %get3A_28 = arith.constant 0 : i32
    %get3A_29 = arith.index_cast %get3A_28 : i32 to index
    %get3A_30 = arith.constant 16 : index
    %get3A_31 = tpu.vector_load %arg6[%get3A_29, %get3A_30] {strides = array<i32>} : memref<80x128xi32, #tpu.memory_space<vmem>>, vector<1x16xi32>,
    %get3A_32 = vector.shape_cast %get3A_31 : vector<1x16xi32> to vector<16xi32>
    %and3A_33 = arith.constant 16383 : i32
    %and3A_34 = vector.broadcast %and3A_33 : i32 to vector<16xi32>
    %and3A_35 = arith.andi %get3A_32, %and3A_34 : vector<16xi32>
    %swap3A_36 = arith.constant 0 : i32
    %swap3A_37 = arith.index_cast %swap3A_36 : i32 to index
    %swap3A_38 = arith.constant 16 : index
    %swap3A_39 = tpu.vector_load %arg7[%swap3A_37, %swap3A_38] {strides = array<i32>} : memref<1x128xi32, #tpu.memory_space<vmem>>, vector<1x16xi32>,
    %swap3A_40 = vector.shape_cast %swap3A_39 : vector<1x16xi32> to vector<16xi32>
    %swap3A_41 = vector.shape_cast %and3A_35 : vector<16xi32> to vector<1x16xi32>
    tpu.vector_store %arg7[%swap3A_37, %swap3A_38], %swap3A_41 {strides = array<i32>} : memref<1x128xi32, #tpu.memory_space<vmem>>, vector<1x16xi32>,
    %get3A_42 = arith.constant 0 : i32
    %get3A_43 = arith.index_cast %get3A_42 : i32 to index
    %get3A_44 = arith.constant 32 : index
    %get3A_45 = tpu.vector_load %arg6[%get3A_43, %get3A_44] {strides = array<i32>} : memref<80x128xi32, #tpu.memory_space<vmem>>, vector<1x16xi32>,
    %get3A_46 = vector.shape_cast %get3A_45 : vector<1x16xi32> to vector<16xi32>
    %and3A_47 = arith.constant 16383 : i32
    %and3A_48 = vector.broadcast %and3A_47 : i32 to vector<16xi32>
    %and3A_49 = arith.andi %get3A_46, %and3A_48 : vector<16xi32>
    %swap3A_50 = arith.constant 0 : i32
    %swap3A_51 = arith.index_cast %swap3A_50 : i32 to index
    %swap3A_52 = arith.constant 32 : index
    %swap3A_53 = tpu.vector_load %arg7[%swap3A_51, %swap3A_52] {strides = array<i32>} : memref<1x128xi32, #tpu.memory_space<vmem>>, vector<1x16xi32>,
    %swap3A_54 = vector.shape_cast %swap3A_53 : vector<1x16xi32> to vector<16xi32>
    %swap3A_55 = vector.shape_cast %and3A_49 : vector<16xi32> to vector<1x16xi32>
    tpu.vector_store %arg7[%swap3A_51, %swap3A_52], %swap3A_55 {strides = array<i32>} : memref<1x128xi32, #tpu.memory_space<vmem>>, vector<1x16xi32>,
    %get3A_56 = arith.constant 0 : i32
    %get3A_57 = arith.index_cast %get3A_56 : i32 to index
    %get3A_58 = arith.constant 48 : index
    %get3A_59 = tpu.vector_load %arg6[%get3A_57, %get3A_58] {strides = array<i32>} : memref<80x128xi32, #tpu.memory_space<vmem>>, vector<1x16xi32>,
    %get3A_60 = vector.shape_cast %get3A_59 : vector<1x16xi32> to vector<16xi32>
    %and3A_61 = arith.constant 16383 : i32
    %and3A_62 = vector.broadcast %and3A_61 : i32 to vector<16xi32>
    %and3A_63 = arith.andi %get3A_60, %and3A_62 : vector<16xi32>
    %swap3A_64 = arith.constant 0 : i32
    %swap3A_65 = arith.index_cast %swap3A_64 : i32 to index
    %swap3A_66 = arith.constant 48 : index
    %swap3A_67 = tpu.vector_load %arg7[%swap3A_65, %swap3A_66] {strides = array<i32>} : memref<1x128xi32, #tpu.memory_space<vmem>>, vector<1x16xi32>,
    %swap3A_68 = vector.shape_cast %swap3A_67 : vector<1x16xi32> to vector<16xi32>
    %swap3A_69 = vector.shape_cast %and3A_63 : vector<16xi32> to vector<1x16xi32>
    tpu.vector_store %arg7[%swap3A_65, %swap3A_66], %swap3A_69 {strides = array<i32>} : memref<1x128xi32, #tpu.memory_space<vmem>>, vector<1x16xi32>,
    %get3A_70 = arith.constant 0 : i32
    %get3A_71 = arith.index_cast %get3A_70 : i32 to index
    %get3A_72 = arith.constant 64 : index
    %get3A_73 = tpu.vector_load %arg6[%get3A_71, %get3A_72] {strides = array<i32>} : memref<80x128xi32, #tpu.memory_space<vmem>>, vector<1x16xi32>,
    %get3A_74 = vector.shape_cast %get3A_73 : vector<1x16xi32> to vector<16xi32>
    %and3A_75 = arith.constant 16383 : i32
    %and3A_76 = vector.broadcast %and3A_75 : i32 to vector<16xi32>
    %and3A_77 = arith.andi %get3A_74, %and3A_76 : vector<16xi32>
    %swap3A_78 = arith.constant 0 : i32
    %swap3A_79 = arith.index_cast %swap3A_78 : i32 to index
    %swap3A_80 = arith.constant 64 : index
    %swap3A_81 = tpu.vector_load %arg7[%swap3A_79, %swap3A_80] {strides = array<i32>} : memref<1x128xi32, #tpu.memory_space<vmem>>, vector<1x16xi32>,
    %swap3A_82 = vector.shape_cast %swap3A_81 : vector<1x16xi32> to vector<16xi32>
    %swap3A_83 = vector.shape_cast %and3A_77 : vector<16xi32> to vector<1x16xi32>
    tpu.vector_store %arg7[%swap3A_79, %swap3A_80], %swap3A_83 {strides = array<i32>} : memref<1x128xi32, #tpu.memory_space<vmem>>, vector<1x16xi32>,
    %get3A_84 = arith.constant 0 : i32
    %get3A_85 = arith.index_cast %get3A_84 : i32 to index
    %get3A_86 = arith.constant 80 : index
    %get3A_87 = tpu.vector_load %arg6[%get3A_85, %get3A_86] {strides = array<i32>} : memref<80x128xi32, #tpu.memory_space<vmem>>, vector<1x16xi32>,
    %get3A_88 = vector.shape_cast %get3A_87 : vector<1x16xi32> to vector<16xi32>
    %and3A_89 = arith.constant 16383 : i32
    %and3A_90 = vector.broadcast %and3A_89 : i32 to vector<16xi32>
    %and3A_91 = arith.andi %get3A_88, %and3A_90 : vector<16xi32>
    %swap3A_92 = arith.constant 0 : i32
    %swap3A_93 = arith.index_cast %swap3A_92 : i32 to index
    %swap3A_94 = arith.constant 80 : index
    %swap3A_95 = tpu.vector_load %arg7[%swap3A_93, %swap3A_94] {strides = array<i32>} : memref<1x128xi32, #tpu.memory_space<vmem>>, vector<1x16xi32>,
    %swap3A_96 = vector.shape_cast %swap3A_95 : vector<1x16xi32> to vector<16xi32>
    %swap3A_97 = vector.shape_cast %and3A_91 : vector<16xi32> to vector<1x16xi32>
    tpu.vector_store %arg7[%swap3A_93, %swap3A_94], %swap3A_97 {strides = array<i32>} : memref<1x128xi32, #tpu.memory_space<vmem>>, vector<1x16xi32>,
    %get3A_98 = arith.constant 0 : i32
    %get3A_99 = arith.index_cast %get3A_98 : i32 to index
    %get3A_100 = arith.constant 96 : index
    %get3A_101 = tpu.vector_load %arg6[%get3A_99, %get3A_100] {strides = array<i32>} : memref<80x128xi32, #tpu.memory_space<vmem>>, vector<1x16xi32>,
    %get3A_102 = vector.shape_cast %get3A_101 : vector<1x16xi32> to vector<16xi32>
    %and3A_103 = arith.constant 16383 : i32
    %and3A_104 = vector.broadcast %and3A_103 : i32 to vector<16xi32>
    %and3A_105 = arith.andi %get3A_102, %and3A_104 : vector<16xi32>
    %swap3A_106 = arith.constant 0 : i32
    %swap3A_107 = arith.index_cast %swap3A_106 : i32 to index
    %swap3A_108 = arith.constant 96 : index
    %swap3A_109 = tpu.vector_load %arg7[%swap3A_107, %swap3A_108] {strides = array<i32>} : memref<1x128xi32, #tpu.memory_space<vmem>>, vector<1x16xi32>,
    %swap3A_110 = vector.shape_cast %swap3A_109 : vector<1x16xi32> to vector<16xi32>
    %swap3A_111 = vector.shape_cast %and3A_105 : vector<16xi32> to vector<1x16xi32>
    tpu.vector_store %arg7[%swap3A_107, %swap3A_108], %swap3A_111 {strides = array<i32>} : memref<1x128xi32, #tpu.memory_space<vmem>>, vector<1x16xi32>,
    %get3A_112 = arith.constant 0 : i32
    %get3A_113 = arith.index_cast %get3A_112 : i32 to index
    %get3A_114 = arith.constant 112 : index
    %get3A_115 = tpu.vector_load %arg6[%get3A_113, %get3A_114] {strides = array<i32>} : memref<80x128xi32, #tpu.memory_space<vmem>>, vector<1x16xi32>,
    %get3A_116 = vector.shape_cast %get3A_115 : vector<1x16xi32> to vector<16xi32>
    %and3A_117 = arith.constant 16383 : i32
    %and3A_118 = vector.broadcast %and3A_117 : i32 to vector<16xi32>
    %and3A_119 = arith.andi %get3A_116, %and3A_118 : vector<16xi32>
    %swap3A_120 = arith.constant 0 : i32
    %swap3A_121 = arith.index_cast %swap3A_120 : i32 to index
    %swap3A_122 = arith.constant 112 : index
    %swap3A_123 = tpu.vector_load %arg7[%swap3A_121, %swap3A_122] {strides = array<i32>} : memref<1x128xi32, #tpu.memory_space<vmem>>, vector<1x16xi32>,
    %swap3A_124 = vector.shape_cast %swap3A_123 : vector<1x16xi32> to vector<16xi32>
    %swap3A_125 = vector.shape_cast %and3A_119 : vector<16xi32> to vector<1x16xi32>
    tpu.vector_store %arg7[%swap3A_121, %swap3A_122], %swap3A_125 {strides = array<i32>} : memref<1x128xi32, #tpu.memory_space<vmem>>, vector<1x16xi32>,
    %dma_start3A = arith.constant 0 : i32
    %dma_start3A_126 = arith.constant 0 : i32
    %dma_start3A_127 = tpu.memref_slice %arg7[%dma_start3A, %dma_start3A_126] : memref<1x128xi32, #tpu.memory_space<vmem>> -> memref<1x128xi32, #tpu.memory_space<vmem>>
    %dma_start3A_128 = tpu.memref_squeeze %dma_start3A_127 : memref<1x128xi32, #tpu.memory_space<vmem>> -> memref<128xi32, #tpu.memory_space<vmem>>
    %dma_start3A_129 = arith.constant 0 : i32
    %dma_start3A_130 = arith.constant 0 : i32
    %dma_start3A_131 = tpu.memref_slice %arg2[%dma_start3A_129, %dma_start3A_130] : memref<10000x128xf32, #tpu.memory_space<hbm>> -> memref<10000x128xf32, #tpu.memory_space<hbm>>
    tpu.enqueue_indirect_dma source(%dma_start3A_131 : memref<10000x128xf32, #tpu.memory_space<hbm>>) target(%arg11 : memref<128x128xf32, #tpu.memory_space<vmem>>) offsets(%dma_start3A_128 : memref<128xi32, #tpu.memory_space<vmem>>) semaphore(%arg14 : memref<!tpu.dma_semaphore, #tpu.memory_space<semaphore_mem>>)
    %get3A_132 = arith.constant 0 : i32
    %get3A_133 = arith.index_cast %get3A_132 : i32 to index
    %get3A_134 = arith.constant 0 : index
    %get3A_135 = tpu.vector_load %arg6[%get3A_133, %get3A_134] {strides = array<i32>} : memref<80x128xi32, #tpu.memory_space<vmem>>, vector<1x16xi32>,
    %get3A_136 = vector.shape_cast %get3A_135 : vector<1x16xi32> to vector<16xi32>
    %shift_right_logical3A = arith.constant 14 : i32
    %shift_right_logical3A_137 = vector.broadcast %shift_right_logical3A : i32 to vector<16xi32>
    %shift_right_logical3A_138 = arith.shrui %get3A_136, %shift_right_logical3A_137 : vector<16xi32>
    %swap3A_139 = arith.constant 0 : i32
    %swap3A_140 = arith.index_cast %swap3A_139 : i32 to index
    %swap3A_141 = arith.constant 0 : index
    %swap3A_142 = tpu.vector_load %arg8[%swap3A_140, %swap3A_141] {strides = array<i32>} : memref<1x128xi32, #tpu.memory_space<vmem>>, vector<1x16xi32>,
    %swap3A_143 = vector.shape_cast %swap3A_142 : vector<1x16xi32> to vector<16xi32>
    %swap3A_144 = vector.shape_cast %shift_right_logical3A_138 : vector<16xi32> to vector<1x16xi32>
    tpu.vector_store %arg8[%swap3A_140, %swap3A_141], %swap3A_144 {strides = array<i32>} : memref<1x128xi32, #tpu.memory_space<vmem>>, vector<1x16xi32>,
    %get3A_145 = arith.constant 0 : i32
    %get3A_146 = arith.index_cast %get3A_145 : i32 to index
    %get3A_147 = arith.constant 16 : index
    %get3A_148 = tpu.vector_load %arg6[%get3A_146, %get3A_147] {strides = array<i32>} : memref<80x128xi32, #tpu.memory_space<vmem>>, vector<1x16xi32>,
    %get3A_149 = vector.shape_cast %get3A_148 : vector<1x16xi32> to vector<16xi32>
    %shift_right_logical3A_150 = arith.constant 14 : i32
    %shift_right_logical3A_151 = vector.broadcast %shift_right_logical3A_150 : i32 to vector<16xi32>
    %shift_right_logical3A_152 = arith.shrui %get3A_149, %shift_right_logical3A_151 : vector<16xi32>
    %swap3A_153 = arith.constant 0 : i32
    %swap3A_154 = arith.index_cast %swap3A_153 : i32 to index
    %swap3A_155 = arith.constant 16 : index
    %swap3A_156 = tpu.vector_load %arg8[%swap3A_154, %swap3A_155] {strides = array<i32>} : memref<1x128xi32, #tpu.memory_space<vmem>>, vector<1x16xi32>,
    %swap3A_157 = vector.shape_cast %swap3A_156 : vector<1x16xi32> to vector<16xi32>
    %swap3A_158 = vector.shape_cast %shift_right_logical3A_152 : vector<16xi32> to vector<1x16xi32>
    tpu.vector_store %arg8[%swap3A_154, %swap3A_155], %swap3A_158 {strides = array<i32>} : memref<1x128xi32, #tpu.memory_space<vmem>>, vector<1x16xi32>,
    %get3A_159 = arith.constant 0 : i32
    %get3A_160 = arith.index_cast %get3A_159 : i32 to index
    %get3A_161 = arith.constant 32 : index
    %get3A_162 = tpu.vector_load %arg6[%get3A_160, %get3A_161] {strides = array<i32>} : memref<80x128xi32, #tpu.memory_space<vmem>>, vector<1x16xi32>,
    %get3A_163 = vector.shape_cast %get3A_162 : vector<1x16xi32> to vector<16xi32>
    %shift_right_logical3A_164 = arith.constant 14 : i32
    %shift_right_logical3A_165 = vector.broadcast %shift_right_logical3A_164 : i32 to vector<16xi32>
    %shift_right_logical3A_166 = arith.shrui %get3A_163, %shift_right_logical3A_165 : vector<16xi32>
    %swap3A_167 = arith.constant 0 : i32
    %swap3A_168 = arith.index_cast %swap3A_167 : i32 to index
    %swap3A_169 = arith.constant 32 : index
    %swap3A_170 = tpu.vector_load %arg8[%swap3A_168, %swap3A_169] {strides = array<i32>} : memref<1x128xi32, #tpu.memory_space<vmem>>, vector<1x16xi32>,
    %swap3A_171 = vector.shape_cast %swap3A_170 : vector<1x16xi32> to vector<16xi32>
    %swap3A_172 = vector.shape_cast %shift_right_logical3A_166 : vector<16xi32> to vector<1x16xi32>
    tpu.vector_store %arg8[%swap3A_168, %swap3A_169], %swap3A_172 {strides = array<i32>} : memref<1x128xi32, #tpu.memory_space<vmem>>, vector<1x16xi32>,
    %get3A_173 = arith.constant 0 : i32
    %get3A_174 = arith.index_cast %get3A_173 : i32 to index
    %get3A_175 = arith.constant 48 : index
    %get3A_176 = tpu.vector_load %arg6[%get3A_174, %get3A_175] {strides = array<i32>} : memref<80x128xi32, #tpu.memory_space<vmem>>, vector<1x16xi32>,
    %get3A_177 = vector.shape_cast %get3A_176 : vector<1x16xi32> to vector<16xi32>
    %shift_right_logical3A_178 = arith.constant 14 : i32
    %shift_right_logical3A_179 = vector.broadcast %shift_right_logical3A_178 : i32 to vector<16xi32>
    %shift_right_logical3A_180 = arith.shrui %get3A_177, %shift_right_logical3A_179 : vector<16xi32>
    %swap3A_181 = arith.constant 0 : i32
    %swap3A_182 = arith.index_cast %swap3A_181 : i32 to index
    %swap3A_183 = arith.constant 48 : index
    %swap3A_184 = tpu.vector_load %arg8[%swap3A_182, %swap3A_183] {strides = array<i32>} : memref<1x128xi32, #tpu.memory_space<vmem>>, vector<1x16xi32>,
    %swap3A_185 = vector.shape_cast %swap3A_184 : vector<1x16xi32> to vector<16xi32>
    %swap3A_186 = vector.shape_cast %shift_right_logical3A_180 : vector<16xi32> to vector<1x16xi32>
    tpu.vector_store %arg8[%swap3A_182, %swap3A_183], %swap3A_186 {strides = array<i32>} : memref<1x128xi32, #tpu.memory_space<vmem>>, vector<1x16xi32>,
    %get3A_187 = arith.constant 0 : i32
    %get3A_188 = arith.index_cast %get3A_187 : i32 to index
    %get3A_189 = arith.constant 64 : index
    %get3A_190 = tpu.vector_load %arg6[%get3A_188, %get3A_189] {strides = array<i32>} : memref<80x128xi32, #tpu.memory_space<vmem>>, vector<1x16xi32>,
    %get3A_191 = vector.shape_cast %get3A_190 : vector<1x16xi32> to vector<16xi32>
    %shift_right_logical3A_192 = arith.constant 14 : i32
    %shift_right_logical3A_193 = vector.broadcast %shift_right_logical3A_192 : i32 to vector<16xi32>
    %shift_right_logical3A_194 = arith.shrui %get3A_191, %shift_right_logical3A_193 : vector<16xi32>
    %swap3A_195 = arith.constant 0 : i32
    %swap3A_196 = arith.index_cast %swap3A_195 : i32 to index
    %swap3A_197 = arith.constant 64 : index
    %swap3A_198 = tpu.vector_load %arg8[%swap3A_196, %swap3A_197] {strides = array<i32>} : memref<1x128xi32, #tpu.memory_space<vmem>>, vector<1x16xi32>,
    %swap3A_199 = vector.shape_cast %swap3A_198 : vector<1x16xi32> to vector<16xi32>
    %swap3A_200 = vector.shape_cast %shift_right_logical3A_194 : vector<16xi32> to vector<1x16xi32>
    tpu.vector_store %arg8[%swap3A_196, %swap3A_197], %swap3A_200 {strides = array<i32>} : memref<1x128xi32, #tpu.memory_space<vmem>>, vector<1x16xi32>,
    %get3A_201 = arith.constant 0 : i32
    %get3A_202 = arith.index_cast %get3A_201 : i32 to index
    %get3A_203 = arith.constant 80 : index
    %get3A_204 = tpu.vector_load %arg6[%get3A_202, %get3A_203] {strides = array<i32>} : memref<80x128xi32, #tpu.memory_space<vmem>>, vector<1x16xi32>,
    %get3A_205 = vector.shape_cast %get3A_204 : vector<1x16xi32> to vector<16xi32>
    %shift_right_logical3A_206 = arith.constant 14 : i32
    %shift_right_logical3A_207 = vector.broadcast %shift_right_logical3A_206 : i32 to vector<16xi32>
    %shift_right_logical3A_208 = arith.shrui %get3A_205, %shift_right_logical3A_207 : vector<16xi32>
    %swap3A_209 = arith.constant 0 : i32
    %swap3A_210 = arith.index_cast %swap3A_209 : i32 to index
    %swap3A_211 = arith.constant 80 : index
    %swap3A_212 = tpu.vector_load %arg8[%swap3A_210, %swap3A_211] {strides = array<i32>} : memref<1x128xi32, #tpu.memory_space<vmem>>, vector<1x16xi32>,
    %swap3A_213 = vector.shape_cast %swap3A_212 : vector<1x16xi32> to vector<16xi32>
    %swap3A_214 = vector.shape_cast %shift_right_logical3A_208 : vector<16xi32> to vector<1x16xi32>
    tpu.vector_store %arg8[%swap3A_210, %swap3A_211], %swap3A_214 {strides = array<i32>} : memref<1x128xi32, #tpu.memory_space<vmem>>, vector<1x16xi32>,
    %get3A_215 = arith.constant 0 : i32
    %get3A_216 = arith.index_cast %get3A_215 : i32 to index
    %get3A_217 = arith.constant 96 : index
    %get3A_218 = tpu.vector_load %arg6[%get3A_216, %get3A_217] {strides = array<i32>} : memref<80x128xi32, #tpu.memory_space<vmem>>, vector<1x16xi32>,
    %get3A_219 = vector.shape_cast %get3A_218 : vector<1x16xi32> to vector<16xi32>
    %shift_right_logical3A_220 = arith.constant 14 : i32
    %shift_right_logical3A_221 = vector.broadcast %shift_right_logical3A_220 : i32 to vector<16xi32>
    %shift_right_logical3A_222 = arith.shrui %get3A_219, %shift_right_logical3A_221 : vector<16xi32>
    %swap3A_223 = arith.constant 0 : i32
    %swap3A_224 = arith.index_cast %swap3A_223 : i32 to index
    %swap3A_225 = arith.constant 96 : index
    %swap3A_226 = tpu.vector_load %arg8[%swap3A_224, %swap3A_225] {strides = array<i32>} : memref<1x128xi32, #tpu.memory_space<vmem>>, vector<1x16xi32>,
    %swap3A_227 = vector.shape_cast %swap3A_226 : vector<1x16xi32> to vector<16xi32>
    %swap3A_228 = vector.shape_cast %shift_right_logical3A_222 : vector<16xi32> to vector<1x16xi32>
    tpu.vector_store %arg8[%swap3A_224, %swap3A_225], %swap3A_228 {strides = array<i32>} : memref<1x128xi32, #tpu.memory_space<vmem>>, vector<1x16xi32>,
    %get3A_229 = arith.constant 0 : i32
    %get3A_230 = arith.index_cast %get3A_229 : i32 to index
    %get3A_231 = arith.constant 112 : index
    %get3A_232 = tpu.vector_load %arg6[%get3A_230, %get3A_231] {strides = array<i32>} : memref<80x128xi32, #tpu.memory_space<vmem>>, vector<1x16xi32>,
    %get3A_233 = vector.shape_cast %get3A_232 : vector<1x16xi32> to vector<16xi32>
    %shift_right_logical3A_234 = arith.constant 14 : i32
    %shift_right_logical3A_235 = vector.broadcast %shift_right_logical3A_234 : i32 to vector<16xi32>
    %shift_right_logical3A_236 = arith.shrui %get3A_233, %shift_right_logical3A_235 : vector<16xi32>
    %swap3A_237 = arith.constant 0 : i32
    %swap3A_238 = arith.index_cast %swap3A_237 : i32 to index
    %swap3A_239 = arith.constant 112 : index
    %swap3A_240 = tpu.vector_load %arg8[%swap3A_238, %swap3A_239] {strides = array<i32>} : memref<1x128xi32, #tpu.memory_space<vmem>>, vector<1x16xi32>,
    %swap3A_241 = vector.shape_cast %swap3A_240 : vector<1x16xi32> to vector<16xi32>
    %swap3A_242 = vector.shape_cast %shift_right_logical3A_236 : vector<16xi32> to vector<1x16xi32>
    tpu.vector_store %arg8[%swap3A_238, %swap3A_239], %swap3A_242 {strides = array<i32>} : memref<1x128xi32, #tpu.memory_space<vmem>>, vector<1x16xi32>,
    %scan3A = arith.constant 0 : i32
    %scan3A_243 = arith.constant 0 : i32
    %scan3A_244 = arith.constant 40 : i32
    %scan3A_245 = arith.addi %scan3A_243, %scan3A_244 : i32
    %scan3A_246 = arith.constant 1 : i32
    scf.for %scan3A_265 = %scan3A_243 to %scan3A_245 step %scan3A_246  : i32 {
      %mul3A_266 = arith.constant 2 : i32
      %mul3A_267 = arith.muli %mul3A_266, %scan3A_265 : i32
      %add3A_268 = arith.constant 1 : i32
      %add3A_269 = arith.addi %mul3A_267, %add3A_268 : i32
      %get3A_270 = arith.index_cast %add3A_269 : i32 to index
      %get3A_271 = arith.constant 0 : index
      %get3A_272 = tpu.vector_load %arg6[%get3A_270, %get3A_271] {strides = array<i32>} : memref<80x128xi32, #tpu.memory_space<vmem>>, vector<1x16xi32>,
      %get3A_273 = vector.shape_cast %get3A_272 : vector<1x16xi32> to vector<16xi32>
      %and3A_274 = arith.constant 16383 : i32
      %and3A_275 = vector.broadcast %and3A_274 : i32 to vector<16xi32>
      %and3A_276 = arith.andi %get3A_273, %and3A_275 : vector<16xi32>
      %swap3A_277 = arith.constant 0 : i32
      %swap3A_278 = arith.index_cast %swap3A_277 : i32 to index
      %swap3A_279 = arith.constant 0 : index
      %swap3A_280 = tpu.vector_load %arg9[%swap3A_278, %swap3A_279] {strides = array<i32>} : memref<1x128xi32, #tpu.memory_space<vmem>>, vector<1x16xi32>,
      %swap3A_281 = vector.shape_cast %swap3A_280 : vector<1x16xi32> to vector<16xi32>
      %swap3A_282 = vector.shape_cast %and3A_276 : vector<16xi32> to vector<1x16xi32>
      tpu.vector_store %arg9[%swap3A_278, %swap3A_279], %swap3A_282 {strides = array<i32>} : memref<1x128xi32, #tpu.memory_space<vmem>>, vector<1x16xi32>,
      %get3A_283 = arith.index_cast %add3A_269 : i32 to index
      %get3A_284 = arith.constant 16 : index
      %get3A_285 = tpu.vector_load %arg6[%get3A_283, %get3A_284] {strides = array<i32>} : memref<80x128xi32, #tpu.memory_space<vmem>>, vector<1x16xi32>,
      %get3A_286 = vector.shape_cast %get3A_285 : vector<1x16xi32> to vector<16xi32>
      %and3A_287 = arith.constant 16383 : i32
      %and3A_288 = vector.broadcast %and3A_287 : i32 to vector<16xi32>
      %and3A_289 = arith.andi %get3A_286, %and3A_288 : vector<16xi32>
      %swap3A_290 = arith.constant 0 : i32
      %swap3A_291 = arith.index_cast %swap3A_290 : i32 to index
      %swap3A_292 = arith.constant 16 : index
      %swap3A_293 = tpu.vector_load %arg9[%swap3A_291, %swap3A_292] {strides = array<i32>} : memref<1x128xi32, #tpu.memory_space<vmem>>, vector<1x16xi32>,
      %swap3A_294 = vector.shape_cast %swap3A_293 : vector<1x16xi32> to vector<16xi32>
      %swap3A_295 = vector.shape_cast %and3A_289 : vector<16xi32> to vector<1x16xi32>
      tpu.vector_store %arg9[%swap3A_291, %swap3A_292], %swap3A_295 {strides = array<i32>} : memref<1x128xi32, #tpu.memory_space<vmem>>, vector<1x16xi32>,
      %get3A_296 = arith.index_cast %add3A_269 : i32 to index
      %get3A_297 = arith.constant 32 : index
      %get3A_298 = tpu.vector_load %arg6[%get3A_296, %get3A_297] {strides = array<i32>} : memref<80x128xi32, #tpu.memory_space<vmem>>, vector<1x16xi32>,
      %get3A_299 = vector.shape_cast %get3A_298 : vector<1x16xi32> to vector<16xi32>
      %and3A_300 = arith.constant 16383 : i32
      %and3A_301 = vector.broadcast %and3A_300 : i32 to vector<16xi32>
      %and3A_302 = arith.andi %get3A_299, %and3A_301 : vector<16xi32>
      %swap3A_303 = arith.constant 0 : i32
      %swap3A_304 = arith.index_cast %swap3A_303 : i32 to index
      %swap3A_305 = arith.constant 32 : index
      %swap3A_306 = tpu.vector_load %arg9[%swap3A_304, %swap3A_305] {strides = array<i32>} : memref<1x128xi32, #tpu.memory_space<vmem>>, vector<1x16xi32>,
      %swap3A_307 = vector.shape_cast %swap3A_306 : vector<1x16xi32> to vector<16xi32>
      %swap3A_308 = vector.shape_cast %and3A_302 : vector<16xi32> to vector<1x16xi32>
      tpu.vector_store %arg9[%swap3A_304, %swap3A_305], %swap3A_308 {strides = array<i32>} : memref<1x128xi32, #tpu.memory_space<vmem>>, vector<1x16xi32>,
      %get3A_309 = arith.index_cast %add3A_269 : i32 to index
      %get3A_310 = arith.constant 48 : index
      %get3A_311 = tpu.vector_load %arg6[%get3A_309, %get3A_310] {strides = array<i32>} : memref<80x128xi32, #tpu.memory_space<vmem>>, vector<1x16xi32>,
      %get3A_312 = vector.shape_cast %get3A_311 : vector<1x16xi32> to vector<16xi32>
      %and3A_313 = arith.constant 16383 : i32
      %and3A_314 = vector.broadcast %and3A_313 : i32 to vector<16xi32>
      %and3A_315 = arith.andi %get3A_312, %and3A_314 : vector<16xi32>
      %swap3A_316 = arith.constant 0 : i32
      %swap3A_317 = arith.index_cast %swap3A_316 : i32 to index
      %swap3A_318 = arith.constant 48 : index
      %swap3A_319 = tpu.vector_load %arg9[%swap3A_317, %swap3A_318] {strides = array<i32>} : memref<1x128xi32, #tpu.memory_space<vmem>>, vector<1x16xi32>,
      %swap3A_320 = vector.shape_cast %swap3A_319 : vector<1x16xi32> to vector<16xi32>
      %swap3A_321 = vector.shape_cast %and3A_315 : vector<16xi32> to vector<1x16xi32>
      tpu.vector_store %arg9[%swap3A_317, %swap3A_318], %swap3A_321 {strides = array<i32>} : memref<1x128xi32, #tpu.memory_space<vmem>>, vector<1x16xi32>,
      %get3A_322 = arith.index_cast %add3A_269 : i32 to index
      %get3A_323 = arith.constant 64 : index
      %get3A_324 = tpu.vector_load %arg6[%get3A_322, %get3A_323] {strides = array<i32>} : memref<80x128xi32, #tpu.memory_space<vmem>>, vector<1x16xi32>,
      %get3A_325 = vector.shape_cast %get3A_324 : vector<1x16xi32> to vector<16xi32>
      %and3A_326 = arith.constant 16383 : i32
      %and3A_327 = vector.broadcast %and3A_326 : i32 to vector<16xi32>
      %and3A_328 = arith.andi %get3A_325, %and3A_327 : vector<16xi32>
      %swap3A_329 = arith.constant 0 : i32
      %swap3A_330 = arith.index_cast %swap3A_329 : i32 to index
      %swap3A_331 = arith.constant 64 : index
      %swap3A_332 = tpu.vector_load %arg9[%swap3A_330, %swap3A_331] {strides = array<i32>} : memref<1x128xi32, #tpu.memory_space<vmem>>, vector<1x16xi32>,
      %swap3A_333 = vector.shape_cast %swap3A_332 : vector<1x16xi32> to vector<16xi32>
      %swap3A_334 = vector.shape_cast %and3A_328 : vector<16xi32> to vector<1x16xi32>
      tpu.vector_store %arg9[%swap3A_330, %swap3A_331], %swap3A_334 {strides = array<i32>} : memref<1x128xi32, #tpu.memory_space<vmem>>, vector<1x16xi32>,
      %get3A_335 = arith.index_cast %add3A_269 : i32 to index
      %get3A_336 = arith.constant 80 : index
      %get3A_337 = tpu.vector_load %arg6[%get3A_335, %get3A_336] {strides = array<i32>} : memref<80x128xi32, #tpu.memory_space<vmem>>, vector<1x16xi32>,
      %get3A_338 = vector.shape_cast %get3A_337 : vector<1x16xi32> to vector<16xi32>
      %and3A_339 = arith.constant 16383 : i32
      %and3A_340 = vector.broadcast %and3A_339 : i32 to vector<16xi32>
      %and3A_341 = arith.andi %get3A_338, %and3A_340 : vector<16xi32>
      %swap3A_342 = arith.constant 0 : i32
      %swap3A_343 = arith.index_cast %swap3A_342 : i32 to index
      %swap3A_344 = arith.constant 80 : index
      %swap3A_345 = tpu.vector_load %arg9[%swap3A_343, %swap3A_344] {strides = array<i32>} : memref<1x128xi32, #tpu.memory_space<vmem>>, vector<1x16xi32>,
      %swap3A_346 = vector.shape_cast %swap3A_345 : vector<1x16xi32> to vector<16xi32>
      %swap3A_347 = vector.shape_cast %and3A_341 : vector<16xi32> to vector<1x16xi32>
      tpu.vector_store %arg9[%swap3A_343, %swap3A_344], %swap3A_347 {strides = array<i32>} : memref<1x128xi32, #tpu.memory_space<vmem>>, vector<1x16xi32>,
      %get3A_348 = arith.index_cast %add3A_269 : i32 to index
      %get3A_349 = arith.constant 96 : index
      %get3A_350 = tpu.vector_load %arg6[%get3A_348, %get3A_349] {strides = array<i32>} : memref<80x128xi32, #tpu.memory_space<vmem>>, vector<1x16xi32>,
      %get3A_351 = vector.shape_cast %get3A_350 : vector<1x16xi32> to vector<16xi32>
      %and3A_352 = arith.constant 16383 : i32
      %and3A_353 = vector.broadcast %and3A_352 : i32 to vector<16xi32>
      %and3A_354 = arith.andi %get3A_351, %and3A_353 : vector<16xi32>
      %swap3A_355 = arith.constant 0 : i32
      %swap3A_356 = arith.index_cast %swap3A_355 : i32 to index
      %swap3A_357 = arith.constant 96 : index
      %swap3A_358 = tpu.vector_load %arg9[%swap3A_356, %swap3A_357] {strides = array<i32>} : memref<1x128xi32, #tpu.memory_space<vmem>>, vector<1x16xi32>,
      %swap3A_359 = vector.shape_cast %swap3A_358 : vector<1x16xi32> to vector<16xi32>
      %swap3A_360 = vector.shape_cast %and3A_354 : vector<16xi32> to vector<1x16xi32>
      tpu.vector_store %arg9[%swap3A_356, %swap3A_357], %swap3A_360 {strides = array<i32>} : memref<1x128xi32, #tpu.memory_space<vmem>>, vector<1x16xi32>,
      %get3A_361 = arith.index_cast %add3A_269 : i32 to index
      %get3A_362 = arith.constant 112 : index
      %get3A_363 = tpu.vector_load %arg6[%get3A_361, %get3A_362] {strides = array<i32>} : memref<80x128xi32, #tpu.memory_space<vmem>>, vector<1x16xi32>,
      %get3A_364 = vector.shape_cast %get3A_363 : vector<1x16xi32> to vector<16xi32>
      %and3A_365 = arith.constant 16383 : i32
      %and3A_366 = vector.broadcast %and3A_365 : i32 to vector<16xi32>
      %and3A_367 = arith.andi %get3A_364, %and3A_366 : vector<16xi32>
      %swap3A_368 = arith.constant 0 : i32
      %swap3A_369 = arith.index_cast %swap3A_368 : i32 to index
      %swap3A_370 = arith.constant 112 : index
      %swap3A_371 = tpu.vector_load %arg9[%swap3A_369, %swap3A_370] {strides = array<i32>} : memref<1x128xi32, #tpu.memory_space<vmem>>, vector<1x16xi32>,
      %swap3A_372 = vector.shape_cast %swap3A_371 : vector<1x16xi32> to vector<16xi32>
      %swap3A_373 = vector.shape_cast %and3A_367 : vector<16xi32> to vector<1x16xi32>
      tpu.vector_store %arg9[%swap3A_369, %swap3A_370], %swap3A_373 {strides = array<i32>} : memref<1x128xi32, #tpu.memory_space<vmem>>, vector<1x16xi32>,
      %gt3A = arith.constant 0 : i32
      %gt3A_374 = arith.cmpi sgt, %scan3A_265, %gt3A : i32
      %convert_element_type3A_375 = arith.extui %gt3A_374 : i1 to i32
      %cond3A_376 = arith.constant 0 : i32
      %cond3A_377 = arith.cmpi ne, %convert_element_type3A_375, %cond3A_376 : i32
      scf.if %cond3A_377 {
        %dma_wait3A_534 = arith.constant 0 : i32
        %dma_wait3A_535 = arith.constant 0 : i32
        %dma_wait3A_536 = tpu.memref_slice %arg10[%dma_wait3A_534, %dma_wait3A_535] : memref<1x128xi32, #tpu.memory_space<vmem>> -> memref<1x128xi32, #tpu.memory_space<vmem>>
        %dma_wait3A_537 = tpu.memref_squeeze %dma_wait3A_536 : memref<1x128xi32, #tpu.memory_space<vmem>> -> memref<128xi32, #tpu.memory_space<vmem>>
        %dma_wait3A_538 = arith.constant 0 : i32
        %dma_wait3A_539 = arith.constant 0 : i32
        %dma_wait3A_540 = tpu.memref_slice %arg13[%dma_wait3A_538, %dma_wait3A_539] : memref<10128x128xf32, #tpu.memory_space<vmem_shared>> -> memref<10128x128xf32, #tpu.memory_space<vmem_shared>>
        tpu.wait_indirect_dma semaphore(%arg17 : memref<!tpu.dma_semaphore, #tpu.memory_space<semaphore_mem>>) src(%arg12 : memref<128x128xf32, #tpu.memory_space<vmem>>) dst(%dma_wait3A_540 : memref<10128x128xf32, #tpu.memory_space<vmem_shared>>)
      } else {
      }
      %dma_start3A_378 = arith.constant 0 : i32
      %dma_start3A_379 = arith.constant 0 : i32
      %dma_start3A_380 = tpu.memref_slice %arg9[%dma_start3A_378, %dma_start3A_379] : memref<1x128xi32, #tpu.memory_space<vmem>> -> memref<1x128xi32, #tpu.memory_space<vmem>>
      %dma_start3A_381 = tpu.memref_squeeze %dma_start3A_380 : memref<1x128xi32, #tpu.memory_space<vmem>> -> memref<128xi32, #tpu.memory_space<vmem>>
      %dma_start3A_382 = arith.constant 0 : i32
      %dma_start3A_383 = arith.constant 0 : i32
      %dma_start3A_384 = tpu.memref_slice %arg2[%dma_start3A_382, %dma_start3A_383] : memref<10000x128xf32, #tpu.memory_space<hbm>> -> memref<10000x128xf32, #tpu.memory_space<hbm>>
      tpu.enqueue_indirect_dma source(%dma_start3A_384 : memref<10000x128xf32, #tpu.memory_space<hbm>>) target(%arg12 : memref<128x128xf32, #tpu.memory_space<vmem>>) offsets(%dma_start3A_381 : memref<128xi32, #tpu.memory_space<vmem>>) semaphore(%arg15 : memref<!tpu.dma_semaphore, #tpu.memory_space<semaphore_mem>>)
      %get3A_385 = arith.index_cast %add3A_269 : i32 to index
      %get3A_386 = arith.constant 0 : index
      %get3A_387 = tpu.vector_load %arg6[%get3A_385, %get3A_386] {strides = array<i32>} : memref<80x128xi32, #tpu.memory_space<vmem>>, vector<1x16xi32>,
      %get3A_388 = vector.shape_cast %get3A_387 : vector<1x16xi32> to vector<16xi32>
      %shift_right_logical3A_389 = arith.constant 14 : i32
      %shift_right_logical3A_390 = vector.broadcast %shift_right_logical3A_389 : i32 to vector<16xi32>
      %shift_right_logical3A_391 = arith.shrui %get3A_388, %shift_right_logical3A_390 : vector<16xi32>
      %swap3A_392 = arith.constant 0 : i32
      %swap3A_393 = arith.index_cast %swap3A_392 : i32 to index
      %swap3A_394 = arith.constant 0 : index
      %swap3A_395 = tpu.vector_load %arg10[%swap3A_393, %swap3A_394] {strides = array<i32>} : memref<1x128xi32, #tpu.memory_space<vmem>>, vector<1x16xi32>,
      %swap3A_396 = vector.shape_cast %swap3A_395 : vector<1x16xi32> to vector<16xi32>
      %swap3A_397 = vector.shape_cast %shift_right_logical3A_391 : vector<16xi32> to vector<1x16xi32>
      tpu.vector_store %arg10[%swap3A_393, %swap3A_394], %swap3A_397 {strides = array<i32>} : memref<1x128xi32, #tpu.memory_space<vmem>>, vector<1x16xi32>,
      %get3A_398 = arith.index_cast %add3A_269 : i32 to index
      %get3A_399 = arith.constant 16 : index
      %get3A_400 = tpu.vector_load %arg6[%get3A_398, %get3A_399] {strides = array<i32>} : memref<80x128xi32, #tpu.memory_space<vmem>>, vector<1x16xi32>,
      %get3A_401 = vector.shape_cast %get3A_400 : vector<1x16xi32> to vector<16xi32>
      %shift_right_logical3A_402 = arith.constant 14 : i32
      %shift_right_logical3A_403 = vector.broadcast %shift_right_logical3A_402 : i32 to vector<16xi32>
      %shift_right_logical3A_404 = arith.shrui %get3A_401, %shift_right_logical3A_403 : vector<16xi32>
      %swap3A_405 = arith.constant 0 : i32
      %swap3A_406 = arith.index_cast %swap3A_405 : i32 to index
      %swap3A_407 = arith.constant 16 : index
      %swap3A_408 = tpu.vector_load %arg10[%swap3A_406, %swap3A_407] {strides = array<i32>} : memref<1x128xi32, #tpu.memory_space<vmem>>, vector<1x16xi32>,
      %swap3A_409 = vector.shape_cast %swap3A_408 : vector<1x16xi32> to vector<16xi32>
      %swap3A_410 = vector.shape_cast %shift_right_logical3A_404 : vector<16xi32> to vector<1x16xi32>
      tpu.vector_store %arg10[%swap3A_406, %swap3A_407], %swap3A_410 {strides = array<i32>} : memref<1x128xi32, #tpu.memory_space<vmem>>, vector<1x16xi32>,
      %get3A_411 = arith.index_cast %add3A_269 : i32 to index
      %get3A_412 = arith.constant 32 : index
      %get3A_413 = tpu.vector_load %arg6[%get3A_411, %get3A_412] {strides = array<i32>} : memref<80x128xi32, #tpu.memory_space<vmem>>, vector<1x16xi32>,
      %get3A_414 = vector.shape_cast %get3A_413 : vector<1x16xi32> to vector<16xi32>
      %shift_right_logical3A_415 = arith.constant 14 : i32
      %shift_right_logical3A_416 = vector.broadcast %shift_right_logical3A_415 : i32 to vector<16xi32>
      %shift_right_logical3A_417 = arith.shrui %get3A_414, %shift_right_logical3A_416 : vector<16xi32>
      %swap3A_418 = arith.constant 0 : i32
      %swap3A_419 = arith.index_cast %swap3A_418 : i32 to index
      %swap3A_420 = arith.constant 32 : index
      %swap3A_421 = tpu.vector_load %arg10[%swap3A_419, %swap3A_420] {strides = array<i32>} : memref<1x128xi32, #tpu.memory_space<vmem>>, vector<1x16xi32>,
      %swap3A_422 = vector.shape_cast %swap3A_421 : vector<1x16xi32> to vector<16xi32>
      %swap3A_423 = vector.shape_cast %shift_right_logical3A_417 : vector<16xi32> to vector<1x16xi32>
      tpu.vector_store %arg10[%swap3A_419, %swap3A_420], %swap3A_423 {strides = array<i32>} : memref<1x128xi32, #tpu.memory_space<vmem>>, vector<1x16xi32>,
      %get3A_424 = arith.index_cast %add3A_269 : i32 to index
      %get3A_425 = arith.constant 48 : index
      %get3A_426 = tpu.vector_load %arg6[%get3A_424, %get3A_425] {strides = array<i32>} : memref<80x128xi32, #tpu.memory_space<vmem>>, vector<1x16xi32>,
      %get3A_427 = vector.shape_cast %get3A_426 : vector<1x16xi32> to vector<16xi32>
      %shift_right_logical3A_428 = arith.constant 14 : i32
      %shift_right_logical3A_429 = vector.broadcast %shift_right_logical3A_428 : i32 to vector<16xi32>
      %shift_right_logical3A_430 = arith.shrui %get3A_427, %shift_right_logical3A_429 : vector<16xi32>
      %swap3A_431 = arith.constant 0 : i32
      %swap3A_432 = arith.index_cast %swap3A_431 : i32 to index
      %swap3A_433 = arith.constant 48 : index
      %swap3A_434 = tpu.vector_load %arg10[%swap3A_432, %swap3A_433] {strides = array<i32>} : memref<1x128xi32, #tpu.memory_space<vmem>>, vector<1x16xi32>,
      %swap3A_435 = vector.shape_cast %swap3A_434 : vector<1x16xi32> to vector<16xi32>
      %swap3A_436 = vector.shape_cast %shift_right_logical3A_430 : vector<16xi32> to vector<1x16xi32>
      tpu.vector_store %arg10[%swap3A_432, %swap3A_433], %swap3A_436 {strides = array<i32>} : memref<1x128xi32, #tpu.memory_space<vmem>>, vector<1x16xi32>,
      %get3A_437 = arith.index_cast %add3A_269 : i32 to index
      %get3A_438 = arith.constant 64 : index
      %get3A_439 = tpu.vector_load %arg6[%get3A_437, %get3A_438] {strides = array<i32>} : memref<80x128xi32, #tpu.memory_space<vmem>>, vector<1x16xi32>,
      %get3A_440 = vector.shape_cast %get3A_439 : vector<1x16xi32> to vector<16xi32>
      %shift_right_logical3A_441 = arith.constant 14 : i32
      %shift_right_logical3A_442 = vector.broadcast %shift_right_logical3A_441 : i32 to vector<16xi32>
      %shift_right_logical3A_443 = arith.shrui %get3A_440, %shift_right_logical3A_442 : vector<16xi32>
      %swap3A_444 = arith.constant 0 : i32
      %swap3A_445 = arith.index_cast %swap3A_444 : i32 to index
      %swap3A_446 = arith.constant 64 : index
      %swap3A_447 = tpu.vector_load %arg10[%swap3A_445, %swap3A_446] {strides = array<i32>} : memref<1x128xi32, #tpu.memory_space<vmem>>, vector<1x16xi32>,
      %swap3A_448 = vector.shape_cast %swap3A_447 : vector<1x16xi32> to vector<16xi32>
      %swap3A_449 = vector.shape_cast %shift_right_logical3A_443 : vector<16xi32> to vector<1x16xi32>
      tpu.vector_store %arg10[%swap3A_445, %swap3A_446], %swap3A_449 {strides = array<i32>} : memref<1x128xi32, #tpu.memory_space<vmem>>, vector<1x16xi32>,
      %get3A_450 = arith.index_cast %add3A_269 : i32 to index
      %get3A_451 = arith.constant 80 : index
      %get3A_452 = tpu.vector_load %arg6[%get3A_450, %get3A_451] {strides = array<i32>} : memref<80x128xi32, #tpu.memory_space<vmem>>, vector<1x16xi32>,
      %get3A_453 = vector.shape_cast %get3A_452 : vector<1x16xi32> to vector<16xi32>
      %shift_right_logical3A_454 = arith.constant 14 : i32
      %shift_right_logical3A_455 = vector.broadcast %shift_right_logical3A_454 : i32 to vector<16xi32>
      %shift_right_logical3A_456 = arith.shrui %get3A_453, %shift_right_logical3A_455 : vector<16xi32>
      %swap3A_457 = arith.constant 0 : i32
      %swap3A_458 = arith.index_cast %swap3A_457 : i32 to index
      %swap3A_459 = arith.constant 80 : index
      %swap3A_460 = tpu.vector_load %arg10[%swap3A_458, %swap3A_459] {strides = array<i32>} : memref<1x128xi32, #tpu.memory_space<vmem>>, vector<1x16xi32>,
      %swap3A_461 = vector.shape_cast %swap3A_460 : vector<1x16xi32> to vector<16xi32>
      %swap3A_462 = vector.shape_cast %shift_right_logical3A_456 : vector<16xi32> to vector<1x16xi32>
      tpu.vector_store %arg10[%swap3A_458, %swap3A_459], %swap3A_462 {strides = array<i32>} : memref<1x128xi32, #tpu.memory_space<vmem>>, vector<1x16xi32>,
      %get3A_463 = arith.index_cast %add3A_269 : i32 to index
      %get3A_464 = arith.constant 96 : index
      %get3A_465 = tpu.vector_load %arg6[%get3A_463, %get3A_464] {strides = array<i32>} : memref<80x128xi32, #tpu.memory_space<vmem>>, vector<1x16xi32>,
      %get3A_466 = vector.shape_cast %get3A_465 : vector<1x16xi32> to vector<16xi32>
      %shift_right_logical3A_467 = arith.constant 14 : i32
      %shift_right_logical3A_468 = vector.broadcast %shift_right_logical3A_467 : i32 to vector<16xi32>
      %shift_right_logical3A_469 = arith.shrui %get3A_466, %shift_right_logical3A_468 : vector<16xi32>
      %swap3A_470 = arith.constant 0 : i32
      %swap3A_471 = arith.index_cast %swap3A_470 : i32 to index
      %swap3A_472 = arith.constant 96 : index
      %swap3A_473 = tpu.vector_load %arg10[%swap3A_471, %swap3A_472] {strides = array<i32>} : memref<1x128xi32, #tpu.memory_space<vmem>>, vector<1x16xi32>,
      %swap3A_474 = vector.shape_cast %swap3A_473 : vector<1x16xi32> to vector<16xi32>
      %swap3A_475 = vector.shape_cast %shift_right_logical3A_469 : vector<16xi32> to vector<1x16xi32>
      tpu.vector_store %arg10[%swap3A_471, %swap3A_472], %swap3A_475 {strides = array<i32>} : memref<1x128xi32, #tpu.memory_space<vmem>>, vector<1x16xi32>,
      %get3A_476 = arith.index_cast %add3A_269 : i32 to index
      %get3A_477 = arith.constant 112 : index
      %get3A_478 = tpu.vector_load %arg6[%get3A_476, %get3A_477] {strides = array<i32>} : memref<80x128xi32, #tpu.memory_space<vmem>>, vector<1x16xi32>,
      %get3A_479 = vector.shape_cast %get3A_478 : vector<1x16xi32> to vector<16xi32>
      %shift_right_logical3A_480 = arith.constant 14 : i32
      %shift_right_logical3A_481 = vector.broadcast %shift_right_logical3A_480 : i32 to vector<16xi32>
      %shift_right_logical3A_482 = arith.shrui %get3A_479, %shift_right_logical3A_481 : vector<16xi32>
      %swap3A_483 = arith.constant 0 : i32
      %swap3A_484 = arith.index_cast %swap3A_483 : i32 to index
      %swap3A_485 = arith.constant 112 : index
      %swap3A_486 = tpu.vector_load %arg10[%swap3A_484, %swap3A_485] {strides = array<i32>} : memref<1x128xi32, #tpu.memory_space<vmem>>, vector<1x16xi32>,
      %swap3A_487 = vector.shape_cast %swap3A_486 : vector<1x16xi32> to vector<16xi32>
      %swap3A_488 = vector.shape_cast %shift_right_logical3A_482 : vector<16xi32> to vector<1x16xi32>
      tpu.vector_store %arg10[%swap3A_484, %swap3A_485], %swap3A_488 {strides = array<i32>} : memref<1x128xi32, #tpu.memory_space<vmem>>, vector<1x16xi32>,
      %dma_wait3A_489 = arith.constant 0 : i32
      %dma_wait3A_490 = arith.constant 0 : i32
      %dma_wait3A_491 = tpu.memref_slice %arg7[%dma_wait3A_489, %dma_wait3A_490] : memref<1x128xi32, #tpu.memory_space<vmem>> -> memref<1x128xi32, #tpu.memory_space<vmem>>
      %dma_wait3A_492 = tpu.memref_squeeze %dma_wait3A_491 : memref<1x128xi32, #tpu.memory_space<vmem>> -> memref<128xi32, #tpu.memory_space<vmem>>
      %dma_wait3A_493 = arith.constant 0 : i32
      %dma_wait3A_494 = arith.constant 0 : i32
      %dma_wait3A_495 = tpu.memref_slice %arg2[%dma_wait3A_493, %dma_wait3A_494] : memref<10000x128xf32, #tpu.memory_space<hbm>> -> memref<10000x128xf32, #tpu.memory_space<hbm>>
      tpu.wait_indirect_dma semaphore(%arg14 : memref<!tpu.dma_semaphore, #tpu.memory_space<semaphore_mem>>) src(%dma_wait3A_495 : memref<10000x128xf32, #tpu.memory_space<hbm>>) dst(%arg11 : memref<128x128xf32, #tpu.memory_space<vmem>>)
      %dma_start3A_496 = arith.constant 0 : i32
      %dma_start3A_497 = arith.constant 0 : i32
      %dma_start3A_498 = tpu.memref_slice %arg8[%dma_start3A_496, %dma_start3A_497] : memref<1x128xi32, #tpu.memory_space<vmem>> -> memref<1x128xi32, #tpu.memory_space<vmem>>
      %dma_start3A_499 = tpu.memref_squeeze %dma_start3A_498 : memref<1x128xi32, #tpu.memory_space<vmem>> -> memref<128xi32, #tpu.memory_space<vmem>>
      %dma_start3A_500 = arith.constant 0 : i32
      %dma_start3A_501 = arith.constant 0 : i32
      %dma_start3A_502 = tpu.memref_slice %arg13[%dma_start3A_500, %dma_start3A_501] : memref<10128x128xf32, #tpu.memory_space<vmem_shared>> -> memref<10128x128xf32, #tpu.memory_space<vmem_shared>>
      tpu.enqueue_indirect_dma source(%arg11 : memref<128x128xf32, #tpu.memory_space<vmem>>) target(%dma_start3A_502 : memref<10128x128xf32, #tpu.memory_space<vmem_shared>>) offsets(%dma_start3A_499 : memref<128xi32, #tpu.memory_space<vmem>>) semaphore(%arg16 : memref<!tpu.dma_semaphore, #tpu.memory_space<semaphore_mem>>) {add = true}
      %lt3A_503 = arith.constant 39 : i32
      %lt3A_504 = arith.cmpi slt, %scan3A_265, %lt3A_503 : i32
      %convert_element_type3A_505 = arith.extui %lt3A_504 : i1 to i32
      %cond3A_506 = arith.constant 0 : i32
      %cond3A_507 = arith.cmpi ne, %convert_element_type3A_505, %cond3A_506 : i32
      scf.if %cond3A_507 {
        %add3A_534 = arith.constant 2 : i32
        %add3A_535 = arith.addi %mul3A_267, %add3A_534 : i32
        %get3A_536 = arith.index_cast %add3A_535 : i32 to index
        %get3A_537 = arith.constant 0 : index
        %get3A_538 = tpu.vector_load %arg6[%get3A_536, %get3A_537] {strides = array<i32>} : memref<80x128xi32, #tpu.memory_space<vmem>>, vector<1x16xi32>,
        %get3A_539 = vector.shape_cast %get3A_538 : vector<1x16xi32> to vector<16xi32>
        %and3A_540 = arith.constant 16383 : i32
        %and3A_541 = vector.broadcast %and3A_540 : i32 to vector<16xi32>
        %and3A_542 = arith.andi %get3A_539, %and3A_541 : vector<16xi32>
        %swap3A_543 = arith.constant 0 : i32
        %swap3A_544 = arith.index_cast %swap3A_543 : i32 to index
        %swap3A_545 = arith.constant 0 : index
        %swap3A_546 = tpu.vector_load %arg7[%swap3A_544, %swap3A_545] {strides = array<i32>} : memref<1x128xi32, #tpu.memory_space<vmem>>, vector<1x16xi32>,
        %swap3A_547 = vector.shape_cast %swap3A_546 : vector<1x16xi32> to vector<16xi32>
        %swap3A_548 = vector.shape_cast %and3A_542 : vector<16xi32> to vector<1x16xi32>
        tpu.vector_store %arg7[%swap3A_544, %swap3A_545], %swap3A_548 {strides = array<i32>} : memref<1x128xi32, #tpu.memory_space<vmem>>, vector<1x16xi32>,
        %get3A_549 = arith.index_cast %add3A_535 : i32 to index
        %get3A_550 = arith.constant 16 : index
        %get3A_551 = tpu.vector_load %arg6[%get3A_549, %get3A_550] {strides = array<i32>} : memref<80x128xi32, #tpu.memory_space<vmem>>, vector<1x16xi32>,
        %get3A_552 = vector.shape_cast %get3A_551 : vector<1x16xi32> to vector<16xi32>
        %and3A_553 = arith.constant 16383 : i32
        %and3A_554 = vector.broadcast %and3A_553 : i32 to vector<16xi32>
        %and3A_555 = arith.andi %get3A_552, %and3A_554 : vector<16xi32>
        %swap3A_556 = arith.constant 0 : i32
        %swap3A_557 = arith.index_cast %swap3A_556 : i32 to index
        %swap3A_558 = arith.constant 16 : index
        %swap3A_559 = tpu.vector_load %arg7[%swap3A_557, %swap3A_558] {strides = array<i32>} : memref<1x128xi32, #tpu.memory_space<vmem>>, vector<1x16xi32>,
        %swap3A_560 = vector.shape_cast %swap3A_559 : vector<1x16xi32> to vector<16xi32>
        %swap3A_561 = vector.shape_cast %and3A_555 : vector<16xi32> to vector<1x16xi32>
        tpu.vector_store %arg7[%swap3A_557, %swap3A_558], %swap3A_561 {strides = array<i32>} : memref<1x128xi32, #tpu.memory_space<vmem>>, vector<1x16xi32>,
        %get3A_562 = arith.index_cast %add3A_535 : i32 to index
        %get3A_563 = arith.constant 32 : index
        %get3A_564 = tpu.vector_load %arg6[%get3A_562, %get3A_563] {strides = array<i32>} : memref<80x128xi32, #tpu.memory_space<vmem>>, vector<1x16xi32>,
        %get3A_565 = vector.shape_cast %get3A_564 : vector<1x16xi32> to vector<16xi32>
        %and3A_566 = arith.constant 16383 : i32
        %and3A_567 = vector.broadcast %and3A_566 : i32 to vector<16xi32>
        %and3A_568 = arith.andi %get3A_565, %and3A_567 : vector<16xi32>
        %swap3A_569 = arith.constant 0 : i32
        %swap3A_570 = arith.index_cast %swap3A_569 : i32 to index
        %swap3A_571 = arith.constant 32 : index
        %swap3A_572 = tpu.vector_load %arg7[%swap3A_570, %swap3A_571] {strides = array<i32>} : memref<1x128xi32, #tpu.memory_space<vmem>>, vector<1x16xi32>,
        %swap3A_573 = vector.shape_cast %swap3A_572 : vector<1x16xi32> to vector<16xi32>
        %swap3A_574 = vector.shape_cast %and3A_568 : vector<16xi32> to vector<1x16xi32>
        tpu.vector_store %arg7[%swap3A_570, %swap3A_571], %swap3A_574 {strides = array<i32>} : memref<1x128xi32, #tpu.memory_space<vmem>>, vector<1x16xi32>,
        %get3A_575 = arith.index_cast %add3A_535 : i32 to index
        %get3A_576 = arith.constant 48 : index
        %get3A_577 = tpu.vector_load %arg6[%get3A_575, %get3A_576] {strides = array<i32>} : memref<80x128xi32, #tpu.memory_space<vmem>>, vector<1x16xi32>,
        %get3A_578 = vector.shape_cast %get3A_577 : vector<1x16xi32> to vector<16xi32>
        %and3A_579 = arith.constant 16383 : i32
        %and3A_580 = vector.broadcast %and3A_579 : i32 to vector<16xi32>
        %and3A_581 = arith.andi %get3A_578, %and3A_580 : vector<16xi32>
        %swap3A_582 = arith.constant 0 : i32
        %swap3A_583 = arith.index_cast %swap3A_582 : i32 to index
        %swap3A_584 = arith.constant 48 : index
        %swap3A_585 = tpu.vector_load %arg7[%swap3A_583, %swap3A_584] {strides = array<i32>} : memref<1x128xi32, #tpu.memory_space<vmem>>, vector<1x16xi32>,
        %swap3A_586 = vector.shape_cast %swap3A_585 : vector<1x16xi32> to vector<16xi32>
        %swap3A_587 = vector.shape_cast %and3A_581 : vector<16xi32> to vector<1x16xi32>
        tpu.vector_store %arg7[%swap3A_583, %swap3A_584], %swap3A_587 {strides = array<i32>} : memref<1x128xi32, #tpu.memory_space<vmem>>, vector<1x16xi32>,
        %get3A_588 = arith.index_cast %add3A_535 : i32 to index
        %get3A_589 = arith.constant 64 : index
        %get3A_590 = tpu.vector_load %arg6[%get3A_588, %get3A_589] {strides = array<i32>} : memref<80x128xi32, #tpu.memory_space<vmem>>, vector<1x16xi32>,
        %get3A_591 = vector.shape_cast %get3A_590 : vector<1x16xi32> to vector<16xi32>
        %and3A_592 = arith.constant 16383 : i32
        %and3A_593 = vector.broadcast %and3A_592 : i32 to vector<16xi32>
        %and3A_594 = arith.andi %get3A_591, %and3A_593 : vector<16xi32>
        %swap3A_595 = arith.constant 0 : i32
        %swap3A_596 = arith.index_cast %swap3A_595 : i32 to index
        %swap3A_597 = arith.constant 64 : index
        %swap3A_598 = tpu.vector_load %arg7[%swap3A_596, %swap3A_597] {strides = array<i32>} : memref<1x128xi32, #tpu.memory_space<vmem>>, vector<1x16xi32>,
        %swap3A_599 = vector.shape_cast %swap3A_598 : vector<1x16xi32> to vector<16xi32>
        %swap3A_600 = vector.shape_cast %and3A_594 : vector<16xi32> to vector<1x16xi32>
        tpu.vector_store %arg7[%swap3A_596, %swap3A_597], %swap3A_600 {strides = array<i32>} : memref<1x128xi32, #tpu.memory_space<vmem>>, vector<1x16xi32>,
        %get3A_601 = arith.index_cast %add3A_535 : i32 to index
        %get3A_602 = arith.constant 80 : index
        %get3A_603 = tpu.vector_load %arg6[%get3A_601, %get3A_602] {strides = array<i32>} : memref<80x128xi32, #tpu.memory_space<vmem>>, vector<1x16xi32>,
        %get3A_604 = vector.shape_cast %get3A_603 : vector<1x16xi32> to vector<16xi32>
        %and3A_605 = arith.constant 16383 : i32
        %and3A_606 = vector.broadcast %and3A_605 : i32 to vector<16xi32>
        %and3A_607 = arith.andi %get3A_604, %and3A_606 : vector<16xi32>
        %swap3A_608 = arith.constant 0 : i32
        %swap3A_609 = arith.index_cast %swap3A_608 : i32 to index
        %swap3A_610 = arith.constant 80 : index
        %swap3A_611 = tpu.vector_load %arg7[%swap3A_609, %swap3A_610] {strides = array<i32>} : memref<1x128xi32, #tpu.memory_space<vmem>>, vector<1x16xi32>,
        %swap3A_612 = vector.shape_cast %swap3A_611 : vector<1x16xi32> to vector<16xi32>
        %swap3A_613 = vector.shape_cast %and3A_607 : vector<16xi32> to vector<1x16xi32>
        tpu.vector_store %arg7[%swap3A_609, %swap3A_610], %swap3A_613 {strides = array<i32>} : memref<1x128xi32, #tpu.memory_space<vmem>>, vector<1x16xi32>,
        %get3A_614 = arith.index_cast %add3A_535 : i32 to index
        %get3A_615 = arith.constant 96 : index
        %get3A_616 = tpu.vector_load %arg6[%get3A_614, %get3A_615] {strides = array<i32>} : memref<80x128xi32, #tpu.memory_space<vmem>>, vector<1x16xi32>,
        %get3A_617 = vector.shape_cast %get3A_616 : vector<1x16xi32> to vector<16xi32>
        %and3A_618 = arith.constant 16383 : i32
        %and3A_619 = vector.broadcast %and3A_618 : i32 to vector<16xi32>
        %and3A_620 = arith.andi %get3A_617, %and3A_619 : vector<16xi32>
        %swap3A_621 = arith.constant 0 : i32
        %swap3A_622 = arith.index_cast %swap3A_621 : i32 to index
        %swap3A_623 = arith.constant 96 : index
        %swap3A_624 = tpu.vector_load %arg7[%swap3A_622, %swap3A_623] {strides = array<i32>} : memref<1x128xi32, #tpu.memory_space<vmem>>, vector<1x16xi32>,
        %swap3A_625 = vector.shape_cast %swap3A_624 : vector<1x16xi32> to vector<16xi32>
        %swap3A_626 = vector.shape_cast %and3A_620 : vector<16xi32> to vector<1x16xi32>
        tpu.vector_store %arg7[%swap3A_622, %swap3A_623], %swap3A_626 {strides = array<i32>} : memref<1x128xi32, #tpu.memory_space<vmem>>, vector<1x16xi32>,
        %get3A_627 = arith.index_cast %add3A_535 : i32 to index
        %get3A_628 = arith.constant 112 : index
        %get3A_629 = tpu.vector_load %arg6[%get3A_627, %get3A_628] {strides = array<i32>} : memref<80x128xi32, #tpu.memory_space<vmem>>, vector<1x16xi32>,
        %get3A_630 = vector.shape_cast %get3A_629 : vector<1x16xi32> to vector<16xi32>
        %and3A_631 = arith.constant 16383 : i32
        %and3A_632 = vector.broadcast %and3A_631 : i32 to vector<16xi32>
        %and3A_633 = arith.andi %get3A_630, %and3A_632 : vector<16xi32>
        %swap3A_634 = arith.constant 0 : i32
        %swap3A_635 = arith.index_cast %swap3A_634 : i32 to index
        %swap3A_636 = arith.constant 112 : index
        %swap3A_637 = tpu.vector_load %arg7[%swap3A_635, %swap3A_636] {strides = array<i32>} : memref<1x128xi32, #tpu.memory_space<vmem>>, vector<1x16xi32>,
        %swap3A_638 = vector.shape_cast %swap3A_637 : vector<1x16xi32> to vector<16xi32>
        %swap3A_639 = vector.shape_cast %and3A_633 : vector<16xi32> to vector<1x16xi32>
        tpu.vector_store %arg7[%swap3A_635, %swap3A_636], %swap3A_639 {strides = array<i32>} : memref<1x128xi32, #tpu.memory_space<vmem>>, vector<1x16xi32>,
      } else {
      }
      %dma_wait3A_508 = arith.constant 0 : i32
      %dma_wait3A_509 = arith.constant 0 : i32
      %dma_wait3A_510 = tpu.memref_slice %arg8[%dma_wait3A_508, %dma_wait3A_509] : memref<1x128xi32, #tpu.memory_space<vmem>> -> memref<1x128xi32, #tpu.memory_space<vmem>>
      %dma_wait3A_511 = tpu.memref_squeeze %dma_wait3A_510 : memref<1x128xi32, #tpu.memory_space<vmem>> -> memref<128xi32, #tpu.memory_space<vmem>>
      %dma_wait3A_512 = arith.constant 0 : i32
      %dma_wait3A_513 = arith.constant 0 : i32
      %dma_wait3A_514 = tpu.memref_slice %arg13[%dma_wait3A_512, %dma_wait3A_513] : memref<10128x128xf32, #tpu.memory_space<vmem_shared>> -> memref<10128x128xf32, #tpu.memory_space<vmem_shared>>
      tpu.wait_indirect_dma semaphore(%arg16 : memref<!tpu.dma_semaphore, #tpu.memory_space<semaphore_mem>>) src(%arg11 : memref<128x128xf32, #tpu.memory_space<vmem>>) dst(%dma_wait3A_514 : memref<10128x128xf32, #tpu.memory_space<vmem_shared>>)
      %lt3A_515 = arith.constant 39 : i32
      %lt3A_516 = arith.cmpi slt, %scan3A_265, %lt3A_515 : i32
      %convert_element_type3A_517 = arith.extui %lt3A_516 : i1 to i32
      %cond3A_518 = arith.constant 0 : i32
      %cond3A_519 = arith.cmpi ne, %convert_element_type3A_517, %cond3A_518 : i32
      scf.if %cond3A_519 {
        %dma_start3A_534 = arith.constant 0 : i32
        %dma_start3A_535 = arith.constant 0 : i32
        %dma_start3A_536 = tpu.memref_slice %arg7[%dma_start3A_534, %dma_start3A_535] : memref<1x128xi32, #tpu.memory_space<vmem>> -> memref<1x128xi32, #tpu.memory_space<vmem>>
        %dma_start3A_537 = tpu.memref_squeeze %dma_start3A_536 : memref<1x128xi32, #tpu.memory_space<vmem>> -> memref<128xi32, #tpu.memory_space<vmem>>
        %dma_start3A_538 = arith.constant 0 : i32
        %dma_start3A_539 = arith.constant 0 : i32
        %dma_start3A_540 = tpu.memref_slice %arg2[%dma_start3A_538, %dma_start3A_539] : memref<10000x128xf32, #tpu.memory_space<hbm>> -> memref<10000x128xf32, #tpu.memory_space<hbm>>
        tpu.enqueue_indirect_dma source(%dma_start3A_540 : memref<10000x128xf32, #tpu.memory_space<hbm>>) target(%arg11 : memref<128x128xf32, #tpu.memory_space<vmem>>) offsets(%dma_start3A_537 : memref<128xi32, #tpu.memory_space<vmem>>) semaphore(%arg14 : memref<!tpu.dma_semaphore, #tpu.memory_space<semaphore_mem>>)
        %add3A_541 = arith.constant 2 : i32
        %add3A_542 = arith.addi %mul3A_267, %add3A_541 : i32
        %get3A_543 = arith.index_cast %add3A_542 : i32 to index
        %get3A_544 = arith.constant 0 : index
        %get3A_545 = tpu.vector_load %arg6[%get3A_543, %get3A_544] {strides = array<i32>} : memref<80x128xi32, #tpu.memory_space<vmem>>, vector<1x16xi32>,
        %get3A_546 = vector.shape_cast %get3A_545 : vector<1x16xi32> to vector<16xi32>
        %shift_right_logical3A_547 = arith.constant 14 : i32
        %shift_right_logical3A_548 = vector.broadcast %shift_right_logical3A_547 : i32 to vector<16xi32>
        %shift_right_logical3A_549 = arith.shrui %get3A_546, %shift_right_logical3A_548 : vector<16xi32>
        %swap3A_550 = arith.constant 0 : i32
        %swap3A_551 = arith.index_cast %swap3A_550 : i32 to index
        %swap3A_552 = arith.constant 0 : index
        %swap3A_553 = tpu.vector_load %arg8[%swap3A_551, %swap3A_552] {strides = array<i32>} : memref<1x128xi32, #tpu.memory_space<vmem>>, vector<1x16xi32>,
        %swap3A_554 = vector.shape_cast %swap3A_553 : vector<1x16xi32> to vector<16xi32>
        %swap3A_555 = vector.shape_cast %shift_right_logical3A_549 : vector<16xi32> to vector<1x16xi32>
        tpu.vector_store %arg8[%swap3A_551, %swap3A_552], %swap3A_555 {strides = array<i32>} : memref<1x128xi32, #tpu.memory_space<vmem>>, vector<1x16xi32>,
        %get3A_556 = arith.index_cast %add3A_542 : i32 to index
        %get3A_557 = arith.constant 16 : index
        %get3A_558 = tpu.vector_load %arg6[%get3A_556, %get3A_557] {strides = array<i32>} : memref<80x128xi32, #tpu.memory_space<vmem>>, vector<1x16xi32>,
        %get3A_559 = vector.shape_cast %get3A_558 : vector<1x16xi32> to vector<16xi32>
        %shift_right_logical3A_560 = arith.constant 14 : i32
        %shift_right_logical3A_561 = vector.broadcast %shift_right_logical3A_560 : i32 to vector<16xi32>
        %shift_right_logical3A_562 = arith.shrui %get3A_559, %shift_right_logical3A_561 : vector<16xi32>
        %swap3A_563 = arith.constant 0 : i32
        %swap3A_564 = arith.index_cast %swap3A_563 : i32 to index
        %swap3A_565 = arith.constant 16 : index
        %swap3A_566 = tpu.vector_load %arg8[%swap3A_564, %swap3A_565] {strides = array<i32>} : memref<1x128xi32, #tpu.memory_space<vmem>>, vector<1x16xi32>,
        %swap3A_567 = vector.shape_cast %swap3A_566 : vector<1x16xi32> to vector<16xi32>
        %swap3A_568 = vector.shape_cast %shift_right_logical3A_562 : vector<16xi32> to vector<1x16xi32>
        tpu.vector_store %arg8[%swap3A_564, %swap3A_565], %swap3A_568 {strides = array<i32>} : memref<1x128xi32, #tpu.memory_space<vmem>>, vector<1x16xi32>,
        %get3A_569 = arith.index_cast %add3A_542 : i32 to index
        %get3A_570 = arith.constant 32 : index
        %get3A_571 = tpu.vector_load %arg6[%get3A_569, %get3A_570] {strides = array<i32>} : memref<80x128xi32, #tpu.memory_space<vmem>>, vector<1x16xi32>,
        %get3A_572 = vector.shape_cast %get3A_571 : vector<1x16xi32> to vector<16xi32>
        %shift_right_logical3A_573 = arith.constant 14 : i32
        %shift_right_logical3A_574 = vector.broadcast %shift_right_logical3A_573 : i32 to vector<16xi32>
        %shift_right_logical3A_575 = arith.shrui %get3A_572, %shift_right_logical3A_574 : vector<16xi32>
        %swap3A_576 = arith.constant 0 : i32
        %swap3A_577 = arith.index_cast %swap3A_576 : i32 to index
        %swap3A_578 = arith.constant 32 : index
        %swap3A_579 = tpu.vector_load %arg8[%swap3A_577, %swap3A_578] {strides = array<i32>} : memref<1x128xi32, #tpu.memory_space<vmem>>, vector<1x16xi32>,
        %swap3A_580 = vector.shape_cast %swap3A_579 : vector<1x16xi32> to vector<16xi32>
        %swap3A_581 = vector.shape_cast %shift_right_logical3A_575 : vector<16xi32> to vector<1x16xi32>
        tpu.vector_store %arg8[%swap3A_577, %swap3A_578], %swap3A_581 {strides = array<i32>} : memref<1x128xi32, #tpu.memory_space<vmem>>, vector<1x16xi32>,
        %get3A_582 = arith.index_cast %add3A_542 : i32 to index
        %get3A_583 = arith.constant 48 : index
        %get3A_584 = tpu.vector_load %arg6[%get3A_582, %get3A_583] {strides = array<i32>} : memref<80x128xi32, #tpu.memory_space<vmem>>, vector<1x16xi32>,
        %get3A_585 = vector.shape_cast %get3A_584 : vector<1x16xi32> to vector<16xi32>
        %shift_right_logical3A_586 = arith.constant 14 : i32
        %shift_right_logical3A_587 = vector.broadcast %shift_right_logical3A_586 : i32 to vector<16xi32>
        %shift_right_logical3A_588 = arith.shrui %get3A_585, %shift_right_logical3A_587 : vector<16xi32>
        %swap3A_589 = arith.constant 0 : i32
        %swap3A_590 = arith.index_cast %swap3A_589 : i32 to index
        %swap3A_591 = arith.constant 48 : index
        %swap3A_592 = tpu.vector_load %arg8[%swap3A_590, %swap3A_591] {strides = array<i32>} : memref<1x128xi32, #tpu.memory_space<vmem>>, vector<1x16xi32>,
        %swap3A_593 = vector.shape_cast %swap3A_592 : vector<1x16xi32> to vector<16xi32>
        %swap3A_594 = vector.shape_cast %shift_right_logical3A_588 : vector<16xi32> to vector<1x16xi32>
        tpu.vector_store %arg8[%swap3A_590, %swap3A_591], %swap3A_594 {strides = array<i32>} : memref<1x128xi32, #tpu.memory_space<vmem>>, vector<1x16xi32>,
        %get3A_595 = arith.index_cast %add3A_542 : i32 to index
        %get3A_596 = arith.constant 64 : index
        %get3A_597 = tpu.vector_load %arg6[%get3A_595, %get3A_596] {strides = array<i32>} : memref<80x128xi32, #tpu.memory_space<vmem>>, vector<1x16xi32>,
        %get3A_598 = vector.shape_cast %get3A_597 : vector<1x16xi32> to vector<16xi32>
        %shift_right_logical3A_599 = arith.constant 14 : i32
        %shift_right_logical3A_600 = vector.broadcast %shift_right_logical3A_599 : i32 to vector<16xi32>
        %shift_right_logical3A_601 = arith.shrui %get3A_598, %shift_right_logical3A_600 : vector<16xi32>
        %swap3A_602 = arith.constant 0 : i32
        %swap3A_603 = arith.index_cast %swap3A_602 : i32 to index
        %swap3A_604 = arith.constant 64 : index
        %swap3A_605 = tpu.vector_load %arg8[%swap3A_603, %swap3A_604] {strides = array<i32>} : memref<1x128xi32, #tpu.memory_space<vmem>>, vector<1x16xi32>,
        %swap3A_606 = vector.shape_cast %swap3A_605 : vector<1x16xi32> to vector<16xi32>
        %swap3A_607 = vector.shape_cast %shift_right_logical3A_601 : vector<16xi32> to vector<1x16xi32>
        tpu.vector_store %arg8[%swap3A_603, %swap3A_604], %swap3A_607 {strides = array<i32>} : memref<1x128xi32, #tpu.memory_space<vmem>>, vector<1x16xi32>,
        %get3A_608 = arith.index_cast %add3A_542 : i32 to index
        %get3A_609 = arith.constant 80 : index
        %get3A_610 = tpu.vector_load %arg6[%get3A_608, %get3A_609] {strides = array<i32>} : memref<80x128xi32, #tpu.memory_space<vmem>>, vector<1x16xi32>,
        %get3A_611 = vector.shape_cast %get3A_610 : vector<1x16xi32> to vector<16xi32>
        %shift_right_logical3A_612 = arith.constant 14 : i32
        %shift_right_logical3A_613 = vector.broadcast %shift_right_logical3A_612 : i32 to vector<16xi32>
        %shift_right_logical3A_614 = arith.shrui %get3A_611, %shift_right_logical3A_613 : vector<16xi32>
        %swap3A_615 = arith.constant 0 : i32
        %swap3A_616 = arith.index_cast %swap3A_615 : i32 to index
        %swap3A_617 = arith.constant 80 : index
        %swap3A_618 = tpu.vector_load %arg8[%swap3A_616, %swap3A_617] {strides = array<i32>} : memref<1x128xi32, #tpu.memory_space<vmem>>, vector<1x16xi32>,
        %swap3A_619 = vector.shape_cast %swap3A_618 : vector<1x16xi32> to vector<16xi32>
        %swap3A_620 = vector.shape_cast %shift_right_logical3A_614 : vector<16xi32> to vector<1x16xi32>
        tpu.vector_store %arg8[%swap3A_616, %swap3A_617], %swap3A_620 {strides = array<i32>} : memref<1x128xi32, #tpu.memory_space<vmem>>, vector<1x16xi32>,
        %get3A_621 = arith.index_cast %add3A_542 : i32 to index
        %get3A_622 = arith.constant 96 : index
        %get3A_623 = tpu.vector_load %arg6[%get3A_621, %get3A_622] {strides = array<i32>} : memref<80x128xi32, #tpu.memory_space<vmem>>, vector<1x16xi32>,
        %get3A_624 = vector.shape_cast %get3A_623 : vector<1x16xi32> to vector<16xi32>
        %shift_right_logical3A_625 = arith.constant 14 : i32
        %shift_right_logical3A_626 = vector.broadcast %shift_right_logical3A_625 : i32 to vector<16xi32>
        %shift_right_logical3A_627 = arith.shrui %get3A_624, %shift_right_logical3A_626 : vector<16xi32>
        %swap3A_628 = arith.constant 0 : i32
        %swap3A_629 = arith.index_cast %swap3A_628 : i32 to index
        %swap3A_630 = arith.constant 96 : index
        %swap3A_631 = tpu.vector_load %arg8[%swap3A_629, %swap3A_630] {strides = array<i32>} : memref<1x128xi32, #tpu.memory_space<vmem>>, vector<1x16xi32>,
        %swap3A_632 = vector.shape_cast %swap3A_631 : vector<1x16xi32> to vector<16xi32>
        %swap3A_633 = vector.shape_cast %shift_right_logical3A_627 : vector<16xi32> to vector<1x16xi32>
        tpu.vector_store %arg8[%swap3A_629, %swap3A_630], %swap3A_633 {strides = array<i32>} : memref<1x128xi32, #tpu.memory_space<vmem>>, vector<1x16xi32>,
        %get3A_634 = arith.index_cast %add3A_542 : i32 to index
        %get3A_635 = arith.constant 112 : index
        %get3A_636 = tpu.vector_load %arg6[%get3A_634, %get3A_635] {strides = array<i32>} : memref<80x128xi32, #tpu.memory_space<vmem>>, vector<1x16xi32>,
        %get3A_637 = vector.shape_cast %get3A_636 : vector<1x16xi32> to vector<16xi32>
        %shift_right_logical3A_638 = arith.constant 14 : i32
        %shift_right_logical3A_639 = vector.broadcast %shift_right_logical3A_638 : i32 to vector<16xi32>
        %shift_right_logical3A_640 = arith.shrui %get3A_637, %shift_right_logical3A_639 : vector<16xi32>
        %swap3A_641 = arith.constant 0 : i32
        %swap3A_642 = arith.index_cast %swap3A_641 : i32 to index
        %swap3A_643 = arith.constant 112 : index
        %swap3A_644 = tpu.vector_load %arg8[%swap3A_642, %swap3A_643] {strides = array<i32>} : memref<1x128xi32, #tpu.memory_space<vmem>>, vector<1x16xi32>,
        %swap3A_645 = vector.shape_cast %swap3A_644 : vector<1x16xi32> to vector<16xi32>
        %swap3A_646 = vector.shape_cast %shift_right_logical3A_640 : vector<16xi32> to vector<1x16xi32>
        tpu.vector_store %arg8[%swap3A_642, %swap3A_643], %swap3A_646 {strides = array<i32>} : memref<1x128xi32, #tpu.memory_space<vmem>>, vector<1x16xi32>,
      } else {
      }
      %dma_wait3A_520 = arith.constant 0 : i32
      %dma_wait3A_521 = arith.constant 0 : i32
      %dma_wait3A_522 = tpu.memref_slice %arg9[%dma_wait3A_520, %dma_wait3A_521] : memref<1x128xi32, #tpu.memory_space<vmem>> -> memref<1x128xi32, #tpu.memory_space<vmem>>
      %dma_wait3A_523 = tpu.memref_squeeze %dma_wait3A_522 : memref<1x128xi32, #tpu.memory_space<vmem>> -> memref<128xi32, #tpu.memory_space<vmem>>
      %dma_wait3A_524 = arith.constant 0 : i32
      %dma_wait3A_525 = arith.constant 0 : i32
      %dma_wait3A_526 = tpu.memref_slice %arg2[%dma_wait3A_524, %dma_wait3A_525] : memref<10000x128xf32, #tpu.memory_space<hbm>> -> memref<10000x128xf32, #tpu.memory_space<hbm>>
      tpu.wait_indirect_dma semaphore(%arg15 : memref<!tpu.dma_semaphore, #tpu.memory_space<semaphore_mem>>) src(%dma_wait3A_526 : memref<10000x128xf32, #tpu.memory_space<hbm>>) dst(%arg12 : memref<128x128xf32, #tpu.memory_space<vmem>>)
      %dma_start3A_527 = arith.constant 0 : i32
      %dma_start3A_528 = arith.constant 0 : i32
      %dma_start3A_529 = tpu.memref_slice %arg10[%dma_start3A_527, %dma_start3A_528] : memref<1x128xi32, #tpu.memory_space<vmem>> -> memref<1x128xi32, #tpu.memory_space<vmem>>
      %dma_start3A_530 = tpu.memref_squeeze %dma_start3A_529 : memref<1x128xi32, #tpu.memory_space<vmem>> -> memref<128xi32, #tpu.memory_space<vmem>>
      %dma_start3A_531 = arith.constant 0 : i32
      %dma_start3A_532 = arith.constant 0 : i32
      %dma_start3A_533 = tpu.memref_slice %arg13[%dma_start3A_531, %dma_start3A_532] : memref<10128x128xf32, #tpu.memory_space<vmem_shared>> -> memref<10128x128xf32, #tpu.memory_space<vmem_shared>>
      tpu.enqueue_indirect_dma source(%arg12 : memref<128x128xf32, #tpu.memory_space<vmem>>) target(%dma_start3A_533 : memref<10128x128xf32, #tpu.memory_space<vmem_shared>>) offsets(%dma_start3A_530 : memref<128xi32, #tpu.memory_space<vmem>>) semaphore(%arg17 : memref<!tpu.dma_semaphore, #tpu.memory_space<semaphore_mem>>) {add = true}
    }
    %scan3A_247 = arith.constant 40 : i32
    %dma_wait3A = arith.constant 0 : i32
    %dma_wait3A_248 = arith.constant 0 : i32
    %dma_wait3A_249 = tpu.memref_slice %arg10[%dma_wait3A, %dma_wait3A_248] : memref<1x128xi32, #tpu.memory_space<vmem>> -> memref<1x128xi32, #tpu.memory_space<vmem>>
    %dma_wait3A_250 = tpu.memref_squeeze %dma_wait3A_249 : memref<1x128xi32, #tpu.memory_space<vmem>> -> memref<128xi32, #tpu.memory_space<vmem>>
    %dma_wait3A_251 = arith.constant 0 : i32
    %dma_wait3A_252 = arith.constant 0 : i32
    %dma_wait3A_253 = tpu.memref_slice %arg13[%dma_wait3A_251, %dma_wait3A_252] : memref<10128x128xf32, #tpu.memory_space<vmem_shared>> -> memref<10128x128xf32, #tpu.memory_space<vmem_shared>>
    tpu.wait_indirect_dma semaphore(%arg17 : memref<!tpu.dma_semaphore, #tpu.memory_space<semaphore_mem>>) src(%arg12 : memref<128x128xf32, #tpu.memory_space<vmem>>) dst(%dma_wait3A_253 : memref<10128x128xf32, #tpu.memory_space<vmem_shared>>)
    %barrier3A_254 = arith.constant 0 : index
    tpu.barrier barrier_id(%barrier3A_254)
    %lt3A_255 = arith.constant 15 : i32
    %lt3A_256 = arith.cmpi slt, %arg1, %lt3A_255 : i32
    %convert_element_type3A_257 = arith.extui %lt3A_256 : i1 to i32
    %cond3A_258 = arith.constant 0 : i32
    %cond3A_259 = arith.cmpi ne, %convert_element_type3A_257, %cond3A_258 : i32
    scf.if %cond3A_259 {
      %mul3A_265 = arith.constant 632 : i32
      %mul3A_266 = arith.muli %arg1, %mul3A_265 : i32
      %multiple_of3A = tpu.assume_multiple %mul3A_266, 8 : i32
      "tpu.region"() ({
        %run_scoped3A = tpu.sem_alloc : memref<!tpu.dma_semaphore, #tpu.memory_space<semaphore_mem>>
        %dma_start3A_267 = arith.constant 0 : i32
        %dma_start3A_268 = tpu.memref_slice %arg5[%arg0, %multiple_of3A, %dma_start3A_267] : memref<2x10000x128xf32, #tpu.memory_space<hbm>> -> memref<1x632x128xf32, #tpu.memory_space<hbm>>
        %dma_start3A_269 = tpu.memref_squeeze %dma_start3A_268 : memref<1x632x128xf32, #tpu.memory_space<hbm>> -> memref<632x128xf32, #tpu.memory_space<hbm>>
        %dma_start3A_270 = arith.constant 0 : i32
        %dma_start3A_271 = tpu.memref_slice %arg13[%multiple_of3A, %dma_start3A_270] : memref<10128x128xf32, #tpu.memory_space<vmem_shared>> -> memref<632x128xf32, #tpu.memory_space<vmem_shared>>
        tpu.enqueue_dma source(%dma_start3A_271 : memref<632x128xf32, #tpu.memory_space<vmem_shared>>) target(%dma_start3A_269 : memref<632x128xf32, #tpu.memory_space<hbm>>) target_semaphore(%run_scoped3A : memref<!tpu.dma_semaphore, #tpu.memory_space<semaphore_mem>>)
        %dma_wait3A_272 = arith.constant 0 : i32
        %dma_wait3A_273 = tpu.memref_slice %arg5[%arg0, %multiple_of3A, %dma_wait3A_272] : memref<2x10000x128xf32, #tpu.memory_space<hbm>> -> memref<1x632x128xf32, #tpu.memory_space<hbm>>
        %dma_wait3A_274 = tpu.memref_squeeze %dma_wait3A_273 : memref<1x632x128xf32, #tpu.memory_space<hbm>> -> memref<632x128xf32, #tpu.memory_space<hbm>>
        %dma_wait3A_275 = arith.constant 0 : i32
        %dma_wait3A_276 = tpu.memref_slice %arg13[%multiple_of3A, %dma_wait3A_275] : memref<10128x128xf32, #tpu.memory_space<vmem_shared>> -> memref<632x128xf32, #tpu.memory_space<vmem_shared>>
        tpu.wait_dma2 semaphore(%run_scoped3A : memref<!tpu.dma_semaphore, #tpu.memory_space<semaphore_mem>>) src(%dma_wait3A_276 : memref<632x128xf32, #tpu.memory_space<vmem_shared>>) dst(%dma_wait3A_274 : memref<632x128xf32, #tpu.memory_space<hbm>>)
        tpu.yield
      }) : () -> ()
    } else {
    }
    %eq3A_260 = arith.constant 15 : i32
    %eq3A_261 = arith.cmpi eq, %arg1, %eq3A_260 : i32
    %convert_element_type3A_262 = arith.extui %eq3A_261 : i1 to i32
    %cond3A_263 = arith.constant 0 : i32
    %cond3A_264 = arith.cmpi ne, %convert_element_type3A_262, %cond3A_263 : i32
    scf.if %cond3A_264 {
      "tpu.region"() ({
        %run_scoped3A = tpu.sem_alloc : memref<!tpu.dma_semaphore, #tpu.memory_space<semaphore_mem>>
        %dma_start3A_265 = arith.constant 9480 : i32
        %dma_start3A_266 = arith.constant 0 : i32
        %dma_start3A_267 = tpu.memref_slice %arg5[%arg0, %dma_start3A_265, %dma_start3A_266] : memref<2x10000x128xf32, #tpu.memory_space<hbm>> -> memref<1x520x128xf32, #tpu.memory_space<hbm>>
        %dma_start3A_268 = tpu.memref_squeeze %dma_start3A_267 : memref<1x520x128xf32, #tpu.memory_space<hbm>> -> memref<520x128xf32, #tpu.memory_space<hbm>>
        %dma_start3A_269 = arith.constant 9480 : i32
        %dma_start3A_270 = arith.constant 0 : i32
        %dma_start3A_271 = tpu.memref_slice %arg13[%dma_start3A_269, %dma_start3A_270] : memref<10128x128xf32, #tpu.memory_space<vmem_shared>> -> memref<520x128xf32, #tpu.memory_space<vmem_shared>>
        tpu.enqueue_dma source(%dma_start3A_271 : memref<520x128xf32, #tpu.memory_space<vmem_shared>>) target(%dma_start3A_268 : memref<520x128xf32, #tpu.memory_space<hbm>>) target_semaphore(%run_scoped3A : memref<!tpu.dma_semaphore, #tpu.memory_space<semaphore_mem>>)
        %dma_wait3A_272 = arith.constant 9480 : i32
        %dma_wait3A_273 = arith.constant 0 : i32
        %dma_wait3A_274 = tpu.memref_slice %arg5[%arg0, %dma_wait3A_272, %dma_wait3A_273] : memref<2x10000x128xf32, #tpu.memory_space<hbm>> -> memref<1x520x128xf32, #tpu.memory_space<hbm>>
        %dma_wait3A_275 = tpu.memref_squeeze %dma_wait3A_274 : memref<1x520x128xf32, #tpu.memory_space<hbm>> -> memref<520x128xf32, #tpu.memory_space<hbm>>
        %dma_wait3A_276 = arith.constant 9480 : i32
        %dma_wait3A_277 = arith.constant 0 : i32
        %dma_wait3A_278 = tpu.memref_slice %arg13[%dma_wait3A_276, %dma_wait3A_277] : memref<10128x128xf32, #tpu.memory_space<vmem_shared>> -> memref<520x128xf32, #tpu.memory_space<vmem_shared>>
        tpu.wait_dma2 semaphore(%run_scoped3A : memref<!tpu.dma_semaphore, #tpu.memory_space<semaphore_mem>>) src(%dma_wait3A_278 : memref<520x128xf32, #tpu.memory_space<vmem_shared>>) dst(%dma_wait3A_275 : memref<520x128xf32, #tpu.memory_space<hbm>>)
        tpu.yield
      }) : () -> ()
    } else {
    }
    return
  }
}

module attributes {stable_mosaic.version = 14 : i64} {
  func.func @body(%arg0: i32, %arg1: memref<1xf32, #tpu.memory_space<smem>>, %arg2: memref<2000x128xf32, #tpu.memory_space<vmem>>, %arg3: memref<2000x128xf32, #tpu.memory_space<vmem>>, %arg4: memref<2000x128xf32, #tpu.memory_space<vmem>>, %arg5: memref<128x128xf32, #tpu.memory_space<vmem>>, %arg6: memref<1x128xf32, #tpu.memory_space<vmem>>, %arg7: memref<128x128xf32, #tpu.memory_space<vmem>>, %arg8: memref<1x128xf32, #tpu.memory_space<vmem>>, %arg9: memref<1x128xf32, #tpu.memory_space<vmem>>, %arg10: memref<1x128xf32, #tpu.memory_space<vmem>>, %arg11: memref<2000x128xf32, #tpu.memory_space<vmem>>) attributes {dimension_semantics = [#tpu.dimension_semantics<arbitrary>], iteration_bounds = array<i64: 5>, scalar_prefetch = 0 : i64, scratch_operands = 0 : i64, tpu.core_type = #tpu.core_type<tc>, window_params = [{transform_indices = @transform_0, window_bounds = array<i64: 1>}, {transform_indices = @transform_1, window_bounds = array<i64: 2000, 128>}, {transform_indices = @transform_2, window_bounds = array<i64: 2000, 128>}, {transform_indices = @transform_3, window_bounds = array<i64: 2000, 128>}, {pipeline_mode = #tpu.pipeline_mode<synchronous>, transform_indices = @transform_4, window_bounds = array<i64: 128, 128>}, {pipeline_mode = #tpu.pipeline_mode<synchronous>, transform_indices = @transform_5, window_bounds = array<i64: 1, 128>}, {pipeline_mode = #tpu.pipeline_mode<synchronous>, transform_indices = @transform_6, window_bounds = array<i64: 128, 128>}, {pipeline_mode = #tpu.pipeline_mode<synchronous>, transform_indices = @transform_7, window_bounds = array<i64: 1, 128>}, {pipeline_mode = #tpu.pipeline_mode<synchronous>, transform_indices = @transform_8, window_bounds = array<i64: 1, 128>}, {pipeline_mode = #tpu.pipeline_mode<synchronous>, transform_indices = @transform_9, window_bounds = array<i64: 1, 128>}, {transform_indices = @transform_10, window_bounds = array<i64: 2000, 128>}]} {
    %get3A = arith.constant 0 : index
    %get3A_0 = memref.load %arg1[%get3A] : memref<1xf32, #tpu.memory_space<smem>>
    %get3A_1 = arith.constant 0 : index
    %get3A_2 = arith.constant 0 : index
    %get3A_3 = vector.load %arg2[%get3A_1, %get3A_2] : memref<2000x128xf32, #tpu.memory_space<vmem>>, vector<2000x128xf32>
    %mul3A = vector.broadcast %get3A_0 : f32 to vector<2000x128xf32>
    %mul3A_4 = arith.mulf %mul3A, %get3A_3 : vector<2000x128xf32>
    %get3A_5 = arith.constant 0 : index
    %get3A_6 = arith.constant 0 : index
    %get3A_7 = vector.load %arg3[%get3A_5, %get3A_6] : memref<2000x128xf32, #tpu.memory_space<vmem>>, vector<2000x128xf32>
    %add3A = arith.addf %mul3A_4, %get3A_7 : vector<2000x128xf32>
    %get3A_8 = arith.constant 0 : index
    %get3A_9 = arith.constant 0 : index
    %get3A_10 = vector.load %arg4[%get3A_8, %get3A_9] : memref<2000x128xf32, #tpu.memory_space<vmem>>, vector<2000x128xf32>
    %add3A_11 = arith.addf %add3A, %get3A_10 : vector<2000x128xf32>
    %get3A_12 = arith.constant 0 : index
    %get3A_13 = arith.constant 0 : index
    %get3A_14 = vector.load %arg5[%get3A_12, %get3A_13] : memref<128x128xf32, #tpu.memory_space<vmem>>, vector<128x128xf32>
    %dot_general3A = arith.constant dense<0.000000e+00> : vector<2000x128xf32>
    %dot_general3A_15 = tpu.matmul %add3A_11, %get3A_14, %dot_general3A {dimension_numbers = #tpu.dot_dimension_numbers<[1], [0], [0], [1], [0, 0, 1, 1], [], []>, transpose_lhs_hint = false} : vector<2000x128xf32>, vector<128x128xf32>, vector<2000x128xf32> -> vector<2000x128xf32>
    %get3A_16 = arith.constant 0 : index
    %get3A_17 = arith.constant 0 : index
    %get3A_18 = vector.load %arg6[%get3A_16, %get3A_17] : memref<1x128xf32, #tpu.memory_space<vmem>>, vector<1x128xf32>
    %add3A_19 = vector.broadcast %get3A_18 : vector<1x128xf32> to vector<2000x128xf32>
    %add3A_20 = arith.addf %dot_general3A_15, %add3A_19 : vector<2000x128xf32>
    %max3A = arith.constant 0.000000e+00 : f32
    %max3A_21 = vector.broadcast %max3A : f32 to vector<2000x128xf32>
    %max3A_22 = arith.maximumf %add3A_20, %max3A_21 : vector<2000x128xf32>
    %get3A_23 = arith.constant 0 : index
    %get3A_24 = arith.constant 0 : index
    %get3A_25 = vector.load %arg7[%get3A_23, %get3A_24] : memref<128x128xf32, #tpu.memory_space<vmem>>, vector<128x128xf32>
    %dot_general3A_26 = arith.constant dense<0.000000e+00> : vector<2000x128xf32>
    %dot_general3A_27 = tpu.matmul %max3A_22, %get3A_25, %dot_general3A_26 {dimension_numbers = #tpu.dot_dimension_numbers<[1], [0], [0], [1], [0, 0, 1, 1], [], []>, transpose_lhs_hint = false} : vector<2000x128xf32>, vector<128x128xf32>, vector<2000x128xf32> -> vector<2000x128xf32>
    %get3A_28 = arith.constant 0 : index
    %get3A_29 = arith.constant 0 : index
    %get3A_30 = vector.load %arg8[%get3A_28, %get3A_29] : memref<1x128xf32, #tpu.memory_space<vmem>>, vector<1x128xf32>
    %add3A_31 = vector.broadcast %get3A_30 : vector<1x128xf32> to vector<2000x128xf32>
    %add3A_32 = arith.addf %dot_general3A_27, %add3A_31 : vector<2000x128xf32>
    %get3A_33 = arith.constant 0 : index
    %get3A_34 = arith.constant 0 : index
    %get3A_35 = vector.load %arg9[%get3A_33, %get3A_34] : memref<1x128xf32, #tpu.memory_space<vmem>>, vector<1x128xf32>
    %mul3A_36 = arith.constant 0.999994993 : f32
    %mul3A_37 = vector.broadcast %mul3A_36 : f32 to vector<1x128xf32>
    %mul3A_38 = arith.mulf %get3A_35, %mul3A_37 : vector<1x128xf32>
    %mul3A_39 = vector.broadcast %mul3A_38 : vector<1x128xf32> to vector<2000x128xf32>
    %mul3A_40 = arith.mulf %add3A_32, %mul3A_39 : vector<2000x128xf32>
    %get3A_41 = arith.constant 0 : index
    %get3A_42 = arith.constant 0 : index
    %get3A_43 = vector.load %arg10[%get3A_41, %get3A_42] : memref<1x128xf32, #tpu.memory_space<vmem>>, vector<1x128xf32>
    %add3A_44 = vector.broadcast %get3A_43 : vector<1x128xf32> to vector<2000x128xf32>
    %add3A_45 = arith.addf %mul3A_40, %add3A_44 : vector<2000x128xf32>
    %ge3A = arith.constant 0.000000e+00 : f32
    %ge3A_46 = vector.broadcast %ge3A : f32 to vector<2000x128xf32>
    %ge3A_47 = arith.cmpf oge, %add3A_45, %ge3A_46 : vector<2000x128xf32>
    %mul3A_48 = arith.constant 0.00999999977 : f32
    %mul3A_49 = vector.broadcast %mul3A_48 : f32 to vector<2000x128xf32>
    %mul3A_50 = arith.mulf %mul3A_49, %add3A_45 : vector<2000x128xf32>
    %select_n3A = arith.select %ge3A_47, %add3A_45, %mul3A_50 : vector<2000x128xi1>, vector<2000x128xf32>
    %swap3A = arith.constant 0 : index
    %swap3A_51 = arith.constant 0 : index
    %swap3A_52 = vector.load %arg11[%swap3A, %swap3A_51] : memref<2000x128xf32, #tpu.memory_space<vmem>>, vector<2000x128xf32>
    tpu.vector_store %arg11[%swap3A, %swap3A_51], %select_n3A {strides = array<i32>} : memref<2000x128xf32, #tpu.memory_space<vmem>>, vector<2000x128xf32>,
    return
  }
  func.func @transform_0(%arg0: i32) -> i32 {
    %c0_i32 = arith.constant 0 : i32
    %c0_i32_0 = arith.constant 0 : i32
    return %c0_i32 : i32
  }
  func.func @transform_1(%arg0: i32) -> (i32, i32) {
    %c0_i32 = arith.constant 0 : i32
    %c0_i32_0 = arith.constant 0 : i32
    return %arg0, %c0_i32 : i32, i32
  }
  func.func @transform_2(%arg0: i32) -> (i32, i32) {
    %c0_i32 = arith.constant 0 : i32
    %c0_i32_0 = arith.constant 0 : i32
    return %arg0, %c0_i32 : i32, i32
  }
  func.func @transform_3(%arg0: i32) -> (i32, i32) {
    %c0_i32 = arith.constant 0 : i32
    %c0_i32_0 = arith.constant 0 : i32
    return %arg0, %c0_i32 : i32, i32
  }
  func.func @transform_4(%arg0: i32) -> (i32, i32) {
    %c0_i32 = arith.constant 0 : i32
    %c0_i32_0 = arith.constant 0 : i32
    %c0_i32_1 = arith.constant 0 : i32
    return %c0_i32, %c0_i32_0 : i32, i32
  }
  func.func @transform_5(%arg0: i32) -> (i32, i32) {
    %c0_i32 = arith.constant 0 : i32
    %c0_i32_0 = arith.constant 0 : i32
    %c0_i32_1 = arith.constant 0 : i32
    return %c0_i32, %c0_i32_0 : i32, i32
  }
  func.func @transform_6(%arg0: i32) -> (i32, i32) {
    %c0_i32 = arith.constant 0 : i32
    %c0_i32_0 = arith.constant 0 : i32
    %c0_i32_1 = arith.constant 0 : i32
    return %c0_i32, %c0_i32_0 : i32, i32
  }
  func.func @transform_7(%arg0: i32) -> (i32, i32) {
    %c0_i32 = arith.constant 0 : i32
    %c0_i32_0 = arith.constant 0 : i32
    %c0_i32_1 = arith.constant 0 : i32
    return %c0_i32, %c0_i32_0 : i32, i32
  }
  func.func @transform_8(%arg0: i32) -> (i32, i32) {
    %c0_i32 = arith.constant 0 : i32
    %c0_i32_0 = arith.constant 0 : i32
    %c0_i32_1 = arith.constant 0 : i32
    return %c0_i32, %c0_i32_0 : i32, i32
  }
  func.func @transform_9(%arg0: i32) -> (i32, i32) {
    %c0_i32 = arith.constant 0 : i32
    %c0_i32_0 = arith.constant 0 : i32
    %c0_i32_1 = arith.constant 0 : i32
    return %c0_i32, %c0_i32_0 : i32, i32
  }
  func.func @transform_10(%arg0: i32) -> (i32, i32) {
    %c0_i32 = arith.constant 0 : i32
    %c0_i32_0 = arith.constant 0 : i32
    return %arg0, %c0_i32 : i32, i32
  }
}

module attributes {stable_mosaic.version = 14 : i64} {
  func.func @body(%arg0: i32, %arg1: memref<1xf32, #tpu.memory_space<smem>>, %arg2: memref<2000x128xf32, #tpu.memory_space<vmem>>, %arg3: memref<2000x128xf32, #tpu.memory_space<vmem>>, %arg4: memref<2000x128xf32, #tpu.memory_space<vmem>>, %arg5: memref<128x128xf32, #tpu.memory_space<vmem>>, %arg6: memref<1x128xf32, #tpu.memory_space<vmem>>, %arg7: memref<128x64xf32, #tpu.memory_space<vmem>>, %arg8: memref<1x64xf32, #tpu.memory_space<vmem>>, %arg9: memref<2000x64xf32, #tpu.memory_space<vmem>>) attributes {dimension_semantics = [#tpu.dimension_semantics<arbitrary>], iteration_bounds = array<i64: 5>, scalar_prefetch = 0 : i64, scratch_operands = 0 : i64, tpu.core_type = #tpu.core_type<tc>, window_params = [{transform_indices = @transform_0, window_bounds = array<i64: 1>}, {transform_indices = @transform_1, window_bounds = array<i64: 2000, 128>}, {transform_indices = @transform_2, window_bounds = array<i64: 2000, 128>}, {transform_indices = @transform_3, window_bounds = array<i64: 2000, 128>}, {pipeline_mode = #tpu.pipeline_mode<synchronous>, transform_indices = @transform_4, window_bounds = array<i64: 128, 128>}, {pipeline_mode = #tpu.pipeline_mode<synchronous>, transform_indices = @transform_5, window_bounds = array<i64: 1, 128>}, {pipeline_mode = #tpu.pipeline_mode<synchronous>, transform_indices = @transform_6, window_bounds = array<i64: 128, 64>}, {pipeline_mode = #tpu.pipeline_mode<synchronous>, transform_indices = @transform_7, window_bounds = array<i64: 1, 64>}, {transform_indices = @transform_8, window_bounds = array<i64: 2000, 64>}]} {
    %get3A = arith.constant 0 : index
    %get3A_0 = memref.load %arg1[%get3A] : memref<1xf32, #tpu.memory_space<smem>>
    %get3A_1 = arith.constant 0 : index
    %get3A_2 = arith.constant 0 : index
    %get3A_3 = vector.load %arg2[%get3A_1, %get3A_2] : memref<2000x128xf32, #tpu.memory_space<vmem>>, vector<2000x128xf32>
    %mul3A = vector.broadcast %get3A_0 : f32 to vector<2000x128xf32>
    %mul3A_4 = arith.mulf %mul3A, %get3A_3 : vector<2000x128xf32>
    %get3A_5 = arith.constant 0 : index
    %get3A_6 = arith.constant 0 : index
    %get3A_7 = vector.load %arg3[%get3A_5, %get3A_6] : memref<2000x128xf32, #tpu.memory_space<vmem>>, vector<2000x128xf32>
    %add3A = arith.addf %mul3A_4, %get3A_7 : vector<2000x128xf32>
    %get3A_8 = arith.constant 0 : index
    %get3A_9 = arith.constant 0 : index
    %get3A_10 = vector.load %arg4[%get3A_8, %get3A_9] : memref<2000x128xf32, #tpu.memory_space<vmem>>, vector<2000x128xf32>
    %add3A_11 = arith.addf %add3A, %get3A_10 : vector<2000x128xf32>
    %get3A_12 = arith.constant 0 : index
    %get3A_13 = arith.constant 0 : index
    %get3A_14 = vector.load %arg5[%get3A_12, %get3A_13] : memref<128x128xf32, #tpu.memory_space<vmem>>, vector<128x128xf32>
    %dot_general3A = arith.constant dense<0.000000e+00> : vector<2000x128xf32>
    %dot_general3A_15 = tpu.matmul %add3A_11, %get3A_14, %dot_general3A {dimension_numbers = #tpu.dot_dimension_numbers<[1], [0], [0], [1], [0, 0, 1, 1], [], []>, transpose_lhs_hint = false} : vector<2000x128xf32>, vector<128x128xf32>, vector<2000x128xf32> -> vector<2000x128xf32>
    %get3A_16 = arith.constant 0 : index
    %get3A_17 = arith.constant 0 : index
    %get3A_18 = vector.load %arg6[%get3A_16, %get3A_17] : memref<1x128xf32, #tpu.memory_space<vmem>>, vector<1x128xf32>
    %add3A_19 = vector.broadcast %get3A_18 : vector<1x128xf32> to vector<2000x128xf32>
    %add3A_20 = arith.addf %dot_general3A_15, %add3A_19 : vector<2000x128xf32>
    %max3A = arith.constant 0.000000e+00 : f32
    %max3A_21 = vector.broadcast %max3A : f32 to vector<2000x128xf32>
    %max3A_22 = arith.maximumf %add3A_20, %max3A_21 : vector<2000x128xf32>
    %get3A_23 = arith.constant 0 : index
    %get3A_24 = arith.constant 0 : index
    %get3A_25 = vector.load %arg7[%get3A_23, %get3A_24] : memref<128x64xf32, #tpu.memory_space<vmem>>, vector<128x64xf32>
    %dot_general3A_26 = arith.constant dense<0.000000e+00> : vector<2000x64xf32>
    %dot_general3A_27 = tpu.matmul %max3A_22, %get3A_25, %dot_general3A_26 {dimension_numbers = #tpu.dot_dimension_numbers<[1], [0], [0], [1], [0, 0, 1, 1], [], []>, transpose_lhs_hint = false} : vector<2000x128xf32>, vector<128x64xf32>, vector<2000x64xf32> -> vector<2000x64xf32>
    %get3A_28 = arith.constant 0 : index
    %get3A_29 = arith.constant 0 : index
    %get3A_30 = vector.load %arg8[%get3A_28, %get3A_29] : memref<1x64xf32, #tpu.memory_space<vmem>>, vector<1x64xf32>
    %add3A_31 = vector.broadcast %get3A_30 : vector<1x64xf32> to vector<2000x64xf32>
    %add3A_32 = arith.addf %dot_general3A_27, %add3A_31 : vector<2000x64xf32>
    %swap3A = arith.constant 0 : index
    %swap3A_33 = arith.constant 0 : index
    %swap3A_34 = vector.load %arg9[%swap3A, %swap3A_33] : memref<2000x64xf32, #tpu.memory_space<vmem>>, vector<2000x64xf32>
    tpu.vector_store %arg9[%swap3A, %swap3A_33], %add3A_32 {strides = array<i32>} : memref<2000x64xf32, #tpu.memory_space<vmem>>, vector<2000x64xf32>,
    return
  }
  func.func @transform_0(%arg0: i32) -> i32 {
    %c0_i32 = arith.constant 0 : i32
    %c0_i32_0 = arith.constant 0 : i32
    return %c0_i32 : i32
  }
  func.func @transform_1(%arg0: i32) -> (i32, i32) {
    %c0_i32 = arith.constant 0 : i32
    %c0_i32_0 = arith.constant 0 : i32
    return %arg0, %c0_i32 : i32, i32
  }
  func.func @transform_2(%arg0: i32) -> (i32, i32) {
    %c0_i32 = arith.constant 0 : i32
    %c0_i32_0 = arith.constant 0 : i32
    return %arg0, %c0_i32 : i32, i32
  }
  func.func @transform_3(%arg0: i32) -> (i32, i32) {
    %c0_i32 = arith.constant 0 : i32
    %c0_i32_0 = arith.constant 0 : i32
    return %arg0, %c0_i32 : i32, i32
  }
  func.func @transform_4(%arg0: i32) -> (i32, i32) {
    %c0_i32 = arith.constant 0 : i32
    %c0_i32_0 = arith.constant 0 : i32
    %c0_i32_1 = arith.constant 0 : i32
    return %c0_i32, %c0_i32_0 : i32, i32
  }
  func.func @transform_5(%arg0: i32) -> (i32, i32) {
    %c0_i32 = arith.constant 0 : i32
    %c0_i32_0 = arith.constant 0 : i32
    %c0_i32_1 = arith.constant 0 : i32
    return %c0_i32, %c0_i32_0 : i32, i32
  }
  func.func @transform_6(%arg0: i32) -> (i32, i32) {
    %c0_i32 = arith.constant 0 : i32
    %c0_i32_0 = arith.constant 0 : i32
    %c0_i32_1 = arith.constant 0 : i32
    return %c0_i32, %c0_i32_0 : i32, i32
  }
  func.func @transform_7(%arg0: i32) -> (i32, i32) {
    %c0_i32 = arith.constant 0 : i32
    %c0_i32_0 = arith.constant 0 : i32
    %c0_i32_1 = arith.constant 0 : i32
    return %c0_i32, %c0_i32_0 : i32, i32
  }
  func.func @transform_8(%arg0: i32) -> (i32, i32) {
    %c0_i32 = arith.constant 0 : i32
    %c0_i32_0 = arith.constant 0 : i32
    return %arg0, %c0_i32 : i32, i32
  }
}

</mosaic_0001>

<sc_bundles>
// kernel: kernel.11.cloned.1.call-start
scs
__scs_entry_jumppad:
0x0: {  	(pc) =	sbr.rel $0x88, $3  }
0x1: {  	(tag) =	ssettag $0x0;
	lr =	simm.s32 $0x1  }
0x2: {  	[smem:$0x3F8F] =	sst lr;
	_ =	strace $0xD0000000  }
0x3: {  	_ = 	snop  }
0x4: {  	_ = 	snop  }
0x5: {  	_ = 	snop  }
0x6: {  	_ = 	snop  }
0x7: {  	_ = 	snop  }
__scs_overlays_trampoline_lowered:
0x8: {  	[smem:$0x3F9E] =	sst s0  }
0x9: {  	[smem:$0x3F9F] =	sst s1  }
0xa: {  	[smem:$0x3FA0] =	sst s2  }
0xb: {  	[smem:$0x3FA1] =	sst s3  }
0xc: {  	[smem:$0x3FA2] =	sst s4  }
0xd: {  	[smem:$0x3FA3] =	sst s5  }
0xe: {  	[smem:$0x3FA4] =	sst s6  }
0xf: {  	[smem:$0x3FA5] =	sst s7  }
0x10: {  	[smem:$0x3FA6] =	sst s8  }
0x11: {  	[smem:$0x3FA7] =	sst s9;
	s0 =	simm.s32 @!p0 $0x0  }
0x12: {  	s1 =	sld [smem:$0x3F8D];
	s0 =	simm.s32 @p0 $0x1  }
0x13: {  	[smem:$0x3FA8] =	sst s0;
	s0 =	simm.s32 @!p1 $0x0  }
0x14: {  	s2 =	sld [smem:$0x3F8C];
	s0 =	simm.s32 @p1 $0x1  }
0x15: {  	[smem:$0x3FA9] =	sst s0;
	s0 =	simm.s32 @!p2 $0x0  }
0x16: {  	s3 =	sld [smem:$0x3FDB];
	s0 =	simm.s32 @p2 $0x1  }
0x17: {  	s4 =	simm.s32 $0x1BF5;
	[smem:$0x3FAB] =	sst s0  }
0x18: {  	s0 =	sld [smem:$0x3F8E];
	_ =	swait.ge [sflag:s4], $0x0  }
0x19: {  	s7 =	sld [smem:$0x3F8F]  }
0x1a: {  	s8 =	sadd.s32 $0xFFFFE003, lr  }
0x1b: {  	s9 =	sadd.s32 $0xFFFFFEF7, lr;
	s5 =	simm.s32 $0xFFFFFFFF;
	p2 =	slt.u32 s8, $0xFFFFF086  }
0x1c: {  	p1 =	slt.u32 s9, $0xF7A;
	s5 =	simm.s32 @!p2 $0x0  }
0x1d: {  	s5 =	simm.s32 @p1 $0x1;
	p0 =	seq.s32 s7, s2  }
0x1e: {  	s7 =	smul.u32 @!p0 $0xF7A, s2;
	p2 =	seq.s32 @!p0 s5, $0x0  }
0x1f: {  	s9 =	smul.u32 $0xF7A, s1;
	s8 =	simm.s32 @!p0 $0x1BF5;
	p2 =	por !p2, p0  }
0x20: {  	[sflag:s8] =	ssyncset.s32 @!p0 $0xFFFFF086;
	s6 =	sadd.s32 @!p0 s3, s7;
	s7 =	simm.s32 @!p0 $0x108  }
0x21: {  	s3 =	sadd.s32 s3, s9;
	s6 =	sadd.s32 @!p0 $0x88, s6;
	s7 =	simm.s32 @p2 $0x1082  }
0x22: {  	[simem:s7], [sflag:s8] =	dma.local @!p0 [hbm:s6], $0xF7A  }
0x23: {  	s9 =	sor.u32 $0xD0000000, s2;
	s6 =	simm.s32 $0x108;
	_ =	swait.ge @!p0 [sflag:s8], $0x0  }
0x24: {  	s3 =	sadd.s32 $0x88, s3;
	s6 =	simm.s32 @!p1 $0x1082;
	[sflag:s4] =	ssyncset.s32 $0xFFFFF086  }
0x25: {  	[simem:s6], [sflag:s4] =	dma.local [hbm:s3], $0xF7A  }
0x26: {  	[smem:$0x3F8F] =	sst s1;
	(tag) =	ssettag s2;
	_ =	strace s9  }
0x27: {  	s1 =	sld [smem:$0x3F9F]  }
0x28: {  	s2 =	sld [smem:$0x3FA0]  }
0x29: {  	s4 =	sld [smem:$0x3FA2]  }
0x2a: {  	p0 =	seq.s32 s5, $0x0;
	s5 =	sld [smem:$0x3FA3]  }
0x2b: {  	s6 =	sld [smem:$0x3FA4]  }
0x2c: {  	s7 =	sld [smem:$0x3FA5]  }
0x2d: {  	s3 =	simm.s32 $0x108;
	s8 =	sld [smem:$0x3FA6]  }
0x2e: {  	s3 =	simm.s32 @!p0 $0x1082;
	s9 =	sld [smem:$0x3FA7]  }
0x2f: {  	lr =	sadd.s32 s0, s3;
	s0 =	sld [smem:$0x3F9E]  }
0x30: {  	s3 =	sld [smem:$0x3FA1]  }
0x31: {  	[smem:$0x3FAA] =	sst s10  }
0x32: {  	s10 =	sld [smem:$0x3FA8];
	_ =	sdelay $0x3  }
0x33: {  	p0 =	seq.s32 s10, $0x1;
	s10 =	sld [smem:$0x3FAA];
	_ =	sdelay $0x3  }
0x34: {  	[smem:$0x3FAA] =	sst s10  }
0x35: {  	s10 =	sld [smem:$0x3FA9];
	_ =	sdelay $0x3  }
0x36: {  	p1 =	seq.s32 s10, $0x1;
	s10 =	sld [smem:$0x3FAA];
	_ =	sdelay $0x3  }
0x37: {  	[smem:$0x3FAA] =	sst s10  }
0x38: {  	s10 =	sld [smem:$0x3FAB]  }
0x39: {  	_ = 	snop;
	(pc) =	sbr.ind lr, $3  }
0x3a: {  	_ = 	snop  }
0x3b: {  	_ = 	snop  }
0x3c: {  	p2 =	seq.s32 s10, $0x1;
	s10 =	sld [smem:$0x3FAA]  }
0x3d: {  	_ =	shalt  }
0x3e: {  	_ =	shalt  }
0x3f: {  	_ =	shalt  }
0x40: {  	_ =	shalt  }
0x41: {  	_ =	shalt  }
0x42: {  	_ =	shalt  }
0x43: {  	_ =	shalt  }
0x44: {  	_ =	shalt  }
0x45: {  	_ =	shalt  }
0x46: {  	_ =	shalt  }
0x47: {  	_ =	shalt  }
0x48: {  	_ =	shalt  }
0x49: {  	_ =	shalt  }
0x4a: {  	_ =	shalt  }
0x4b: {  	_ =	shalt  }
0x4c: {  	_ =	shalt  }
0x4d: {  	_ =	shalt  }
0x4e: {  	_ =	shalt  }
0x4f: {  	_ =	shalt  }
0x50: {  	_ =	shalt  }
0x51: {  	_ =	shalt  }
0x52: {  	_ =	shalt  }
0x53: {  	_ =	shalt  }
0x54: {  	_ =	shalt  }
0x55: {  	_ =	shalt  }
0x56: {  	_ =	shalt  }
0x57: {  	_ =	shalt  }
0x58: {  	_ =	shalt  }
0x59: {  	_ =	shalt  }
0x5a: {  	_ =	shalt  }
0x5b: {  	_ =	shalt  }
0x5c: {  	_ =	shalt  }
0x5d: {  	_ =	shalt  }
0x5e: {  	_ =	shalt  }
0x5f: {  	_ =	shalt  }
0x60: {  	_ =	shalt  }
0x61: {  	_ =	shalt  }
0x62: {  	_ =	shalt  }
0x63: {  	_ =	shalt  }
0x64: {  	_ =	shalt  }
0x65: {  	_ =	shalt  }
0x66: {  	_ =	shalt  }
0x67: {  	_ =	shalt  }
0x68: {  	_ =	shalt  }
0x69: {  	_ =	shalt  }
0x6a: {  	_ =	shalt  }
0x6b: {  	_ =	shalt  }
0x6c: {  	_ =	shalt  }
0x6d: {  	_ =	shalt  }
0x6e: {  	_ =	shalt  }
0x6f: {  	_ =	shalt  }
0x70: {  	_ =	shalt  }
0x71: {  	_ =	shalt  }
0x72: {  	_ =	shalt  }
0x73: {  	_ =	shalt  }
0x74: {  	_ =	shalt  }
0x75: {  	_ =	shalt  }
0x76: {  	_ =	shalt  }
0x77: {  	_ =	shalt  }
0x78: {  	_ =	shalt  }
0x79: {  	_ =	shalt  }
0x7a: {  	_ =	shalt  }
0x7b: {  	_ =	shalt  }
0x7c: {  	_ =	shalt  }
0x7d: {  	_ =	shalt  }
0x7e: {  	_ =	shalt  }
0x7f: {  	_ =	shalt  }
0x80: {  	_ =	shalt  }
0x81: {  	_ =	shalt  }
0x82: {  	_ =	shalt  }
0x83: {  	_ =	shalt  }
0x84: {  	_ =	shalt  }
0x85: {  	_ =	shalt  }
0x86: {  	_ =	shalt  }
0x87: {  	_ =	shalt  }
.Lfunc_end0:
.L_simem_size_0:
called_computation.1_lowered:
.L_overlay_start_0:
0x88: {  	s2 =	sld [smem:$0x3FD9]  }
0x89: {  	s3 =	sld [smem:$0x3FFE];
	_ =	sdelay $0x1  }
0x8a: {  	s1 =	srdreg.scid  }
0x8b: {  	s0 =	sand.u32 $0x1, s1  }
0x8c: {  	s17 =	sshll.u32 s0, $0xA;
	s2 =	sadd.s32 s3, s2  }
0x8d: {  	s2 =	sadd.s32 s2, s17  }
0x8e: {  	[smem:$0x3FB6] =	sst s2  }
0x8f: {  	_ = 	snop  }
0x90: {  	s2 =	sld [smem:$0x3FD0];
	(tm) =	ssettm $0x1  }
0x91: {  	s18 =	sld [smem:$0x3FFB];
	_ =	sdelay $0x3  }
0x92: {  	_ =	strace s18  }
0x93: {  	s3 =	sld [smem:$0x3FFC];
	_ =	sdelay $0x3  }
0x94: {  	_ =	strace s3  }
0x95: {  	s3 =	sld [smem:$0x3FFD];
	_ =	sdelay $0x3  }
0x96: {  	_ =	strace s3  }
0x97: {  	_ =	strace $0x8FFFFFFF  }
0x98: {  	s19 =	sld [smem:$0x3FDB];
	_ =	sdelay $0x1  }
0x99: {  	s4 =	simm.s32 $_scs_section_size  }
0x9a: {  	s5 =	simm.s32 $_size__tile_overlayer_lowered;
	s6 =	simm.s32 $_tile_overlayer_lowered  }
0x9b: {  	s22 =	simm.s32 $0x1BFF;
	s21 =	sshll.u32 s6, $0x1;
	s3 =	sadd.s32 s4, s19  }
0x9c: {  	s7 =	simm.s32 $0x0;
	s20 =	sshll.u32 s5, $0x1;
	s5 =	sadd.s32 s21, s3  }
0x9d: {  	[timem:s7], [sflag:s22] =	dma.local [hbm:s5], s20  }
0x9e: {  	_ =	swait.ge [sflag:s22], s20  }
0x9f: {  	s4 =	ssub.s32 $0x0, s20;
	[sflag:s22] =	ssyncset.done $0x0  }
0xa0: {  	[sflag:s22] =	ssyncadd.s32 s4;
	_ =	sdelay $0x1  }
0xa1: {  	s23 =	simm.s32 $0x1B8B  }
0xa2: {  	_ =	swait.ge [sflag:s23], $0x1  }
0xa3: {  	[sflag:s23] =	ssyncset.done $0x0  }
0xa4: {  	s25 =	simm.s32 $0x1B8E;
	s24 =	sld [smem:$0x3FFE];
	[sflag:s23] =	ssyncadd.s32 $0xFFFFFFFF  }
0xa5: {  	s26 =	simm.s32 $execute0_lowered;
	[smem:$0x3FD2] =	sst s25  }
0xa6: {  	s5 =	sshll.u32 s26, $0x1;
	_ =	strace $0x80000049;
	[dreg:$0x1] =	wrdreg $0xFFFFFFFF  }
0xa7: {  	s28 =	simm.s32 $_size_execute0_lowered;
	s3 =	sadd.s32 s3, s5;
	[dreg:$0x0] =	wrdreg $0x0  }
0xa8: {  	s5 =	sshll.u32 s28, $0x1;
	[dreg:$0x2] =	wrdreg s3  }
0xa9: {  	[dreg:$0x3] =	wrdreg s5  }
0xaa: {  	[dreg:$0x4] =	wrdreg $0xC0  }
0xab: {  	_ =	task [dreg:s7], $0x5FFFF  }
0xac: {  	[dreg:$0x1] =	wrdreg $0xFFFFFFFF  }
0xad: {  	[dreg:$0x0] =	wrdreg $0x60  }
0xae: {  	[dreg:$0x2] =	wrdreg s24  }
0xaf: {  	[dreg:$0x3] =	wrdreg s2  }
0xb0: {  	[dreg:$0x4] =	wrdreg $0xAA000  }
0xb1: {  	[dreg:$0x5] =	wrdreg $0x9  }
0xb2: {  	_ =	task.clear_ibuf [dreg:s7], $0x6FFFF;
	_ =	strace $0x90000049  }
0xb3: {  	s29 =	simm.s32 $0x9;
	_ =	strace $0x8000004B  }
0xb4: {  	_ =	swait.ge [sflag:s29], $0x1  }
0xb5: {  	[sflag:s29] =	ssyncadd.s32 $0xFFFFFFFF  }
0xb6: {  	_ =	strace $0x9000004B  }
0xb7: {  	_ =	sfence  }
0xb8: {  	s30 =	sld [smem:$0x0];
	_ =	sdelay $0x2  }
0xb9: {  	s31 =	sshll.u32 s1, $0xD;
	s1 =	sshrl.u32 s1, $0x2  }
0xba: {  	s3 =	sand.u32 $0x4000, s31;
	s1 =	sadd.s32 s1, s30  }
0xbb: {  	s0 =	sor.u32 s3, s0;
	s1 =	sshll.u32 s1, $0x11  }
0xbc: {  	s0 =	sor.u32 s1, s0  }
0xbd: {  	s0 =	sadd.s32 $0x8F2B, s0  }
0xbe: {  	[sflag:s0] =	ssyncadd.remote.s32 $0x1  }
0xbf: {  	_ =	sfence.sel $0xFFFF  }
0xc0: {  	[dreg:$0x0] =	wrdreg $0xFFFFFFFF;
	(pc) =	sbr.abs _section_cstart, $3  }
0xc1: {  	[dreg:$0x1] =	wrdreg $0xFFFFFFFF  }
0xc2: {  	_ =	task.clear_ibuf [dreg:s7], $0x2FFFF;
	_ =	strace $0x9FFFFFFF  }
0xc3: {  	(tm) =	ssettm $0x7FFFFFFF  }
tec
execute0_lowered:
.L_overlay_start_1:
0x0: {  	(tag) =	ssettag $0x1  }
0x1: {  	s6 =	rddreg [dreg:$0x0]  }
0x2: {  	s7 =	rddreg [dreg:$0x1]  }
0x3: {  	s2 =	rddreg [dreg:$0x2];
	s0 =	simm.s32 $0x0  }
0x4: {  	s4 =	srdreg.scid;
	s16 =	simm.s32 $0x80;
	s17 =	simm.s32 $0x2800  }
0x5: {  	s18 =	simm.s32 $0x2A00;
	s19 =	simm.s32 $0x2900;
	s20 =	simm.s32 $0x6A00  }
0x6: {  	s21 =	simm.s32 $0x1;
	s22 =	simm.s32 $0x2880;
	s23 =	simm.s32 $0x2  }
0x7: {  	s24 =	simm.s32 $0x2980;
	[smem:$0x7FF] =	sst s0;
	s0 =	stileid.u32  }
0x8: {  	s8 =	sand.u32 $0x1, s4;
	s4 =	sadd.s32 $0x2C000, s6;
	s5 =	smul.u32 $0x2780, s0  }
0x9: {  	s10 =	sadd.s32 $0x53200, s6;
	s15 =	sadd.s32 $0x128400, s2;
	s12 =	smul.u32 $0x4F000, s0  }
0xa: {  	_ =	strace $0x8000004A;
	s9 =	ssub.s32 $0x2, s8;
	s13 =	smul.u32 $0x138800, s8  }
0xb: {  	s25 =	sshll.u32 s0, $0x1;
	s28 =	smul.u32 $0x13C00, s0;
	p0 =	seq.s32 s0, $0xF  }
0xc: {  	s11 =	sshrl.u32 s9, $0x1;
	s8 =	sor.u32 s8, s25;
	s25 =	simm.s32 $0x4  }
0xd: {  	s5 =	sadd.s32 s5, s6;
	s11 =	ssub.s32 s9, s11;
	s26 =	sshrl.u32 s12, $0x2  }
0xe: {  	s8 =	smul.u32 $0x500, s8;
	s6 =	sadd.s32 $0x29680, s6;
	s29 =	sadd.s32 s28, s13  }
0xf: {  	s31 =	sshrl.u32 s13, $0x3;
	s12 =	sshrl.u32 @p0 s15, $0x3;
	s15 =	simm.s32 $0x6  }
0x10: {  	s14 =	sadd.s32 s26, s2;
	s5 =	sadd.s32 $0x4600, s5;
	s30 =	sshrl.u32 s29, $0x3  }
0x11: {  	s9 =	sadd.s32 s10, s31;
	s26 =	simm.s32 $0x0;
	s7 =	sadd.s32 s7, s8  }
0x12: {  	s8 =	sadd.s32 s10, s30;
	s10 =	smax.u32 s11, $0x1;
	s11 =	sshll.u32 @!p0 s0, $0x6  }
0x13: {  	s9 =	sadd.s32 $0x25080, s9;
	s14 =	sshrl.u32 @!p0 s14, $0x3;
	s13 =	sor.u32 @!p0 $0x1C05, s11  }
.LBB2_1:
0x14: {  	s28 =	simm.s32 @p0 $0x1FC5;
	s0 =	simm.s32 $0x0  }
0x15: {  	[spmem:s12], [sflag:s28] =	dma.local @p0 [hbm:s6], $0x2880  }
0x16: {  	[spmem:s14], [sflag:s13] =	dma.local @!p0 [hbm:s5], $0x2780  }
0x17: {  	[tilespmem:s0], [sflag:$0x6] =	stream.linear.gather [hbm4b:s7+s0], $0x2800, $0x38;
	[tilespmem:$0x1E680] =	vst v63  }
0x18: {  	_ =	swait.ge [sflag:s15], $0x2800  }
0x19: {  	[sflag:s15] =	ssyncset.done $0x0  }
0x1a: {  	s28 =	simm.s32 @p0 $0x5;
	[sflag:s15] =	ssyncadd.s32 $0xFFFFD800  }
0x1b: {  	_ =	swait.ge @p0 [sflag:s28], $0x2880  }
0x1c: {  	[sflag:s28] =	ssyncset.done @p0 $0x0  }
0x1d: {  	[sflag:s28] =	ssyncadd.s32 @p0 $0xFFFFD780;
	s28 =	simm.s32 @!p0 $0x5  }
0x1e: {  	_ =	swait.ge @!p0 [sflag:s28], $0x2780  }
0x1f: {  	[sflag:s28] =	ssyncset.done @!p0 $0x0  }
0x20: {  	[sflag:s28] =	ssyncadd.s32 @!p0 $0xFFFFD880  }
0x21: {  	[bflag:$0x0] =	sbarrier.arrive $0xFFFF  }
0x22: {  	v0 =	vld [tilespmem:$0x0]  }
0x23: {  	v1 =	vld [tilespmem:$0x10]  }
0x24: {  	v2 =	vld [tilespmem:$0x20]  }
0x25: {  	v3 =	vld [tilespmem:$0x30]  }
0x26: {  	v4 =	vld [tilespmem:$0x40]  }
0x27: {  	v5 =	vld [tilespmem:$0x50];
	v0 =	vand.u32 $0x3FFF, v0  }
0x28: {  	v40 =	vld [tilespmem:$0x60];
	v39 =	vand.u32 $0x3FFF, v1;
	[tilespmem:$0x2800] =	vst v0  }
0x29: {  	v42 =	vld [tilespmem:$0x70];
	v41 =	vand.u32 $0x3FFF, v2;
	[tilespmem:$0x2810] =	vst v39  }
0x2a: {  	v43 =	vand.u32 $0x3FFF, v3;
	[tilespmem:$0x2820] =	vst v41  }
0x2b: {  	v44 =	vand.u32 $0x3FFF, v4;
	[tilespmem:$0x2830] =	vst v43  }
0x2c: {  	v45 =	vand.u32 $0x3FFF, v5;
	[tilespmem:$0x2840] =	vst v44  }
0x2d: {  	v46 =	vand.u32 $0x3FFF, v40;
	[tilespmem:$0x2850] =	vst v45  }
0x2e: {  	v47 =	vand.u32 $0x3FFF, v42;
	[tilespmem:$0x2860] =	vst v46  }
0x2f: {  	[tilespmem:$0x2870] =	vst v47  }
0x30: {  	[tilespmem:s18], [sflag:$0x1] =	stream.indirect.gather [hbm4b:s4+s16], $0x80, s17, s16, $0xb8;
	[tilespmem:$0x1E680] =	vst v63  }
0x31: {  	v48 =	vld [tilespmem:$0x0]  }
0x32: {  	v49 =	vld [tilespmem:$0x10]  }
0x33: {  	v50 =	vld [tilespmem:$0x20]  }
0x34: {  	v51 =	vld [tilespmem:$0x30]  }
0x35: {  	v52 =	vld [tilespmem:$0x40]  }
0x36: {  	v53 =	vld [tilespmem:$0x50];
	v0 =	vshrl.u32 v48, $0xE  }
0x37: {  	v55 =	vld [tilespmem:$0x60];
	v54 =	vshrl.u32 v49, $0xE;
	[tilespmem:$0x2880] =	vst v0  }
0x38: {  	v57 =	vld [tilespmem:$0x70];
	v56 =	vshrl.u32 v50, $0xE;
	[tilespmem:$0x2890] =	vst v54  }
0x39: {  	v58 =	vshrl.u32 v51, $0xE;
	[tilespmem:$0x28A0] =	vst v56  }
0x3a: {  	v59 =	vshrl.u32 v52, $0xE;
	[tilespmem:$0x28B0] =	vst v58  }
0x3b: {  	v60 =	vshrl.u32 v53, $0xE;
	[tilespmem:$0x28C0] =	vst v59  }
0x3c: {  	v61 =	vshrl.u32 v55, $0xE;
	[tilespmem:$0x28D0] =	vst v60  }
0x3d: {  	v62 =	vshrl.u32 v57, $0xE;
	[tilespmem:$0x28E0] =	vst v61  }
0x3e: {  	s28 =	simm.s32 $0x0;
	[tilespmem:$0x28F0] =	vst v62  }
0x3f: {  	v0 =	vld [tilespmem:s28+$0x80];
	_ =	sdelay $0x4  }
0x40: {  	v0 =	vand.u32 $0x3FFF, v0  }
0x41: {  	[tilespmem:$0x2900] =	vst v0  }
0x42: {  	v0 =	vld [tilespmem:s28+$0x90];
	_ =	sdelay $0x4  }
0x43: {  	v0 =	vand.u32 $0x3FFF, v0  }
0x44: {  	[tilespmem:$0x2910] =	vst v0  }
0x45: {  	v0 =	vld [tilespmem:s28+$0xA0];
	_ =	sdelay $0x4  }
0x46: {  	v0 =	vand.u32 $0x3FFF, v0  }
0x47: {  	[tilespmem:$0x2920] =	vst v0  }
0x48: {  	v0 =	vld [tilespmem:s28+$0xB0];
	_ =	sdelay $0x4  }
0x49: {  	v0 =	vand.u32 $0x3FFF, v0  }
0x4a: {  	[tilespmem:$0x2930] =	vst v0  }
0x4b: {  	v0 =	vld [tilespmem:s28+$0xC0];
	_ =	sdelay $0x4  }
0x4c: {  	v0 =	vand.u32 $0x3FFF, v0  }
0x4d: {  	[tilespmem:$0x2940] =	vst v0  }
0x4e: {  	v0 =	vld [tilespmem:s28+$0xD0];
	_ =	sdelay $0x4  }
0x4f: {  	v0 =	vand.u32 $0x3FFF, v0  }
0x50: {  	[tilespmem:$0x2950] =	vst v0  }
0x51: {  	v0 =	vld [tilespmem:s28+$0xE0];
	_ =	sdelay $0x4  }
0x52: {  	v0 =	vand.u32 $0x3FFF, v0  }
0x53: {  	[tilespmem:$0x2960] =	vst v0  }
0x54: {  	v0 =	vld [tilespmem:s28+$0xF0];
	_ =	sdelay $0x4  }
0x55: {  	p1 =	por $0x1, $0x1;
	v0 =	vand.u32 $0x3FFF, v0  }
0x56: {  	s29 =	simm.s32 @!p1 $0x4;
	[tilespmem:$0x2970] =	vst v0  }
0x57: {  	_ =	swait.ge @!p1 [sflag:s29], $0x4000  }
0x58: {  	[sflag:s29] =	ssyncset.done @!p1 $0x0  }
0x59: {  	[sflag:s29] =	ssyncadd.s32 @!p1 $0xFFFFC000  }
0x5a: {  	[tilespmem:s20], [sflag:$0x2] =	stream.indirect.gather [hbm4b:s4+s16], $0x80, s19, s16, $0xb8;
	[tilespmem:$0x1E680] =	vst v63  }
0x5b: {  	v63 =	vld [tilespmem:s28+$0x80];
	_ =	sdelay $0x4  }
0x5c: {  	v0 =	vshrl.u32 v63, $0xE  }
0x5d: {  	[tilespmem:$0x2980] =	vst v0  }
0x5e: {  	v0 =	vld [tilespmem:s28+$0x90];
	_ =	sdelay $0x4  }
0x5f: {  	v0 =	vshrl.u32 v0, $0xE  }
0x60: {  	[tilespmem:$0x2990] =	vst v0  }
0x61: {  	v0 =	vld [tilespmem:s28+$0xA0];
	_ =	sdelay $0x4  }
0x62: {  	v0 =	vshrl.u32 v0, $0xE  }
0x63: {  	[tilespmem:$0x29A0] =	vst v0  }
0x64: {  	v0 =	vld [tilespmem:s28+$0xB0];
	_ =	sdelay $0x4  }
0x65: {  	v0 =	vshrl.u32 v0, $0xE  }
0x66: {  	[tilespmem:$0x29B0] =	vst v0  }
0x67: {  	v0 =	vld [tilespmem:s28+$0xC0];
	_ =	sdelay $0x4  }
0x68: {  	v0 =	vshrl.u32 v0, $0xE  }
0x69: {  	[tilespmem:$0x29C0] =	vst v0  }
0x6a: {  	v0 =	vld [tilespmem:s28+$0xD0];
	_ =	sdelay $0x4  }
0x6b: {  	v0 =	vshrl.u32 v0, $0xE  }
0x6c: {  	[tilespmem:$0x29D0] =	vst v0  }
0x6d: {  	v0 =	vld [tilespmem:s28+$0xE0];
	_ =	sdelay $0x4  }
0x6e: {  	v0 =	vshrl.u32 v0, $0xE  }
0x6f: {  	[tilespmem:$0x29E0] =	vst v0  }
0x70: {  	v0 =	vld [tilespmem:s28+$0xF0];
	_ =	sdelay $0x4  }
0x71: {  	v0 =	vshrl.u32 v0, $0xE  }
0x72: {  	[tilespmem:$0x29F0] =	vst v0  }
0x73: {  	_ =	swait.ge [sflag:s21], $0x4000  }
0x74: {  	p1 =	por $0x0, $0x0;
	[sflag:s21] =	ssyncset.done $0x0  }
0x75: {  	s28 =	simm.s32 @p1 $0x3;
	[sflag:s21] =	ssyncadd.s32 $0xFFFFC000  }
0x76: {  	[spmem:s2] =	stream.indirect.scatter.add.f32 [tilespmem:s18], [sflag:$0x3], $0x80, s22, s16, $0xb8;
	[tilespmem:$0x1E680] =	vst v63  }
0x77: {  	_ =	swait.ge @p1 [sflag:s28], $0x4000  }
0x78: {  	[sflag:s28] =	ssyncset.done @p1 $0x0  }
0x79: {  	s29 =	simm.s32 @!p1 $0x0;
	[sflag:s28] =	ssyncadd.s32 @p1 $0xFFFFC000  }
0x7a: {  	v0 =	vld @!p1 [tilespmem:s29+$0x100];
	_ =	sdelay $0x4  }
0x7b: {  	v0 =	vand.u32 @!p1 $0x3FFF, v0  }
0x7c: {  	[tilespmem:$0x2800] =	vst @!p1 v0  }
0x7d: {  	v0 =	vld @!p1 [tilespmem:s29+$0x110];
	_ =	sdelay $0x4  }
0x7e: {  	v0 =	vand.u32 @!p1 $0x3FFF, v0  }
0x7f: {  	[tilespmem:$0x2810] =	vst @!p1 v0  }
0x80: {  	v0 =	vld @!p1 [tilespmem:s29+$0x120];
	_ =	sdelay $0x4  }
0x81: {  	v0 =	vand.u32 @!p1 $0x3FFF, v0  }
0x82: {  	[tilespmem:$0x2820] =	vst @!p1 v0  }
0x83: {  	v0 =	vld @!p1 [tilespmem:s29+$0x130];
	_ =	sdelay $0x4  }
0x84: {  	v0 =	vand.u32 @!p1 $0x3FFF, v0  }
0x85: {  	[tilespmem:$0x2830] =	vst @!p1 v0  }
0x86: {  	v0 =	vld @!p1 [tilespmem:s29+$0x140];
	_ =	sdelay $0x4  }
0x87: {  	v0 =	vand.u32 @!p1 $0x3FFF, v0  }
0x88: {  	[tilespmem:$0x2840] =	vst @!p1 v0  }
0x89: {  	v0 =	vld @!p1 [tilespmem:s29+$0x150];
	_ =	sdelay $0x4  }
0x8a: {  	v0 =	vand.u32 @!p1 $0x3FFF, v0  }
0x8b: {  	[tilespmem:$0x2850] =	vst @!p1 v0  }
0x8c: {  	v0 =	vld @!p1 [tilespmem:s29+$0x160];
	_ =	sdelay $0x4  }
0x8d: {  	v0 =	vand.u32 @!p1 $0x3FFF, v0  }
0x8e: {  	[tilespmem:$0x2860] =	vst @!p1 v0  }
0x8f: {  	v0 =	vld @!p1 [tilespmem:s29+$0x170];
	_ =	sdelay $0x4  }
0x90: {  	v0 =	vand.u32 @!p1 $0x3FFF, v0  }
0x91: {  	s28 =	simm.s32 @!p1 $0x3;
	[tilespmem:$0x2870] =	vst @!p1 v0  }
0x92: {  	_ =	swait.ge @!p1 [sflag:s28], $0x4000  }
0x93: {  	s30 =	simm.s32 @!p1 $0x2A00;
	[sflag:s28] =	ssyncset.done @!p1 $0x0  }
0x94: {  	s31 =	simm.s32 @!p1 $0x80;
	s0 =	simm.s32 @!p1 $0x2800;
	[sflag:s28] =	ssyncadd.s32 @!p1 $0xFFFFC000  }
0x95: {  	[tilespmem:s30], [sflag:$0x1] =	stream.indirect.gather @!p1 [hbm4b:s4+s31], $0x80, s0, s31, $0xb8;
	[tilespmem:$0x1E680] =	vst v63  }
0x96: {  	v0 =	vld @!p1 [tilespmem:s29+$0x100];
	_ =	sdelay $0x4  }
0x97: {  	v0 =	vshrl.u32 @!p1 v0, $0xE  }
0x98: {  	[tilespmem:$0x2880] =	vst @!p1 v0  }
0x99: {  	v0 =	vld @!p1 [tilespmem:s29+$0x110];
	_ =	sdelay $0x4  }
0x9a: {  	v0 =	vshrl.u32 @!p1 v0, $0xE  }
0x9b: {  	[tilespmem:$0x2890] =	vst @!p1 v0  }
0x9c: {  	v0 =	vld @!p1 [tilespmem:s29+$0x120];
	_ =	sdelay $0x4  }
0x9d: {  	v0 =	vshrl.u32 @!p1 v0, $0xE  }
0x9e: {  	[tilespmem:$0x28A0] =	vst @!p1 v0  }
0x9f: {  	v0 =	vld @!p1 [tilespmem:s29+$0x130];
	_ =	sdelay $0x4  }
0xa0: {  	v0 =	vshrl.u32 @!p1 v0, $0xE  }
0xa1: {  	[tilespmem:$0x28B0] =	vst @!p1 v0  }
0xa2: {  	v0 =	vld @!p1 [tilespmem:s29+$0x140];
	_ =	sdelay $0x4  }
0xa3: {  	v0 =	vshrl.u32 @!p1 v0, $0xE  }
0xa4: {  	[tilespmem:$0x28C0] =	vst @!p1 v0  }
0xa5: {  	v0 =	vld @!p1 [tilespmem:s29+$0x150];
	_ =	sdelay $0x4  }
0xa6: {  	v0 =	vshrl.u32 @!p1 v0, $0xE  }
0xa7: {  	[tilespmem:$0x28D0] =	vst @!p1 v0  }
0xa8: {  	v0 =	vld @!p1 [tilespmem:s29+$0x160];
	_ =	sdelay $0x4  }
0xa9: {  	v0 =	vshrl.u32 @!p1 v0, $0xE  }
0xaa: {  	[tilespmem:$0x28E0] =	vst @!p1 v0  }
0xab: {  	v0 =	vld @!p1 [tilespmem:s29+$0x170];
	_ =	sdelay $0x4  }
0xac: {  	v0 =	vshrl.u32 @!p1 v0, $0xE  }
0xad: {  	[tilespmem:$0x28F0] =	vst @!p1 v0  }
0xae: {  	_ =	swait.ge [sflag:s23], $0x4000  }
0xaf: {  	s28 =	simm.s32 $0x400;
	s29 =	simm.s32 $0x800;
	[sflag:s23] =	ssyncset.done $0x0  }
.LBB2_2:
0xb0: {  	s31 =	sshra.s32 s28, $0x2  }
0xb1: {  	[sflag:s23] =	ssyncadd.s32 $0xFFFFC000;
	s30 =	smov.u32 s29;
	s29 =	sadd.s32 $0x400, s29  }
0xb2: {  	[spmem:s2] =	stream.indirect.scatter.add.f32 [tilespmem:s20], [sflag:$0x4], $0x80, s24, s16, $0xb8;
	[tilespmem:$0x1E680] =	vst v63  }
0xb3: {  	p1 =	sne.s32 s29, $0xA000;
	v0 =	vld [tilespmem:s31+$0x80];
	_ =	sdelay $0x4  }
0xb4: {  	v0 =	vand.u32 $0x3FFF, v0  }
0xb5: {  	[tilespmem:$0x2900] =	vst v0  }
0xb6: {  	v0 =	vld [tilespmem:s31+$0x90];
	_ =	sdelay $0x4  }
0xb7: {  	v0 =	vand.u32 $0x3FFF, v0  }
0xb8: {  	[tilespmem:$0x2910] =	vst v0  }
0xb9: {  	v0 =	vld [tilespmem:s31+$0xA0];
	_ =	sdelay $0x4  }
0xba: {  	v0 =	vand.u32 $0x3FFF, v0  }
0xbb: {  	[tilespmem:$0x2920] =	vst v0  }
0xbc: {  	v0 =	vld [tilespmem:s31+$0xB0];
	_ =	sdelay $0x4  }
0xbd: {  	v0 =	vand.u32 $0x3FFF, v0  }
0xbe: {  	[tilespmem:$0x2930] =	vst v0  }
0xbf: {  	v0 =	vld [tilespmem:s31+$0xC0];
	_ =	sdelay $0x4  }
0xc0: {  	v0 =	vand.u32 $0x3FFF, v0  }
0xc1: {  	[tilespmem:$0x2940] =	vst v0  }
0xc2: {  	v0 =	vld [tilespmem:s31+$0xD0];
	_ =	sdelay $0x4  }
0xc3: {  	v0 =	vand.u32 $0x3FFF, v0  }
0xc4: {  	[tilespmem:$0x2950] =	vst v0  }
0xc5: {  	v0 =	vld [tilespmem:s31+$0xE0];
	_ =	sdelay $0x4  }
0xc6: {  	v0 =	vand.u32 $0x3FFF, v0  }
0xc7: {  	[tilespmem:$0x2960] =	vst v0  }
0xc8: {  	v0 =	vld [tilespmem:s31+$0xF0];
	_ =	sdelay $0x3  }
0xc9: {  	p2 =	seq.s32 s28, $0x0  }
0xca: {  	s0 =	simm.s32 @!p2 $0x4;
	v0 =	vand.u32 $0x3FFF, v0  }
0xcb: {  	[tilespmem:$0x2970] =	vst v0  }
0xcc: {  	_ =	swait.ge @!p2 [sflag:s0], $0x4000  }
0xcd: {  	[sflag:s0] =	ssyncset.done @!p2 $0x0  }
0xce: {  	[sflag:s0] =	ssyncadd.s32 @!p2 $0xFFFFC000  }
0xcf: {  	[tilespmem:s20], [sflag:$0x2] =	stream.indirect.gather [hbm4b:s4+s16], $0x80, s19, s16, $0xb8;
	[tilespmem:$0x1E680] =	vst v63  }
0xd0: {  	v0 =	vld [tilespmem:s31+$0x80];
	_ =	sdelay $0x4  }
0xd1: {  	v0 =	vshrl.u32 v0, $0xE  }
0xd2: {  	[tilespmem:$0x2980] =	vst v0  }
0xd3: {  	v0 =	vld [tilespmem:s31+$0x90];
	_ =	sdelay $0x4  }
0xd4: {  	v0 =	vshrl.u32 v0, $0xE  }
0xd5: {  	[tilespmem:$0x2990] =	vst v0  }
0xd6: {  	v0 =	vld [tilespmem:s31+$0xA0];
	_ =	sdelay $0x4  }
0xd7: {  	v0 =	vshrl.u32 v0, $0xE  }
0xd8: {  	[tilespmem:$0x29A0] =	vst v0  }
0xd9: {  	v0 =	vld [tilespmem:s31+$0xB0];
	_ =	sdelay $0x4  }
0xda: {  	v0 =	vshrl.u32 v0, $0xE  }
0xdb: {  	[tilespmem:$0x29B0] =	vst v0  }
0xdc: {  	v0 =	vld [tilespmem:s31+$0xC0];
	_ =	sdelay $0x4  }
0xdd: {  	v0 =	vshrl.u32 v0, $0xE  }
0xde: {  	[tilespmem:$0x29C0] =	vst v0  }
0xdf: {  	v0 =	vld [tilespmem:s31+$0xD0];
	_ =	sdelay $0x4  }
0xe0: {  	v0 =	vshrl.u32 v0, $0xE  }
0xe1: {  	[tilespmem:$0x29D0] =	vst v0  }
0xe2: {  	v0 =	vld [tilespmem:s31+$0xE0];
	_ =	sdelay $0x4  }
0xe3: {  	v0 =	vshrl.u32 v0, $0xE  }
0xe4: {  	[tilespmem:$0x29E0] =	vst v0  }
0xe5: {  	v0 =	vld [tilespmem:s31+$0xF0];
	_ =	sdelay $0x4  }
0xe6: {  	v0 =	vshrl.u32 v0, $0xE  }
0xe7: {  	[tilespmem:$0x29F0] =	vst v0  }
0xe8: {  	_ =	swait.ge [sflag:s21], $0x4000  }
0xe9: {  	p2 =	seq.s32 s28, $0x9C00;
	[sflag:s21] =	ssyncset.done $0x0  }
0xea: {  	s0 =	simm.s32 @p2 $0x3;
	[sflag:s21] =	ssyncadd.s32 $0xFFFFC000  }
0xeb: {  	[spmem:s2] =	stream.indirect.scatter.add.f32 [tilespmem:s18], [sflag:$0x3], $0x80, s22, s16, $0xb8;
	[tilespmem:$0x1E680] =	vst v63  }
0xec: {  	_ =	swait.ge @p2 [sflag:s0], $0x4000  }
0xed: {  	s31 =	sshra.s32 @!p2 s28, $0x2;
	s28 =	smov.u32 s30;
	[sflag:s0] =	ssyncset.done @p2 $0x0  }
0xee: {  	[sflag:s0] =	ssyncadd.s32 @p2 $0xFFFFC000  }
0xef: {  	v0 =	vld @!p2 [tilespmem:s31+$0x100];
	_ =	sdelay $0x4  }
0xf0: {  	v0 =	vand.u32 @!p2 $0x3FFF, v0  }
0xf1: {  	[tilespmem:$0x2800] =	vst @!p2 v0  }
0xf2: {  	v0 =	vld @!p2 [tilespmem:s31+$0x110];
	_ =	sdelay $0x4  }
0xf3: {  	v0 =	vand.u32 @!p2 $0x3FFF, v0  }
0xf4: {  	[tilespmem:$0x2810] =	vst @!p2 v0  }
0xf5: {  	v0 =	vld @!p2 [tilespmem:s31+$0x120];
	_ =	sdelay $0x4  }
0xf6: {  	v0 =	vand.u32 @!p2 $0x3FFF, v0  }
0xf7: {  	[tilespmem:$0x2820] =	vst @!p2 v0  }
0xf8: {  	v0 =	vld @!p2 [tilespmem:s31+$0x130];
	_ =	sdelay $0x4  }
0xf9: {  	v0 =	vand.u32 @!p2 $0x3FFF, v0  }
0xfa: {  	[tilespmem:$0x2830] =	vst @!p2 v0  }
0xfb: {  	v0 =	vld @!p2 [tilespmem:s31+$0x140];
	_ =	sdelay $0x4  }
0xfc: {  	v0 =	vand.u32 @!p2 $0x3FFF, v0  }
0xfd: {  	[tilespmem:$0x2840] =	vst @!p2 v0  }
0xfe: {  	v0 =	vld @!p2 [tilespmem:s31+$0x150];
	_ =	sdelay $0x4  }
0xff: {  	v0 =	vand.u32 @!p2 $0x3FFF, v0  }
0x100: {  	[tilespmem:$0x2850] =	vst @!p2 v0  }
0x101: {  	v0 =	vld @!p2 [tilespmem:s31+$0x160];
	_ =	sdelay $0x4  }
0x102: {  	v0 =	vand.u32 @!p2 $0x3FFF, v0  }
0x103: {  	[tilespmem:$0x2860] =	vst @!p2 v0  }
0x104: {  	v0 =	vld @!p2 [tilespmem:s31+$0x170];
	_ =	sdelay $0x4  }
0x105: {  	s0 =	simm.s32 @!p2 $0x3;
	v0 =	vand.u32 @!p2 $0x3FFF, v0  }
0x106: {  	[tilespmem:$0x2870] =	vst @!p2 v0  }
0x107: {  	s30 =	simm.s32 @!p2 $0x2A00;
	_ =	swait.ge @!p2 [sflag:s0], $0x4000  }
0x108: {  	s1 =	simm.s32 @!p2 $0x80;
	s3 =	simm.s32 @!p2 $0x2800;
	[sflag:s0] =	ssyncset.done @!p2 $0x0  }
0x109: {  	[sflag:s0] =	ssyncadd.s32 @!p2 $0xFFFFC000  }
0x10a: {  	[tilespmem:s30], [sflag:$0x1] =	stream.indirect.gather @!p2 [hbm4b:s4+s1], $0x80, s3, s1, $0xb8;
	[tilespmem:$0x1E680] =	vst v63  }
0x10b: {  	v0 =	vld @!p2 [tilespmem:s31+$0x100];
	_ =	sdelay $0x4  }
0x10c: {  	v0 =	vshrl.u32 @!p2 v0, $0xE  }
0x10d: {  	[tilespmem:$0x2880] =	vst @!p2 v0  }
0x10e: {  	v0 =	vld @!p2 [tilespmem:s31+$0x110];
	_ =	sdelay $0x4  }
0x10f: {  	v0 =	vshrl.u32 @!p2 v0, $0xE  }
0x110: {  	[tilespmem:$0x2890] =	vst @!p2 v0  }
0x111: {  	v0 =	vld @!p2 [tilespmem:s31+$0x120];
	_ =	sdelay $0x4  }
0x112: {  	v0 =	vshrl.u32 @!p2 v0, $0xE  }
0x113: {  	[tilespmem:$0x28A0] =	vst @!p2 v0  }
0x114: {  	v0 =	vld @!p2 [tilespmem:s31+$0x130];
	_ =	sdelay $0x4  }
0x115: {  	v0 =	vshrl.u32 @!p2 v0, $0xE  }
0x116: {  	[tilespmem:$0x28B0] =	vst @!p2 v0  }
0x117: {  	v0 =	vld @!p2 [tilespmem:s31+$0x140];
	_ =	sdelay $0x4  }
0x118: {  	v0 =	vshrl.u32 @!p2 v0, $0xE  }
0x119: {  	[tilespmem:$0x28C0] =	vst @!p2 v0  }
0x11a: {  	v0 =	vld @!p2 [tilespmem:s31+$0x150];
	_ =	sdelay $0x4  }
0x11b: {  	v0 =	vshrl.u32 @!p2 v0, $0xE  }
0x11c: {  	[tilespmem:$0x28D0] =	vst @!p2 v0  }
0x11d: {  	v0 =	vld @!p2 [tilespmem:s31+$0x160];
	_ =	sdelay $0x4  }
0x11e: {  	v0 =	vshrl.u32 @!p2 v0, $0xE  }
0x11f: {  	[tilespmem:$0x28E0] =	vst @!p2 v0  }
0x120: {  	v0 =	vld @!p2 [tilespmem:s31+$0x170];
	_ =	sdelay $0x3  }
.Ltmp0:
0x121: {  	(pc) =	sbr.rel @p1 .LBB2_2-.Ltmp0, $4  }
0x122: {  	v0 =	vshrl.u32 @!p2 v0, $0xE  }
0x123: {  	[tilespmem:$0x28F0] =	vst @!p2 v0  }
0x124: {  	_ =	swait.ge [sflag:s23], $0x4000  }
0x125: {  	[sflag:s23] =	ssyncset.done $0x0  }
0x126: {  	s0 =	sshra.s32 s28, $0x2;
	[sflag:s23] =	ssyncadd.s32 $0xFFFFC000  }
0x127: {  	[spmem:s2] =	stream.indirect.scatter.add.f32 [tilespmem:s20], [sflag:$0x4], $0x80, s24, s16, $0xb8;
	[tilespmem:$0x1E680] =	vst v63  }
0x128: {  	v0 =	vld [tilespmem:s0+$0x80];
	_ =	sdelay $0x4  }
0x129: {  	v0 =	vand.u32 $0x3FFF, v0  }
0x12a: {  	[tilespmem:$0x2900] =	vst v0  }
0x12b: {  	v0 =	vld [tilespmem:s0+$0x90];
	_ =	sdelay $0x4  }
0x12c: {  	v0 =	vand.u32 $0x3FFF, v0  }
0x12d: {  	[tilespmem:$0x2910] =	vst v0  }
0x12e: {  	v0 =	vld [tilespmem:s0+$0xA0];
	_ =	sdelay $0x4  }
0x12f: {  	v0 =	vand.u32 $0x3FFF, v0  }
0x130: {  	[tilespmem:$0x2920] =	vst v0  }
0x131: {  	v0 =	vld [tilespmem:s0+$0xB0];
	_ =	sdelay $0x4  }
0x132: {  	v0 =	vand.u32 $0x3FFF, v0  }
0x133: {  	[tilespmem:$0x2930] =	vst v0  }
0x134: {  	v0 =	vld [tilespmem:s0+$0xC0];
	_ =	sdelay $0x4  }
0x135: {  	v0 =	vand.u32 $0x3FFF, v0  }
0x136: {  	[tilespmem:$0x2940] =	vst v0  }
0x137: {  	v0 =	vld [tilespmem:s0+$0xD0];
	_ =	sdelay $0x4  }
0x138: {  	v0 =	vand.u32 $0x3FFF, v0  }
0x139: {  	[tilespmem:$0x2950] =	vst v0  }
0x13a: {  	v0 =	vld [tilespmem:s0+$0xE0];
	_ =	sdelay $0x4  }
0x13b: {  	v0 =	vand.u32 $0x3FFF, v0  }
0x13c: {  	[tilespmem:$0x2960] =	vst v0  }
0x13d: {  	v0 =	vld [tilespmem:s0+$0xF0];
	_ =	sdelay $0x4  }
0x13e: {  	p1 =	seq.s32 s28, $0x0;
	v0 =	vand.u32 $0x3FFF, v0  }
0x13f: {  	s1 =	simm.s32 @!p1 $0x4;
	[tilespmem:$0x2970] =	vst v0  }
0x140: {  	_ =	swait.ge @!p1 [sflag:s1], $0x4000  }
0x141: {  	[sflag:s1] =	ssyncset.done @!p1 $0x0  }
0x142: {  	[sflag:s1] =	ssyncadd.s32 @!p1 $0xFFFFC000  }
0x143: {  	[tilespmem:s20], [sflag:$0x2] =	stream.indirect.gather [hbm4b:s4+s16], $0x80, s19, s16, $0xb8;
	[tilespmem:$0x1E680] =	vst v63  }
0x144: {  	v63 =	vld [tilespmem:s0+$0x80];
	_ =	sdelay $0x4  }
0x145: {  	v0 =	vshrl.u32 v63, $0xE  }
0x146: {  	[tilespmem:$0x2980] =	vst v0  }
0x147: {  	v0 =	vld [tilespmem:s0+$0x90];
	_ =	sdelay $0x4  }
0x148: {  	v0 =	vshrl.u32 v0, $0xE  }
0x149: {  	[tilespmem:$0x2990] =	vst v0  }
0x14a: {  	v0 =	vld [tilespmem:s0+$0xA0];
	_ =	sdelay $0x4  }
0x14b: {  	v0 =	vshrl.u32 v0, $0xE  }
0x14c: {  	[tilespmem:$0x29A0] =	vst v0  }
0x14d: {  	v0 =	vld [tilespmem:s0+$0xB0];
	_ =	sdelay $0x4  }
0x14e: {  	v0 =	vshrl.u32 v0, $0xE  }
0x14f: {  	[tilespmem:$0x29B0] =	vst v0  }
0x150: {  	v0 =	vld [tilespmem:s0+$0xC0];
	_ =	sdelay $0x4  }
0x151: {  	v0 =	vshrl.u32 v0, $0xE  }
0x152: {  	[tilespmem:$0x29C0] =	vst v0  }
0x153: {  	v0 =	vld [tilespmem:s0+$0xD0];
	_ =	sdelay $0x4  }
0x154: {  	v0 =	vshrl.u32 v0, $0xE  }
0x155: {  	[tilespmem:$0x29D0] =	vst v0  }
0x156: {  	v0 =	vld [tilespmem:s0+$0xE0];
	_ =	sdelay $0x4  }
0x157: {  	v0 =	vshrl.u32 v0, $0xE  }
0x158: {  	[tilespmem:$0x29E0] =	vst v0  }
0x159: {  	v0 =	vld [tilespmem:s0+$0xF0];
	_ =	sdelay $0x4  }
0x15a: {  	v0 =	vshrl.u32 v0, $0xE  }
0x15b: {  	[tilespmem:$0x29F0] =	vst v0  }
0x15c: {  	_ =	swait.ge [sflag:s21], $0x4000  }
0x15d: {  	p1 =	seq.s32 s28, $0x9C00;
	[sflag:s21] =	ssyncset.done $0x0  }
0x15e: {  	s0 =	simm.s32 @p1 $0x3;
	[sflag:s21] =	ssyncadd.s32 $0xFFFFC000  }
0x15f: {  	[spmem:s2] =	stream.indirect.scatter.add.f32 [tilespmem:s18], [sflag:$0x3], $0x80, s22, s16, $0xb8;
	[tilespmem:$0x1E680] =	vst v63  }
0x160: {  	_ =	swait.ge @p1 [sflag:s0], $0x4000  }
0x161: {  	[sflag:s0] =	ssyncset.done @p1 $0x0  }
0x162: {  	s1 =	sshra.s32 @!p1 s28, $0x2;
	[sflag:s0] =	ssyncadd.s32 @p1 $0xFFFFC000  }
0x163: {  	v0 =	vld @!p1 [tilespmem:s1+$0x100];
	_ =	sdelay $0x4  }
0x164: {  	v0 =	vand.u32 @!p1 $0x3FFF, v0  }
0x165: {  	[tilespmem:$0x2800] =	vst @!p1 v0  }
0x166: {  	v0 =	vld @!p1 [tilespmem:s1+$0x110];
	_ =	sdelay $0x4  }
0x167: {  	v0 =	vand.u32 @!p1 $0x3FFF, v0  }
0x168: {  	[tilespmem:$0x2810] =	vst @!p1 v0  }
0x169: {  	v0 =	vld @!p1 [tilespmem:s1+$0x120];
	_ =	sdelay $0x4  }
0x16a: {  	v0 =	vand.u32 @!p1 $0x3FFF, v0  }
0x16b: {  	[tilespmem:$0x2820] =	vst @!p1 v0  }
0x16c: {  	v0 =	vld @!p1 [tilespmem:s1+$0x130];
	_ =	sdelay $0x4  }
0x16d: {  	v0 =	vand.u32 @!p1 $0x3FFF, v0  }
0x16e: {  	[tilespmem:$0x2830] =	vst @!p1 v0  }
0x16f: {  	v0 =	vld @!p1 [tilespmem:s1+$0x140];
	_ =	sdelay $0x4  }
0x170: {  	v0 =	vand.u32 @!p1 $0x3FFF, v0  }
0x171: {  	[tilespmem:$0x2840] =	vst @!p1 v0  }
0x172: {  	v0 =	vld @!p1 [tilespmem:s1+$0x150];
	_ =	sdelay $0x4  }
0x173: {  	v0 =	vand.u32 @!p1 $0x3FFF, v0  }
0x174: {  	[tilespmem:$0x2850] =	vst @!p1 v0  }
0x175: {  	v0 =	vld @!p1 [tilespmem:s1+$0x160];
	_ =	sdelay $0x4  }
0x176: {  	v0 =	vand.u32 @!p1 $0x3FFF, v0  }
0x177: {  	[tilespmem:$0x2860] =	vst @!p1 v0  }
0x178: {  	v0 =	vld @!p1 [tilespmem:s1+$0x170];
	_ =	sdelay $0x4  }
0x179: {  	v0 =	vand.u32 @!p1 $0x3FFF, v0  }
0x17a: {  	s0 =	simm.s32 @!p1 $0x3;
	[tilespmem:$0x2870] =	vst @!p1 v0  }
0x17b: {  	_ =	swait.ge @!p1 [sflag:s0], $0x4000  }
0x17c: {  	s3 =	simm.s32 @!p1 $0x2A00;
	[sflag:s0] =	ssyncset.done @!p1 $0x0  }
0x17d: {  	s28 =	simm.s32 @!p1 $0x80;
	s29 =	simm.s32 @!p1 $0x2800;
	[sflag:s0] =	ssyncadd.s32 @!p1 $0xFFFFC000  }
0x17e: {  	[tilespmem:s3], [sflag:$0x1] =	stream.indirect.gather @!p1 [hbm4b:s4+s28], $0x80, s29, s28, $0xb8;
	[tilespmem:$0x1E680] =	vst v63  }
0x17f: {  	v0 =	vld @!p1 [tilespmem:s1+$0x100];
	_ =	sdelay $0x4  }
0x180: {  	v0 =	vshrl.u32 @!p1 v0, $0xE  }
0x181: {  	[tilespmem:$0x2880] =	vst @!p1 v0  }
0x182: {  	v0 =	vld @!p1 [tilespmem:s1+$0x110];
	_ =	sdelay $0x4  }
0x183: {  	v0 =	vshrl.u32 @!p1 v0, $0xE  }
0x184: {  	[tilespmem:$0x2890] =	vst @!p1 v0  }
0x185: {  	v0 =	vld @!p1 [tilespmem:s1+$0x120];
	_ =	sdelay $0x4  }
0x186: {  	v0 =	vshrl.u32 @!p1 v0, $0xE  }
0x187: {  	[tilespmem:$0x28A0] =	vst @!p1 v0  }
0x188: {  	v0 =	vld @!p1 [tilespmem:s1+$0x130];
	_ =	sdelay $0x4  }
0x189: {  	v0 =	vshrl.u32 @!p1 v0, $0xE  }
0x18a: {  	[tilespmem:$0x28B0] =	vst @!p1 v0  }
0x18b: {  	v0 =	vld @!p1 [tilespmem:s1+$0x140];
	_ =	sdelay $0x4  }
0x18c: {  	v0 =	vshrl.u32 @!p1 v0, $0xE  }
0x18d: {  	[tilespmem:$0x28C0] =	vst @!p1 v0  }
0x18e: {  	v0 =	vld @!p1 [tilespmem:s1+$0x150];
	_ =	sdelay $0x4  }
0x18f: {  	v0 =	vshrl.u32 @!p1 v0, $0xE  }
0x190: {  	[tilespmem:$0x28D0] =	vst @!p1 v0  }
0x191: {  	v0 =	vld @!p1 [tilespmem:s1+$0x160];
	_ =	sdelay $0x4  }
0x192: {  	v0 =	vshrl.u32 @!p1 v0, $0xE  }
0x193: {  	[tilespmem:$0x28E0] =	vst @!p1 v0  }
0x194: {  	v0 =	vld @!p1 [tilespmem:s1+$0x170];
	_ =	sdelay $0x4  }
0x195: {  	v0 =	vshrl.u32 @!p1 v0, $0xE  }
0x196: {  	[tilespmem:$0x28F0] =	vst @!p1 v0  }
0x197: {  	_ =	swait.ge [sflag:s23], $0x4000  }
0x198: {  	[sflag:s23] =	ssyncset.done $0x0  }
0x199: {  	[sflag:s23] =	ssyncadd.s32 $0xFFFFC000  }
0x19a: {  	[spmem:s2] =	stream.indirect.scatter.add.f32 [tilespmem:s20], [sflag:$0x4], $0x80, s24, s16, $0xb8;
	[tilespmem:$0x1E680] =	vst v63  }
0x19b: {  	_ =	swait.ge [sflag:s25], $0x4000  }
0x19c: {  	[sflag:s25] =	ssyncset.done $0x0  }
0x19d: {  	[sflag:s25] =	ssyncadd.s32 $0xFFFFC000  }
0x19e: {  	s0 =	simm.s32 @p0 $0x1FC6;
	[bflag:$0x0] =	sbarrier.arrive $0xFFFF  }
0x19f: {  	[hbm:s9], [sflag:s0] =	dma.local @p0 [spmem:s12], $0x2080  }
0x1a0: {  	s0 =	simm.s32 @p0 $0x6  }
0x1a1: {  	_ =	swait.ge @p0 [sflag:s0], $0x2080  }
0x1a2: {  	s26 =	sadd.s32 $0x1, s26;
	[sflag:s0] =	ssyncset.done @p0 $0x0  }
0x1a3: {  	p1 =	sne.s32 s26, s10;
	[sflag:s0] =	ssyncadd.s32 @p0 $0xFFFFDF80;
	s0 =	sor.u32 @!p0 $0x1C06, s11  }
0x1a4: {  	[hbm:s8], [sflag:s0] =	dma.local @!p0 [spmem:s14], $0x2780  }
.Ltmp1:
0x1a5: {  	_ = 	snop;
	(pc) =	sbr.rel @p1 .LBB2_1-.Ltmp1, $4  }
0x1a6: {  	s0 =	simm.s32 @!p0 $0x6  }
0x1a7: {  	_ =	swait.ge @!p0 [sflag:s0], $0x2780  }
0x1a8: {  	[sflag:s0] =	ssyncset.done @!p0 $0x0  }
0x1a9: {  	[sflag:s0] =	ssyncadd.s32 @!p0 $0xFFFFD880  }
0x1aa: {  	_ =	sfence.sel $0x180000  }
0x1ab: {  	[bflag:$0x0] =	sbarrier.arrive $0xFFFF  }
0x1ac: {  	_ =	strace $0x9000004A  }
0x1ad: {  	s0 =	stileid.u32;
	[bflag:$0x2] =	sbarrier.arrive $0xFFFF  }
0x1ae: {  	p0 =	sne.s32 s0, $0x0;
	s0 =	rddreg [dreg:$0x3]  }
0x1af: {  	s0 =	sadd.s32 @!p0 $0x100000, s0  }
0x1b0: {  	[sflag:s0] =	ssyncadd.tile.s32 @!p0 $0x1;
	_ =	shalt  }
.Lfunc_end2:
_tile_overlayer_lowered:
.L_overlay_start_2:
0x1b1: {  	(tag) =	ssettag $0x2  }
0x1b2: {  	s0 =	rddreg [dreg:$0x0];
	s2 =	stileid.u32  }
0x1b3: {  	s1 =	rddreg [dreg:$0x1];
	p0 =	sne.s32 s2, $0x0  }
0x1b4: {  	s3 =	rddreg [dreg:$0x2];
	[bflag:$0x3] =	sbarrier.arrive $0xFFFF;
	s2 =	simm.s32 @!p0 $0x1C06  }
0x1b5: {  	[timem:s3], [sflag:s2] =	dma.local @!p0 [hbm:s0], s1  }
0x1b6: {  	s0 =	simm.s32 @!p0 $0x6  }
0x1b7: {  	_ =	swait.ge @!p0 [sflag:s0], s1  }
0x1b8: {  	s1 =	ssub.s32 @!p0 $0x0, s1;
	[sflag:s0] =	ssyncset.done @!p0 $0x0  }
0x1b9: {  	[sflag:s0] =	ssyncadd.s32 @!p0 s1  }
0x1ba: {  	[bflag:$0x3] =	sbarrier.arrive $0xFFFF  }
0x1bb: {  	_ =	shalt  }

// kernel: kernel.14.cloned.1.call-start
scs
__scs_entry_jumppad:
0x0: {  	(pc) =	sbr.rel $0x88, $3  }
0x1: {  	(tag) =	ssettag $0x0;
	lr =	simm.s32 $0x1  }
0x2: {  	[smem:$0x3F8F] =	sst lr;
	_ =	strace $0xD0000000  }
0x3: {  	_ = 	snop  }
0x4: {  	_ = 	snop  }
0x5: {  	_ = 	snop  }
0x6: {  	_ = 	snop  }
0x7: {  	_ = 	snop  }
__scs_overlays_trampoline_lowered:
0x8: {  	[smem:$0x3F9E] =	sst s0  }
0x9: {  	[smem:$0x3F9F] =	sst s1  }
0xa: {  	[smem:$0x3FA0] =	sst s2  }
0xb: {  	[smem:$0x3FA1] =	sst s3  }
0xc: {  	[smem:$0x3FA2] =	sst s4  }
0xd: {  	[smem:$0x3FA3] =	sst s5  }
0xe: {  	[smem:$0x3FA4] =	sst s6  }
0xf: {  	[smem:$0x3FA5] =	sst s7  }
0x10: {  	[smem:$0x3FA6] =	sst s8  }
0x11: {  	[smem:$0x3FA7] =	sst s9;
	s0 =	simm.s32 @!p0 $0x0  }
0x12: {  	s1 =	sld [smem:$0x3F8D];
	s0 =	simm.s32 @p0 $0x1  }
0x13: {  	[smem:$0x3FA8] =	sst s0;
	s0 =	simm.s32 @!p1 $0x0  }
0x14: {  	s2 =	sld [smem:$0x3F8C];
	s0 =	simm.s32 @p1 $0x1  }
0x15: {  	[smem:$0x3FA9] =	sst s0;
	s0 =	simm.s32 @!p2 $0x0  }
0x16: {  	s3 =	sld [smem:$0x3FDB];
	s0 =	simm.s32 @p2 $0x1  }
0x17: {  	s4 =	simm.s32 $0x1BF5;
	[smem:$0x3FAB] =	sst s0  }
0x18: {  	s0 =	sld [smem:$0x3F8E];
	_ =	swait.ge [sflag:s4], $0x0  }
0x19: {  	s7 =	sld [smem:$0x3F8F]  }
0x1a: {  	s8 =	sadd.s32 $0xFFFFE003, lr  }
0x1b: {  	s9 =	sadd.s32 $0xFFFFFEF7, lr;
	s5 =	simm.s32 $0xFFFFFFFF;
	p2 =	slt.u32 s8, $0xFFFFF086  }
0x1c: {  	p1 =	slt.u32 s9, $0xF7A;
	s5 =	simm.s32 @!p2 $0x0  }
0x1d: {  	s5 =	simm.s32 @p1 $0x1;
	p0 =	seq.s32 s7, s2  }
0x1e: {  	s7 =	smul.u32 @!p0 $0xF7A, s2;
	p2 =	seq.s32 @!p0 s5, $0x0  }
0x1f: {  	s9 =	smul.u32 $0xF7A, s1;
	s8 =	simm.s32 @!p0 $0x1BF5;
	p2 =	por !p2, p0  }
0x20: {  	[sflag:s8] =	ssyncset.s32 @!p0 $0xFFFFF086;
	s6 =	sadd.s32 @!p0 s3, s7;
	s7 =	simm.s32 @!p0 $0x108  }
0x21: {  	s3 =	sadd.s32 s3, s9;
	s6 =	sadd.s32 @!p0 $0x88, s6;
	s7 =	simm.s32 @p2 $0x1082  }
0x22: {  	[simem:s7], [sflag:s8] =	dma.local @!p0 [hbm:s6], $0xF7A  }
0x23: {  	s9 =	sor.u32 $0xD0000000, s2;
	s6 =	simm.s32 $0x108;
	_ =	swait.ge @!p0 [sflag:s8], $0x0  }
0x24: {  	s3 =	sadd.s32 $0x88, s3;
	s6 =	simm.s32 @!p1 $0x1082;
	[sflag:s4] =	ssyncset.s32 $0xFFFFF086  }
0x25: {  	[simem:s6], [sflag:s4] =	dma.local [hbm:s3], $0xF7A  }
0x26: {  	[smem:$0x3F8F] =	sst s1;
	(tag) =	ssettag s2;
	_ =	strace s9  }
0x27: {  	s1 =	sld [smem:$0x3F9F]  }
0x28: {  	s2 =	sld [smem:$0x3FA0]  }
0x29: {  	s4 =	sld [smem:$0x3FA2]  }
0x2a: {  	p0 =	seq.s32 s5, $0x0;
	s5 =	sld [smem:$0x3FA3]  }
0x2b: {  	s6 =	sld [smem:$0x3FA4]  }
0x2c: {  	s7 =	sld [smem:$0x3FA5]  }
0x2d: {  	s3 =	simm.s32 $0x108;
	s8 =	sld [smem:$0x3FA6]  }
0x2e: {  	s3 =	simm.s32 @!p0 $0x1082;
	s9 =	sld [smem:$0x3FA7]  }
0x2f: {  	lr =	sadd.s32 s0, s3;
	s0 =	sld [smem:$0x3F9E]  }
0x30: {  	s3 =	sld [smem:$0x3FA1]  }
0x31: {  	[smem:$0x3FAA] =	sst s10  }
0x32: {  	s10 =	sld [smem:$0x3FA8];
	_ =	sdelay $0x3  }
0x33: {  	p0 =	seq.s32 s10, $0x1;
	s10 =	sld [smem:$0x3FAA];
	_ =	sdelay $0x3  }
0x34: {  	[smem:$0x3FAA] =	sst s10  }
0x35: {  	s10 =	sld [smem:$0x3FA9];
	_ =	sdelay $0x3  }
0x36: {  	p1 =	seq.s32 s10, $0x1;
	s10 =	sld [smem:$0x3FAA];
	_ =	sdelay $0x3  }
0x37: {  	[smem:$0x3FAA] =	sst s10  }
0x38: {  	s10 =	sld [smem:$0x3FAB]  }
0x39: {  	_ = 	snop;
	(pc) =	sbr.ind lr, $3  }
0x3a: {  	_ = 	snop  }
0x3b: {  	_ = 	snop  }
0x3c: {  	p2 =	seq.s32 s10, $0x1;
	s10 =	sld [smem:$0x3FAA]  }
0x3d: {  	_ =	shalt  }
0x3e: {  	_ =	shalt  }
0x3f: {  	_ =	shalt  }
0x40: {  	_ =	shalt  }
0x41: {  	_ =	shalt  }
0x42: {  	_ =	shalt  }
0x43: {  	_ =	shalt  }
0x44: {  	_ =	shalt  }
0x45: {  	_ =	shalt  }
0x46: {  	_ =	shalt  }
0x47: {  	_ =	shalt  }
0x48: {  	_ =	shalt  }
0x49: {  	_ =	shalt  }
0x4a: {  	_ =	shalt  }
0x4b: {  	_ =	shalt  }
0x4c: {  	_ =	shalt  }
0x4d: {  	_ =	shalt  }
0x4e: {  	_ =	shalt  }
0x4f: {  	_ =	shalt  }
0x50: {  	_ =	shalt  }
0x51: {  	_ =	shalt  }
0x52: {  	_ =	shalt  }
0x53: {  	_ =	shalt  }
0x54: {  	_ =	shalt  }
0x55: {  	_ =	shalt  }
0x56: {  	_ =	shalt  }
0x57: {  	_ =	shalt  }
0x58: {  	_ =	shalt  }
0x59: {  	_ =	shalt  }
0x5a: {  	_ =	shalt  }
0x5b: {  	_ =	shalt  }
0x5c: {  	_ =	shalt  }
0x5d: {  	_ =	shalt  }
0x5e: {  	_ =	shalt  }
0x5f: {  	_ =	shalt  }
0x60: {  	_ =	shalt  }
0x61: {  	_ =	shalt  }
0x62: {  	_ =	shalt  }
0x63: {  	_ =	shalt  }
0x64: {  	_ =	shalt  }
0x65: {  	_ =	shalt  }
0x66: {  	_ =	shalt  }
0x67: {  	_ =	shalt  }
0x68: {  	_ =	shalt  }
0x69: {  	_ =	shalt  }
0x6a: {  	_ =	shalt  }
0x6b: {  	_ =	shalt  }
0x6c: {  	_ =	shalt  }
0x6d: {  	_ =	shalt  }
0x6e: {  	_ =	shalt  }
0x6f: {  	_ =	shalt  }
0x70: {  	_ =	shalt  }
0x71: {  	_ =	shalt  }
0x72: {  	_ =	shalt  }
0x73: {  	_ =	shalt  }
0x74: {  	_ =	shalt  }
0x75: {  	_ =	shalt  }
0x76: {  	_ =	shalt  }
0x77: {  	_ =	shalt  }
0x78: {  	_ =	shalt  }
0x79: {  	_ =	shalt  }
0x7a: {  	_ =	shalt  }
0x7b: {  	_ =	shalt  }
0x7c: {  	_ =	shalt  }
0x7d: {  	_ =	shalt  }
0x7e: {  	_ =	shalt  }
0x7f: {  	_ =	shalt  }
0x80: {  	_ =	shalt  }
0x81: {  	_ =	shalt  }
0x82: {  	_ =	shalt  }
0x83: {  	_ =	shalt  }
0x84: {  	_ =	shalt  }
0x85: {  	_ =	shalt  }
0x86: {  	_ =	shalt  }
0x87: {  	_ =	shalt  }
.Lfunc_end0:
.L_simem_size_0:
called_computation.2_lowered:
.L_overlay_start_0:
0x88: {  	s2 =	sld [smem:$0x3FD9]  }
0x89: {  	s3 =	sld [smem:$0x3FFE];
	_ =	sdelay $0x1  }
0x8a: {  	s1 =	srdreg.scid  }
0x8b: {  	s0 =	sand.u32 $0x1, s1  }
0x8c: {  	s17 =	sshll.u32 s0, $0xA;
	s2 =	sadd.s32 s3, s2  }
0x8d: {  	s2 =	sadd.s32 s2, s17  }
0x8e: {  	[smem:$0x3FB6] =	sst s2  }
0x8f: {  	_ = 	snop  }
0x90: {  	s2 =	sld [smem:$0x3FD0];
	(tm) =	ssettm $0x1  }
0x91: {  	s18 =	sld [smem:$0x3FFB];
	_ =	sdelay $0x3  }
0x92: {  	_ =	strace s18  }
0x93: {  	s3 =	sld [smem:$0x3FFC];
	_ =	sdelay $0x3  }
0x94: {  	_ =	strace s3  }
0x95: {  	s3 =	sld [smem:$0x3FFD];
	_ =	sdelay $0x3  }
0x96: {  	_ =	strace s3  }
0x97: {  	_ =	strace $0x8FFFFFFF  }
0x98: {  	s19 =	sld [smem:$0x3FDB];
	_ =	sdelay $0x1  }
0x99: {  	s4 =	simm.s32 $_scs_section_size  }
0x9a: {  	s5 =	simm.s32 $_size__tile_overlayer_lowered;
	s6 =	simm.s32 $_tile_overlayer_lowered  }
0x9b: {  	s22 =	simm.s32 $0x1BFF;
	s21 =	sshll.u32 s6, $0x1;
	s3 =	sadd.s32 s4, s19  }
0x9c: {  	s7 =	simm.s32 $0x0;
	s20 =	sshll.u32 s5, $0x1;
	s5 =	sadd.s32 s21, s3  }
0x9d: {  	[timem:s7], [sflag:s22] =	dma.local [hbm:s5], s20  }
0x9e: {  	_ =	swait.ge [sflag:s22], s20  }
0x9f: {  	s4 =	ssub.s32 $0x0, s20;
	[sflag:s22] =	ssyncset.done $0x0  }
0xa0: {  	[sflag:s22] =	ssyncadd.s32 s4;
	_ =	sdelay $0x1  }
0xa1: {  	s23 =	simm.s32 $0x1B8B  }
0xa2: {  	_ =	swait.ge [sflag:s23], $0x1  }
0xa3: {  	[sflag:s23] =	ssyncset.done $0x0  }
0xa4: {  	s25 =	simm.s32 $0x1B8E;
	s24 =	sld [smem:$0x3FFE];
	[sflag:s23] =	ssyncadd.s32 $0xFFFFFFFF  }
0xa5: {  	s26 =	simm.s32 $execute0_lowered;
	[smem:$0x3FD2] =	sst s25  }
0xa6: {  	s5 =	sshll.u32 s26, $0x1;
	_ =	strace $0x8000004C;
	[dreg:$0x1] =	wrdreg $0xFFFFFFFF  }
0xa7: {  	s28 =	simm.s32 $_size_execute0_lowered;
	s3 =	sadd.s32 s3, s5;
	[dreg:$0x0] =	wrdreg $0x0  }
0xa8: {  	s5 =	sshll.u32 s28, $0x1;
	[dreg:$0x2] =	wrdreg s3  }
0xa9: {  	[dreg:$0x3] =	wrdreg s5  }
0xaa: {  	[dreg:$0x4] =	wrdreg $0xC0  }
0xab: {  	_ =	task [dreg:s7], $0x5FFFF  }
0xac: {  	[dreg:$0x1] =	wrdreg $0xFFFFFFFF  }
0xad: {  	[dreg:$0x0] =	wrdreg $0x60  }
0xae: {  	[dreg:$0x2] =	wrdreg s24  }
0xaf: {  	[dreg:$0x3] =	wrdreg s2  }
0xb0: {  	[dreg:$0x4] =	wrdreg $0xAA000  }
0xb1: {  	[dreg:$0x5] =	wrdreg $0x9  }
0xb2: {  	_ =	task.clear_ibuf [dreg:s7], $0x6FFFF;
	_ =	strace $0x9000004C  }
0xb3: {  	s29 =	simm.s32 $0x9;
	_ =	strace $0x8000004E  }
0xb4: {  	_ =	swait.ge [sflag:s29], $0x1  }
0xb5: {  	[sflag:s29] =	ssyncadd.s32 $0xFFFFFFFF  }
0xb6: {  	_ =	strace $0x9000004E  }
0xb7: {  	_ =	sfence  }
0xb8: {  	s30 =	sld [smem:$0x0];
	_ =	sdelay $0x2  }
0xb9: {  	s31 =	sshll.u32 s1, $0xD;
	s1 =	sshrl.u32 s1, $0x2  }
0xba: {  	s3 =	sand.u32 $0x4000, s31;
	s1 =	sadd.s32 s1, s30  }
0xbb: {  	s0 =	sor.u32 s3, s0;
	s1 =	sshll.u32 s1, $0x11  }
0xbc: {  	s0 =	sor.u32 s1, s0  }
0xbd: {  	s0 =	sadd.s32 $0x8F2B, s0  }
0xbe: {  	[sflag:s0] =	ssyncadd.remote.s32 $0x1  }
0xbf: {  	_ =	sfence.sel $0xFFFF  }
0xc0: {  	[dreg:$0x0] =	wrdreg $0xFFFFFFFF;
	(pc) =	sbr.abs _section_cstart, $3  }
0xc1: {  	[dreg:$0x1] =	wrdreg $0xFFFFFFFF  }
0xc2: {  	_ =	task.clear_ibuf [dreg:s7], $0x2FFFF;
	_ =	strace $0x9FFFFFFF  }
0xc3: {  	(tm) =	ssettm $0x7FFFFFFF  }
tec
execute0_lowered:
.L_overlay_start_1:
0x0: {  	(tag) =	ssettag $0x1  }
0x1: {  	s6 =	rddreg [dreg:$0x0]  }
0x2: {  	s7 =	rddreg [dreg:$0x1]  }
0x3: {  	s2 =	rddreg [dreg:$0x2];
	s0 =	simm.s32 $0x0  }
0x4: {  	s4 =	srdreg.scid;
	s16 =	simm.s32 $0x80;
	s17 =	simm.s32 $0x2800  }
0x5: {  	s18 =	simm.s32 $0x2A00;
	s19 =	simm.s32 $0x2900;
	s20 =	simm.s32 $0x6A00  }
0x6: {  	s21 =	simm.s32 $0x1;
	s22 =	simm.s32 $0x2880;
	s23 =	simm.s32 $0x2  }
0x7: {  	s24 =	simm.s32 $0x2980;
	[smem:$0x7FF] =	sst s0;
	s0 =	stileid.u32  }
0x8: {  	s8 =	sand.u32 $0x1, s4;
	s4 =	sadd.s32 $0x2C000, s6;
	s5 =	smul.u32 $0x2780, s0  }
0x9: {  	s10 =	sadd.s32 $0x53200, s6;
	s15 =	sadd.s32 $0x128400, s2;
	s12 =	smul.u32 $0x4F000, s0  }
0xa: {  	_ =	strace $0x8000004D;
	s9 =	ssub.s32 $0x2, s8;
	s13 =	smul.u32 $0x138800, s8  }
0xb: {  	s25 =	sshll.u32 s0, $0x1;
	s28 =	smul.u32 $0x13C00, s0;
	p0 =	seq.s32 s0, $0xF  }
0xc: {  	s11 =	sshrl.u32 s9, $0x1;
	s8 =	sor.u32 s8, s25;
	s25 =	simm.s32 $0x4  }
0xd: {  	s5 =	sadd.s32 s5, s6;
	s11 =	ssub.s32 s9, s11;
	s26 =	sshrl.u32 s12, $0x2  }
0xe: {  	s8 =	smul.u32 $0x500, s8;
	s6 =	sadd.s32 $0x29680, s6;
	s29 =	sadd.s32 s28, s13  }
0xf: {  	s31 =	sshrl.u32 s13, $0x3;
	s12 =	sshrl.u32 @p0 s15, $0x3;
	s15 =	simm.s32 $0x6  }
0x10: {  	s14 =	sadd.s32 s26, s2;
	s5 =	sadd.s32 $0x4600, s5;
	s30 =	sshrl.u32 s29, $0x3  }
0x11: {  	s9 =	sadd.s32 s10, s31;
	s26 =	simm.s32 $0x0;
	s7 =	sadd.s32 s7, s8  }
0x12: {  	s8 =	sadd.s32 s10, s30;
	s10 =	smax.u32 s11, $0x1;
	s11 =	sshll.u32 @!p0 s0, $0x6  }
0x13: {  	s9 =	sadd.s32 $0x25080, s9;
	s14 =	sshrl.u32 @!p0 s14, $0x3;
	s13 =	sor.u32 @!p0 $0x1C05, s11  }
.LBB2_1:
0x14: {  	s28 =	simm.s32 @p0 $0x1FC5;
	s0 =	simm.s32 $0x0  }
0x15: {  	[spmem:s12], [sflag:s28] =	dma.local @p0 [hbm:s6], $0x2880  }
0x16: {  	[spmem:s14], [sflag:s13] =	dma.local @!p0 [hbm:s5], $0x2780  }
0x17: {  	[tilespmem:s0], [sflag:$0x6] =	stream.linear.gather [hbm4b:s7+s0], $0x2800, $0x38;
	[tilespmem:$0x1E680] =	vst v63  }
0x18: {  	_ =	swait.ge [sflag:s15], $0x2800  }
0x19: {  	[sflag:s15] =	ssyncset.done $0x0  }
0x1a: {  	s28 =	simm.s32 @p0 $0x5;
	[sflag:s15] =	ssyncadd.s32 $0xFFFFD800  }
0x1b: {  	_ =	swait.ge @p0 [sflag:s28], $0x2880  }
0x1c: {  	[sflag:s28] =	ssyncset.done @p0 $0x0  }
0x1d: {  	[sflag:s28] =	ssyncadd.s32 @p0 $0xFFFFD780;
	s28 =	simm.s32 @!p0 $0x5  }
0x1e: {  	_ =	swait.ge @!p0 [sflag:s28], $0x2780  }
0x1f: {  	[sflag:s28] =	ssyncset.done @!p0 $0x0  }
0x20: {  	[sflag:s28] =	ssyncadd.s32 @!p0 $0xFFFFD880  }
0x21: {  	[bflag:$0x0] =	sbarrier.arrive $0xFFFF  }
0x22: {  	v0 =	vld [tilespmem:$0x0]  }
0x23: {  	v1 =	vld [tilespmem:$0x10]  }
0x24: {  	v2 =	vld [tilespmem:$0x20]  }
0x25: {  	v3 =	vld [tilespmem:$0x30]  }
0x26: {  	v4 =	vld [tilespmem:$0x40]  }
0x27: {  	v5 =	vld [tilespmem:$0x50];
	v0 =	vand.u32 $0x3FFF, v0  }
0x28: {  	v40 =	vld [tilespmem:$0x60];
	v39 =	vand.u32 $0x3FFF, v1;
	[tilespmem:$0x2800] =	vst v0  }
0x29: {  	v42 =	vld [tilespmem:$0x70];
	v41 =	vand.u32 $0x3FFF, v2;
	[tilespmem:$0x2810] =	vst v39  }
0x2a: {  	v43 =	vand.u32 $0x3FFF, v3;
	[tilespmem:$0x2820] =	vst v41  }
0x2b: {  	v44 =	vand.u32 $0x3FFF, v4;
	[tilespmem:$0x2830] =	vst v43  }
0x2c: {  	v45 =	vand.u32 $0x3FFF, v5;
	[tilespmem:$0x2840] =	vst v44  }
0x2d: {  	v46 =	vand.u32 $0x3FFF, v40;
	[tilespmem:$0x2850] =	vst v45  }
0x2e: {  	v47 =	vand.u32 $0x3FFF, v42;
	[tilespmem:$0x2860] =	vst v46  }
0x2f: {  	[tilespmem:$0x2870] =	vst v47  }
0x30: {  	[tilespmem:s18], [sflag:$0x1] =	stream.indirect.gather [hbm4b:s4+s16], $0x80, s17, s16, $0xb8;
	[tilespmem:$0x1E680] =	vst v63  }
0x31: {  	v48 =	vld [tilespmem:$0x0]  }
0x32: {  	v49 =	vld [tilespmem:$0x10]  }
0x33: {  	v50 =	vld [tilespmem:$0x20]  }
0x34: {  	v51 =	vld [tilespmem:$0x30]  }
0x35: {  	v52 =	vld [tilespmem:$0x40]  }
0x36: {  	v53 =	vld [tilespmem:$0x50];
	v0 =	vshrl.u32 v48, $0xE  }
0x37: {  	v55 =	vld [tilespmem:$0x60];
	v54 =	vshrl.u32 v49, $0xE;
	[tilespmem:$0x2880] =	vst v0  }
0x38: {  	v57 =	vld [tilespmem:$0x70];
	v56 =	vshrl.u32 v50, $0xE;
	[tilespmem:$0x2890] =	vst v54  }
0x39: {  	v58 =	vshrl.u32 v51, $0xE;
	[tilespmem:$0x28A0] =	vst v56  }
0x3a: {  	v59 =	vshrl.u32 v52, $0xE;
	[tilespmem:$0x28B0] =	vst v58  }
0x3b: {  	v60 =	vshrl.u32 v53, $0xE;
	[tilespmem:$0x28C0] =	vst v59  }
0x3c: {  	v61 =	vshrl.u32 v55, $0xE;
	[tilespmem:$0x28D0] =	vst v60  }
0x3d: {  	v62 =	vshrl.u32 v57, $0xE;
	[tilespmem:$0x28E0] =	vst v61  }
0x3e: {  	s28 =	simm.s32 $0x0;
	[tilespmem:$0x28F0] =	vst v62  }
0x3f: {  	v0 =	vld [tilespmem:s28+$0x80];
	_ =	sdelay $0x4  }
0x40: {  	v0 =	vand.u32 $0x3FFF, v0  }
0x41: {  	[tilespmem:$0x2900] =	vst v0  }
0x42: {  	v0 =	vld [tilespmem:s28+$0x90];
	_ =	sdelay $0x4  }
0x43: {  	v0 =	vand.u32 $0x3FFF, v0  }
0x44: {  	[tilespmem:$0x2910] =	vst v0  }
0x45: {  	v0 =	vld [tilespmem:s28+$0xA0];
	_ =	sdelay $0x4  }
0x46: {  	v0 =	vand.u32 $0x3FFF, v0  }
0x47: {  	[tilespmem:$0x2920] =	vst v0  }
0x48: {  	v0 =	vld [tilespmem:s28+$0xB0];
	_ =	sdelay $0x4  }
0x49: {  	v0 =	vand.u32 $0x3FFF, v0  }
0x4a: {  	[tilespmem:$0x2930] =	vst v0  }
0x4b: {  	v0 =	vld [tilespmem:s28+$0xC0];
	_ =	sdelay $0x4  }
0x4c: {  	v0 =	vand.u32 $0x3FFF, v0  }
0x4d: {  	[tilespmem:$0x2940] =	vst v0  }
0x4e: {  	v0 =	vld [tilespmem:s28+$0xD0];
	_ =	sdelay $0x4  }
0x4f: {  	v0 =	vand.u32 $0x3FFF, v0  }
0x50: {  	[tilespmem:$0x2950] =	vst v0  }
0x51: {  	v0 =	vld [tilespmem:s28+$0xE0];
	_ =	sdelay $0x4  }
0x52: {  	v0 =	vand.u32 $0x3FFF, v0  }
0x53: {  	[tilespmem:$0x2960] =	vst v0  }
0x54: {  	v0 =	vld [tilespmem:s28+$0xF0];
	_ =	sdelay $0x4  }
0x55: {  	p1 =	por $0x1, $0x1;
	v0 =	vand.u32 $0x3FFF, v0  }
0x56: {  	s29 =	simm.s32 @!p1 $0x4;
	[tilespmem:$0x2970] =	vst v0  }
0x57: {  	_ =	swait.ge @!p1 [sflag:s29], $0x4000  }
0x58: {  	[sflag:s29] =	ssyncset.done @!p1 $0x0  }
0x59: {  	[sflag:s29] =	ssyncadd.s32 @!p1 $0xFFFFC000  }
0x5a: {  	[tilespmem:s20], [sflag:$0x2] =	stream.indirect.gather [hbm4b:s4+s16], $0x80, s19, s16, $0xb8;
	[tilespmem:$0x1E680] =	vst v63  }
0x5b: {  	v63 =	vld [tilespmem:s28+$0x80];
	_ =	sdelay $0x4  }
0x5c: {  	v0 =	vshrl.u32 v63, $0xE  }
0x5d: {  	[tilespmem:$0x2980] =	vst v0  }
0x5e: {  	v0 =	vld [tilespmem:s28+$0x90];
	_ =	sdelay $0x4  }
0x5f: {  	v0 =	vshrl.u32 v0, $0xE  }
0x60: {  	[tilespmem:$0x2990] =	vst v0  }
0x61: {  	v0 =	vld [tilespmem:s28+$0xA0];
	_ =	sdelay $0x4  }
0x62: {  	v0 =	vshrl.u32 v0, $0xE  }
0x63: {  	[tilespmem:$0x29A0] =	vst v0  }
0x64: {  	v0 =	vld [tilespmem:s28+$0xB0];
	_ =	sdelay $0x4  }
0x65: {  	v0 =	vshrl.u32 v0, $0xE  }
0x66: {  	[tilespmem:$0x29B0] =	vst v0  }
0x67: {  	v0 =	vld [tilespmem:s28+$0xC0];
	_ =	sdelay $0x4  }
0x68: {  	v0 =	vshrl.u32 v0, $0xE  }
0x69: {  	[tilespmem:$0x29C0] =	vst v0  }
0x6a: {  	v0 =	vld [tilespmem:s28+$0xD0];
	_ =	sdelay $0x4  }
0x6b: {  	v0 =	vshrl.u32 v0, $0xE  }
0x6c: {  	[tilespmem:$0x29D0] =	vst v0  }
0x6d: {  	v0 =	vld [tilespmem:s28+$0xE0];
	_ =	sdelay $0x4  }
0x6e: {  	v0 =	vshrl.u32 v0, $0xE  }
0x6f: {  	[tilespmem:$0x29E0] =	vst v0  }
0x70: {  	v0 =	vld [tilespmem:s28+$0xF0];
	_ =	sdelay $0x4  }
0x71: {  	v0 =	vshrl.u32 v0, $0xE  }
0x72: {  	[tilespmem:$0x29F0] =	vst v0  }
0x73: {  	_ =	swait.ge [sflag:s21], $0x4000  }
0x74: {  	p1 =	por $0x0, $0x0;
	[sflag:s21] =	ssyncset.done $0x0  }
0x75: {  	s28 =	simm.s32 @p1 $0x3;
	[sflag:s21] =	ssyncadd.s32 $0xFFFFC000  }
0x76: {  	[spmem:s2] =	stream.indirect.scatter.add.f32 [tilespmem:s18], [sflag:$0x3], $0x80, s22, s16, $0xb8;
	[tilespmem:$0x1E680] =	vst v63  }
0x77: {  	_ =	swait.ge @p1 [sflag:s28], $0x4000  }
0x78: {  	[sflag:s28] =	ssyncset.done @p1 $0x0  }
0x79: {  	s29 =	simm.s32 @!p1 $0x0;
	[sflag:s28] =	ssyncadd.s32 @p1 $0xFFFFC000  }
0x7a: {  	v0 =	vld @!p1 [tilespmem:s29+$0x100];
	_ =	sdelay $0x4  }
0x7b: {  	v0 =	vand.u32 @!p1 $0x3FFF, v0  }
0x7c: {  	[tilespmem:$0x2800] =	vst @!p1 v0  }
0x7d: {  	v0 =	vld @!p1 [tilespmem:s29+$0x110];
	_ =	sdelay $0x4  }
0x7e: {  	v0 =	vand.u32 @!p1 $0x3FFF, v0  }
0x7f: {  	[tilespmem:$0x2810] =	vst @!p1 v0  }
0x80: {  	v0 =	vld @!p1 [tilespmem:s29+$0x120];
	_ =	sdelay $0x4  }
0x81: {  	v0 =	vand.u32 @!p1 $0x3FFF, v0  }
0x82: {  	[tilespmem:$0x2820] =	vst @!p1 v0  }
0x83: {  	v0 =	vld @!p1 [tilespmem:s29+$0x130];
	_ =	sdelay $0x4  }
0x84: {  	v0 =	vand.u32 @!p1 $0x3FFF, v0  }
0x85: {  	[tilespmem:$0x2830] =	vst @!p1 v0  }
0x86: {  	v0 =	vld @!p1 [tilespmem:s29+$0x140];
	_ =	sdelay $0x4  }
0x87: {  	v0 =	vand.u32 @!p1 $0x3FFF, v0  }
0x88: {  	[tilespmem:$0x2840] =	vst @!p1 v0  }
0x89: {  	v0 =	vld @!p1 [tilespmem:s29+$0x150];
	_ =	sdelay $0x4  }
0x8a: {  	v0 =	vand.u32 @!p1 $0x3FFF, v0  }
0x8b: {  	[tilespmem:$0x2850] =	vst @!p1 v0  }
0x8c: {  	v0 =	vld @!p1 [tilespmem:s29+$0x160];
	_ =	sdelay $0x4  }
0x8d: {  	v0 =	vand.u32 @!p1 $0x3FFF, v0  }
0x8e: {  	[tilespmem:$0x2860] =	vst @!p1 v0  }
0x8f: {  	v0 =	vld @!p1 [tilespmem:s29+$0x170];
	_ =	sdelay $0x4  }
0x90: {  	v0 =	vand.u32 @!p1 $0x3FFF, v0  }
0x91: {  	s28 =	simm.s32 @!p1 $0x3;
	[tilespmem:$0x2870] =	vst @!p1 v0  }
0x92: {  	_ =	swait.ge @!p1 [sflag:s28], $0x4000  }
0x93: {  	s30 =	simm.s32 @!p1 $0x2A00;
	[sflag:s28] =	ssyncset.done @!p1 $0x0  }
0x94: {  	s31 =	simm.s32 @!p1 $0x80;
	s0 =	simm.s32 @!p1 $0x2800;
	[sflag:s28] =	ssyncadd.s32 @!p1 $0xFFFFC000  }
0x95: {  	[tilespmem:s30], [sflag:$0x1] =	stream.indirect.gather @!p1 [hbm4b:s4+s31], $0x80, s0, s31, $0xb8;
	[tilespmem:$0x1E680] =	vst v63  }
0x96: {  	v0 =	vld @!p1 [tilespmem:s29+$0x100];
	_ =	sdelay $0x4  }
0x97: {  	v0 =	vshrl.u32 @!p1 v0, $0xE  }
0x98: {  	[tilespmem:$0x2880] =	vst @!p1 v0  }
0x99: {  	v0 =	vld @!p1 [tilespmem:s29+$0x110];
	_ =	sdelay $0x4  }
0x9a: {  	v0 =	vshrl.u32 @!p1 v0, $0xE  }
0x9b: {  	[tilespmem:$0x2890] =	vst @!p1 v0  }
0x9c: {  	v0 =	vld @!p1 [tilespmem:s29+$0x120];
	_ =	sdelay $0x4  }
0x9d: {  	v0 =	vshrl.u32 @!p1 v0, $0xE  }
0x9e: {  	[tilespmem:$0x28A0] =	vst @!p1 v0  }
0x9f: {  	v0 =	vld @!p1 [tilespmem:s29+$0x130];
	_ =	sdelay $0x4  }
0xa0: {  	v0 =	vshrl.u32 @!p1 v0, $0xE  }
0xa1: {  	[tilespmem:$0x28B0] =	vst @!p1 v0  }
0xa2: {  	v0 =	vld @!p1 [tilespmem:s29+$0x140];
	_ =	sdelay $0x4  }
0xa3: {  	v0 =	vshrl.u32 @!p1 v0, $0xE  }
0xa4: {  	[tilespmem:$0x28C0] =	vst @!p1 v0  }
0xa5: {  	v0 =	vld @!p1 [tilespmem:s29+$0x150];
	_ =	sdelay $0x4  }
0xa6: {  	v0 =	vshrl.u32 @!p1 v0, $0xE  }
0xa7: {  	[tilespmem:$0x28D0] =	vst @!p1 v0  }
0xa8: {  	v0 =	vld @!p1 [tilespmem:s29+$0x160];
	_ =	sdelay $0x4  }
0xa9: {  	v0 =	vshrl.u32 @!p1 v0, $0xE  }
0xaa: {  	[tilespmem:$0x28E0] =	vst @!p1 v0  }
0xab: {  	v0 =	vld @!p1 [tilespmem:s29+$0x170];
	_ =	sdelay $0x4  }
0xac: {  	v0 =	vshrl.u32 @!p1 v0, $0xE  }
0xad: {  	[tilespmem:$0x28F0] =	vst @!p1 v0  }
0xae: {  	_ =	swait.ge [sflag:s23], $0x4000  }
0xaf: {  	s28 =	simm.s32 $0x400;
	s29 =	simm.s32 $0x800;
	[sflag:s23] =	ssyncset.done $0x0  }
.LBB2_2:
0xb0: {  	s31 =	sshra.s32 s28, $0x2  }
0xb1: {  	[sflag:s23] =	ssyncadd.s32 $0xFFFFC000;
	s30 =	smov.u32 s29;
	s29 =	sadd.s32 $0x400, s29  }
0xb2: {  	[spmem:s2] =	stream.indirect.scatter.add.f32 [tilespmem:s20], [sflag:$0x4], $0x80, s24, s16, $0xb8;
	[tilespmem:$0x1E680] =	vst v63  }
0xb3: {  	p1 =	sne.s32 s29, $0xA000;
	v0 =	vld [tilespmem:s31+$0x80];
	_ =	sdelay $0x4  }
0xb4: {  	v0 =	vand.u32 $0x3FFF, v0  }
0xb5: {  	[tilespmem:$0x2900] =	vst v0  }
0xb6: {  	v0 =	vld [tilespmem:s31+$0x90];
	_ =	sdelay $0x4  }
0xb7: {  	v0 =	vand.u32 $0x3FFF, v0  }
0xb8: {  	[tilespmem:$0x2910] =	vst v0  }
0xb9: {  	v0 =	vld [tilespmem:s31+$0xA0];
	_ =	sdelay $0x4  }
0xba: {  	v0 =	vand.u32 $0x3FFF, v0  }
0xbb: {  	[tilespmem:$0x2920] =	vst v0  }
0xbc: {  	v0 =	vld [tilespmem:s31+$0xB0];
	_ =	sdelay $0x4  }
0xbd: {  	v0 =	vand.u32 $0x3FFF, v0  }
0xbe: {  	[tilespmem:$0x2930] =	vst v0  }
0xbf: {  	v0 =	vld [tilespmem:s31+$0xC0];
	_ =	sdelay $0x4  }
0xc0: {  	v0 =	vand.u32 $0x3FFF, v0  }
0xc1: {  	[tilespmem:$0x2940] =	vst v0  }
0xc2: {  	v0 =	vld [tilespmem:s31+$0xD0];
	_ =	sdelay $0x4  }
0xc3: {  	v0 =	vand.u32 $0x3FFF, v0  }
0xc4: {  	[tilespmem:$0x2950] =	vst v0  }
0xc5: {  	v0 =	vld [tilespmem:s31+$0xE0];
	_ =	sdelay $0x4  }
0xc6: {  	v0 =	vand.u32 $0x3FFF, v0  }
0xc7: {  	[tilespmem:$0x2960] =	vst v0  }
0xc8: {  	v0 =	vld [tilespmem:s31+$0xF0];
	_ =	sdelay $0x3  }
0xc9: {  	p2 =	seq.s32 s28, $0x0  }
0xca: {  	s0 =	simm.s32 @!p2 $0x4;
	v0 =	vand.u32 $0x3FFF, v0  }
0xcb: {  	[tilespmem:$0x2970] =	vst v0  }
0xcc: {  	_ =	swait.ge @!p2 [sflag:s0], $0x4000  }
0xcd: {  	[sflag:s0] =	ssyncset.done @!p2 $0x0  }
0xce: {  	[sflag:s0] =	ssyncadd.s32 @!p2 $0xFFFFC000  }
0xcf: {  	[tilespmem:s20], [sflag:$0x2] =	stream.indirect.gather [hbm4b:s4+s16], $0x80, s19, s16, $0xb8;
	[tilespmem:$0x1E680] =	vst v63  }
0xd0: {  	v0 =	vld [tilespmem:s31+$0x80];
	_ =	sdelay $0x4  }
0xd1: {  	v0 =	vshrl.u32 v0, $0xE  }
0xd2: {  	[tilespmem:$0x2980] =	vst v0  }
0xd3: {  	v0 =	vld [tilespmem:s31+$0x90];
	_ =	sdelay $0x4  }
0xd4: {  	v0 =	vshrl.u32 v0, $0xE  }
0xd5: {  	[tilespmem:$0x2990] =	vst v0  }
0xd6: {  	v0 =	vld [tilespmem:s31+$0xA0];
	_ =	sdelay $0x4  }
0xd7: {  	v0 =	vshrl.u32 v0, $0xE  }
0xd8: {  	[tilespmem:$0x29A0] =	vst v0  }
0xd9: {  	v0 =	vld [tilespmem:s31+$0xB0];
	_ =	sdelay $0x4  }
0xda: {  	v0 =	vshrl.u32 v0, $0xE  }
0xdb: {  	[tilespmem:$0x29B0] =	vst v0  }
0xdc: {  	v0 =	vld [tilespmem:s31+$0xC0];
	_ =	sdelay $0x4  }
0xdd: {  	v0 =	vshrl.u32 v0, $0xE  }
0xde: {  	[tilespmem:$0x29C0] =	vst v0  }
0xdf: {  	v0 =	vld [tilespmem:s31+$0xD0];
	_ =	sdelay $0x4  }
0xe0: {  	v0 =	vshrl.u32 v0, $0xE  }
0xe1: {  	[tilespmem:$0x29D0] =	vst v0  }
0xe2: {  	v0 =	vld [tilespmem:s31+$0xE0];
	_ =	sdelay $0x4  }
0xe3: {  	v0 =	vshrl.u32 v0, $0xE  }
0xe4: {  	[tilespmem:$0x29E0] =	vst v0  }
0xe5: {  	v0 =	vld [tilespmem:s31+$0xF0];
	_ =	sdelay $0x4  }
0xe6: {  	v0 =	vshrl.u32 v0, $0xE  }
0xe7: {  	[tilespmem:$0x29F0] =	vst v0  }
0xe8: {  	_ =	swait.ge [sflag:s21], $0x4000  }
0xe9: {  	p2 =	seq.s32 s28, $0x9C00;
	[sflag:s21] =	ssyncset.done $0x0  }
0xea: {  	s0 =	simm.s32 @p2 $0x3;
	[sflag:s21] =	ssyncadd.s32 $0xFFFFC000  }
0xeb: {  	[spmem:s2] =	stream.indirect.scatter.add.f32 [tilespmem:s18], [sflag:$0x3], $0x80, s22, s16, $0xb8;
	[tilespmem:$0x1E680] =	vst v63  }
0xec: {  	_ =	swait.ge @p2 [sflag:s0], $0x4000  }
0xed: {  	s31 =	sshra.s32 @!p2 s28, $0x2;
	s28 =	smov.u32 s30;
	[sflag:s0] =	ssyncset.done @p2 $0x0  }
0xee: {  	[sflag:s0] =	ssyncadd.s32 @p2 $0xFFFFC000  }
0xef: {  	v0 =	vld @!p2 [tilespmem:s31+$0x100];
	_ =	sdelay $0x4  }
0xf0: {  	v0 =	vand.u32 @!p2 $0x3FFF, v0  }
0xf1: {  	[tilespmem:$0x2800] =	vst @!p2 v0  }
0xf2: {  	v0 =	vld @!p2 [tilespmem:s31+$0x110];
	_ =	sdelay $0x4  }
0xf3: {  	v0 =	vand.u32 @!p2 $0x3FFF, v0  }
0xf4: {  	[tilespmem:$0x2810] =	vst @!p2 v0  }
0xf5: {  	v0 =	vld @!p2 [tilespmem:s31+$0x120];
	_ =	sdelay $0x4  }
0xf6: {  	v0 =	vand.u32 @!p2 $0x3FFF, v0  }
0xf7: {  	[tilespmem:$0x2820] =	vst @!p2 v0  }
0xf8: {  	v0 =	vld @!p2 [tilespmem:s31+$0x130];
	_ =	sdelay $0x4  }
0xf9: {  	v0 =	vand.u32 @!p2 $0x3FFF, v0  }
0xfa: {  	[tilespmem:$0x2830] =	vst @!p2 v0  }
0xfb: {  	v0 =	vld @!p2 [tilespmem:s31+$0x140];
	_ =	sdelay $0x4  }
0xfc: {  	v0 =	vand.u32 @!p2 $0x3FFF, v0  }
0xfd: {  	[tilespmem:$0x2840] =	vst @!p2 v0  }
0xfe: {  	v0 =	vld @!p2 [tilespmem:s31+$0x150];
	_ =	sdelay $0x4  }
0xff: {  	v0 =	vand.u32 @!p2 $0x3FFF, v0  }
0x100: {  	[tilespmem:$0x2850] =	vst @!p2 v0  }
0x101: {  	v0 =	vld @!p2 [tilespmem:s31+$0x160];
	_ =	sdelay $0x4  }
0x102: {  	v0 =	vand.u32 @!p2 $0x3FFF, v0  }
0x103: {  	[tilespmem:$0x2860] =	vst @!p2 v0  }
0x104: {  	v0 =	vld @!p2 [tilespmem:s31+$0x170];
	_ =	sdelay $0x4  }
0x105: {  	s0 =	simm.s32 @!p2 $0x3;
	v0 =	vand.u32 @!p2 $0x3FFF, v0  }
0x106: {  	[tilespmem:$0x2870] =	vst @!p2 v0  }
0x107: {  	s30 =	simm.s32 @!p2 $0x2A00;
	_ =	swait.ge @!p2 [sflag:s0], $0x4000  }
0x108: {  	s1 =	simm.s32 @!p2 $0x80;
	s3 =	simm.s32 @!p2 $0x2800;
	[sflag:s0] =	ssyncset.done @!p2 $0x0  }
0x109: {  	[sflag:s0] =	ssyncadd.s32 @!p2 $0xFFFFC000  }
0x10a: {  	[tilespmem:s30], [sflag:$0x1] =	stream.indirect.gather @!p2 [hbm4b:s4+s1], $0x80, s3, s1, $0xb8;
	[tilespmem:$0x1E680] =	vst v63  }
0x10b: {  	v0 =	vld @!p2 [tilespmem:s31+$0x100];
	_ =	sdelay $0x4  }
0x10c: {  	v0 =	vshrl.u32 @!p2 v0, $0xE  }
0x10d: {  	[tilespmem:$0x2880] =	vst @!p2 v0  }
0x10e: {  	v0 =	vld @!p2 [tilespmem:s31+$0x110];
	_ =	sdelay $0x4  }
0x10f: {  	v0 =	vshrl.u32 @!p2 v0, $0xE  }
0x110: {  	[tilespmem:$0x2890] =	vst @!p2 v0  }
0x111: {  	v0 =	vld @!p2 [tilespmem:s31+$0x120];
	_ =	sdelay $0x4  }
0x112: {  	v0 =	vshrl.u32 @!p2 v0, $0xE  }
0x113: {  	[tilespmem:$0x28A0] =	vst @!p2 v0  }
0x114: {  	v0 =	vld @!p2 [tilespmem:s31+$0x130];
	_ =	sdelay $0x4  }
0x115: {  	v0 =	vshrl.u32 @!p2 v0, $0xE  }
0x116: {  	[tilespmem:$0x28B0] =	vst @!p2 v0  }
0x117: {  	v0 =	vld @!p2 [tilespmem:s31+$0x140];
	_ =	sdelay $0x4  }
0x118: {  	v0 =	vshrl.u32 @!p2 v0, $0xE  }
0x119: {  	[tilespmem:$0x28C0] =	vst @!p2 v0  }
0x11a: {  	v0 =	vld @!p2 [tilespmem:s31+$0x150];
	_ =	sdelay $0x4  }
0x11b: {  	v0 =	vshrl.u32 @!p2 v0, $0xE  }
0x11c: {  	[tilespmem:$0x28D0] =	vst @!p2 v0  }
0x11d: {  	v0 =	vld @!p2 [tilespmem:s31+$0x160];
	_ =	sdelay $0x4  }
0x11e: {  	v0 =	vshrl.u32 @!p2 v0, $0xE  }
0x11f: {  	[tilespmem:$0x28E0] =	vst @!p2 v0  }
0x120: {  	v0 =	vld @!p2 [tilespmem:s31+$0x170];
	_ =	sdelay $0x3  }
.Ltmp0:
0x121: {  	(pc) =	sbr.rel @p1 .LBB2_2-.Ltmp0, $4  }
0x122: {  	v0 =	vshrl.u32 @!p2 v0, $0xE  }
0x123: {  	[tilespmem:$0x28F0] =	vst @!p2 v0  }
0x124: {  	_ =	swait.ge [sflag:s23], $0x4000  }
0x125: {  	[sflag:s23] =	ssyncset.done $0x0  }
0x126: {  	s0 =	sshra.s32 s28, $0x2;
	[sflag:s23] =	ssyncadd.s32 $0xFFFFC000  }
0x127: {  	[spmem:s2] =	stream.indirect.scatter.add.f32 [tilespmem:s20], [sflag:$0x4], $0x80, s24, s16, $0xb8;
	[tilespmem:$0x1E680] =	vst v63  }
0x128: {  	v0 =	vld [tilespmem:s0+$0x80];
	_ =	sdelay $0x4  }
0x129: {  	v0 =	vand.u32 $0x3FFF, v0  }
0x12a: {  	[tilespmem:$0x2900] =	vst v0  }
0x12b: {  	v0 =	vld [tilespmem:s0+$0x90];
	_ =	sdelay $0x4  }
0x12c: {  	v0 =	vand.u32 $0x3FFF, v0  }
0x12d: {  	[tilespmem:$0x2910] =	vst v0  }
0x12e: {  	v0 =	vld [tilespmem:s0+$0xA0];
	_ =	sdelay $0x4  }
0x12f: {  	v0 =	vand.u32 $0x3FFF, v0  }
0x130: {  	[tilespmem:$0x2920] =	vst v0  }
0x131: {  	v0 =	vld [tilespmem:s0+$0xB0];
	_ =	sdelay $0x4  }
0x132: {  	v0 =	vand.u32 $0x3FFF, v0  }
0x133: {  	[tilespmem:$0x2930] =	vst v0  }
0x134: {  	v0 =	vld [tilespmem:s0+$0xC0];
	_ =	sdelay $0x4  }
0x135: {  	v0 =	vand.u32 $0x3FFF, v0  }
0x136: {  	[tilespmem:$0x2940] =	vst v0  }
0x137: {  	v0 =	vld [tilespmem:s0+$0xD0];
	_ =	sdelay $0x4  }
0x138: {  	v0 =	vand.u32 $0x3FFF, v0  }
0x139: {  	[tilespmem:$0x2950] =	vst v0  }
0x13a: {  	v0 =	vld [tilespmem:s0+$0xE0];
	_ =	sdelay $0x4  }
0x13b: {  	v0 =	vand.u32 $0x3FFF, v0  }
0x13c: {  	[tilespmem:$0x2960] =	vst v0  }
0x13d: {  	v0 =	vld [tilespmem:s0+$0xF0];
	_ =	sdelay $0x4  }
0x13e: {  	p1 =	seq.s32 s28, $0x0;
	v0 =	vand.u32 $0x3FFF, v0  }
0x13f: {  	s1 =	simm.s32 @!p1 $0x4;
	[tilespmem:$0x2970] =	vst v0  }
0x140: {  	_ =	swait.ge @!p1 [sflag:s1], $0x4000  }
0x141: {  	[sflag:s1] =	ssyncset.done @!p1 $0x0  }
0x142: {  	[sflag:s1] =	ssyncadd.s32 @!p1 $0xFFFFC000  }
0x143: {  	[tilespmem:s20], [sflag:$0x2] =	stream.indirect.gather [hbm4b:s4+s16], $0x80, s19, s16, $0xb8;
	[tilespmem:$0x1E680] =	vst v63  }
0x144: {  	v63 =	vld [tilespmem:s0+$0x80];
	_ =	sdelay $0x4  }
0x145: {  	v0 =	vshrl.u32 v63, $0xE  }
0x146: {  	[tilespmem:$0x2980] =	vst v0  }
0x147: {  	v0 =	vld [tilespmem:s0+$0x90];
	_ =	sdelay $0x4  }
0x148: {  	v0 =	vshrl.u32 v0, $0xE  }
0x149: {  	[tilespmem:$0x2990] =	vst v0  }
0x14a: {  	v0 =	vld [tilespmem:s0+$0xA0];
	_ =	sdelay $0x4  }
0x14b: {  	v0 =	vshrl.u32 v0, $0xE  }
0x14c: {  	[tilespmem:$0x29A0] =	vst v0  }
0x14d: {  	v0 =	vld [tilespmem:s0+$0xB0];
	_ =	sdelay $0x4  }
0x14e: {  	v0 =	vshrl.u32 v0, $0xE  }
0x14f: {  	[tilespmem:$0x29B0] =	vst v0  }
0x150: {  	v0 =	vld [tilespmem:s0+$0xC0];
	_ =	sdelay $0x4  }
0x151: {  	v0 =	vshrl.u32 v0, $0xE  }
0x152: {  	[tilespmem:$0x29C0] =	vst v0  }
0x153: {  	v0 =	vld [tilespmem:s0+$0xD0];
	_ =	sdelay $0x4  }
0x154: {  	v0 =	vshrl.u32 v0, $0xE  }
0x155: {  	[tilespmem:$0x29D0] =	vst v0  }
0x156: {  	v0 =	vld [tilespmem:s0+$0xE0];
	_ =	sdelay $0x4  }
0x157: {  	v0 =	vshrl.u32 v0, $0xE  }
0x158: {  	[tilespmem:$0x29E0] =	vst v0  }
0x159: {  	v0 =	vld [tilespmem:s0+$0xF0];
	_ =	sdelay $0x4  }
0x15a: {  	v0 =	vshrl.u32 v0, $0xE  }
0x15b: {  	[tilespmem:$0x29F0] =	vst v0  }
0x15c: {  	_ =	swait.ge [sflag:s21], $0x4000  }
0x15d: {  	p1 =	seq.s32 s28, $0x9C00;
	[sflag:s21] =	ssyncset.done $0x0  }
0x15e: {  	s0 =	simm.s32 @p1 $0x3;
	[sflag:s21] =	ssyncadd.s32 $0xFFFFC000  }
0x15f: {  	[spmem:s2] =	stream.indirect.scatter.add.f32 [tilespmem:s18], [sflag:$0x3], $0x80, s22, s16, $0xb8;
	[tilespmem:$0x1E680] =	vst v63  }
0x160: {  	_ =	swait.ge @p1 [sflag:s0], $0x4000  }
0x161: {  	[sflag:s0] =	ssyncset.done @p1 $0x0  }
0x162: {  	s1 =	sshra.s32 @!p1 s28, $0x2;
	[sflag:s0] =	ssyncadd.s32 @p1 $0xFFFFC000  }
0x163: {  	v0 =	vld @!p1 [tilespmem:s1+$0x100];
	_ =	sdelay $0x4  }
0x164: {  	v0 =	vand.u32 @!p1 $0x3FFF, v0  }
0x165: {  	[tilespmem:$0x2800] =	vst @!p1 v0  }
0x166: {  	v0 =	vld @!p1 [tilespmem:s1+$0x110];
	_ =	sdelay $0x4  }
0x167: {  	v0 =	vand.u32 @!p1 $0x3FFF, v0  }
0x168: {  	[tilespmem:$0x2810] =	vst @!p1 v0  }
0x169: {  	v0 =	vld @!p1 [tilespmem:s1+$0x120];
	_ =	sdelay $0x4  }
0x16a: {  	v0 =	vand.u32 @!p1 $0x3FFF, v0  }
0x16b: {  	[tilespmem:$0x2820] =	vst @!p1 v0  }
0x16c: {  	v0 =	vld @!p1 [tilespmem:s1+$0x130];
	_ =	sdelay $0x4  }
0x16d: {  	v0 =	vand.u32 @!p1 $0x3FFF, v0  }
0x16e: {  	[tilespmem:$0x2830] =	vst @!p1 v0  }
0x16f: {  	v0 =	vld @!p1 [tilespmem:s1+$0x140];
	_ =	sdelay $0x4  }
0x170: {  	v0 =	vand.u32 @!p1 $0x3FFF, v0  }
0x171: {  	[tilespmem:$0x2840] =	vst @!p1 v0  }
0x172: {  	v0 =	vld @!p1 [tilespmem:s1+$0x150];
	_ =	sdelay $0x4  }
0x173: {  	v0 =	vand.u32 @!p1 $0x3FFF, v0  }
0x174: {  	[tilespmem:$0x2850] =	vst @!p1 v0  }
0x175: {  	v0 =	vld @!p1 [tilespmem:s1+$0x160];
	_ =	sdelay $0x4  }
0x176: {  	v0 =	vand.u32 @!p1 $0x3FFF, v0  }
0x177: {  	[tilespmem:$0x2860] =	vst @!p1 v0  }
0x178: {  	v0 =	vld @!p1 [tilespmem:s1+$0x170];
	_ =	sdelay $0x4  }
0x179: {  	v0 =	vand.u32 @!p1 $0x3FFF, v0  }
0x17a: {  	s0 =	simm.s32 @!p1 $0x3;
	[tilespmem:$0x2870] =	vst @!p1 v0  }
0x17b: {  	_ =	swait.ge @!p1 [sflag:s0], $0x4000  }
0x17c: {  	s3 =	simm.s32 @!p1 $0x2A00;
	[sflag:s0] =	ssyncset.done @!p1 $0x0  }
0x17d: {  	s28 =	simm.s32 @!p1 $0x80;
	s29 =	simm.s32 @!p1 $0x2800;
	[sflag:s0] =	ssyncadd.s32 @!p1 $0xFFFFC000  }
0x17e: {  	[tilespmem:s3], [sflag:$0x1] =	stream.indirect.gather @!p1 [hbm4b:s4+s28], $0x80, s29, s28, $0xb8;
	[tilespmem:$0x1E680] =	vst v63  }
0x17f: {  	v0 =	vld @!p1 [tilespmem:s1+$0x100];
	_ =	sdelay $0x4  }
0x180: {  	v0 =	vshrl.u32 @!p1 v0, $0xE  }
0x181: {  	[tilespmem:$0x2880] =	vst @!p1 v0  }
0x182: {  	v0 =	vld @!p1 [tilespmem:s1+$0x110];
	_ =	sdelay $0x4  }
0x183: {  	v0 =	vshrl.u32 @!p1 v0, $0xE  }
0x184: {  	[tilespmem:$0x2890] =	vst @!p1 v0  }
0x185: {  	v0 =	vld @!p1 [tilespmem:s1+$0x120];
	_ =	sdelay $0x4  }
0x186: {  	v0 =	vshrl.u32 @!p1 v0, $0xE  }
0x187: {  	[tilespmem:$0x28A0] =	vst @!p1 v0  }
0x188: {  	v0 =	vld @!p1 [tilespmem:s1+$0x130];
	_ =	sdelay $0x4  }
0x189: {  	v0 =	vshrl.u32 @!p1 v0, $0xE  }
0x18a: {  	[tilespmem:$0x28B0] =	vst @!p1 v0  }
0x18b: {  	v0 =	vld @!p1 [tilespmem:s1+$0x140];
	_ =	sdelay $0x4  }
0x18c: {  	v0 =	vshrl.u32 @!p1 v0, $0xE  }
0x18d: {  	[tilespmem:$0x28C0] =	vst @!p1 v0  }
0x18e: {  	v0 =	vld @!p1 [tilespmem:s1+$0x150];
	_ =	sdelay $0x4  }
0x18f: {  	v0 =	vshrl.u32 @!p1 v0, $0xE  }
0x190: {  	[tilespmem:$0x28D0] =	vst @!p1 v0  }
0x191: {  	v0 =	vld @!p1 [tilespmem:s1+$0x160];
	_ =	sdelay $0x4  }
0x192: {  	v0 =	vshrl.u32 @!p1 v0, $0xE  }
0x193: {  	[tilespmem:$0x28E0] =	vst @!p1 v0  }
0x194: {  	v0 =	vld @!p1 [tilespmem:s1+$0x170];
	_ =	sdelay $0x4  }
0x195: {  	v0 =	vshrl.u32 @!p1 v0, $0xE  }
0x196: {  	[tilespmem:$0x28F0] =	vst @!p1 v0  }
0x197: {  	_ =	swait.ge [sflag:s23], $0x4000  }
0x198: {  	[sflag:s23] =	ssyncset.done $0x0  }
0x199: {  	[sflag:s23] =	ssyncadd.s32 $0xFFFFC000  }
0x19a: {  	[spmem:s2] =	stream.indirect.scatter.add.f32 [tilespmem:s20], [sflag:$0x4], $0x80, s24, s16, $0xb8;
	[tilespmem:$0x1E680] =	vst v63  }
0x19b: {  	_ =	swait.ge [sflag:s25], $0x4000  }
0x19c: {  	[sflag:s25] =	ssyncset.done $0x0  }
0x19d: {  	[sflag:s25] =	ssyncadd.s32 $0xFFFFC000  }
0x19e: {  	s0 =	simm.s32 @p0 $0x1FC6;
	[bflag:$0x0] =	sbarrier.arrive $0xFFFF  }
0x19f: {  	[hbm:s9], [sflag:s0] =	dma.local @p0 [spmem:s12], $0x2080  }
0x1a0: {  	s0 =	simm.s32 @p0 $0x6  }
0x1a1: {  	_ =	swait.ge @p0 [sflag:s0], $0x2080  }
0x1a2: {  	s26 =	sadd.s32 $0x1, s26;
	[sflag:s0] =	ssyncset.done @p0 $0x0  }
0x1a3: {  	p1 =	sne.s32 s26, s10;
	[sflag:s0] =	ssyncadd.s32 @p0 $0xFFFFDF80;
	s0 =	sor.u32 @!p0 $0x1C06, s11  }
0x1a4: {  	[hbm:s8], [sflag:s0] =	dma.local @!p0 [spmem:s14], $0x2780  }
.Ltmp1:
0x1a5: {  	_ = 	snop;
	(pc) =	sbr.rel @p1 .LBB2_1-.Ltmp1, $4  }
0x1a6: {  	s0 =	simm.s32 @!p0 $0x6  }
0x1a7: {  	_ =	swait.ge @!p0 [sflag:s0], $0x2780  }
0x1a8: {  	[sflag:s0] =	ssyncset.done @!p0 $0x0  }
0x1a9: {  	[sflag:s0] =	ssyncadd.s32 @!p0 $0xFFFFD880  }
0x1aa: {  	_ =	sfence.sel $0x180000  }
0x1ab: {  	[bflag:$0x0] =	sbarrier.arrive $0xFFFF  }
0x1ac: {  	_ =	strace $0x9000004D  }
0x1ad: {  	s0 =	stileid.u32;
	[bflag:$0x2] =	sbarrier.arrive $0xFFFF  }
0x1ae: {  	p0 =	sne.s32 s0, $0x0;
	s0 =	rddreg [dreg:$0x3]  }
0x1af: {  	s0 =	sadd.s32 @!p0 $0x100000, s0  }
0x1b0: {  	[sflag:s0] =	ssyncadd.tile.s32 @!p0 $0x1;
	_ =	shalt  }
.Lfunc_end2:
_tile_overlayer_lowered:
.L_overlay_start_2:
0x1b1: {  	(tag) =	ssettag $0x2  }
0x1b2: {  	s0 =	rddreg [dreg:$0x0];
	s2 =	stileid.u32  }
0x1b3: {  	s1 =	rddreg [dreg:$0x1];
	p0 =	sne.s32 s2, $0x0  }
0x1b4: {  	s3 =	rddreg [dreg:$0x2];
	[bflag:$0x3] =	sbarrier.arrive $0xFFFF;
	s2 =	simm.s32 @!p0 $0x1C06  }
0x1b5: {  	[timem:s3], [sflag:s2] =	dma.local @!p0 [hbm:s0], s1  }
0x1b6: {  	s0 =	simm.s32 @!p0 $0x6  }
0x1b7: {  	_ =	swait.ge @!p0 [sflag:s0], s1  }
0x1b8: {  	s1 =	ssub.s32 @!p0 $0x0, s1;
	[sflag:s0] =	ssyncset.done @!p0 $0x0  }
0x1b9: {  	[sflag:s0] =	ssyncadd.s32 @!p0 s1  }
0x1ba: {  	[bflag:$0x3] =	sbarrier.arrive $0xFFFF  }
0x1bb: {  	_ =	shalt  }

// kernel: kernel.8.cloned.1.call-start
scs
__scs_entry_jumppad:
0x0: {  	(pc) =	sbr.rel $0x88, $3  }
0x1: {  	(tag) =	ssettag $0x0;
	lr =	simm.s32 $0x1  }
0x2: {  	[smem:$0x3F8F] =	sst lr;
	_ =	strace $0xD0000000  }
0x3: {  	_ = 	snop  }
0x4: {  	_ = 	snop  }
0x5: {  	_ = 	snop  }
0x6: {  	_ = 	snop  }
0x7: {  	_ = 	snop  }
__scs_overlays_trampoline_lowered:
0x8: {  	[smem:$0x3F9E] =	sst s0  }
0x9: {  	[smem:$0x3F9F] =	sst s1  }
0xa: {  	[smem:$0x3FA0] =	sst s2  }
0xb: {  	[smem:$0x3FA1] =	sst s3  }
0xc: {  	[smem:$0x3FA2] =	sst s4  }
0xd: {  	[smem:$0x3FA3] =	sst s5  }
0xe: {  	[smem:$0x3FA4] =	sst s6  }
0xf: {  	[smem:$0x3FA5] =	sst s7  }
0x10: {  	[smem:$0x3FA6] =	sst s8  }
0x11: {  	[smem:$0x3FA7] =	sst s9;
	s0 =	simm.s32 @!p0 $0x0  }
0x12: {  	s1 =	sld [smem:$0x3F8D];
	s0 =	simm.s32 @p0 $0x1  }
0x13: {  	[smem:$0x3FA8] =	sst s0;
	s0 =	simm.s32 @!p1 $0x0  }
0x14: {  	s2 =	sld [smem:$0x3F8C];
	s0 =	simm.s32 @p1 $0x1  }
0x15: {  	[smem:$0x3FA9] =	sst s0;
	s0 =	simm.s32 @!p2 $0x0  }
0x16: {  	s3 =	sld [smem:$0x3FDB];
	s0 =	simm.s32 @p2 $0x1  }
0x17: {  	s4 =	simm.s32 $0x1BF5;
	[smem:$0x3FAB] =	sst s0  }
0x18: {  	s0 =	sld [smem:$0x3F8E];
	_ =	swait.ge [sflag:s4], $0x0  }
0x19: {  	s7 =	sld [smem:$0x3F8F]  }
0x1a: {  	s8 =	sadd.s32 $0xFFFFE003, lr  }
0x1b: {  	s9 =	sadd.s32 $0xFFFFFEF7, lr;
	s5 =	simm.s32 $0xFFFFFFFF;
	p2 =	slt.u32 s8, $0xFFFFF086  }
0x1c: {  	p1 =	slt.u32 s9, $0xF7A;
	s5 =	simm.s32 @!p2 $0x0  }
0x1d: {  	s5 =	simm.s32 @p1 $0x1;
	p0 =	seq.s32 s7, s2  }
0x1e: {  	s7 =	smul.u32 @!p0 $0xF7A, s2;
	p2 =	seq.s32 @!p0 s5, $0x0  }
0x1f: {  	s9 =	smul.u32 $0xF7A, s1;
	s8 =	simm.s32 @!p0 $0x1BF5;
	p2 =	por !p2, p0  }
0x20: {  	[sflag:s8] =	ssyncset.s32 @!p0 $0xFFFFF086;
	s6 =	sadd.s32 @!p0 s3, s7;
	s7 =	simm.s32 @!p0 $0x108  }
0x21: {  	s3 =	sadd.s32 s3, s9;
	s6 =	sadd.s32 @!p0 $0x88, s6;
	s7 =	simm.s32 @p2 $0x1082  }
0x22: {  	[simem:s7], [sflag:s8] =	dma.local @!p0 [hbm:s6], $0xF7A  }
0x23: {  	s9 =	sor.u32 $0xD0000000, s2;
	s6 =	simm.s32 $0x108;
	_ =	swait.ge @!p0 [sflag:s8], $0x0  }
0x24: {  	s3 =	sadd.s32 $0x88, s3;
	s6 =	simm.s32 @!p1 $0x1082;
	[sflag:s4] =	ssyncset.s32 $0xFFFFF086  }
0x25: {  	[simem:s6], [sflag:s4] =	dma.local [hbm:s3], $0xF7A  }
0x26: {  	[smem:$0x3F8F] =	sst s1;
	(tag) =	ssettag s2;
	_ =	strace s9  }
0x27: {  	s1 =	sld [smem:$0x3F9F]  }
0x28: {  	s2 =	sld [smem:$0x3FA0]  }
0x29: {  	s4 =	sld [smem:$0x3FA2]  }
0x2a: {  	p0 =	seq.s32 s5, $0x0;
	s5 =	sld [smem:$0x3FA3]  }
0x2b: {  	s6 =	sld [smem:$0x3FA4]  }
0x2c: {  	s7 =	sld [smem:$0x3FA5]  }
0x2d: {  	s3 =	simm.s32 $0x108;
	s8 =	sld [smem:$0x3FA6]  }
0x2e: {  	s3 =	simm.s32 @!p0 $0x1082;
	s9 =	sld [smem:$0x3FA7]  }
0x2f: {  	lr =	sadd.s32 s0, s3;
	s0 =	sld [smem:$0x3F9E]  }
0x30: {  	s3 =	sld [smem:$0x3FA1]  }
0x31: {  	[smem:$0x3FAA] =	sst s10  }
0x32: {  	s10 =	sld [smem:$0x3FA8];
	_ =	sdelay $0x3  }
0x33: {  	p0 =	seq.s32 s10, $0x1;
	s10 =	sld [smem:$0x3FAA];
	_ =	sdelay $0x3  }
0x34: {  	[smem:$0x3FAA] =	sst s10  }
0x35: {  	s10 =	sld [smem:$0x3FA9];
	_ =	sdelay $0x3  }
0x36: {  	p1 =	seq.s32 s10, $0x1;
	s10 =	sld [smem:$0x3FAA];
	_ =	sdelay $0x3  }
0x37: {  	[smem:$0x3FAA] =	sst s10  }
0x38: {  	s10 =	sld [smem:$0x3FAB]  }
0x39: {  	_ = 	snop;
	(pc) =	sbr.ind lr, $3  }
0x3a: {  	_ = 	snop  }
0x3b: {  	_ = 	snop  }
0x3c: {  	p2 =	seq.s32 s10, $0x1;
	s10 =	sld [smem:$0x3FAA]  }
0x3d: {  	_ =	shalt  }
0x3e: {  	_ =	shalt  }
0x3f: {  	_ =	shalt  }
0x40: {  	_ =	shalt  }
0x41: {  	_ =	shalt  }
0x42: {  	_ =	shalt  }
0x43: {  	_ =	shalt  }
0x44: {  	_ =	shalt  }
0x45: {  	_ =	shalt  }
0x46: {  	_ =	shalt  }
0x47: {  	_ =	shalt  }
0x48: {  	_ =	shalt  }
0x49: {  	_ =	shalt  }
0x4a: {  	_ =	shalt  }
0x4b: {  	_ =	shalt  }
0x4c: {  	_ =	shalt  }
0x4d: {  	_ =	shalt  }
0x4e: {  	_ =	shalt  }
0x4f: {  	_ =	shalt  }
0x50: {  	_ =	shalt  }
0x51: {  	_ =	shalt  }
0x52: {  	_ =	shalt  }
0x53: {  	_ =	shalt  }
0x54: {  	_ =	shalt  }
0x55: {  	_ =	shalt  }
0x56: {  	_ =	shalt  }
0x57: {  	_ =	shalt  }
0x58: {  	_ =	shalt  }
0x59: {  	_ =	shalt  }
0x5a: {  	_ =	shalt  }
0x5b: {  	_ =	shalt  }
0x5c: {  	_ =	shalt  }
0x5d: {  	_ =	shalt  }
0x5e: {  	_ =	shalt  }
0x5f: {  	_ =	shalt  }
0x60: {  	_ =	shalt  }
0x61: {  	_ =	shalt  }
0x62: {  	_ =	shalt  }
0x63: {  	_ =	shalt  }
0x64: {  	_ =	shalt  }
0x65: {  	_ =	shalt  }
0x66: {  	_ =	shalt  }
0x67: {  	_ =	shalt  }
0x68: {  	_ =	shalt  }
0x69: {  	_ =	shalt  }
0x6a: {  	_ =	shalt  }
0x6b: {  	_ =	shalt  }
0x6c: {  	_ =	shalt  }
0x6d: {  	_ =	shalt  }
0x6e: {  	_ =	shalt  }
0x6f: {  	_ =	shalt  }
0x70: {  	_ =	shalt  }
0x71: {  	_ =	shalt  }
0x72: {  	_ =	shalt  }
0x73: {  	_ =	shalt  }
0x74: {  	_ =	shalt  }
0x75: {  	_ =	shalt  }
0x76: {  	_ =	shalt  }
0x77: {  	_ =	shalt  }
0x78: {  	_ =	shalt  }
0x79: {  	_ =	shalt  }
0x7a: {  	_ =	shalt  }
0x7b: {  	_ =	shalt  }
0x7c: {  	_ =	shalt  }
0x7d: {  	_ =	shalt  }
0x7e: {  	_ =	shalt  }
0x7f: {  	_ =	shalt  }
0x80: {  	_ =	shalt  }
0x81: {  	_ =	shalt  }
0x82: {  	_ =	shalt  }
0x83: {  	_ =	shalt  }
0x84: {  	_ =	shalt  }
0x85: {  	_ =	shalt  }
0x86: {  	_ =	shalt  }
0x87: {  	_ =	shalt  }
.Lfunc_end0:
.L_simem_size_0:
called_computation_lowered:
.L_overlay_start_0:
0x88: {  	s2 =	sld [smem:$0x3FD9]  }
0x89: {  	s3 =	sld [smem:$0x3FFE];
	_ =	sdelay $0x1  }
0x8a: {  	s1 =	srdreg.scid  }
0x8b: {  	s0 =	sand.u32 $0x1, s1  }
0x8c: {  	s17 =	sshll.u32 s0, $0xA;
	s2 =	sadd.s32 s3, s2  }
0x8d: {  	s2 =	sadd.s32 s2, s17  }
0x8e: {  	[smem:$0x3FB6] =	sst s2  }
0x8f: {  	_ = 	snop  }
0x90: {  	s2 =	sld [smem:$0x3FC9]  }
0x91: {  	s18 =	sld [smem:$0x3FD0];
	(tm) =	ssettm $0x1  }
0x92: {  	s4 =	sld [smem:$0x3FFB];
	_ =	sdelay $0x3  }
0x93: {  	_ =	strace s4  }
0x94: {  	s4 =	sld [smem:$0x3FFC];
	_ =	sdelay $0x3  }
0x95: {  	_ =	strace s4  }
0x96: {  	s4 =	sld [smem:$0x3FFD];
	_ =	sdelay $0x3  }
0x97: {  	_ =	strace s4  }
0x98: {  	_ =	strace $0x8FFFFFFF  }
0x99: {  	s19 =	sld [smem:$0x3FDB];
	_ =	sdelay $0x1  }
0x9a: {  	s5 =	simm.s32 $_scs_section_size  }
0x9b: {  	s6 =	simm.s32 $_size__tile_overlayer_lowered;
	s7 =	simm.s32 $_tile_overlayer_lowered  }
0x9c: {  	s22 =	simm.s32 $0x1BFF;
	s21 =	sshll.u32 s7, $0x1;
	s4 =	sadd.s32 s5, s19  }
0x9d: {  	s8 =	simm.s32 $0x0;
	s20 =	sshll.u32 s6, $0x1;
	s6 =	sadd.s32 s21, s4  }
0x9e: {  	[timem:s8], [sflag:s22] =	dma.local [hbm:s6], s20  }
0x9f: {  	_ =	swait.ge [sflag:s22], s20  }
0xa0: {  	s5 =	ssub.s32 $0x0, s20;
	[sflag:s22] =	ssyncset.done $0x0  }
0xa1: {  	[sflag:s22] =	ssyncadd.s32 s5;
	_ =	sdelay $0x1  }
0xa2: {  	s23 =	simm.s32 $0x1B8B  }
0xa3: {  	_ =	swait.ge [sflag:s23], $0x1  }
0xa4: {  	[sflag:s23] =	ssyncset.done $0x0  }
0xa5: {  	s25 =	simm.s32 $0x1B8E;
	s24 =	sld [smem:$0x3FFE];
	[sflag:s23] =	ssyncadd.s32 $0xFFFFFFFF  }
0xa6: {  	s26 =	simm.s32 $execute0_lowered;
	[smem:$0x3FD2] =	sst s25  }
0xa7: {  	s6 =	sshll.u32 s26, $0x1;
	_ =	strace $0x80000046;
	[dreg:$0x1] =	wrdreg $0xFFFFFFFF  }
0xa8: {  	s28 =	simm.s32 $_size_execute0_lowered;
	s4 =	sadd.s32 s4, s6;
	[dreg:$0x0] =	wrdreg $0x0  }
0xa9: {  	s6 =	sshll.u32 s28, $0x1;
	[dreg:$0x2] =	wrdreg s4  }
0xaa: {  	[dreg:$0x3] =	wrdreg s6  }
0xab: {  	[dreg:$0x4] =	wrdreg $0xC0  }
0xac: {  	_ =	task [dreg:s8], $0x5FFFF  }
0xad: {  	[dreg:$0x1] =	wrdreg $0xFFFFFFFF  }
0xae: {  	[dreg:$0x0] =	wrdreg $0x60  }
0xaf: {  	[dreg:$0x2] =	wrdreg s2  }
0xb0: {  	[dreg:$0x3] =	wrdreg s18  }
0xb1: {  	[dreg:$0x4] =	wrdreg s24  }
0xb2: {  	[dreg:$0x5] =	wrdreg $0xAA000  }
0xb3: {  	[dreg:$0x6] =	wrdreg $0x9  }
0xb4: {  	_ =	task.clear_ibuf [dreg:s8], $0x7FFFF;
	_ =	strace $0x90000046  }
0xb5: {  	s29 =	simm.s32 $0x9;
	_ =	strace $0x80000048  }
0xb6: {  	_ =	swait.ge [sflag:s29], $0x1  }
0xb7: {  	[sflag:s29] =	ssyncadd.s32 $0xFFFFFFFF  }
0xb8: {  	_ =	strace $0x90000048  }
0xb9: {  	_ =	sfence  }
0xba: {  	s30 =	sld [smem:$0x0];
	_ =	sdelay $0x2  }
0xbb: {  	s31 =	sshll.u32 s1, $0xD;
	s1 =	sshrl.u32 s1, $0x2  }
0xbc: {  	s3 =	sand.u32 $0x4000, s31;
	s1 =	sadd.s32 s1, s30  }
0xbd: {  	s0 =	sor.u32 s3, s0;
	s1 =	sshll.u32 s1, $0x11  }
0xbe: {  	s0 =	sor.u32 s1, s0  }
0xbf: {  	s0 =	sadd.s32 $0x8F2B, s0  }
0xc0: {  	[sflag:s0] =	ssyncadd.remote.s32 $0x1  }
0xc1: {  	_ =	sfence.sel $0xFFFF  }
0xc2: {  	[dreg:$0x0] =	wrdreg $0xFFFFFFFF;
	(pc) =	sbr.abs _section_cstart, $3  }
0xc3: {  	[dreg:$0x1] =	wrdreg $0xFFFFFFFF  }
0xc4: {  	_ =	task.clear_ibuf [dreg:s8], $0x2FFFF;
	_ =	strace $0x9FFFFFFF  }
0xc5: {  	(tm) =	ssettm $0x7FFFFFFF  }
tec
execute0_lowered:
.L_overlay_start_1:
0x0: {  	(tag) =	ssettag $0x1  }
0x1: {  	s1 =	rddreg [dreg:$0x0]  }
0x2: {  	s7 =	rddreg [dreg:$0x1]  }
0x3: {  	s6 =	rddreg [dreg:$0x2]  }
0x4: {  	s3 =	rddreg [dreg:$0x3]  }
0x5: {  	s0 =	stileid.u32;
	s2 =	simm.s32 $0x0;
	s8 =	srdreg.scid  }
0x6: {  	s16 =	simm.s32 $0x80;
	s17 =	simm.s32 $0x2800;
	s18 =	simm.s32 $0x2A00  }
0x7: {  	s19 =	simm.s32 $0x2900;
	s20 =	simm.s32 $0x6A00;
	s21 =	simm.s32 $0x1  }
0x8: {  	s22 =	simm.s32 $0x2880;
	s23 =	simm.s32 $0x2;
	s24 =	simm.s32 $0x2980  }
0x9: {  	s5 =	smul.u32 $0x2780, s0;
	[smem:$0x7FF] =	sst s2;
	s8 =	sand.u32 $0x1, s8  }
0xa: {  	s10 =	sadd.s32 $0x2C000, s6;
	s12 =	smul.u32 $0x4F000, s0;
	s25 =	sshll.u32 s0, $0x1  }
0xb: {  	s28 =	smul.u32 $0x13C00, s0;
	s15 =	sadd.s32 $0x128400, s3;
	p0 =	seq.s32 s0, $0xF  }
0xc: {  	_ =	strace $0x80000047;
	s9 =	ssub.s32 $0x2, s8;
	s13 =	smul.u32 $0x138800, s8  }
0xd: {  	s8 =	sor.u32 s8, s25;
	s25 =	simm.s32 $0x4;
	s5 =	sadd.s32 s5, s6  }
0xe: {  	s11 =	sshrl.u32 s9, $0x1;
	s26 =	sshrl.u32 s12, $0x2;
	s8 =	smul.u32 $0x500, s8  }
0xf: {  	s6 =	sadd.s32 $0x29680, s6;
	s12 =	sshrl.u32 @p0 s15, $0x3;
	s15 =	simm.s32 $0x6  }
0x10: {  	s11 =	ssub.s32 s9, s11;
	s14 =	sadd.s32 s26, s3;
	s5 =	sadd.s32 $0x4600, s5  }
0x11: {  	s29 =	sadd.s32 s28, s13;
	s31 =	sshrl.u32 s13, $0x3;
	s26 =	simm.s32 $0x0  }
0x12: {  	s7 =	sadd.s32 s7, s8;
	s30 =	sshrl.u32 s29, $0x3;
	s9 =	sadd.s32 s10, s31  }
0x13: {  	s8 =	sadd.s32 s10, s30;
	s10 =	smax.u32 s11, $0x1;
	s11 =	sshll.u32 @!p0 s0, $0x6  }
0x14: {  	s14 =	sshrl.u32 @!p0 s14, $0x3;
	s9 =	sadd.s32 $0x25080, s9;
	s13 =	sor.u32 @!p0 $0x1C05, s11  }
.LBB2_1:
0x15: {  	s28 =	simm.s32 @p0 $0x1FC5;
	s0 =	simm.s32 $0x0  }
0x16: {  	[spmem:s12], [sflag:s28] =	dma.local @p0 [hbm:s6], $0x2880  }
0x17: {  	[spmem:s14], [sflag:s13] =	dma.local @!p0 [hbm:s5], $0x2780  }
0x18: {  	[tilespmem:s0], [sflag:$0x6] =	stream.linear.gather [hbm4b:s7+s0], $0x2800, $0x38;
	[tilespmem:$0x1E680] =	vst v63  }
0x19: {  	_ =	swait.ge [sflag:s15], $0x2800  }
0x1a: {  	[sflag:s15] =	ssyncset.done $0x0  }
0x1b: {  	s28 =	simm.s32 @p0 $0x5;
	[sflag:s15] =	ssyncadd.s32 $0xFFFFD800  }
0x1c: {  	_ =	swait.ge @p0 [sflag:s28], $0x2880  }
0x1d: {  	[sflag:s28] =	ssyncset.done @p0 $0x0  }
0x1e: {  	[sflag:s28] =	ssyncadd.s32 @p0 $0xFFFFD780;
	s28 =	simm.s32 @!p0 $0x5  }
0x1f: {  	_ =	swait.ge @!p0 [sflag:s28], $0x2780  }
0x20: {  	[sflag:s28] =	ssyncset.done @!p0 $0x0  }
0x21: {  	[sflag:s28] =	ssyncadd.s32 @!p0 $0xFFFFD880  }
0x22: {  	[bflag:$0x0] =	sbarrier.arrive $0xFFFF  }
0x23: {  	v0 =	vld [tilespmem:$0x0]  }
0x24: {  	v1 =	vld [tilespmem:$0x10]  }
0x25: {  	v2 =	vld [tilespmem:$0x20]  }
0x26: {  	v3 =	vld [tilespmem:$0x30]  }
0x27: {  	v4 =	vld [tilespmem:$0x40]  }
0x28: {  	v5 =	vld [tilespmem:$0x50];
	v0 =	vand.u32 $0x3FFF, v0  }
0x29: {  	v40 =	vld [tilespmem:$0x60];
	v39 =	vand.u32 $0x3FFF, v1;
	[tilespmem:$0x2800] =	vst v0  }
0x2a: {  	v42 =	vld [tilespmem:$0x70];
	v41 =	vand.u32 $0x3FFF, v2;
	[tilespmem:$0x2810] =	vst v39  }
0x2b: {  	v43 =	vand.u32 $0x3FFF, v3;
	[tilespmem:$0x2820] =	vst v41  }
0x2c: {  	v44 =	vand.u32 $0x3FFF, v4;
	[tilespmem:$0x2830] =	vst v43  }
0x2d: {  	v45 =	vand.u32 $0x3FFF, v5;
	[tilespmem:$0x2840] =	vst v44  }
0x2e: {  	v46 =	vand.u32 $0x3FFF, v40;
	[tilespmem:$0x2850] =	vst v45  }
0x2f: {  	v47 =	vand.u32 $0x3FFF, v42;
	[tilespmem:$0x2860] =	vst v46  }
0x30: {  	[tilespmem:$0x2870] =	vst v47  }
0x31: {  	[tilespmem:s18], [sflag:$0x1] =	stream.indirect.gather [hbm4b:s1+s16], $0x80, s17, s16, $0xb8;
	[tilespmem:$0x1E680] =	vst v63  }
0x32: {  	v48 =	vld [tilespmem:$0x0]  }
0x33: {  	v49 =	vld [tilespmem:$0x10]  }
0x34: {  	v50 =	vld [tilespmem:$0x20]  }
0x35: {  	v51 =	vld [tilespmem:$0x30]  }
0x36: {  	v52 =	vld [tilespmem:$0x40]  }
0x37: {  	v53 =	vld [tilespmem:$0x50];
	v0 =	vshrl.u32 v48, $0xE  }
0x38: {  	v55 =	vld [tilespmem:$0x60];
	v54 =	vshrl.u32 v49, $0xE;
	[tilespmem:$0x2880] =	vst v0  }
0x39: {  	v57 =	vld [tilespmem:$0x70];
	v56 =	vshrl.u32 v50, $0xE;
	[tilespmem:$0x2890] =	vst v54  }
0x3a: {  	v58 =	vshrl.u32 v51, $0xE;
	[tilespmem:$0x28A0] =	vst v56  }
0x3b: {  	v59 =	vshrl.u32 v52, $0xE;
	[tilespmem:$0x28B0] =	vst v58  }
0x3c: {  	v60 =	vshrl.u32 v53, $0xE;
	[tilespmem:$0x28C0] =	vst v59  }
0x3d: {  	v61 =	vshrl.u32 v55, $0xE;
	[tilespmem:$0x28D0] =	vst v60  }
0x3e: {  	v62 =	vshrl.u32 v57, $0xE;
	[tilespmem:$0x28E0] =	vst v61  }
0x3f: {  	s28 =	simm.s32 $0x0;
	[tilespmem:$0x28F0] =	vst v62  }
0x40: {  	v0 =	vld [tilespmem:s28+$0x80];
	_ =	sdelay $0x4  }
0x41: {  	v0 =	vand.u32 $0x3FFF, v0  }
0x42: {  	[tilespmem:$0x2900] =	vst v0  }
0x43: {  	v0 =	vld [tilespmem:s28+$0x90];
	_ =	sdelay $0x4  }
0x44: {  	v0 =	vand.u32 $0x3FFF, v0  }
0x45: {  	[tilespmem:$0x2910] =	vst v0  }
0x46: {  	v0 =	vld [tilespmem:s28+$0xA0];
	_ =	sdelay $0x4  }
0x47: {  	v0 =	vand.u32 $0x3FFF, v0  }
0x48: {  	[tilespmem:$0x2920] =	vst v0  }
0x49: {  	v0 =	vld [tilespmem:s28+$0xB0];
	_ =	sdelay $0x4  }
0x4a: {  	v0 =	vand.u32 $0x3FFF, v0  }
0x4b: {  	[tilespmem:$0x2930] =	vst v0  }
0x4c: {  	v0 =	vld [tilespmem:s28+$0xC0];
	_ =	sdelay $0x4  }
0x4d: {  	v0 =	vand.u32 $0x3FFF, v0  }
0x4e: {  	[tilespmem:$0x2940] =	vst v0  }
0x4f: {  	v0 =	vld [tilespmem:s28+$0xD0];
	_ =	sdelay $0x4  }
0x50: {  	v0 =	vand.u32 $0x3FFF, v0  }
0x51: {  	[tilespmem:$0x2950] =	vst v0  }
0x52: {  	v0 =	vld [tilespmem:s28+$0xE0];
	_ =	sdelay $0x4  }
0x53: {  	v0 =	vand.u32 $0x3FFF, v0  }
0x54: {  	[tilespmem:$0x2960] =	vst v0  }
0x55: {  	v0 =	vld [tilespmem:s28+$0xF0];
	_ =	sdelay $0x4  }
0x56: {  	p1 =	por $0x1, $0x1;
	v0 =	vand.u32 $0x3FFF, v0  }
0x57: {  	s29 =	simm.s32 @!p1 $0x4;
	[tilespmem:$0x2970] =	vst v0  }
0x58: {  	_ =	swait.ge @!p1 [sflag:s29], $0x4000  }
0x59: {  	[sflag:s29] =	ssyncset.done @!p1 $0x0  }
0x5a: {  	[sflag:s29] =	ssyncadd.s32 @!p1 $0xFFFFC000  }
0x5b: {  	[tilespmem:s20], [sflag:$0x2] =	stream.indirect.gather [hbm4b:s1+s16], $0x80, s19, s16, $0xb8;
	[tilespmem:$0x1E680] =	vst v63  }
0x5c: {  	v63 =	vld [tilespmem:s28+$0x80];
	_ =	sdelay $0x4  }
0x5d: {  	v0 =	vshrl.u32 v63, $0xE  }
0x5e: {  	[tilespmem:$0x2980] =	vst v0  }
0x5f: {  	v0 =	vld [tilespmem:s28+$0x90];
	_ =	sdelay $0x4  }
0x60: {  	v0 =	vshrl.u32 v0, $0xE  }
0x61: {  	[tilespmem:$0x2990] =	vst v0  }
0x62: {  	v0 =	vld [tilespmem:s28+$0xA0];
	_ =	sdelay $0x4  }
0x63: {  	v0 =	vshrl.u32 v0, $0xE  }
0x64: {  	[tilespmem:$0x29A0] =	vst v0  }
0x65: {  	v0 =	vld [tilespmem:s28+$0xB0];
	_ =	sdelay $0x4  }
0x66: {  	v0 =	vshrl.u32 v0, $0xE  }
0x67: {  	[tilespmem:$0x29B0] =	vst v0  }
0x68: {  	v0 =	vld [tilespmem:s28+$0xC0];
	_ =	sdelay $0x4  }
0x69: {  	v0 =	vshrl.u32 v0, $0xE  }
0x6a: {  	[tilespmem:$0x29C0] =	vst v0  }
0x6b: {  	v0 =	vld [tilespmem:s28+$0xD0];
	_ =	sdelay $0x4  }
0x6c: {  	v0 =	vshrl.u32 v0, $0xE  }
0x6d: {  	[tilespmem:$0x29D0] =	vst v0  }
0x6e: {  	v0 =	vld [tilespmem:s28+$0xE0];
	_ =	sdelay $0x4  }
0x6f: {  	v0 =	vshrl.u32 v0, $0xE  }
0x70: {  	[tilespmem:$0x29E0] =	vst v0  }
0x71: {  	v0 =	vld [tilespmem:s28+$0xF0];
	_ =	sdelay $0x4  }
0x72: {  	v0 =	vshrl.u32 v0, $0xE  }
0x73: {  	[tilespmem:$0x29F0] =	vst v0  }
0x74: {  	_ =	swait.ge [sflag:s21], $0x4000  }
0x75: {  	p1 =	por $0x0, $0x0;
	[sflag:s21] =	ssyncset.done $0x0  }
0x76: {  	s28 =	simm.s32 @p1 $0x3;
	[sflag:s21] =	ssyncadd.s32 $0xFFFFC000  }
0x77: {  	[spmem:s3] =	stream.indirect.scatter.add.f32 [tilespmem:s18], [sflag:$0x3], $0x80, s22, s16, $0xb8;
	[tilespmem:$0x1E680] =	vst v63  }
0x78: {  	_ =	swait.ge @p1 [sflag:s28], $0x4000  }
0x79: {  	[sflag:s28] =	ssyncset.done @p1 $0x0  }
0x7a: {  	s29 =	simm.s32 @!p1 $0x0;
	[sflag:s28] =	ssyncadd.s32 @p1 $0xFFFFC000  }
0x7b: {  	v0 =	vld @!p1 [tilespmem:s29+$0x100];
	_ =	sdelay $0x4  }
0x7c: {  	v0 =	vand.u32 @!p1 $0x3FFF, v0  }
0x7d: {  	[tilespmem:$0x2800] =	vst @!p1 v0  }
0x7e: {  	v0 =	vld @!p1 [tilespmem:s29+$0x110];
	_ =	sdelay $0x4  }
0x7f: {  	v0 =	vand.u32 @!p1 $0x3FFF, v0  }
0x80: {  	[tilespmem:$0x2810] =	vst @!p1 v0  }
0x81: {  	v0 =	vld @!p1 [tilespmem:s29+$0x120];
	_ =	sdelay $0x4  }
0x82: {  	v0 =	vand.u32 @!p1 $0x3FFF, v0  }
0x83: {  	[tilespmem:$0x2820] =	vst @!p1 v0  }
0x84: {  	v0 =	vld @!p1 [tilespmem:s29+$0x130];
	_ =	sdelay $0x4  }
0x85: {  	v0 =	vand.u32 @!p1 $0x3FFF, v0  }
0x86: {  	[tilespmem:$0x2830] =	vst @!p1 v0  }
0x87: {  	v0 =	vld @!p1 [tilespmem:s29+$0x140];
	_ =	sdelay $0x4  }
0x88: {  	v0 =	vand.u32 @!p1 $0x3FFF, v0  }
0x89: {  	[tilespmem:$0x2840] =	vst @!p1 v0  }
0x8a: {  	v0 =	vld @!p1 [tilespmem:s29+$0x150];
	_ =	sdelay $0x4  }
0x8b: {  	v0 =	vand.u32 @!p1 $0x3FFF, v0  }
0x8c: {  	[tilespmem:$0x2850] =	vst @!p1 v0  }
0x8d: {  	v0 =	vld @!p1 [tilespmem:s29+$0x160];
	_ =	sdelay $0x4  }
0x8e: {  	v0 =	vand.u32 @!p1 $0x3FFF, v0  }
0x8f: {  	[tilespmem:$0x2860] =	vst @!p1 v0  }
0x90: {  	v0 =	vld @!p1 [tilespmem:s29+$0x170];
	_ =	sdelay $0x4  }
0x91: {  	v0 =	vand.u32 @!p1 $0x3FFF, v0  }
0x92: {  	s28 =	simm.s32 @!p1 $0x3;
	[tilespmem:$0x2870] =	vst @!p1 v0  }
0x93: {  	_ =	swait.ge @!p1 [sflag:s28], $0x4000  }
0x94: {  	s30 =	simm.s32 @!p1 $0x2A00;
	[sflag:s28] =	ssyncset.done @!p1 $0x0  }
0x95: {  	s31 =	simm.s32 @!p1 $0x80;
	s0 =	simm.s32 @!p1 $0x2800;
	[sflag:s28] =	ssyncadd.s32 @!p1 $0xFFFFC000  }
0x96: {  	[tilespmem:s30], [sflag:$0x1] =	stream.indirect.gather @!p1 [hbm4b:s1+s31], $0x80, s0, s31, $0xb8;
	[tilespmem:$0x1E680] =	vst v63  }
0x97: {  	v0 =	vld @!p1 [tilespmem:s29+$0x100];
	_ =	sdelay $0x4  }
0x98: {  	v0 =	vshrl.u32 @!p1 v0, $0xE  }
0x99: {  	[tilespmem:$0x2880] =	vst @!p1 v0  }
0x9a: {  	v0 =	vld @!p1 [tilespmem:s29+$0x110];
	_ =	sdelay $0x4  }
0x9b: {  	v0 =	vshrl.u32 @!p1 v0, $0xE  }
0x9c: {  	[tilespmem:$0x2890] =	vst @!p1 v0  }
0x9d: {  	v0 =	vld @!p1 [tilespmem:s29+$0x120];
	_ =	sdelay $0x4  }
0x9e: {  	v0 =	vshrl.u32 @!p1 v0, $0xE  }
0x9f: {  	[tilespmem:$0x28A0] =	vst @!p1 v0  }
0xa0: {  	v0 =	vld @!p1 [tilespmem:s29+$0x130];
	_ =	sdelay $0x4  }
0xa1: {  	v0 =	vshrl.u32 @!p1 v0, $0xE  }
0xa2: {  	[tilespmem:$0x28B0] =	vst @!p1 v0  }
0xa3: {  	v0 =	vld @!p1 [tilespmem:s29+$0x140];
	_ =	sdelay $0x4  }
0xa4: {  	v0 =	vshrl.u32 @!p1 v0, $0xE  }
0xa5: {  	[tilespmem:$0x28C0] =	vst @!p1 v0  }
0xa6: {  	v0 =	vld @!p1 [tilespmem:s29+$0x150];
	_ =	sdelay $0x4  }
0xa7: {  	v0 =	vshrl.u32 @!p1 v0, $0xE  }
0xa8: {  	[tilespmem:$0x28D0] =	vst @!p1 v0  }
0xa9: {  	v0 =	vld @!p1 [tilespmem:s29+$0x160];
	_ =	sdelay $0x4  }
0xaa: {  	v0 =	vshrl.u32 @!p1 v0, $0xE  }
0xab: {  	[tilespmem:$0x28E0] =	vst @!p1 v0  }
0xac: {  	v0 =	vld @!p1 [tilespmem:s29+$0x170];
	_ =	sdelay $0x4  }
0xad: {  	v0 =	vshrl.u32 @!p1 v0, $0xE  }
0xae: {  	[tilespmem:$0x28F0] =	vst @!p1 v0  }
0xaf: {  	_ =	swait.ge [sflag:s23], $0x4000  }
0xb0: {  	s28 =	simm.s32 $0x400;
	s29 =	simm.s32 $0x800;
	[sflag:s23] =	ssyncset.done $0x0  }
.LBB2_2:
0xb1: {  	s31 =	sshra.s32 s28, $0x2  }
0xb2: {  	[sflag:s23] =	ssyncadd.s32 $0xFFFFC000;
	s30 =	smov.u32 s29;
	s29 =	sadd.s32 $0x400, s29  }
0xb3: {  	[spmem:s3] =	stream.indirect.scatter.add.f32 [tilespmem:s20], [sflag:$0x4], $0x80, s24, s16, $0xb8;
	[tilespmem:$0x1E680] =	vst v63  }
0xb4: {  	p1 =	sne.s32 s29, $0xA000;
	v0 =	vld [tilespmem:s31+$0x80];
	_ =	sdelay $0x4  }
0xb5: {  	v0 =	vand.u32 $0x3FFF, v0  }
0xb6: {  	[tilespmem:$0x2900] =	vst v0  }
0xb7: {  	v0 =	vld [tilespmem:s31+$0x90];
	_ =	sdelay $0x4  }
0xb8: {  	v0 =	vand.u32 $0x3FFF, v0  }
0xb9: {  	[tilespmem:$0x2910] =	vst v0  }
0xba: {  	v0 =	vld [tilespmem:s31+$0xA0];
	_ =	sdelay $0x4  }
0xbb: {  	v0 =	vand.u32 $0x3FFF, v0  }
0xbc: {  	[tilespmem:$0x2920] =	vst v0  }
0xbd: {  	v0 =	vld [tilespmem:s31+$0xB0];
	_ =	sdelay $0x4  }
0xbe: {  	v0 =	vand.u32 $0x3FFF, v0  }
0xbf: {  	[tilespmem:$0x2930] =	vst v0  }
0xc0: {  	v0 =	vld [tilespmem:s31+$0xC0];
	_ =	sdelay $0x4  }
0xc1: {  	v0 =	vand.u32 $0x3FFF, v0  }
0xc2: {  	[tilespmem:$0x2940] =	vst v0  }
0xc3: {  	v0 =	vld [tilespmem:s31+$0xD0];
	_ =	sdelay $0x4  }
0xc4: {  	v0 =	vand.u32 $0x3FFF, v0  }
0xc5: {  	[tilespmem:$0x2950] =	vst v0  }
0xc6: {  	v0 =	vld [tilespmem:s31+$0xE0];
	_ =	sdelay $0x4  }
0xc7: {  	v0 =	vand.u32 $0x3FFF, v0  }
0xc8: {  	[tilespmem:$0x2960] =	vst v0  }
0xc9: {  	v0 =	vld [tilespmem:s31+$0xF0];
	_ =	sdelay $0x3  }
0xca: {  	p2 =	seq.s32 s28, $0x0  }
0xcb: {  	s0 =	simm.s32 @!p2 $0x4;
	v0 =	vand.u32 $0x3FFF, v0  }
0xcc: {  	[tilespmem:$0x2970] =	vst v0  }
0xcd: {  	_ =	swait.ge @!p2 [sflag:s0], $0x4000  }
0xce: {  	[sflag:s0] =	ssyncset.done @!p2 $0x0  }
0xcf: {  	[sflag:s0] =	ssyncadd.s32 @!p2 $0xFFFFC000  }
0xd0: {  	[tilespmem:s20], [sflag:$0x2] =	stream.indirect.gather [hbm4b:s1+s16], $0x80, s19, s16, $0xb8;
	[tilespmem:$0x1E680] =	vst v63  }
0xd1: {  	v0 =	vld [tilespmem:s31+$0x80];
	_ =	sdelay $0x4  }
0xd2: {  	v0 =	vshrl.u32 v0, $0xE  }
0xd3: {  	[tilespmem:$0x2980] =	vst v0  }
0xd4: {  	v0 =	vld [tilespmem:s31+$0x90];
	_ =	sdelay $0x4  }
0xd5: {  	v0 =	vshrl.u32 v0, $0xE  }
0xd6: {  	[tilespmem:$0x2990] =	vst v0  }
0xd7: {  	v0 =	vld [tilespmem:s31+$0xA0];
	_ =	sdelay $0x4  }
0xd8: {  	v0 =	vshrl.u32 v0, $0xE  }
0xd9: {  	[tilespmem:$0x29A0] =	vst v0  }
0xda: {  	v0 =	vld [tilespmem:s31+$0xB0];
	_ =	sdelay $0x4  }
0xdb: {  	v0 =	vshrl.u32 v0, $0xE  }
0xdc: {  	[tilespmem:$0x29B0] =	vst v0  }
0xdd: {  	v0 =	vld [tilespmem:s31+$0xC0];
	_ =	sdelay $0x4  }
0xde: {  	v0 =	vshrl.u32 v0, $0xE  }
0xdf: {  	[tilespmem:$0x29C0] =	vst v0  }
0xe0: {  	v0 =	vld [tilespmem:s31+$0xD0];
	_ =	sdelay $0x4  }
0xe1: {  	v0 =	vshrl.u32 v0, $0xE  }
0xe2: {  	[tilespmem:$0x29D0] =	vst v0  }
0xe3: {  	v0 =	vld [tilespmem:s31+$0xE0];
	_ =	sdelay $0x4  }
0xe4: {  	v0 =	vshrl.u32 v0, $0xE  }
0xe5: {  	[tilespmem:$0x29E0] =	vst v0  }
0xe6: {  	v0 =	vld [tilespmem:s31+$0xF0];
	_ =	sdelay $0x4  }
0xe7: {  	v0 =	vshrl.u32 v0, $0xE  }
0xe8: {  	[tilespmem:$0x29F0] =	vst v0  }
0xe9: {  	_ =	swait.ge [sflag:s21], $0x4000  }
0xea: {  	p2 =	seq.s32 s28, $0x9C00;
	[sflag:s21] =	ssyncset.done $0x0  }
0xeb: {  	s0 =	simm.s32 @p2 $0x3;
	[sflag:s21] =	ssyncadd.s32 $0xFFFFC000  }
0xec: {  	[spmem:s3] =	stream.indirect.scatter.add.f32 [tilespmem:s18], [sflag:$0x3], $0x80, s22, s16, $0xb8;
	[tilespmem:$0x1E680] =	vst v63  }
0xed: {  	_ =	swait.ge @p2 [sflag:s0], $0x4000  }
0xee: {  	s31 =	sshra.s32 @!p2 s28, $0x2;
	s28 =	smov.u32 s30;
	[sflag:s0] =	ssyncset.done @p2 $0x0  }
0xef: {  	[sflag:s0] =	ssyncadd.s32 @p2 $0xFFFFC000  }
0xf0: {  	v0 =	vld @!p2 [tilespmem:s31+$0x100];
	_ =	sdelay $0x4  }
0xf1: {  	v0 =	vand.u32 @!p2 $0x3FFF, v0  }
0xf2: {  	[tilespmem:$0x2800] =	vst @!p2 v0  }
0xf3: {  	v0 =	vld @!p2 [tilespmem:s31+$0x110];
	_ =	sdelay $0x4  }
0xf4: {  	v0 =	vand.u32 @!p2 $0x3FFF, v0  }
0xf5: {  	[tilespmem:$0x2810] =	vst @!p2 v0  }
0xf6: {  	v0 =	vld @!p2 [tilespmem:s31+$0x120];
	_ =	sdelay $0x4  }
0xf7: {  	v0 =	vand.u32 @!p2 $0x3FFF, v0  }
0xf8: {  	[tilespmem:$0x2820] =	vst @!p2 v0  }
0xf9: {  	v0 =	vld @!p2 [tilespmem:s31+$0x130];
	_ =	sdelay $0x4  }
0xfa: {  	v0 =	vand.u32 @!p2 $0x3FFF, v0  }
0xfb: {  	[tilespmem:$0x2830] =	vst @!p2 v0  }
0xfc: {  	v0 =	vld @!p2 [tilespmem:s31+$0x140];
	_ =	sdelay $0x4  }
0xfd: {  	v0 =	vand.u32 @!p2 $0x3FFF, v0  }
0xfe: {  	[tilespmem:$0x2840] =	vst @!p2 v0  }
0xff: {  	v0 =	vld @!p2 [tilespmem:s31+$0x150];
	_ =	sdelay $0x4  }
0x100: {  	v0 =	vand.u32 @!p2 $0x3FFF, v0  }
0x101: {  	[tilespmem:$0x2850] =	vst @!p2 v0  }
0x102: {  	v0 =	vld @!p2 [tilespmem:s31+$0x160];
	_ =	sdelay $0x4  }
0x103: {  	v0 =	vand.u32 @!p2 $0x3FFF, v0  }
0x104: {  	[tilespmem:$0x2860] =	vst @!p2 v0  }
0x105: {  	v0 =	vld @!p2 [tilespmem:s31+$0x170];
	_ =	sdelay $0x4  }
0x106: {  	s0 =	simm.s32 @!p2 $0x3;
	v0 =	vand.u32 @!p2 $0x3FFF, v0  }
0x107: {  	[tilespmem:$0x2870] =	vst @!p2 v0  }
0x108: {  	s30 =	simm.s32 @!p2 $0x2A00;
	_ =	swait.ge @!p2 [sflag:s0], $0x4000  }
0x109: {  	s2 =	simm.s32 @!p2 $0x80;
	s4 =	simm.s32 @!p2 $0x2800;
	[sflag:s0] =	ssyncset.done @!p2 $0x0  }
0x10a: {  	[sflag:s0] =	ssyncadd.s32 @!p2 $0xFFFFC000  }
0x10b: {  	[tilespmem:s30], [sflag:$0x1] =	stream.indirect.gather @!p2 [hbm4b:s1+s2], $0x80, s4, s2, $0xb8;
	[tilespmem:$0x1E680] =	vst v63  }
0x10c: {  	v0 =	vld @!p2 [tilespmem:s31+$0x100];
	_ =	sdelay $0x4  }
0x10d: {  	v0 =	vshrl.u32 @!p2 v0, $0xE  }
0x10e: {  	[tilespmem:$0x2880] =	vst @!p2 v0  }
0x10f: {  	v0 =	vld @!p2 [tilespmem:s31+$0x110];
	_ =	sdelay $0x4  }
0x110: {  	v0 =	vshrl.u32 @!p2 v0, $0xE  }
0x111: {  	[tilespmem:$0x2890] =	vst @!p2 v0  }
0x112: {  	v0 =	vld @!p2 [tilespmem:s31+$0x120];
	_ =	sdelay $0x4  }
0x113: {  	v0 =	vshrl.u32 @!p2 v0, $0xE  }
0x114: {  	[tilespmem:$0x28A0] =	vst @!p2 v0  }
0x115: {  	v0 =	vld @!p2 [tilespmem:s31+$0x130];
	_ =	sdelay $0x4  }
0x116: {  	v0 =	vshrl.u32 @!p2 v0, $0xE  }
0x117: {  	[tilespmem:$0x28B0] =	vst @!p2 v0  }
0x118: {  	v0 =	vld @!p2 [tilespmem:s31+$0x140];
	_ =	sdelay $0x4  }
0x119: {  	v0 =	vshrl.u32 @!p2 v0, $0xE  }
0x11a: {  	[tilespmem:$0x28C0] =	vst @!p2 v0  }
0x11b: {  	v0 =	vld @!p2 [tilespmem:s31+$0x150];
	_ =	sdelay $0x4  }
0x11c: {  	v0 =	vshrl.u32 @!p2 v0, $0xE  }
0x11d: {  	[tilespmem:$0x28D0] =	vst @!p2 v0  }
0x11e: {  	v0 =	vld @!p2 [tilespmem:s31+$0x160];
	_ =	sdelay $0x4  }
0x11f: {  	v0 =	vshrl.u32 @!p2 v0, $0xE  }
0x120: {  	[tilespmem:$0x28E0] =	vst @!p2 v0  }
0x121: {  	v0 =	vld @!p2 [tilespmem:s31+$0x170];
	_ =	sdelay $0x3  }
.Ltmp0:
0x122: {  	(pc) =	sbr.rel @p1 .LBB2_2-.Ltmp0, $4  }
0x123: {  	v0 =	vshrl.u32 @!p2 v0, $0xE  }
0x124: {  	[tilespmem:$0x28F0] =	vst @!p2 v0  }
0x125: {  	_ =	swait.ge [sflag:s23], $0x4000  }
0x126: {  	[sflag:s23] =	ssyncset.done $0x0  }
0x127: {  	s0 =	sshra.s32 s28, $0x2;
	[sflag:s23] =	ssyncadd.s32 $0xFFFFC000  }
0x128: {  	[spmem:s3] =	stream.indirect.scatter.add.f32 [tilespmem:s20], [sflag:$0x4], $0x80, s24, s16, $0xb8;
	[tilespmem:$0x1E680] =	vst v63  }
0x129: {  	v0 =	vld [tilespmem:s0+$0x80];
	_ =	sdelay $0x4  }
0x12a: {  	v0 =	vand.u32 $0x3FFF, v0  }
0x12b: {  	[tilespmem:$0x2900] =	vst v0  }
0x12c: {  	v0 =	vld [tilespmem:s0+$0x90];
	_ =	sdelay $0x4  }
0x12d: {  	v0 =	vand.u32 $0x3FFF, v0  }
0x12e: {  	[tilespmem:$0x2910] =	vst v0  }
0x12f: {  	v0 =	vld [tilespmem:s0+$0xA0];
	_ =	sdelay $0x4  }
0x130: {  	v0 =	vand.u32 $0x3FFF, v0  }
0x131: {  	[tilespmem:$0x2920] =	vst v0  }
0x132: {  	v0 =	vld [tilespmem:s0+$0xB0];
	_ =	sdelay $0x4  }
0x133: {  	v0 =	vand.u32 $0x3FFF, v0  }
0x134: {  	[tilespmem:$0x2930] =	vst v0  }
0x135: {  	v0 =	vld [tilespmem:s0+$0xC0];
	_ =	sdelay $0x4  }
0x136: {  	v0 =	vand.u32 $0x3FFF, v0  }
0x137: {  	[tilespmem:$0x2940] =	vst v0  }
0x138: {  	v0 =	vld [tilespmem:s0+$0xD0];
	_ =	sdelay $0x4  }
0x139: {  	v0 =	vand.u32 $0x3FFF, v0  }
0x13a: {  	[tilespmem:$0x2950] =	vst v0  }
0x13b: {  	v0 =	vld [tilespmem:s0+$0xE0];
	_ =	sdelay $0x4  }
0x13c: {  	v0 =	vand.u32 $0x3FFF, v0  }
0x13d: {  	[tilespmem:$0x2960] =	vst v0  }
0x13e: {  	v0 =	vld [tilespmem:s0+$0xF0];
	_ =	sdelay $0x4  }
0x13f: {  	p1 =	seq.s32 s28, $0x0;
	v0 =	vand.u32 $0x3FFF, v0  }
0x140: {  	s2 =	simm.s32 @!p1 $0x4;
	[tilespmem:$0x2970] =	vst v0  }
0x141: {  	_ =	swait.ge @!p1 [sflag:s2], $0x4000  }
0x142: {  	[sflag:s2] =	ssyncset.done @!p1 $0x0  }
0x143: {  	[sflag:s2] =	ssyncadd.s32 @!p1 $0xFFFFC000  }
0x144: {  	[tilespmem:s20], [sflag:$0x2] =	stream.indirect.gather [hbm4b:s1+s16], $0x80, s19, s16, $0xb8;
	[tilespmem:$0x1E680] =	vst v63  }
0x145: {  	v63 =	vld [tilespmem:s0+$0x80];
	_ =	sdelay $0x4  }
0x146: {  	v0 =	vshrl.u32 v63, $0xE  }
0x147: {  	[tilespmem:$0x2980] =	vst v0  }
0x148: {  	v0 =	vld [tilespmem:s0+$0x90];
	_ =	sdelay $0x4  }
0x149: {  	v0 =	vshrl.u32 v0, $0xE  }
0x14a: {  	[tilespmem:$0x2990] =	vst v0  }
0x14b: {  	v0 =	vld [tilespmem:s0+$0xA0];
	_ =	sdelay $0x4  }
0x14c: {  	v0 =	vshrl.u32 v0, $0xE  }
0x14d: {  	[tilespmem:$0x29A0] =	vst v0  }
0x14e: {  	v0 =	vld [tilespmem:s0+$0xB0];
	_ =	sdelay $0x4  }
0x14f: {  	v0 =	vshrl.u32 v0, $0xE  }
0x150: {  	[tilespmem:$0x29B0] =	vst v0  }
0x151: {  	v0 =	vld [tilespmem:s0+$0xC0];
	_ =	sdelay $0x4  }
0x152: {  	v0 =	vshrl.u32 v0, $0xE  }
0x153: {  	[tilespmem:$0x29C0] =	vst v0  }
0x154: {  	v0 =	vld [tilespmem:s0+$0xD0];
	_ =	sdelay $0x4  }
0x155: {  	v0 =	vshrl.u32 v0, $0xE  }
0x156: {  	[tilespmem:$0x29D0] =	vst v0  }
0x157: {  	v0 =	vld [tilespmem:s0+$0xE0];
	_ =	sdelay $0x4  }
0x158: {  	v0 =	vshrl.u32 v0, $0xE  }
0x159: {  	[tilespmem:$0x29E0] =	vst v0  }
0x15a: {  	v0 =	vld [tilespmem:s0+$0xF0];
	_ =	sdelay $0x4  }
0x15b: {  	v0 =	vshrl.u32 v0, $0xE  }
0x15c: {  	[tilespmem:$0x29F0] =	vst v0  }
0x15d: {  	_ =	swait.ge [sflag:s21], $0x4000  }
0x15e: {  	p1 =	seq.s32 s28, $0x9C00;
	[sflag:s21] =	ssyncset.done $0x0  }
0x15f: {  	s0 =	simm.s32 @p1 $0x3;
	[sflag:s21] =	ssyncadd.s32 $0xFFFFC000  }
0x160: {  	[spmem:s3] =	stream.indirect.scatter.add.f32 [tilespmem:s18], [sflag:$0x3], $0x80, s22, s16, $0xb8;
	[tilespmem:$0x1E680] =	vst v63  }
0x161: {  	_ =	swait.ge @p1 [sflag:s0], $0x4000  }
0x162: {  	[sflag:s0] =	ssyncset.done @p1 $0x0  }
0x163: {  	s2 =	sshra.s32 @!p1 s28, $0x2;
	[sflag:s0] =	ssyncadd.s32 @p1 $0xFFFFC000  }
0x164: {  	v0 =	vld @!p1 [tilespmem:s2+$0x100];
	_ =	sdelay $0x4  }
0x165: {  	v0 =	vand.u32 @!p1 $0x3FFF, v0  }
0x166: {  	[tilespmem:$0x2800] =	vst @!p1 v0  }
0x167: {  	v0 =	vld @!p1 [tilespmem:s2+$0x110];
	_ =	sdelay $0x4  }
0x168: {  	v0 =	vand.u32 @!p1 $0x3FFF, v0  }
0x169: {  	[tilespmem:$0x2810] =	vst @!p1 v0  }
0x16a: {  	v0 =	vld @!p1 [tilespmem:s2+$0x120];
	_ =	sdelay $0x4  }
0x16b: {  	v0 =	vand.u32 @!p1 $0x3FFF, v0  }
0x16c: {  	[tilespmem:$0x2820] =	vst @!p1 v0  }
0x16d: {  	v0 =	vld @!p1 [tilespmem:s2+$0x130];
	_ =	sdelay $0x4  }
0x16e: {  	v0 =	vand.u32 @!p1 $0x3FFF, v0  }
0x16f: {  	[tilespmem:$0x2830] =	vst @!p1 v0  }
0x170: {  	v0 =	vld @!p1 [tilespmem:s2+$0x140];
	_ =	sdelay $0x4  }
0x171: {  	v0 =	vand.u32 @!p1 $0x3FFF, v0  }
0x172: {  	[tilespmem:$0x2840] =	vst @!p1 v0  }
0x173: {  	v0 =	vld @!p1 [tilespmem:s2+$0x150];
	_ =	sdelay $0x4  }
0x174: {  	v0 =	vand.u32 @!p1 $0x3FFF, v0  }
0x175: {  	[tilespmem:$0x2850] =	vst @!p1 v0  }
0x176: {  	v0 =	vld @!p1 [tilespmem:s2+$0x160];
	_ =	sdelay $0x4  }
0x177: {  	v0 =	vand.u32 @!p1 $0x3FFF, v0  }
0x178: {  	[tilespmem:$0x2860] =	vst @!p1 v0  }
0x179: {  	v0 =	vld @!p1 [tilespmem:s2+$0x170];
	_ =	sdelay $0x4  }
0x17a: {  	v0 =	vand.u32 @!p1 $0x3FFF, v0  }
0x17b: {  	s0 =	simm.s32 @!p1 $0x3;
	[tilespmem:$0x2870] =	vst @!p1 v0  }
0x17c: {  	_ =	swait.ge @!p1 [sflag:s0], $0x4000  }
0x17d: {  	s4 =	simm.s32 @!p1 $0x2A00;
	[sflag:s0] =	ssyncset.done @!p1 $0x0  }
0x17e: {  	s28 =	simm.s32 @!p1 $0x80;
	s29 =	simm.s32 @!p1 $0x2800;
	[sflag:s0] =	ssyncadd.s32 @!p1 $0xFFFFC000  }
0x17f: {  	[tilespmem:s4], [sflag:$0x1] =	stream.indirect.gather @!p1 [hbm4b:s1+s28], $0x80, s29, s28, $0xb8;
	[tilespmem:$0x1E680] =	vst v63  }
0x180: {  	v0 =	vld @!p1 [tilespmem:s2+$0x100];
	_ =	sdelay $0x4  }
0x181: {  	v0 =	vshrl.u32 @!p1 v0, $0xE  }
0x182: {  	[tilespmem:$0x2880] =	vst @!p1 v0  }
0x183: {  	v0 =	vld @!p1 [tilespmem:s2+$0x110];
	_ =	sdelay $0x4  }
0x184: {  	v0 =	vshrl.u32 @!p1 v0, $0xE  }
0x185: {  	[tilespmem:$0x2890] =	vst @!p1 v0  }
0x186: {  	v0 =	vld @!p1 [tilespmem:s2+$0x120];
	_ =	sdelay $0x4  }
0x187: {  	v0 =	vshrl.u32 @!p1 v0, $0xE  }
0x188: {  	[tilespmem:$0x28A0] =	vst @!p1 v0  }
0x189: {  	v0 =	vld @!p1 [tilespmem:s2+$0x130];
	_ =	sdelay $0x4  }
0x18a: {  	v0 =	vshrl.u32 @!p1 v0, $0xE  }
0x18b: {  	[tilespmem:$0x28B0] =	vst @!p1 v0  }
0x18c: {  	v0 =	vld @!p1 [tilespmem:s2+$0x140];
	_ =	sdelay $0x4  }
0x18d: {  	v0 =	vshrl.u32 @!p1 v0, $0xE  }
0x18e: {  	[tilespmem:$0x28C0] =	vst @!p1 v0  }
0x18f: {  	v0 =	vld @!p1 [tilespmem:s2+$0x150];
	_ =	sdelay $0x4  }
0x190: {  	v0 =	vshrl.u32 @!p1 v0, $0xE  }
0x191: {  	[tilespmem:$0x28D0] =	vst @!p1 v0  }
0x192: {  	v0 =	vld @!p1 [tilespmem:s2+$0x160];
	_ =	sdelay $0x4  }
0x193: {  	v0 =	vshrl.u32 @!p1 v0, $0xE  }
0x194: {  	[tilespmem:$0x28E0] =	vst @!p1 v0  }
0x195: {  	v0 =	vld @!p1 [tilespmem:s2+$0x170];
	_ =	sdelay $0x4  }
0x196: {  	v0 =	vshrl.u32 @!p1 v0, $0xE  }
0x197: {  	[tilespmem:$0x28F0] =	vst @!p1 v0  }
0x198: {  	_ =	swait.ge [sflag:s23], $0x4000  }
0x199: {  	[sflag:s23] =	ssyncset.done $0x0  }
0x19a: {  	[sflag:s23] =	ssyncadd.s32 $0xFFFFC000  }
0x19b: {  	[spmem:s3] =	stream.indirect.scatter.add.f32 [tilespmem:s20], [sflag:$0x4], $0x80, s24, s16, $0xb8;
	[tilespmem:$0x1E680] =	vst v63  }
0x19c: {  	_ =	swait.ge [sflag:s25], $0x4000  }
0x19d: {  	[sflag:s25] =	ssyncset.done $0x0  }
0x19e: {  	[sflag:s25] =	ssyncadd.s32 $0xFFFFC000  }
0x19f: {  	s0 =	simm.s32 @p0 $0x1FC6;
	[bflag:$0x0] =	sbarrier.arrive $0xFFFF  }
0x1a0: {  	[hbm:s9], [sflag:s0] =	dma.local @p0 [spmem:s12], $0x2080  }
0x1a1: {  	s0 =	simm.s32 @p0 $0x6  }
0x1a2: {  	_ =	swait.ge @p0 [sflag:s0], $0x2080  }
0x1a3: {  	s26 =	sadd.s32 $0x1, s26;
	[sflag:s0] =	ssyncset.done @p0 $0x0  }
0x1a4: {  	p1 =	sne.s32 s26, s10;
	[sflag:s0] =	ssyncadd.s32 @p0 $0xFFFFDF80;
	s0 =	sor.u32 @!p0 $0x1C06, s11  }
0x1a5: {  	[hbm:s8], [sflag:s0] =	dma.local @!p0 [spmem:s14], $0x2780  }
.Ltmp1:
0x1a6: {  	_ = 	snop;
	(pc) =	sbr.rel @p1 .LBB2_1-.Ltmp1, $4  }
0x1a7: {  	s0 =	simm.s32 @!p0 $0x6  }
0x1a8: {  	_ =	swait.ge @!p0 [sflag:s0], $0x2780  }
0x1a9: {  	[sflag:s0] =	ssyncset.done @!p0 $0x0  }
0x1aa: {  	[sflag:s0] =	ssyncadd.s32 @!p0 $0xFFFFD880  }
0x1ab: {  	_ =	sfence.sel $0x180000  }
0x1ac: {  	[bflag:$0x0] =	sbarrier.arrive $0xFFFF  }
0x1ad: {  	_ =	strace $0x90000047  }
0x1ae: {  	s0 =	stileid.u32;
	[bflag:$0x2] =	sbarrier.arrive $0xFFFF  }
0x1af: {  	p0 =	sne.s32 s0, $0x0;
	s0 =	rddreg [dreg:$0x4]  }
0x1b0: {  	s0 =	sadd.s32 @!p0 $0x100000, s0  }
0x1b1: {  	[sflag:s0] =	ssyncadd.tile.s32 @!p0 $0x1;
	_ =	shalt  }
.Lfunc_end2:
_tile_overlayer_lowered:
.L_overlay_start_2:
0x1b2: {  	(tag) =	ssettag $0x2  }
0x1b3: {  	s0 =	rddreg [dreg:$0x0];
	s2 =	stileid.u32  }
0x1b4: {  	s1 =	rddreg [dreg:$0x1];
	p0 =	sne.s32 s2, $0x0  }
0x1b5: {  	s3 =	rddreg [dreg:$0x2];
	[bflag:$0x3] =	sbarrier.arrive $0xFFFF;
	s2 =	simm.s32 @!p0 $0x1C06  }
0x1b6: {  	[timem:s3], [sflag:s2] =	dma.local @!p0 [hbm:s0], s1  }
0x1b7: {  	s0 =	simm.s32 @!p0 $0x6  }
0x1b8: {  	_ =	swait.ge @!p0 [sflag:s0], s1  }
0x1b9: {  	s1 =	ssub.s32 @!p0 $0x0, s1;
	[sflag:s0] =	ssyncset.done @!p0 $0x0  }
0x1ba: {  	[sflag:s0] =	ssyncadd.s32 @!p0 s1  }
0x1bb: {  	[bflag:$0x3] =	sbarrier.arrive $0xFFFF  }
0x1bc: {  	_ =	shalt  }

</sc_bundles>
